<compile_context>
chip_gen: v7x
topology: tpu7x:2x2x1
jax: 0.10.2.dev20260603
libtpu: 0.0.44.dev20260713+nightly
codegen_flags: <defaults>
</compile_context>

<pallas_src>
import functools

import jax
import jax.numpy as jnp
from jax import lax
from jax.experimental import pallas as pl
from jax.experimental.pallas import tpu as pltpu
from jax.experimental.pallas import tpu_sc as plsc

N_NODES = 10000
N_EDGES = 320000
NFEAT = 256
NHID = 128
NCLASS = 64

N_TILES = 16
CH = 128
N_PAD = 10240
ROWS_PER_TILE = N_PAD // N_TILES
E_PAD = 327680
CHUNKS = E_PAD // N_TILES // CH


def _make_sc_agg(feat_half, with_deg, mode, group, tc_tiling=True,
                 stage_table=False):
  mesh = plsc.VectorSubcoreMesh(core_axis_name="c", subcore_axis_name="s")
  G = group
  chunks = CHUNKS if mode == "feat" else CHUNKS // 2
  ngroups = chunks // G
  assert ngroups * G == chunks and ngroups % 2 == 0
  out_type = [jax.ShapeDtypeStruct((2, N_PAD, feat_half), jnp.float32)]
  if with_deg:
    out_type.append(jax.ShapeDtypeStruct((2, N_TILES, N_PAD), jnp.float32))
  scratch = [
      pltpu.VMEM((G, CH), jnp.int32),
      pltpu.VMEM((G, CH), jnp.int32),
      pltpu.VMEM((G, CH), jnp.int32),
      pltpu.VMEM((G, CH), jnp.int32),
      pltpu.VMEM((CH, feat_half), jnp.float32),
      pltpu.VMEM((CH, feat_half), jnp.float32),
      pltpu.VMEM_SHARED((N_PAD, feat_half), jnp.float32),
      pltpu.SemaphoreType.DMA,
      pltpu.SemaphoreType.DMA,
      pltpu.SemaphoreType.DMA,
      pltpu.SemaphoreType.DMA,
      pltpu.SemaphoreType.DMA,
      pltpu.SemaphoreType.DMA,
  ]
  if with_deg:
    scratch.append(pltpu.VMEM((N_PAD,), jnp.float32))
  if stage_table:
    scratch.append(pltpu.VMEM_SHARED((N_PAD, feat_half), jnp.float32))

  def body(xs, srcs, dsts, zrows, *rest):
    degp = tbl_sh = None
    if with_deg:
      zdeg, agg_out, deg_out = rest[0], rest[1], rest[2]
      scr = rest[3:]
    else:
      agg_out = rest[0]
      scr = rest[1:]
    (sa, da, sb, db, rows_a, rows_b, agg_sh,
     gsem_a, gsem_b, ssem_a, ssem_b, isem_a, isem_b) = scr[:13]
    scr = scr[13:]
    if with_deg:
      degp, scr = scr[0], scr[1:]
    if stage_table:
      tbl_sh = scr[0]
    c = lax.axis_index("c")
    s = lax.axis_index("s")
    row0 = s * ROWS_PER_TILE

    idx = ((sa, da, isem_a), (sb, db, isem_b))
    ring = ((rows_a, gsem_a, ssem_a), (rows_b, gsem_b, ssem_b))
    if mode == "feat":
      cbase = s * ngroups
    else:
      cbase = (c * N_TILES + s) * ngroups

    def start_idx(g, b):
      off = pl.multiple_of((cbase + g) * G, 8)
      sbuf, dbuf, isem = idx[b]
      pltpu.async_copy(srcs.at[pl.ds(off, G)], sbuf, isem)
      pltpu.async_copy(dsts.at[pl.ds(off, G)], dbuf, isem)

    def wait_idx(b):
      sbuf, dbuf, isem = idx[b]
      pltpu.make_async_copy(srcs.at[pl.ds(0, G)], sbuf, isem).wait()
      pltpu.make_async_copy(dsts.at[pl.ds(0, G)], dbuf, isem).wait()

    def table(idx_row):
      if stage_table:
        return tbl_sh.at[idx_row]
      if mode == "feat":
        return xs.at[c].at[idx_row]
      return xs.at[idx_row]

    def gather(idx_row, buf, sem):
      pltpu.async_copy(table(idx_row), buf, sem)

    def gwait(idx_row, buf, sem):
      pltpu.make_async_copy(table(idx_row), buf, sem).wait()

    def scat(idx_row, buf, ssem):
      pltpu.async_copy(buf, agg_sh.at[idx_row], ssem, add=True)

    def swait(idx_row, buf, ssem):
      pltpu.make_async_copy(buf, agg_sh.at[idx_row], ssem).wait()

    pltpu.sync_copy(zrows, agg_sh.at[pl.ds(row0, ROWS_PER_TILE)])
    if with_deg:
      pltpu.sync_copy(zdeg, degp)
    if stage_table:
      pltpu.sync_copy(xs.at[pl.ds(row0, ROWS_PER_TILE)],
                      tbl_sh.at[pl.ds(row0, ROWS_PER_TILE)])
    ones16 = jnp.ones((16,), jnp.float32)

    start_idx(0, 0)
    start_idx(1, 1)
    pltpu.sync_copy(zrows.at[pl.ds(0, CH)], rows_b)
    plsc.subcore_barrier()
    wait_idx(0)
    scat(da.at[0], rows_b, ssem_b)
    gather(sa.at[0], rows_a, gsem_a)

    def do_group(b):
      sbuf, dbuf, _ = idx[b]
      nsbuf, ndbuf, _ = idx[1 - b]
      for k in range(G):
        buf, gsem, ssem = ring[k % 2]
        nbuf, ngsem, nssem = ring[(k + 1) % 2]
        gwait(sbuf.at[k], buf, gsem)
        scat(dbuf.at[k], buf, ssem)
        swait(dbuf.at[k], nbuf, nssem)
        if k == G - 1:
          wait_idx(1 - b)
          gather(nsbuf.at[0], nbuf, ngsem)
        else:
          gather(sbuf.at[k + 1], nbuf, ngsem)
        if with_deg:
          @pl.when(c == b)
          def _():
            for j in range(CH // 16):
              dvec = dbuf[k, pl.ds(j * 16, 16)]
              plsc.addupdate_scatter(degp, [dvec], ones16)

    def pair(p, carry):
      do_group(0)
      start_idx(jnp.minimum(2 * p + 2, ngroups - 1), 0)
      do_group(1)
      start_idx(jnp.minimum(2 * p + 3, ngroups - 1), 1)
      return carry

    lax.fori_loop(0, ngroups // 2, pair, 0)
    gwait(sa.at[0], rows_a, gsem_a)
    swait(da.at[0], rows_b, ssem_b)
    wait_idx(1)
    plsc.subcore_barrier()

    pltpu.sync_copy(agg_sh.at[pl.ds(row0, ROWS_PER_TILE)],
                    agg_out.at[c].at[pl.ds(row0, ROWS_PER_TILE)])
    if with_deg:
      pltpu.sync_copy(degp, deg_out.at[c].at[s])

  params = pltpu.CompilerParams(use_tc_tiling_on_sc=tc_tiling,
                                needs_layout_passes=not with_deg)
  return pl.kernel(body, out_type=out_type, mesh=mesh, scratch_types=scratch,
                   compiler_params=params)



_R1 = 1000


def _dense1_body(agg_ref, x_ref, deg_ref, w_ref, wcls_ref, out_ref, y_ref):
  agg = agg_ref[...]
  h = jnp.concatenate([agg[0], agg[1]], axis=1) + x_ref[...]
  r = 1.0 / (deg_ref[...] + 1.0)
  h = h * r
  acc = lax.dot_general(h, w_ref[...], (((1,), (1,)), ((), ())),
                        preferred_element_type=jnp.float32)
  m = jnp.maximum(acc, 0.0)
  out_ref[...] = m
  y_ref[...] = lax.dot_general(m[:, :NHID], wcls_ref[...],
                               (((1,), (1,)), ((), ())),
                               preferred_element_type=jnp.float32)


def _dense1(agg, x, degc, wcat, w_cls):
  return pl.pallas_call(
      _dense1_body,
      grid=(N_NODES // _R1,),
      in_specs=[
          pl.BlockSpec((2, _R1, NHID), lambda i: (0, i, 0)),
          pl.BlockSpec((_R1, NFEAT), lambda i: (i, 0)),
          pl.BlockSpec((_R1, 1), lambda i: (i, 0)),
          pl.BlockSpec((2 * NHID, NFEAT), lambda i: (0, 0)),
          pl.BlockSpec((NCLASS, NHID), lambda i: (0, 0)),
      ],
      out_specs=[
          pl.BlockSpec((_R1, 2 * NHID), lambda i: (i, 0)),
          pl.BlockSpec((_R1, NCLASS), lambda i: (i, 0)),
      ],
      out_shape=[
          jax.ShapeDtypeStruct((N_NODES, 2 * NHID), jnp.float32),
          jax.ShapeDtypeStruct((N_NODES, NCLASS), jnp.float32),
      ],
  )(agg, x, degc, wcat, w_cls)


def _dense2_body(agg_ref, y_ref, deg_ref, out_ref):
  agg = agg_ref[...]
  h = agg[0] + agg[1] + y_ref[...]
  r = 1.0 / (deg_ref[...] + 1.0)
  out_ref[...] = jnp.maximum(h * r, 0.0)


def _dense2(agg2, y, degc):
  return pl.pallas_call(
      _dense2_body,
      grid=(N_NODES // _R1,),
      in_specs=[
          pl.BlockSpec((2, _R1, NCLASS), lambda i: (0, i, 0)),
          pl.BlockSpec((_R1, NCLASS), lambda i: (i, 0)),
          pl.BlockSpec((_R1, 1), lambda i: (i, 0)),
      ],
      out_specs=pl.BlockSpec((_R1, NCLASS), lambda i: (i, 0)),
      out_shape=jax.ShapeDtypeStruct((N_NODES, NCLASS), jnp.float32),
  )(agg2, y, degc)


_RB = 256


def _recons_body(a_ref, b_ref, out_ref):
  z = lax.dot_general(a_ref[...], b_ref[...], (((1,), (1,)), ((), ())),
                      preferred_element_type=jnp.float32)
  out_ref[...] = 1.0 / (1.0 + jnp.exp(-z))


def _recons(mu):
  return pl.pallas_call(
      _recons_body,
      grid=(pl.cdiv(N_NODES, _RB),),
      in_specs=[
          pl.BlockSpec((_RB, NHID), lambda i: (i, 0)),
          pl.BlockSpec((N_NODES, NHID), lambda i: (0, 0)),
      ],
      out_specs=pl.BlockSpec((_RB, N_NODES), lambda i: (i, 0)),
      out_shape=jax.ShapeDtypeStruct((N_NODES, N_NODES), jnp.float32),
  )(mu, mu)


def kernel(x, edge_index, W_mu, W_logvar, W_cls):
  src = edge_index[0].astype(jnp.int32)
  dst = edge_index[1].astype(jnp.int32)
  npad_e = E_PAD - N_EDGES
  pad_idx = N_NODES + (jnp.arange(npad_e, dtype=jnp.int32)
                       % (N_PAD - N_NODES))
  src_p = jnp.concatenate([src, pad_idx]).reshape(E_PAD // CH, CH)
  dst_p = jnp.concatenate([dst, pad_idx]).reshape(E_PAD // CH, CH)

  x_pad = jnp.zeros((N_PAD, NFEAT), jnp.float32).at[:N_NODES].set(x)
  xs = jnp.stack([x_pad[:, :NHID], x_pad[:, NHID:]])
  zrows1 = jnp.zeros((ROWS_PER_TILE, NHID), jnp.float32)
  zdeg = jnp.zeros((N_PAD,), jnp.float32)

  sc1 = _make_sc_agg(NHID, with_deg=True, mode="feat", group=8,
                     tc_tiling=False)
  agg, deg = sc1(xs, src_p, dst_p, zrows1, zdeg)
  degq = jnp.sum(deg, axis=(0, 1))[:N_NODES, None]

  wcat = jnp.concatenate([W_mu, W_logvar], axis=0)
  ml, y = _dense1(agg, x, degq, wcat, W_cls)
  mu = ml[:, :NHID]
  logvar = ml[:, NHID:]

  y_pad = jnp.zeros((N_PAD, NCLASS), jnp.float32).at[:N_NODES].set(y)
  zrows2 = jnp.zeros((ROWS_PER_TILE, NCLASS), jnp.float32)

  sc2 = _make_sc_agg(NCLASS, with_deg=False, mode="edge", group=8,
                     tc_tiling=False, stage_table=True)
  agg2 = sc2(y_pad, src_p, dst_p, zrows2)
  if isinstance(agg2, (tuple, list)):
    agg2 = agg2[0]

  rst = _dense2(agg2, y, degq)
  recons = _recons(mu)
  return (rst, recons, mu, logvar)

# --- scband reference (transcript-rebuilt; emitter-appended) ---
"""Pipeline reference for scband-vgae-34660386078867 (READ-ONLY COPY).

The authoritative reference and input builder live on the scoring server;
editing this copy changes nothing except your own understanding.
"""

import jax, jax.numpy as jnp
import numpy as np

N_NODES = 10000
N_EDGES = 320000
NFEAT = 256
NHID = 128
NCLASS = 64


def sage_gcn(x, edge_index, W, n_nodes):
    # DGL SAGEConv with aggregator_type='gcn', bias=False, activation=relu.
    # gcn aggregator: h = W @ ((sum_{j in N(i)} x_j) + x_i) / (deg_i + 1)
    src, dst = edge_index[0], edge_index[1]
    msg = x[src]  # gather
    agg = jnp.zeros((n_nodes, x.shape[1]), dtype=x.dtype).at[dst].add(msg)
    deg = jnp.zeros((n_nodes,), dtype=x.dtype).at[dst].add(1.0)
    h = (agg + x) / (deg[:, None] + 1.0)
    h = h @ W.T
    return jax.nn.relu(h)


def setup_inputs(seed: int = 0) -> dict:
    key = jax.random.key(seed)
    k1, k2, k3, k4, k5, k6 = jax.random.split(key, 6)
    x = jax.random.normal(k1, (N_NODES, NFEAT), dtype=jnp.float32)
    src = jax.random.randint(k2, (N_EDGES,), 0, N_NODES)
    dst = jax.random.randint(k3, (N_EDGES,), 0, N_NODES)
    edge_index = jnp.stack([src, dst], axis=0).astype(jnp.int64)
    # SAGEConv gcn aggregator uses a single fc_neigh weight [out, in]
    def xavier(k, shape):
        fan_in, fan_out = shape[1], shape[0]
        lim = float(np.sqrt(6.0 / (fan_in + fan_out)))
        return jax.random.uniform(k, shape, dtype=jnp.float32, minval=-lim, maxval=lim)
    W_mu = xavier(k4, (NHID, NFEAT))
    W_logvar = xavier(k5, (NHID, NFEAT))
    W_cls = xavier(k6, (NCLASS, NHID))
    return {"x": x, "edge_index": edge_index, "W_mu": W_mu, "W_logvar": W_logvar, "W_cls": W_cls}


def reference(x, edge_index, W_mu, W_logvar, W_cls):
    # eval-mode forward: dropout is identity, reparameterize returns mu
    mu = sage_gcn(x, edge_index, W_mu, N_NODES)
    logvar = sage_gcn(x, edge_index, W_logvar, N_NODES)
    rst = sage_gcn(mu, edge_index, W_cls, N_NODES)
    z = mu  # eval mode
    recons = jax.nn.sigmoid(z @ z.T)
    return (rst, recons, mu, logvar)

if __name__ == "__main__":
    import jax
    _d = setup_inputs()
    print(jax.jit(kernel)(*tuple(_d.values())))

</pallas_src>

<mosaic_0001>
#map = affine_map<(d0, d1) -> (0, 0)>
#map1 = affine_map<(d0, d1) -> (0, 0, 0)>
module attributes {stable_mosaic.version = 14 : i64} {
  func.func @body(%arg0: i32, %arg1: i32, %arg2: memref<10240x64xf32, #tpu.memory_space<hbm>>, %arg3: memref<2560x128xi32, #tpu.memory_space<hbm>>, %arg4: memref<2560x128xi32, #tpu.memory_space<hbm>>, %arg5: memref<640x64xf32, #tpu.memory_space<hbm>>, %arg6: memref<2x10240x64xf32, #tpu.memory_space<hbm>>, %arg7: memref<8x128xi32, #tpu.memory_space<vmem>>, %arg8: memref<8x128xi32, #tpu.memory_space<vmem>>, %arg9: memref<8x128xi32, #tpu.memory_space<vmem>>, %arg10: memref<8x128xi32, #tpu.memory_space<vmem>>, %arg11: memref<128x64xf32, #tpu.memory_space<vmem>>, %arg12: memref<128x64xf32, #tpu.memory_space<vmem>>, %arg13: memref<10240x64xf32, #tpu.memory_space<vmem_shared>>, %arg14: memref<!tpu.dma_semaphore, #tpu.memory_space<semaphore_mem>>, %arg15: memref<!tpu.dma_semaphore, #tpu.memory_space<semaphore_mem>>, %arg16: memref<!tpu.dma_semaphore, #tpu.memory_space<semaphore_mem>>, %arg17: memref<!tpu.dma_semaphore, #tpu.memory_space<semaphore_mem>>, %arg18: memref<!tpu.dma_semaphore, #tpu.memory_space<semaphore_mem>>, %arg19: memref<!tpu.dma_semaphore, #tpu.memory_space<semaphore_mem>>, %arg20: memref<10240x64xf32, #tpu.memory_space<vmem_shared>>) attributes {dimension_semantics = [#tpu.dimension_semantics<core_parallel>, #tpu.dimension_semantics<subcore_parallel>], iteration_bounds = array<i64: 2, 16>, scalar_prefetch = 0 : i64, scratch_operands = 14 : i64, tpu.core_type = #tpu.core_type<sc_vector_subcore>, window_params = [{transform_indices = #map}, {transform_indices = #map}, {transform_indices = #map}, {transform_indices = #map}, {transform_indices = #map1}]} {
    %mul3A = arith.constant 640 : i32
    %mul3A_0 = arith.muli %arg1, %mul3A : i32
    %mul3A_1 = arith.constant 16 : i32
    %mul3A_2 = arith.muli %arg0, %mul3A_1 : i32
    %add3A = arith.addi %mul3A_2, %arg1 : i32
    %mul3A_3 = arith.constant 10 : i32
    %mul3A_4 = arith.muli %add3A, %mul3A_3 : i32
    "tpu.region"() ({
      %run_scoped3A = tpu.sem_alloc : memref<!tpu.dma_semaphore, #tpu.memory_space<semaphore_mem>>
      %dma_start3A_87 = arith.constant 0 : i32
      %dma_start3A_88 = tpu.memref_slice %arg13[%mul3A_0, %dma_start3A_87] : memref<10240x64xf32, #tpu.memory_space<vmem_shared>> -> memref<640x64xf32, #tpu.memory_space<vmem_shared>>
      tpu.enqueue_dma source(%arg5 : memref<640x64xf32, #tpu.memory_space<hbm>>) target(%dma_start3A_88 : memref<640x64xf32, #tpu.memory_space<vmem_shared>>) target_semaphore(%run_scoped3A : memref<!tpu.dma_semaphore, #tpu.memory_space<semaphore_mem>>)
      %dma_wait3A_89 = arith.constant 0 : i32
      %dma_wait3A_90 = tpu.memref_slice %arg13[%mul3A_0, %dma_wait3A_89] : memref<10240x64xf32, #tpu.memory_space<vmem_shared>> -> memref<640x64xf32, #tpu.memory_space<vmem_shared>>
      tpu.wait_dma2 semaphore(%run_scoped3A : memref<!tpu.dma_semaphore, #tpu.memory_space<semaphore_mem>>) src(%arg5 : memref<640x64xf32, #tpu.memory_space<hbm>>) dst(%dma_wait3A_90 : memref<640x64xf32, #tpu.memory_space<vmem_shared>>)
      tpu.yield
    }) : () -> ()
    "tpu.region"() ({
      %run_scoped3A = tpu.sem_alloc : memref<!tpu.dma_semaphore, #tpu.memory_space<semaphore_mem>>
      %dma_start3A_87 = arith.constant 0 : i32
      %dma_start3A_88 = tpu.memref_slice %arg20[%mul3A_0, %dma_start3A_87] : memref<10240x64xf32, #tpu.memory_space<vmem_shared>> -> memref<640x64xf32, #tpu.memory_space<vmem_shared>>
      %dma_start3A_89 = arith.constant 0 : i32
      %dma_start3A_90 = tpu.memref_slice %arg2[%mul3A_0, %dma_start3A_89] : memref<10240x64xf32, #tpu.memory_space<hbm>> -> memref<640x64xf32, #tpu.memory_space<hbm>>
      tpu.enqueue_dma source(%dma_start3A_90 : memref<640x64xf32, #tpu.memory_space<hbm>>) target(%dma_start3A_88 : memref<640x64xf32, #tpu.memory_space<vmem_shared>>) target_semaphore(%run_scoped3A : memref<!tpu.dma_semaphore, #tpu.memory_space<semaphore_mem>>)
      %dma_wait3A_91 = arith.constant 0 : i32
      %dma_wait3A_92 = tpu.memref_slice %arg20[%mul3A_0, %dma_wait3A_91] : memref<10240x64xf32, #tpu.memory_space<vmem_shared>> -> memref<640x64xf32, #tpu.memory_space<vmem_shared>>
      %dma_wait3A_93 = arith.constant 0 : i32
      %dma_wait3A_94 = tpu.memref_slice %arg2[%mul3A_0, %dma_wait3A_93] : memref<10240x64xf32, #tpu.memory_space<hbm>> -> memref<640x64xf32, #tpu.memory_space<hbm>>
      tpu.wait_dma2 semaphore(%run_scoped3A : memref<!tpu.dma_semaphore, #tpu.memory_space<semaphore_mem>>) src(%dma_wait3A_94 : memref<640x64xf32, #tpu.memory_space<hbm>>) dst(%dma_wait3A_92 : memref<640x64xf32, #tpu.memory_space<vmem_shared>>)
      tpu.yield
    }) : () -> ()
    %broadcast_in_dim3A = arith.constant 1.000000e+00 : f32
    %broadcast_in_dim3A_5 = vector.broadcast %broadcast_in_dim3A : f32 to vector<16xf32>
    %add3A_6 = arith.constant 0 : i32
    %add3A_7 = arith.addi %mul3A_4, %add3A_6 : i32
    %mul3A_8 = arith.constant 8 : i32
    %mul3A_9 = arith.muli %add3A_7, %mul3A_8 : i32
    %multiple_of3A = tpu.assume_multiple %mul3A_9, 8 : i32
    %dma_start3A = arith.constant 0 : i32
    %dma_start3A_10 = tpu.memref_slice %arg3[%multiple_of3A, %dma_start3A] : memref<2560x128xi32, #tpu.memory_space<hbm>> -> memref<8x128xi32, #tpu.memory_space<hbm>>
    %dma_start3A_11 = arith.constant 0 : i32
    %dma_start3A_12 = tpu.memref_slice %arg3[%multiple_of3A, %dma_start3A_11] : memref<2560x128xi32, #tpu.memory_space<hbm>> -> memref<8x128xi32, #tpu.memory_space<hbm>>
    tpu.enqueue_dma source(%dma_start3A_12 : memref<8x128xi32, #tpu.memory_space<hbm>>) target(%arg7 : memref<8x128xi32, #tpu.memory_space<vmem>>) target_semaphore(%arg18 : memref<!tpu.dma_semaphore, #tpu.memory_space<semaphore_mem>>)
    %dma_start3A_13 = arith.constant 0 : i32
    %dma_start3A_14 = tpu.memref_slice %arg4[%multiple_of3A, %dma_start3A_13] : memref<2560x128xi32, #tpu.memory_space<hbm>> -> memref<8x128xi32, #tpu.memory_space<hbm>>
    %dma_start3A_15 = arith.constant 0 : i32
    %dma_start3A_16 = tpu.memref_slice %arg4[%multiple_of3A, %dma_start3A_15] : memref<2560x128xi32, #tpu.memory_space<hbm>> -> memref<8x128xi32, #tpu.memory_space<hbm>>
    tpu.enqueue_dma source(%dma_start3A_16 : memref<8x128xi32, #tpu.memory_space<hbm>>) target(%arg8 : memref<8x128xi32, #tpu.memory_space<vmem>>) target_semaphore(%arg18 : memref<!tpu.dma_semaphore, #tpu.memory_space<semaphore_mem>>)
    %add3A_17 = arith.constant 1 : i32
    %add3A_18 = arith.addi %mul3A_4, %add3A_17 : i32
    %mul3A_19 = arith.constant 8 : i32
    %mul3A_20 = arith.muli %add3A_18, %mul3A_19 : i32
    %multiple_of3A_21 = tpu.assume_multiple %mul3A_20, 8 : i32
    %dma_start3A_22 = arith.constant 0 : i32
    %dma_start3A_23 = tpu.memref_slice %arg3[%multiple_of3A_21, %dma_start3A_22] : memref<2560x128xi32, #tpu.memory_space<hbm>> -> memref<8x128xi32, #tpu.memory_space<hbm>>
    %dma_start3A_24 = arith.constant 0 : i32
    %dma_start3A_25 = tpu.memref_slice %arg3[%multiple_of3A_21, %dma_start3A_24] : memref<2560x128xi32, #tpu.memory_space<hbm>> -> memref<8x128xi32, #tpu.memory_space<hbm>>
    tpu.enqueue_dma source(%dma_start3A_25 : memref<8x128xi32, #tpu.memory_space<hbm>>) target(%arg9 : memref<8x128xi32, #tpu.memory_space<vmem>>) target_semaphore(%arg19 : memref<!tpu.dma_semaphore, #tpu.memory_space<semaphore_mem>>)
    %dma_start3A_26 = arith.constant 0 : i32
    %dma_start3A_27 = tpu.memref_slice %arg4[%multiple_of3A_21, %dma_start3A_26] : memref<2560x128xi32, #tpu.memory_space<hbm>> -> memref<8x128xi32, #tpu.memory_space<hbm>>
    %dma_start3A_28 = arith.constant 0 : i32
    %dma_start3A_29 = tpu.memref_slice %arg4[%multiple_of3A_21, %dma_start3A_28] : memref<2560x128xi32, #tpu.memory_space<hbm>> -> memref<8x128xi32, #tpu.memory_space<hbm>>
    tpu.enqueue_dma source(%dma_start3A_29 : memref<8x128xi32, #tpu.memory_space<hbm>>) target(%arg10 : memref<8x128xi32, #tpu.memory_space<vmem>>) target_semaphore(%arg19 : memref<!tpu.dma_semaphore, #tpu.memory_space<semaphore_mem>>)
    "tpu.region"() ({
      %run_scoped3A = tpu.sem_alloc : memref<!tpu.dma_semaphore, #tpu.memory_space<semaphore_mem>>
      %dma_start3A_87 = arith.constant 0 : i32
      %dma_start3A_88 = arith.constant 0 : i32
      %dma_start3A_89 = tpu.memref_slice %arg5[%dma_start3A_87, %dma_start3A_88] : memref<640x64xf32, #tpu.memory_space<hbm>> -> memref<128x64xf32, #tpu.memory_space<hbm>>
      %dma_start3A_90 = arith.constant 0 : i32
      %dma_start3A_91 = arith.constant 0 : i32
      %dma_start3A_92 = tpu.memref_slice %arg5[%dma_start3A_90, %dma_start3A_91] : memref<640x64xf32, #tpu.memory_space<hbm>> -> memref<128x64xf32, #tpu.memory_space<hbm>>
      tpu.enqueue_dma source(%dma_start3A_92 : memref<128x64xf32, #tpu.memory_space<hbm>>) target(%arg12 : memref<128x64xf32, #tpu.memory_space<vmem>>) target_semaphore(%run_scoped3A : memref<!tpu.dma_semaphore, #tpu.memory_space<semaphore_mem>>)
      %dma_wait3A_93 = arith.constant 0 : i32
      %dma_wait3A_94 = arith.constant 0 : i32
      %dma_wait3A_95 = tpu.memref_slice %arg5[%dma_wait3A_93, %dma_wait3A_94] : memref<640x64xf32, #tpu.memory_space<hbm>> -> memref<128x64xf32, #tpu.memory_space<hbm>>
      %dma_wait3A_96 = arith.constant 0 : i32
      %dma_wait3A_97 = arith.constant 0 : i32
      %dma_wait3A_98 = tpu.memref_slice %arg5[%dma_wait3A_96, %dma_wait3A_97] : memref<640x64xf32, #tpu.memory_space<hbm>> -> memref<128x64xf32, #tpu.memory_space<hbm>>
      tpu.wait_dma2 semaphore(%run_scoped3A : memref<!tpu.dma_semaphore, #tpu.memory_space<semaphore_mem>>) src(%dma_wait3A_98 : memref<128x64xf32, #tpu.memory_space<hbm>>) dst(%arg12 : memref<128x64xf32, #tpu.memory_space<vmem>>)
      tpu.yield
    }) : () -> ()
    %barrier3A = arith.constant 0 : index
    tpu.barrier barrier_id(%barrier3A)
    %dma_wait3A = arith.constant 0 : i32
    %dma_wait3A_30 = arith.constant 0 : i32
    %dma_wait3A_31 = tpu.memref_slice %arg3[%dma_wait3A, %dma_wait3A_30] : memref<2560x128xi32, #tpu.memory_space<hbm>> -> memref<8x128xi32, #tpu.memory_space<hbm>>
    %dma_wait3A_32 = arith.constant 0 : i32
    %dma_wait3A_33 = arith.constant 0 : i32
    %dma_wait3A_34 = tpu.memref_slice %arg3[%dma_wait3A_32, %dma_wait3A_33] : memref<2560x128xi32, #tpu.memory_space<hbm>> -> memref<8x128xi32, #tpu.memory_space<hbm>>
    tpu.wait_dma2 semaphore(%arg18 : memref<!tpu.dma_semaphore, #tpu.memory_space<semaphore_mem>>) src(%dma_wait3A_34 : memref<8x128xi32, #tpu.memory_space<hbm>>) dst(%arg7 : memref<8x128xi32, #tpu.memory_space<vmem>>)
    %dma_wait3A_35 = arith.constant 0 : i32
    %dma_wait3A_36 = arith.constant 0 : i32
    %dma_wait3A_37 = tpu.memref_slice %arg4[%dma_wait3A_35, %dma_wait3A_36] : memref<2560x128xi32, #tpu.memory_space<hbm>> -> memref<8x128xi32, #tpu.memory_space<hbm>>
    %dma_wait3A_38 = arith.constant 0 : i32
    %dma_wait3A_39 = arith.constant 0 : i32
    %dma_wait3A_40 = tpu.memref_slice %arg4[%dma_wait3A_38, %dma_wait3A_39] : memref<2560x128xi32, #tpu.memory_space<hbm>> -> memref<8x128xi32, #tpu.memory_space<hbm>>
    tpu.wait_dma2 semaphore(%arg18 : memref<!tpu.dma_semaphore, #tpu.memory_space<semaphore_mem>>) src(%dma_wait3A_40 : memref<8x128xi32, #tpu.memory_space<hbm>>) dst(%arg8 : memref<8x128xi32, #tpu.memory_space<vmem>>)
    %dma_start3A_41 = arith.constant 0 : i32
    %dma_start3A_42 = arith.constant 0 : i32
    %dma_start3A_43 = tpu.memref_slice %arg8[%dma_start3A_41, %dma_start3A_42] : memref<8x128xi32, #tpu.memory_space<vmem>> -> memref<1x128xi32, #tpu.memory_space<vmem>>
    %dma_start3A_44 = tpu.memref_squeeze %dma_start3A_43 : memref<1x128xi32, #tpu.memory_space<vmem>> -> memref<128xi32, #tpu.memory_space<vmem>>
    %dma_start3A_45 = arith.constant 0 : i32
    %dma_start3A_46 = arith.constant 0 : i32
    %dma_start3A_47 = tpu.memref_slice %arg13[%dma_start3A_45, %dma_start3A_46] : memref<10240x64xf32, #tpu.memory_space<vmem_shared>> -> memref<10240x64xf32, #tpu.memory_space<vmem_shared>>
    tpu.enqueue_indirect_dma source(%arg12 : memref<128x64xf32, #tpu.memory_space<vmem>>) target(%dma_start3A_47 : memref<10240x64xf32, #tpu.memory_space<vmem_shared>>) offsets(%dma_start3A_44 : memref<128xi32, #tpu.memory_space<vmem>>) semaphore(%arg17 : memref<!tpu.dma_semaphore, #tpu.memory_space<semaphore_mem>>) {add = true}
    %dma_start3A_48 = arith.constant 0 : i32
    %dma_start3A_49 = arith.constant 0 : i32
    %dma_start3A_50 = tpu.memref_slice %arg7[%dma_start3A_48, %dma_start3A_49] : memref<8x128xi32, #tpu.memory_space<vmem>> -> memref<1x128xi32, #tpu.memory_space<vmem>>
    %dma_start3A_51 = tpu.memref_squeeze %dma_start3A_50 : memref<1x128xi32, #tpu.memory_space<vmem>> -> memref<128xi32, #tpu.memory_space<vmem>>
    %dma_start3A_52 = arith.constant 0 : i32
    %dma_start3A_53 = arith.constant 0 : i32
    %dma_start3A_54 = tpu.memref_slice %arg20[%dma_start3A_52, %dma_start3A_53] : memref<10240x64xf32, #tpu.memory_space<vmem_shared>> -> memref<10240x64xf32, #tpu.memory_space<vmem_shared>>
    tpu.enqueue_indirect_dma source(%dma_start3A_54 : memref<10240x64xf32, #tpu.memory_space<vmem_shared>>) target(%arg11 : memref<128x64xf32, #tpu.memory_space<vmem>>) offsets(%dma_start3A_51 : memref<128xi32, #tpu.memory_space<vmem>>) semaphore(%arg14 : memref<!tpu.dma_semaphore, #tpu.memory_space<semaphore_mem>>)
    %scan3A = arith.constant 0 : i32
    %scan3A_55 = arith.constant 0 : i32
    %scan3A_56 = arith.constant 5 : i32
    %scan3A_57 = arith.addi %scan3A_55, %scan3A_56 : i32
    %scan3A_58 = arith.constant 1 : i32
    scf.for %scan3A_87 = %scan3A_55 to %scan3A_57 step %scan3A_58  : i32 {
      %dma_wait3A_88 = arith.constant 0 : i32
      %dma_wait3A_89 = arith.constant 0 : i32
      %dma_wait3A_90 = tpu.memref_slice %arg7[%dma_wait3A_88, %dma_wait3A_89] : memref<8x128xi32, #tpu.memory_space<vmem>> -> memref<1x128xi32, #tpu.memory_space<vmem>>
      %dma_wait3A_91 = tpu.memref_squeeze %dma_wait3A_90 : memref<1x128xi32, #tpu.memory_space<vmem>> -> memref<128xi32, #tpu.memory_space<vmem>>
      %dma_wait3A_92 = arith.constant 0 : i32
      %dma_wait3A_93 = arith.constant 0 : i32
      %dma_wait3A_94 = tpu.memref_slice %arg20[%dma_wait3A_92, %dma_wait3A_93] : memref<10240x64xf32, #tpu.memory_space<vmem_shared>> -> memref<10240x64xf32, #tpu.memory_space<vmem_shared>>
      tpu.wait_indirect_dma semaphore(%arg14 : memref<!tpu.dma_semaphore, #tpu.memory_space<semaphore_mem>>) src(%dma_wait3A_94 : memref<10240x64xf32, #tpu.memory_space<vmem_shared>>) dst(%arg11 : memref<128x64xf32, #tpu.memory_space<vmem>>)
      %dma_start3A_95 = arith.constant 0 : i32
      %dma_start3A_96 = arith.constant 0 : i32
      %dma_start3A_97 = tpu.memref_slice %arg8[%dma_start3A_95, %dma_start3A_96] : memref<8x128xi32, #tpu.memory_space<vmem>> -> memref<1x128xi32, #tpu.memory_space<vmem>>
      %dma_start3A_98 = tpu.memref_squeeze %dma_start3A_97 : memref<1x128xi32, #tpu.memory_space<vmem>> -> memref<128xi32, #tpu.memory_space<vmem>>
      %dma_start3A_99 = arith.constant 0 : i32
      %dma_start3A_100 = arith.constant 0 : i32
      %dma_start3A_101 = tpu.memref_slice %arg13[%dma_start3A_99, %dma_start3A_100] : memref<10240x64xf32, #tpu.memory_space<vmem_shared>> -> memref<10240x64xf32, #tpu.memory_space<vmem_shared>>
      tpu.enqueue_indirect_dma source(%arg11 : memref<128x64xf32, #tpu.memory_space<vmem>>) target(%dma_start3A_101 : memref<10240x64xf32, #tpu.memory_space<vmem_shared>>) offsets(%dma_start3A_98 : memref<128xi32, #tpu.memory_space<vmem>>) semaphore(%arg16 : memref<!tpu.dma_semaphore, #tpu.memory_space<semaphore_mem>>) {add = true}
      %dma_wait3A_102 = arith.constant 0 : i32
      %dma_wait3A_103 = arith.constant 0 : i32
      %dma_wait3A_104 = tpu.memref_slice %arg8[%dma_wait3A_102, %dma_wait3A_103] : memref<8x128xi32, #tpu.memory_space<vmem>> -> memref<1x128xi32, #tpu.memory_space<vmem>>
      %dma_wait3A_105 = tpu.memref_squeeze %dma_wait3A_104 : memref<1x128xi32, #tpu.memory_space<vmem>> -> memref<128xi32, #tpu.memory_space<vmem>>
      %dma_wait3A_106 = arith.constant 0 : i32
      %dma_wait3A_107 = arith.constant 0 : i32
      %dma_wait3A_108 = tpu.memref_slice %arg13[%dma_wait3A_106, %dma_wait3A_107] : memref<10240x64xf32, #tpu.memory_space<vmem_shared>> -> memref<10240x64xf32, #tpu.memory_space<vmem_shared>>
      tpu.wait_indirect_dma semaphore(%arg17 : memref<!tpu.dma_semaphore, #tpu.memory_space<semaphore_mem>>) src(%arg12 : memref<128x64xf32, #tpu.memory_space<vmem>>) dst(%dma_wait3A_108 : memref<10240x64xf32, #tpu.memory_space<vmem_shared>>)
      %dma_start3A_109 = arith.constant 1 : i32
      %dma_start3A_110 = arith.constant 0 : i32
      %dma_start3A_111 = tpu.memref_slice %arg7[%dma_start3A_109, %dma_start3A_110] : memref<8x128xi32, #tpu.memory_space<vmem>> -> memref<1x128xi32, #tpu.memory_space<vmem>>
      %dma_start3A_112 = tpu.memref_squeeze %dma_start3A_111 : memref<1x128xi32, #tpu.memory_space<vmem>> -> memref<128xi32, #tpu.memory_space<vmem>>
      %dma_start3A_113 = arith.constant 0 : i32
      %dma_start3A_114 = arith.constant 0 : i32
      %dma_start3A_115 = tpu.memref_slice %arg20[%dma_start3A_113, %dma_start3A_114] : memref<10240x64xf32, #tpu.memory_space<vmem_shared>> -> memref<10240x64xf32, #tpu.memory_space<vmem_shared>>
      tpu.enqueue_indirect_dma source(%dma_start3A_115 : memref<10240x64xf32, #tpu.memory_space<vmem_shared>>) target(%arg12 : memref<128x64xf32, #tpu.memory_space<vmem>>) offsets(%dma_start3A_112 : memref<128xi32, #tpu.memory_space<vmem>>) semaphore(%arg15 : memref<!tpu.dma_semaphore, #tpu.memory_space<semaphore_mem>>)
      %dma_wait3A_116 = arith.constant 1 : i32
      %dma_wait3A_117 = arith.constant 0 : i32
      %dma_wait3A_118 = tpu.memref_slice %arg7[%dma_wait3A_116, %dma_wait3A_117] : memref<8x128xi32, #tpu.memory_space<vmem>> -> memref<1x128xi32, #tpu.memory_space<vmem>>
      %dma_wait3A_119 = tpu.memref_squeeze %dma_wait3A_118 : memref<1x128xi32, #tpu.memory_space<vmem>> -> memref<128xi32, #tpu.memory_space<vmem>>
      %dma_wait3A_120 = arith.constant 0 : i32
      %dma_wait3A_121 = arith.constant 0 : i32
      %dma_wait3A_122 = tpu.memref_slice %arg20[%dma_wait3A_120, %dma_wait3A_121] : memref<10240x64xf32, #tpu.memory_space<vmem_shared>> -> memref<10240x64xf32, #tpu.memory_space<vmem_shared>>
      tpu.wait_indirect_dma semaphore(%arg15 : memref<!tpu.dma_semaphore, #tpu.memory_space<semaphore_mem>>) src(%dma_wait3A_122 : memref<10240x64xf32, #tpu.memory_space<vmem_shared>>) dst(%arg12 : memref<128x64xf32, #tpu.memory_space<vmem>>)
      %dma_start3A_123 = arith.constant 1 : i32
      %dma_start3A_124 = arith.constant 0 : i32
      %dma_start3A_125 = tpu.memref_slice %arg8[%dma_start3A_123, %dma_start3A_124] : memref<8x128xi32, #tpu.memory_space<vmem>> -> memref<1x128xi32, #tpu.memory_space<vmem>>
      %dma_start3A_126 = tpu.memref_squeeze %dma_start3A_125 : memref<1x128xi32, #tpu.memory_space<vmem>> -> memref<128xi32, #tpu.memory_space<vmem>>
      %dma_start3A_127 = arith.constant 0 : i32
      %dma_start3A_128 = arith.constant 0 : i32
      %dma_start3A_129 = tpu.memref_slice %arg13[%dma_start3A_127, %dma_start3A_128] : memref<10240x64xf32, #tpu.memory_space<vmem_shared>> -> memref<10240x64xf32, #tpu.memory_space<vmem_shared>>
      tpu.enqueue_indirect_dma source(%arg12 : memref<128x64xf32, #tpu.memory_space<vmem>>) target(%dma_start3A_129 : memref<10240x64xf32, #tpu.memory_space<vmem_shared>>) offsets(%dma_start3A_126 : memref<128xi32, #tpu.memory_space<vmem>>) semaphore(%arg17 : memref<!tpu.dma_semaphore, #tpu.memory_space<semaphore_mem>>) {add = true}
      %dma_wait3A_130 = arith.constant 1 : i32
      %dma_wait3A_131 = arith.constant 0 : i32
      %dma_wait3A_132 = tpu.memref_slice %arg8[%dma_wait3A_130, %dma_wait3A_131] : memref<8x128xi32, #tpu.memory_space<vmem>> -> memref<1x128xi32, #tpu.memory_space<vmem>>
      %dma_wait3A_133 = tpu.memref_squeeze %dma_wait3A_132 : memref<1x128xi32, #tpu.memory_space<vmem>> -> memref<128xi32, #tpu.memory_space<vmem>>
      %dma_wait3A_134 = arith.constant 0 : i32
      %dma_wait3A_135 = arith.constant 0 : i32
      %dma_wait3A_136 = tpu.memref_slice %arg13[%dma_wait3A_134, %dma_wait3A_135] : memref<10240x64xf32, #tpu.memory_space<vmem_shared>> -> memref<10240x64xf32, #tpu.memory_space<vmem_shared>>
      tpu.wait_indirect_dma semaphore(%arg16 : memref<!tpu.dma_semaphore, #tpu.memory_space<semaphore_mem>>) src(%arg11 : memref<128x64xf32, #tpu.memory_space<vmem>>) dst(%dma_wait3A_136 : memref<10240x64xf32, #tpu.memory_space<vmem_shared>>)
      %dma_start3A_137 = arith.constant 2 : i32
      %dma_start3A_138 = arith.constant 0 : i32
      %dma_start3A_139 = tpu.memref_slice %arg7[%dma_start3A_137, %dma_start3A_138] : memref<8x128xi32, #tpu.memory_space<vmem>> -> memref<1x128xi32, #tpu.memory_space<vmem>>
      %dma_start3A_140 = tpu.memref_squeeze %dma_start3A_139 : memref<1x128xi32, #tpu.memory_space<vmem>> -> memref<128xi32, #tpu.memory_space<vmem>>
      %dma_start3A_141 = arith.constant 0 : i32
      %dma_start3A_142 = arith.constant 0 : i32
      %dma_start3A_143 = tpu.memref_slice %arg20[%dma_start3A_141, %dma_start3A_142] : memref<10240x64xf32, #tpu.memory_space<vmem_shared>> -> memref<10240x64xf32, #tpu.memory_space<vmem_shared>>
      tpu.enqueue_indirect_dma source(%dma_start3A_143 : memref<10240x64xf32, #tpu.memory_space<vmem_shared>>) target(%arg11 : memref<128x64xf32, #tpu.memory_space<vmem>>) offsets(%dma_start3A_140 : memref<128xi32, #tpu.memory_space<vmem>>) semaphore(%arg14 : memref<!tpu.dma_semaphore, #tpu.memory_space<semaphore_mem>>)
      %dma_wait3A_144 = arith.constant 2 : i32
      %dma_wait3A_145 = arith.constant 0 : i32
      %dma_wait3A_146 = tpu.memref_slice %arg7[%dma_wait3A_144, %dma_wait3A_145] : memref<8x128xi32, #tpu.memory_space<vmem>> -> memref<1x128xi32, #tpu.memory_space<vmem>>
      %dma_wait3A_147 = tpu.memref_squeeze %dma_wait3A_146 : memref<1x128xi32, #tpu.memory_space<vmem>> -> memref<128xi32, #tpu.memory_space<vmem>>
      %dma_wait3A_148 = arith.constant 0 : i32
      %dma_wait3A_149 = arith.constant 0 : i32
      %dma_wait3A_150 = tpu.memref_slice %arg20[%dma_wait3A_148, %dma_wait3A_149] : memref<10240x64xf32, #tpu.memory_space<vmem_shared>> -> memref<10240x64xf32, #tpu.memory_space<vmem_shared>>
      tpu.wait_indirect_dma semaphore(%arg14 : memref<!tpu.dma_semaphore, #tpu.memory_space<semaphore_mem>>) src(%dma_wait3A_150 : memref<10240x64xf32, #tpu.memory_space<vmem_shared>>) dst(%arg11 : memref<128x64xf32, #tpu.memory_space<vmem>>)
      %dma_start3A_151 = arith.constant 2 : i32
      %dma_start3A_152 = arith.constant 0 : i32
      %dma_start3A_153 = tpu.memref_slice %arg8[%dma_start3A_151, %dma_start3A_152] : memref<8x128xi32, #tpu.memory_space<vmem>> -> memref<1x128xi32, #tpu.memory_space<vmem>>
      %dma_start3A_154 = tpu.memref_squeeze %dma_start3A_153 : memref<1x128xi32, #tpu.memory_space<vmem>> -> memref<128xi32, #tpu.memory_space<vmem>>
      %dma_start3A_155 = arith.constant 0 : i32
      %dma_start3A_156 = arith.constant 0 : i32
      %dma_start3A_157 = tpu.memref_slice %arg13[%dma_start3A_155, %dma_start3A_156] : memref<10240x64xf32, #tpu.memory_space<vmem_shared>> -> memref<10240x64xf32, #tpu.memory_space<vmem_shared>>
      tpu.enqueue_indirect_dma source(%arg11 : memref<128x64xf32, #tpu.memory_space<vmem>>) target(%dma_start3A_157 : memref<10240x64xf32, #tpu.memory_space<vmem_shared>>) offsets(%dma_start3A_154 : memref<128xi32, #tpu.memory_space<vmem>>) semaphore(%arg16 : memref<!tpu.dma_semaphore, #tpu.memory_space<semaphore_mem>>) {add = true}
      %dma_wait3A_158 = arith.constant 2 : i32
      %dma_wait3A_159 = arith.constant 0 : i32
      %dma_wait3A_160 = tpu.memref_slice %arg8[%dma_wait3A_158, %dma_wait3A_159] : memref<8x128xi32, #tpu.memory_space<vmem>> -> memref<1x128xi32, #tpu.memory_space<vmem>>
      %dma_wait3A_161 = tpu.memref_squeeze %dma_wait3A_160 : memref<1x128xi32, #tpu.memory_space<vmem>> -> memref<128xi32, #tpu.memory_space<vmem>>
      %dma_wait3A_162 = arith.constant 0 : i32
      %dma_wait3A_163 = arith.constant 0 : i32
      %dma_wait3A_164 = tpu.memref_slice %arg13[%dma_wait3A_162, %dma_wait3A_163] : memref<10240x64xf32, #tpu.memory_space<vmem_shared>> -> memref<10240x64xf32, #tpu.memory_space<vmem_shared>>
      tpu.wait_indirect_dma semaphore(%arg17 : memref<!tpu.dma_semaphore, #tpu.memory_space<semaphore_mem>>) src(%arg12 : memref<128x64xf32, #tpu.memory_space<vmem>>) dst(%dma_wait3A_164 : memref<10240x64xf32, #tpu.memory_space<vmem_shared>>)
      %dma_start3A_165 = arith.constant 3 : i32
      %dma_start3A_166 = arith.constant 0 : i32
      %dma_start3A_167 = tpu.memref_slice %arg7[%dma_start3A_165, %dma_start3A_166] : memref<8x128xi32, #tpu.memory_space<vmem>> -> memref<1x128xi32, #tpu.memory_space<vmem>>
      %dma_start3A_168 = tpu.memref_squeeze %dma_start3A_167 : memref<1x128xi32, #tpu.memory_space<vmem>> -> memref<128xi32, #tpu.memory_space<vmem>>
      %dma_start3A_169 = arith.constant 0 : i32
      %dma_start3A_170 = arith.constant 0 : i32
      %dma_start3A_171 = tpu.memref_slice %arg20[%dma_start3A_169, %dma_start3A_170] : memref<10240x64xf32, #tpu.memory_space<vmem_shared>> -> memref<10240x64xf32, #tpu.memory_space<vmem_shared>>
      tpu.enqueue_indirect_dma source(%dma_start3A_171 : memref<10240x64xf32, #tpu.memory_space<vmem_shared>>) target(%arg12 : memref<128x64xf32, #tpu.memory_space<vmem>>) offsets(%dma_start3A_168 : memref<128xi32, #tpu.memory_space<vmem>>) semaphore(%arg15 : memref<!tpu.dma_semaphore, #tpu.memory_space<semaphore_mem>>)
      %dma_wait3A_172 = arith.constant 3 : i32
      %dma_wait3A_173 = arith.constant 0 : i32
      %dma_wait3A_174 = tpu.memref_slice %arg7[%dma_wait3A_172, %dma_wait3A_173] : memref<8x128xi32, #tpu.memory_space<vmem>> -> memref<1x128xi32, #tpu.memory_space<vmem>>
      %dma_wait3A_175 = tpu.memref_squeeze %dma_wait3A_174 : memref<1x128xi32, #tpu.memory_space<vmem>> -> memref<128xi32, #tpu.memory_space<vmem>>
      %dma_wait3A_176 = arith.constant 0 : i32
      %dma_wait3A_177 = arith.constant 0 : i32
      %dma_wait3A_178 = tpu.memref_slice %arg20[%dma_wait3A_176, %dma_wait3A_177] : memref<10240x64xf32, #tpu.memory_space<vmem_shared>> -> memref<10240x64xf32, #tpu.memory_space<vmem_shared>>
      tpu.wait_indirect_dma semaphore(%arg15 : memref<!tpu.dma_semaphore, #tpu.memory_space<semaphore_mem>>) src(%dma_wait3A_178 : memref<10240x64xf32, #tpu.memory_space<vmem_shared>>) dst(%arg12 : memref<128x64xf32, #tpu.memory_space<vmem>>)
      %dma_start3A_179 = arith.constant 3 : i32
      %dma_start3A_180 = arith.constant 0 : i32
      %dma_start3A_181 = tpu.memref_slice %arg8[%dma_start3A_179, %dma_start3A_180] : memref<8x128xi32, #tpu.memory_space<vmem>> -> memref<1x128xi32, #tpu.memory_space<vmem>>
      %dma_start3A_182 = tpu.memref_squeeze %dma_start3A_181 : memref<1x128xi32, #tpu.memory_space<vmem>> -> memref<128xi32, #tpu.memory_space<vmem>>
      %dma_start3A_183 = arith.constant 0 : i32
      %dma_start3A_184 = arith.constant 0 : i32
      %dma_start3A_185 = tpu.memref_slice %arg13[%dma_start3A_183, %dma_start3A_184] : memref<10240x64xf32, #tpu.memory_space<vmem_shared>> -> memref<10240x64xf32, #tpu.memory_space<vmem_shared>>
      tpu.enqueue_indirect_dma source(%arg12 : memref<128x64xf32, #tpu.memory_space<vmem>>) target(%dma_start3A_185 : memref<10240x64xf32, #tpu.memory_space<vmem_shared>>) offsets(%dma_start3A_182 : memref<128xi32, #tpu.memory_space<vmem>>) semaphore(%arg17 : memref<!tpu.dma_semaphore, #tpu.memory_space<semaphore_mem>>) {add = true}
      %dma_wait3A_186 = arith.constant 3 : i32
      %dma_wait3A_187 = arith.constant 0 : i32
      %dma_wait3A_188 = tpu.memref_slice %arg8[%dma_wait3A_186, %dma_wait3A_187] : memref<8x128xi32, #tpu.memory_space<vmem>> -> memref<1x128xi32, #tpu.memory_space<vmem>>
      %dma_wait3A_189 = tpu.memref_squeeze %dma_wait3A_188 : memref<1x128xi32, #tpu.memory_space<vmem>> -> memref<128xi32, #tpu.memory_space<vmem>>
      %dma_wait3A_190 = arith.constant 0 : i32
      %dma_wait3A_191 = arith.constant 0 : i32
      %dma_wait3A_192 = tpu.memref_slice %arg13[%dma_wait3A_190, %dma_wait3A_191] : memref<10240x64xf32, #tpu.memory_space<vmem_shared>> -> memref<10240x64xf32, #tpu.memory_space<vmem_shared>>
      tpu.wait_indirect_dma semaphore(%arg16 : memref<!tpu.dma_semaphore, #tpu.memory_space<semaphore_mem>>) src(%arg11 : memref<128x64xf32, #tpu.memory_space<vmem>>) dst(%dma_wait3A_192 : memref<10240x64xf32, #tpu.memory_space<vmem_shared>>)
      %dma_start3A_193 = arith.constant 4 : i32
      %dma_start3A_194 = arith.constant 0 : i32
      %dma_start3A_195 = tpu.memref_slice %arg7[%dma_start3A_193, %dma_start3A_194] : memref<8x128xi32, #tpu.memory_space<vmem>> -> memref<1x128xi32, #tpu.memory_space<vmem>>
      %dma_start3A_196 = tpu.memref_squeeze %dma_start3A_195 : memref<1x128xi32, #tpu.memory_space<vmem>> -> memref<128xi32, #tpu.memory_space<vmem>>
      %dma_start3A_197 = arith.constant 0 : i32
      %dma_start3A_198 = arith.constant 0 : i32
      %dma_start3A_199 = tpu.memref_slice %arg20[%dma_start3A_197, %dma_start3A_198] : memref<10240x64xf32, #tpu.memory_space<vmem_shared>> -> memref<10240x64xf32, #tpu.memory_space<vmem_shared>>
      tpu.enqueue_indirect_dma source(%dma_start3A_199 : memref<10240x64xf32, #tpu.memory_space<vmem_shared>>) target(%arg11 : memref<128x64xf32, #tpu.memory_space<vmem>>) offsets(%dma_start3A_196 : memref<128xi32, #tpu.memory_space<vmem>>) semaphore(%arg14 : memref<!tpu.dma_semaphore, #tpu.memory_space<semaphore_mem>>)
      %dma_wait3A_200 = arith.constant 4 : i32
      %dma_wait3A_201 = arith.constant 0 : i32
      %dma_wait3A_202 = tpu.memref_slice %arg7[%dma_wait3A_200, %dma_wait3A_201] : memref<8x128xi32, #tpu.memory_space<vmem>> -> memref<1x128xi32, #tpu.memory_space<vmem>>
      %dma_wait3A_203 = tpu.memref_squeeze %dma_wait3A_202 : memref<1x128xi32, #tpu.memory_space<vmem>> -> memref<128xi32, #tpu.memory_space<vmem>>
      %dma_wait3A_204 = arith.constant 0 : i32
      %dma_wait3A_205 = arith.constant 0 : i32
      %dma_wait3A_206 = tpu.memref_slice %arg20[%dma_wait3A_204, %dma_wait3A_205] : memref<10240x64xf32, #tpu.memory_space<vmem_shared>> -> memref<10240x64xf32, #tpu.memory_space<vmem_shared>>
      tpu.wait_indirect_dma semaphore(%arg14 : memref<!tpu.dma_semaphore, #tpu.memory_space<semaphore_mem>>) src(%dma_wait3A_206 : memref<10240x64xf32, #tpu.memory_space<vmem_shared>>) dst(%arg11 : memref<128x64xf32, #tpu.memory_space<vmem>>)
      %dma_start3A_207 = arith.constant 4 : i32
      %dma_start3A_208 = arith.constant 0 : i32
      %dma_start3A_209 = tpu.memref_slice %arg8[%dma_start3A_207, %dma_start3A_208] : memref<8x128xi32, #tpu.memory_space<vmem>> -> memref<1x128xi32, #tpu.memory_space<vmem>>
      %dma_start3A_210 = tpu.memref_squeeze %dma_start3A_209 : memref<1x128xi32, #tpu.memory_space<vmem>> -> memref<128xi32, #tpu.memory_space<vmem>>
      %dma_start3A_211 = arith.constant 0 : i32
      %dma_start3A_212 = arith.constant 0 : i32
      %dma_start3A_213 = tpu.memref_slice %arg13[%dma_start3A_211, %dma_start3A_212] : memref<10240x64xf32, #tpu.memory_space<vmem_shared>> -> memref<10240x64xf32, #tpu.memory_space<vmem_shared>>
      tpu.enqueue_indirect_dma source(%arg11 : memref<128x64xf32, #tpu.memory_space<vmem>>) target(%dma_start3A_213 : memref<10240x64xf32, #tpu.memory_space<vmem_shared>>) offsets(%dma_start3A_210 : memref<128xi32, #tpu.memory_space<vmem>>) semaphore(%arg16 : memref<!tpu.dma_semaphore, #tpu.memory_space<semaphore_mem>>) {add = true}
      %dma_wait3A_214 = arith.constant 4 : i32
      %dma_wait3A_215 = arith.constant 0 : i32
      %dma_wait3A_216 = tpu.memref_slice %arg8[%dma_wait3A_214, %dma_wait3A_215] : memref<8x128xi32, #tpu.memory_space<vmem>> -> memref<1x128xi32, #tpu.memory_space<vmem>>
      %dma_wait3A_217 = tpu.memref_squeeze %dma_wait3A_216 : memref<1x128xi32, #tpu.memory_space<vmem>> -> memref<128xi32, #tpu.memory_space<vmem>>
      %dma_wait3A_218 = arith.constant 0 : i32
      %dma_wait3A_219 = arith.constant 0 : i32
      %dma_wait3A_220 = tpu.memref_slice %arg13[%dma_wait3A_218, %dma_wait3A_219] : memref<10240x64xf32, #tpu.memory_space<vmem_shared>> -> memref<10240x64xf32, #tpu.memory_space<vmem_shared>>
      tpu.wait_indirect_dma semaphore(%arg17 : memref<!tpu.dma_semaphore, #tpu.memory_space<semaphore_mem>>) src(%arg12 : memref<128x64xf32, #tpu.memory_space<vmem>>) dst(%dma_wait3A_220 : memref<10240x64xf32, #tpu.memory_space<vmem_shared>>)
      %dma_start3A_221 = arith.constant 5 : i32
      %dma_start3A_222 = arith.constant 0 : i32
      %dma_start3A_223 = tpu.memref_slice %arg7[%dma_start3A_221, %dma_start3A_222] : memref<8x128xi32, #tpu.memory_space<vmem>> -> memref<1x128xi32, #tpu.memory_space<vmem>>
      %dma_start3A_224 = tpu.memref_squeeze %dma_start3A_223 : memref<1x128xi32, #tpu.memory_space<vmem>> -> memref<128xi32, #tpu.memory_space<vmem>>
      %dma_start3A_225 = arith.constant 0 : i32
      %dma_start3A_226 = arith.constant 0 : i32
      %dma_start3A_227 = tpu.memref_slice %arg20[%dma_start3A_225, %dma_start3A_226] : memref<10240x64xf32, #tpu.memory_space<vmem_shared>> -> memref<10240x64xf32, #tpu.memory_space<vmem_shared>>
      tpu.enqueue_indirect_dma source(%dma_start3A_227 : memref<10240x64xf32, #tpu.memory_space<vmem_shared>>) target(%arg12 : memref<128x64xf32, #tpu.memory_space<vmem>>) offsets(%dma_start3A_224 : memref<128xi32, #tpu.memory_space<vmem>>) semaphore(%arg15 : memref<!tpu.dma_semaphore, #tpu.memory_space<semaphore_mem>>)
      %dma_wait3A_228 = arith.constant 5 : i32
      %dma_wait3A_229 = arith.constant 0 : i32
      %dma_wait3A_230 = tpu.memref_slice %arg7[%dma_wait3A_228, %dma_wait3A_229] : memref<8x128xi32, #tpu.memory_space<vmem>> -> memref<1x128xi32, #tpu.memory_space<vmem>>
      %dma_wait3A_231 = tpu.memref_squeeze %dma_wait3A_230 : memref<1x128xi32, #tpu.memory_space<vmem>> -> memref<128xi32, #tpu.memory_space<vmem>>
      %dma_wait3A_232 = arith.constant 0 : i32
      %dma_wait3A_233 = arith.constant 0 : i32
      %dma_wait3A_234 = tpu.memref_slice %arg20[%dma_wait3A_232, %dma_wait3A_233] : memref<10240x64xf32, #tpu.memory_space<vmem_shared>> -> memref<10240x64xf32, #tpu.memory_space<vmem_shared>>
      tpu.wait_indirect_dma semaphore(%arg15 : memref<!tpu.dma_semaphore, #tpu.memory_space<semaphore_mem>>) src(%dma_wait3A_234 : memref<10240x64xf32, #tpu.memory_space<vmem_shared>>) dst(%arg12 : memref<128x64xf32, #tpu.memory_space<vmem>>)
      %dma_start3A_235 = arith.constant 5 : i32
      %dma_start3A_236 = arith.constant 0 : i32
      %dma_start3A_237 = tpu.memref_slice %arg8[%dma_start3A_235, %dma_start3A_236] : memref<8x128xi32, #tpu.memory_space<vmem>> -> memref<1x128xi32, #tpu.memory_space<vmem>>
      %dma_start3A_238 = tpu.memref_squeeze %dma_start3A_237 : memref<1x128xi32, #tpu.memory_space<vmem>> -> memref<128xi32, #tpu.memory_space<vmem>>
      %dma_start3A_239 = arith.constant 0 : i32
      %dma_start3A_240 = arith.constant 0 : i32
      %dma_start3A_241 = tpu.memref_slice %arg13[%dma_start3A_239, %dma_start3A_240] : memref<10240x64xf32, #tpu.memory_space<vmem_shared>> -> memref<10240x64xf32, #tpu.memory_space<vmem_shared>>
      tpu.enqueue_indirect_dma source(%arg12 : memref<128x64xf32, #tpu.memory_space<vmem>>) target(%dma_start3A_241 : memref<10240x64xf32, #tpu.memory_space<vmem_shared>>) offsets(%dma_start3A_238 : memref<128xi32, #tpu.memory_space<vmem>>) semaphore(%arg17 : memref<!tpu.dma_semaphore, #tpu.memory_space<semaphore_mem>>) {add = true}
      %dma_wait3A_242 = arith.constant 5 : i32
      %dma_wait3A_243 = arith.constant 0 : i32
      %dma_wait3A_244 = tpu.memref_slice %arg8[%dma_wait3A_242, %dma_wait3A_243] : memref<8x128xi32, #tpu.memory_space<vmem>> -> memref<1x128xi32, #tpu.memory_space<vmem>>
      %dma_wait3A_245 = tpu.memref_squeeze %dma_wait3A_244 : memref<1x128xi32, #tpu.memory_space<vmem>> -> memref<128xi32, #tpu.memory_space<vmem>>
      %dma_wait3A_246 = arith.constant 0 : i32
      %dma_wait3A_247 = arith.constant 0 : i32
      %dma_wait3A_248 = tpu.memref_slice %arg13[%dma_wait3A_246, %dma_wait3A_247] : memref<10240x64xf32, #tpu.memory_space<vmem_shared>> -> memref<10240x64xf32, #tpu.memory_space<vmem_shared>>
      tpu.wait_indirect_dma semaphore(%arg16 : memref<!tpu.dma_semaphore, #tpu.memory_space<semaphore_mem>>) src(%arg11 : memref<128x64xf32, #tpu.memory_space<vmem>>) dst(%dma_wait3A_248 : memref<10240x64xf32, #tpu.memory_space<vmem_shared>>)
      %dma_start3A_249 = arith.constant 6 : i32
      %dma_start3A_250 = arith.constant 0 : i32
      %dma_start3A_251 = tpu.memref_slice %arg7[%dma_start3A_249, %dma_start3A_250] : memref<8x128xi32, #tpu.memory_space<vmem>> -> memref<1x128xi32, #tpu.memory_space<vmem>>
      %dma_start3A_252 = tpu.memref_squeeze %dma_start3A_251 : memref<1x128xi32, #tpu.memory_space<vmem>> -> memref<128xi32, #tpu.memory_space<vmem>>
      %dma_start3A_253 = arith.constant 0 : i32
      %dma_start3A_254 = arith.constant 0 : i32
      %dma_start3A_255 = tpu.memref_slice %arg20[%dma_start3A_253, %dma_start3A_254] : memref<10240x64xf32, #tpu.memory_space<vmem_shared>> -> memref<10240x64xf32, #tpu.memory_space<vmem_shared>>
      tpu.enqueue_indirect_dma source(%dma_start3A_255 : memref<10240x64xf32, #tpu.memory_space<vmem_shared>>) target(%arg11 : memref<128x64xf32, #tpu.memory_space<vmem>>) offsets(%dma_start3A_252 : memref<128xi32, #tpu.memory_space<vmem>>) semaphore(%arg14 : memref<!tpu.dma_semaphore, #tpu.memory_space<semaphore_mem>>)
      %dma_wait3A_256 = arith.constant 6 : i32
      %dma_wait3A_257 = arith.constant 0 : i32
      %dma_wait3A_258 = tpu.memref_slice %arg7[%dma_wait3A_256, %dma_wait3A_257] : memref<8x128xi32, #tpu.memory_space<vmem>> -> memref<1x128xi32, #tpu.memory_space<vmem>>
      %dma_wait3A_259 = tpu.memref_squeeze %dma_wait3A_258 : memref<1x128xi32, #tpu.memory_space<vmem>> -> memref<128xi32, #tpu.memory_space<vmem>>
      %dma_wait3A_260 = arith.constant 0 : i32
      %dma_wait3A_261 = arith.constant 0 : i32
      %dma_wait3A_262 = tpu.memref_slice %arg20[%dma_wait3A_260, %dma_wait3A_261] : memref<10240x64xf32, #tpu.memory_space<vmem_shared>> -> memref<10240x64xf32, #tpu.memory_space<vmem_shared>>
      tpu.wait_indirect_dma semaphore(%arg14 : memref<!tpu.dma_semaphore, #tpu.memory_space<semaphore_mem>>) src(%dma_wait3A_262 : memref<10240x64xf32, #tpu.memory_space<vmem_shared>>) dst(%arg11 : memref<128x64xf32, #tpu.memory_space<vmem>>)
      %dma_start3A_263 = arith.constant 6 : i32
      %dma_start3A_264 = arith.constant 0 : i32
      %dma_start3A_265 = tpu.memref_slice %arg8[%dma_start3A_263, %dma_start3A_264] : memref<8x128xi32, #tpu.memory_space<vmem>> -> memref<1x128xi32, #tpu.memory_space<vmem>>
      %dma_start3A_266 = tpu.memref_squeeze %dma_start3A_265 : memref<1x128xi32, #tpu.memory_space<vmem>> -> memref<128xi32, #tpu.memory_space<vmem>>
      %dma_start3A_267 = arith.constant 0 : i32
      %dma_start3A_268 = arith.constant 0 : i32
      %dma_start3A_269 = tpu.memref_slice %arg13[%dma_start3A_267, %dma_start3A_268] : memref<10240x64xf32, #tpu.memory_space<vmem_shared>> -> memref<10240x64xf32, #tpu.memory_space<vmem_shared>>
      tpu.enqueue_indirect_dma source(%arg11 : memref<128x64xf32, #tpu.memory_space<vmem>>) target(%dma_start3A_269 : memref<10240x64xf32, #tpu.memory_space<vmem_shared>>) offsets(%dma_start3A_266 : memref<128xi32, #tpu.memory_space<vmem>>) semaphore(%arg16 : memref<!tpu.dma_semaphore, #tpu.memory_space<semaphore_mem>>) {add = true}
      %dma_wait3A_270 = arith.constant 6 : i32
      %dma_wait3A_271 = arith.constant 0 : i32
      %dma_wait3A_272 = tpu.memref_slice %arg8[%dma_wait3A_270, %dma_wait3A_271] : memref<8x128xi32, #tpu.memory_space<vmem>> -> memref<1x128xi32, #tpu.memory_space<vmem>>
      %dma_wait3A_273 = tpu.memref_squeeze %dma_wait3A_272 : memref<1x128xi32, #tpu.memory_space<vmem>> -> memref<128xi32, #tpu.memory_space<vmem>>
      %dma_wait3A_274 = arith.constant 0 : i32
      %dma_wait3A_275 = arith.constant 0 : i32
      %dma_wait3A_276 = tpu.memref_slice %arg13[%dma_wait3A_274, %dma_wait3A_275] : memref<10240x64xf32, #tpu.memory_space<vmem_shared>> -> memref<10240x64xf32, #tpu.memory_space<vmem_shared>>
      tpu.wait_indirect_dma semaphore(%arg17 : memref<!tpu.dma_semaphore, #tpu.memory_space<semaphore_mem>>) src(%arg12 : memref<128x64xf32, #tpu.memory_space<vmem>>) dst(%dma_wait3A_276 : memref<10240x64xf32, #tpu.memory_space<vmem_shared>>)
      %dma_start3A_277 = arith.constant 7 : i32
      %dma_start3A_278 = arith.constant 0 : i32
      %dma_start3A_279 = tpu.memref_slice %arg7[%dma_start3A_277, %dma_start3A_278] : memref<8x128xi32, #tpu.memory_space<vmem>> -> memref<1x128xi32, #tpu.memory_space<vmem>>
      %dma_start3A_280 = tpu.memref_squeeze %dma_start3A_279 : memref<1x128xi32, #tpu.memory_space<vmem>> -> memref<128xi32, #tpu.memory_space<vmem>>
      %dma_start3A_281 = arith.constant 0 : i32
      %dma_start3A_282 = arith.constant 0 : i32
      %dma_start3A_283 = tpu.memref_slice %arg20[%dma_start3A_281, %dma_start3A_282] : memref<10240x64xf32, #tpu.memory_space<vmem_shared>> -> memref<10240x64xf32, #tpu.memory_space<vmem_shared>>
      tpu.enqueue_indirect_dma source(%dma_start3A_283 : memref<10240x64xf32, #tpu.memory_space<vmem_shared>>) target(%arg12 : memref<128x64xf32, #tpu.memory_space<vmem>>) offsets(%dma_start3A_280 : memref<128xi32, #tpu.memory_space<vmem>>) semaphore(%arg15 : memref<!tpu.dma_semaphore, #tpu.memory_space<semaphore_mem>>)
      %dma_wait3A_284 = arith.constant 7 : i32
      %dma_wait3A_285 = arith.constant 0 : i32
      %dma_wait3A_286 = tpu.memref_slice %arg7[%dma_wait3A_284, %dma_wait3A_285] : memref<8x128xi32, #tpu.memory_space<vmem>> -> memref<1x128xi32, #tpu.memory_space<vmem>>
      %dma_wait3A_287 = tpu.memref_squeeze %dma_wait3A_286 : memref<1x128xi32, #tpu.memory_space<vmem>> -> memref<128xi32, #tpu.memory_space<vmem>>
      %dma_wait3A_288 = arith.constant 0 : i32
      %dma_wait3A_289 = arith.constant 0 : i32
      %dma_wait3A_290 = tpu.memref_slice %arg20[%dma_wait3A_288, %dma_wait3A_289] : memref<10240x64xf32, #tpu.memory_space<vmem_shared>> -> memref<10240x64xf32, #tpu.memory_space<vmem_shared>>
      tpu.wait_indirect_dma semaphore(%arg15 : memref<!tpu.dma_semaphore, #tpu.memory_space<semaphore_mem>>) src(%dma_wait3A_290 : memref<10240x64xf32, #tpu.memory_space<vmem_shared>>) dst(%arg12 : memref<128x64xf32, #tpu.memory_space<vmem>>)
      %dma_start3A_291 = arith.constant 7 : i32
      %dma_start3A_292 = arith.constant 0 : i32
      %dma_start3A_293 = tpu.memref_slice %arg8[%dma_start3A_291, %dma_start3A_292] : memref<8x128xi32, #tpu.memory_space<vmem>> -> memref<1x128xi32, #tpu.memory_space<vmem>>
      %dma_start3A_294 = tpu.memref_squeeze %dma_start3A_293 : memref<1x128xi32, #tpu.memory_space<vmem>> -> memref<128xi32, #tpu.memory_space<vmem>>
      %dma_start3A_295 = arith.constant 0 : i32
      %dma_start3A_296 = arith.constant 0 : i32
      %dma_start3A_297 = tpu.memref_slice %arg13[%dma_start3A_295, %dma_start3A_296] : memref<10240x64xf32, #tpu.memory_space<vmem_shared>> -> memref<10240x64xf32, #tpu.memory_space<vmem_shared>>
      tpu.enqueue_indirect_dma source(%arg12 : memref<128x64xf32, #tpu.memory_space<vmem>>) target(%dma_start3A_297 : memref<10240x64xf32, #tpu.memory_space<vmem_shared>>) offsets(%dma_start3A_294 : memref<128xi32, #tpu.memory_space<vmem>>) semaphore(%arg17 : memref<!tpu.dma_semaphore, #tpu.memory_space<semaphore_mem>>) {add = true}
      %dma_wait3A_298 = arith.constant 7 : i32
      %dma_wait3A_299 = arith.constant 0 : i32
      %dma_wait3A_300 = tpu.memref_slice %arg8[%dma_wait3A_298, %dma_wait3A_299] : memref<8x128xi32, #tpu.memory_space<vmem>> -> memref<1x128xi32, #tpu.memory_space<vmem>>
      %dma_wait3A_301 = tpu.memref_squeeze %dma_wait3A_300 : memref<1x128xi32, #tpu.memory_space<vmem>> -> memref<128xi32, #tpu.memory_space<vmem>>
      %dma_wait3A_302 = arith.constant 0 : i32
      %dma_wait3A_303 = arith.constant 0 : i32
      %dma_wait3A_304 = tpu.memref_slice %arg13[%dma_wait3A_302, %dma_wait3A_303] : memref<10240x64xf32, #tpu.memory_space<vmem_shared>> -> memref<10240x64xf32, #tpu.memory_space<vmem_shared>>
      tpu.wait_indirect_dma semaphore(%arg16 : memref<!tpu.dma_semaphore, #tpu.memory_space<semaphore_mem>>) src(%arg11 : memref<128x64xf32, #tpu.memory_space<vmem>>) dst(%dma_wait3A_304 : memref<10240x64xf32, #tpu.memory_space<vmem_shared>>)
      %dma_wait3A_305 = arith.constant 0 : i32
      %dma_wait3A_306 = arith.constant 0 : i32
      %dma_wait3A_307 = tpu.memref_slice %arg3[%dma_wait3A_305, %dma_wait3A_306] : memref<2560x128xi32, #tpu.memory_space<hbm>> -> memref<8x128xi32, #tpu.memory_space<hbm>>
      %dma_wait3A_308 = arith.constant 0 : i32
      %dma_wait3A_309 = arith.constant 0 : i32
      %dma_wait3A_310 = tpu.memref_slice %arg3[%dma_wait3A_308, %dma_wait3A_309] : memref<2560x128xi32, #tpu.memory_space<hbm>> -> memref<8x128xi32, #tpu.memory_space<hbm>>
      tpu.wait_dma2 semaphore(%arg19 : memref<!tpu.dma_semaphore, #tpu.memory_space<semaphore_mem>>) src(%dma_wait3A_310 : memref<8x128xi32, #tpu.memory_space<hbm>>) dst(%arg9 : memref<8x128xi32, #tpu.memory_space<vmem>>)
      %dma_wait3A_311 = arith.constant 0 : i32
      %dma_wait3A_312 = arith.constant 0 : i32
      %dma_wait3A_313 = tpu.memref_slice %arg4[%dma_wait3A_311, %dma_wait3A_312] : memref<2560x128xi32, #tpu.memory_space<hbm>> -> memref<8x128xi32, #tpu.memory_space<hbm>>
      %dma_wait3A_314 = arith.constant 0 : i32
      %dma_wait3A_315 = arith.constant 0 : i32
      %dma_wait3A_316 = tpu.memref_slice %arg4[%dma_wait3A_314, %dma_wait3A_315] : memref<2560x128xi32, #tpu.memory_space<hbm>> -> memref<8x128xi32, #tpu.memory_space<hbm>>
      tpu.wait_dma2 semaphore(%arg19 : memref<!tpu.dma_semaphore, #tpu.memory_space<semaphore_mem>>) src(%dma_wait3A_316 : memref<8x128xi32, #tpu.memory_space<hbm>>) dst(%arg10 : memref<8x128xi32, #tpu.memory_space<vmem>>)
      %dma_start3A_317 = arith.constant 0 : i32
      %dma_start3A_318 = arith.constant 0 : i32
      %dma_start3A_319 = tpu.memref_slice %arg9[%dma_start3A_317, %dma_start3A_318] : memref<8x128xi32, #tpu.memory_space<vmem>> -> memref<1x128xi32, #tpu.memory_space<vmem>>
      %dma_start3A_320 = tpu.memref_squeeze %dma_start3A_319 : memref<1x128xi32, #tpu.memory_space<vmem>> -> memref<128xi32, #tpu.memory_space<vmem>>
      %dma_start3A_321 = arith.constant 0 : i32
      %dma_start3A_322 = arith.constant 0 : i32
      %dma_start3A_323 = tpu.memref_slice %arg20[%dma_start3A_321, %dma_start3A_322] : memref<10240x64xf32, #tpu.memory_space<vmem_shared>> -> memref<10240x64xf32, #tpu.memory_space<vmem_shared>>
      tpu.enqueue_indirect_dma source(%dma_start3A_323 : memref<10240x64xf32, #tpu.memory_space<vmem_shared>>) target(%arg11 : memref<128x64xf32, #tpu.memory_space<vmem>>) offsets(%dma_start3A_320 : memref<128xi32, #tpu.memory_space<vmem>>) semaphore(%arg14 : memref<!tpu.dma_semaphore, #tpu.memory_space<semaphore_mem>>)
      %mul3A_324 = arith.constant 2 : i32
      %mul3A_325 = arith.muli %mul3A_324, %scan3A_87 : i32
      %add3A_326 = arith.constant 2 : i32
      %add3A_327 = arith.addi %mul3A_325, %add3A_326 : i32
      %min3A = arith.constant 9 : i32
      %min3A_328 = arith.minsi %add3A_327, %min3A : i32
      %add3A_329 = arith.addi %mul3A_4, %min3A_328 : i32
      %mul3A_330 = arith.constant 8 : i32
      %mul3A_331 = arith.muli %add3A_329, %mul3A_330 : i32
      %multiple_of3A_332 = tpu.assume_multiple %mul3A_331, 8 : i32
      %dma_start3A_333 = arith.constant 0 : i32
      %dma_start3A_334 = tpu.memref_slice %arg3[%multiple_of3A_332, %dma_start3A_333] : memref<2560x128xi32, #tpu.memory_space<hbm>> -> memref<8x128xi32, #tpu.memory_space<hbm>>
      %dma_start3A_335 = arith.constant 0 : i32
      %dma_start3A_336 = tpu.memref_slice %arg3[%multiple_of3A_332, %dma_start3A_335] : memref<2560x128xi32, #tpu.memory_space<hbm>> -> memref<8x128xi32, #tpu.memory_space<hbm>>
      tpu.enqueue_dma source(%dma_start3A_336 : memref<8x128xi32, #tpu.memory_space<hbm>>) target(%arg7 : memref<8x128xi32, #tpu.memory_space<vmem>>) target_semaphore(%arg18 : memref<!tpu.dma_semaphore, #tpu.memory_space<semaphore_mem>>)
      %dma_start3A_337 = arith.constant 0 : i32
      %dma_start3A_338 = tpu.memref_slice %arg4[%multiple_of3A_332, %dma_start3A_337] : memref<2560x128xi32, #tpu.memory_space<hbm>> -> memref<8x128xi32, #tpu.memory_space<hbm>>
      %dma_start3A_339 = arith.constant 0 : i32
      %dma_start3A_340 = tpu.memref_slice %arg4[%multiple_of3A_332, %dma_start3A_339] : memref<2560x128xi32, #tpu.memory_space<hbm>> -> memref<8x128xi32, #tpu.memory_space<hbm>>
      tpu.enqueue_dma source(%dma_start3A_340 : memref<8x128xi32, #tpu.memory_space<hbm>>) target(%arg8 : memref<8x128xi32, #tpu.memory_space<vmem>>) target_semaphore(%arg18 : memref<!tpu.dma_semaphore, #tpu.memory_space<semaphore_mem>>)
      %dma_wait3A_341 = arith.constant 0 : i32
      %dma_wait3A_342 = arith.constant 0 : i32
      %dma_wait3A_343 = tpu.memref_slice %arg9[%dma_wait3A_341, %dma_wait3A_342] : memref<8x128xi32, #tpu.memory_space<vmem>> -> memref<1x128xi32, #tpu.memory_space<vmem>>
      %dma_wait3A_344 = tpu.memref_squeeze %dma_wait3A_343 : memref<1x128xi32, #tpu.memory_space<vmem>> -> memref<128xi32, #tpu.memory_space<vmem>>
      %dma_wait3A_345 = arith.constant 0 : i32
      %dma_wait3A_346 = arith.constant 0 : i32
      %dma_wait3A_347 = tpu.memref_slice %arg20[%dma_wait3A_345, %dma_wait3A_346] : memref<10240x64xf32, #tpu.memory_space<vmem_shared>> -> memref<10240x64xf32, #tpu.memory_space<vmem_shared>>
      tpu.wait_indirect_dma semaphore(%arg14 : memref<!tpu.dma_semaphore, #tpu.memory_space<semaphore_mem>>) src(%dma_wait3A_347 : memref<10240x64xf32, #tpu.memory_space<vmem_shared>>) dst(%arg11 : memref<128x64xf32, #tpu.memory_space<vmem>>)
      %dma_start3A_348 = arith.constant 0 : i32
      %dma_start3A_349 = arith.constant 0 : i32
      %dma_start3A_350 = tpu.memref_slice %arg10[%dma_start3A_348, %dma_start3A_349] : memref<8x128xi32, #tpu.memory_space<vmem>> -> memref<1x128xi32, #tpu.memory_space<vmem>>
      %dma_start3A_351 = tpu.memref_squeeze %dma_start3A_350 : memref<1x128xi32, #tpu.memory_space<vmem>> -> memref<128xi32, #tpu.memory_space<vmem>>
      %dma_start3A_352 = arith.constant 0 : i32
      %dma_start3A_353 = arith.constant 0 : i32
      %dma_start3A_354 = tpu.memref_slice %arg13[%dma_start3A_352, %dma_start3A_353] : memref<10240x64xf32, #tpu.memory_space<vmem_shared>> -> memref<10240x64xf32, #tpu.memory_space<vmem_shared>>
      tpu.enqueue_indirect_dma source(%arg11 : memref<128x64xf32, #tpu.memory_space<vmem>>) target(%dma_start3A_354 : memref<10240x64xf32, #tpu.memory_space<vmem_shared>>) offsets(%dma_start3A_351 : memref<128xi32, #tpu.memory_space<vmem>>) semaphore(%arg16 : memref<!tpu.dma_semaphore, #tpu.memory_space<semaphore_mem>>) {add = true}
      %dma_wait3A_355 = arith.constant 0 : i32
      %dma_wait3A_356 = arith.constant 0 : i32
      %dma_wait3A_357 = tpu.memref_slice %arg10[%dma_wait3A_355, %dma_wait3A_356] : memref<8x128xi32, #tpu.memory_space<vmem>> -> memref<1x128xi32, #tpu.memory_space<vmem>>
      %dma_wait3A_358 = tpu.memref_squeeze %dma_wait3A_357 : memref<1x128xi32, #tpu.memory_space<vmem>> -> memref<128xi32, #tpu.memory_space<vmem>>
      %dma_wait3A_359 = arith.constant 0 : i32
      %dma_wait3A_360 = arith.constant 0 : i32
      %dma_wait3A_361 = tpu.memref_slice %arg13[%dma_wait3A_359, %dma_wait3A_360] : memref<10240x64xf32, #tpu.memory_space<vmem_shared>> -> memref<10240x64xf32, #tpu.memory_space<vmem_shared>>
      tpu.wait_indirect_dma semaphore(%arg17 : memref<!tpu.dma_semaphore, #tpu.memory_space<semaphore_mem>>) src(%arg12 : memref<128x64xf32, #tpu.memory_space<vmem>>) dst(%dma_wait3A_361 : memref<10240x64xf32, #tpu.memory_space<vmem_shared>>)
      %dma_start3A_362 = arith.constant 1 : i32
      %dma_start3A_363 = arith.constant 0 : i32
      %dma_start3A_364 = tpu.memref_slice %arg9[%dma_start3A_362, %dma_start3A_363] : memref<8x128xi32, #tpu.memory_space<vmem>> -> memref<1x128xi32, #tpu.memory_space<vmem>>
      %dma_start3A_365 = tpu.memref_squeeze %dma_start3A_364 : memref<1x128xi32, #tpu.memory_space<vmem>> -> memref<128xi32, #tpu.memory_space<vmem>>
      %dma_start3A_366 = arith.constant 0 : i32
      %dma_start3A_367 = arith.constant 0 : i32
      %dma_start3A_368 = tpu.memref_slice %arg20[%dma_start3A_366, %dma_start3A_367] : memref<10240x64xf32, #tpu.memory_space<vmem_shared>> -> memref<10240x64xf32, #tpu.memory_space<vmem_shared>>
      tpu.enqueue_indirect_dma source(%dma_start3A_368 : memref<10240x64xf32, #tpu.memory_space<vmem_shared>>) target(%arg12 : memref<128x64xf32, #tpu.memory_space<vmem>>) offsets(%dma_start3A_365 : memref<128xi32, #tpu.memory_space<vmem>>) semaphore(%arg15 : memref<!tpu.dma_semaphore, #tpu.memory_space<semaphore_mem>>)
      %dma_wait3A_369 = arith.constant 1 : i32
      %dma_wait3A_370 = arith.constant 0 : i32
      %dma_wait3A_371 = tpu.memref_slice %arg9[%dma_wait3A_369, %dma_wait3A_370] : memref<8x128xi32, #tpu.memory_space<vmem>> -> memref<1x128xi32, #tpu.memory_space<vmem>>
      %dma_wait3A_372 = tpu.memref_squeeze %dma_wait3A_371 : memref<1x128xi32, #tpu.memory_space<vmem>> -> memref<128xi32, #tpu.memory_space<vmem>>
      %dma_wait3A_373 = arith.constant 0 : i32
      %dma_wait3A_374 = arith.constant 0 : i32
      %dma_wait3A_375 = tpu.memref_slice %arg20[%dma_wait3A_373, %dma_wait3A_374] : memref<10240x64xf32, #tpu.memory_space<vmem_shared>> -> memref<10240x64xf32, #tpu.memory_space<vmem_shared>>
      tpu.wait_indirect_dma semaphore(%arg15 : memref<!tpu.dma_semaphore, #tpu.memory_space<semaphore_mem>>) src(%dma_wait3A_375 : memref<10240x64xf32, #tpu.memory_space<vmem_shared>>) dst(%arg12 : memref<128x64xf32, #tpu.memory_space<vmem>>)
      %dma_start3A_376 = arith.constant 1 : i32
      %dma_start3A_377 = arith.constant 0 : i32
      %dma_start3A_378 = tpu.memref_slice %arg10[%dma_start3A_376, %dma_start3A_377] : memref<8x128xi32, #tpu.memory_space<vmem>> -> memref<1x128xi32, #tpu.memory_space<vmem>>
      %dma_start3A_379 = tpu.memref_squeeze %dma_start3A_378 : memref<1x128xi32, #tpu.memory_space<vmem>> -> memref<128xi32, #tpu.memory_space<vmem>>
      %dma_start3A_380 = arith.constant 0 : i32
      %dma_start3A_381 = arith.constant 0 : i32
      %dma_start3A_382 = tpu.memref_slice %arg13[%dma_start3A_380, %dma_start3A_381] : memref<10240x64xf32, #tpu.memory_space<vmem_shared>> -> memref<10240x64xf32, #tpu.memory_space<vmem_shared>>
      tpu.enqueue_indirect_dma source(%arg12 : memref<128x64xf32, #tpu.memory_space<vmem>>) target(%dma_start3A_382 : memref<10240x64xf32, #tpu.memory_space<vmem_shared>>) offsets(%dma_start3A_379 : memref<128xi32, #tpu.memory_space<vmem>>) semaphore(%arg17 : memref<!tpu.dma_semaphore, #tpu.memory_space<semaphore_mem>>) {add = true}
      %dma_wait3A_383 = arith.constant 1 : i32
      %dma_wait3A_384 = arith.constant 0 : i32
      %dma_wait3A_385 = tpu.memref_slice %arg10[%dma_wait3A_383, %dma_wait3A_384] : memref<8x128xi32, #tpu.memory_space<vmem>> -> memref<1x128xi32, #tpu.memory_space<vmem>>
      %dma_wait3A_386 = tpu.memref_squeeze %dma_wait3A_385 : memref<1x128xi32, #tpu.memory_space<vmem>> -> memref<128xi32, #tpu.memory_space<vmem>>
      %dma_wait3A_387 = arith.constant 0 : i32
      %dma_wait3A_388 = arith.constant 0 : i32
      %dma_wait3A_389 = tpu.memref_slice %arg13[%dma_wait3A_387, %dma_wait3A_388] : memref<10240x64xf32, #tpu.memory_space<vmem_shared>> -> memref<10240x64xf32, #tpu.memory_space<vmem_shared>>
      tpu.wait_indirect_dma semaphore(%arg16 : memref<!tpu.dma_semaphore, #tpu.memory_space<semaphore_mem>>) src(%arg11 : memref<128x64xf32, #tpu.memory_space<vmem>>) dst(%dma_wait3A_389 : memref<10240x64xf32, #tpu.memory_space<vmem_shared>>)
      %dma_start3A_390 = arith.constant 2 : i32
      %dma_start3A_391 = arith.constant 0 : i32
      %dma_start3A_392 = tpu.memref_slice %arg9[%dma_start3A_390, %dma_start3A_391] : memref<8x128xi32, #tpu.memory_space<vmem>> -> memref<1x128xi32, #tpu.memory_space<vmem>>
      %dma_start3A_393 = tpu.memref_squeeze %dma_start3A_392 : memref<1x128xi32, #tpu.memory_space<vmem>> -> memref<128xi32, #tpu.memory_space<vmem>>
      %dma_start3A_394 = arith.constant 0 : i32
      %dma_start3A_395 = arith.constant 0 : i32
      %dma_start3A_396 = tpu.memref_slice %arg20[%dma_start3A_394, %dma_start3A_395] : memref<10240x64xf32, #tpu.memory_space<vmem_shared>> -> memref<10240x64xf32, #tpu.memory_space<vmem_shared>>
      tpu.enqueue_indirect_dma source(%dma_start3A_396 : memref<10240x64xf32, #tpu.memory_space<vmem_shared>>) target(%arg11 : memref<128x64xf32, #tpu.memory_space<vmem>>) offsets(%dma_start3A_393 : memref<128xi32, #tpu.memory_space<vmem>>) semaphore(%arg14 : memref<!tpu.dma_semaphore, #tpu.memory_space<semaphore_mem>>)
      %dma_wait3A_397 = arith.constant 2 : i32
      %dma_wait3A_398 = arith.constant 0 : i32
      %dma_wait3A_399 = tpu.memref_slice %arg9[%dma_wait3A_397, %dma_wait3A_398] : memref<8x128xi32, #tpu.memory_space<vmem>> -> memref<1x128xi32, #tpu.memory_space<vmem>>
      %dma_wait3A_400 = tpu.memref_squeeze %dma_wait3A_399 : memref<1x128xi32, #tpu.memory_space<vmem>> -> memref<128xi32, #tpu.memory_space<vmem>>
      %dma_wait3A_401 = arith.constant 0 : i32
      %dma_wait3A_402 = arith.constant 0 : i32
      %dma_wait3A_403 = tpu.memref_slice %arg20[%dma_wait3A_401, %dma_wait3A_402] : memref<10240x64xf32, #tpu.memory_space<vmem_shared>> -> memref<10240x64xf32, #tpu.memory_space<vmem_shared>>
      tpu.wait_indirect_dma semaphore(%arg14 : memref<!tpu.dma_semaphore, #tpu.memory_space<semaphore_mem>>) src(%dma_wait3A_403 : memref<10240x64xf32, #tpu.memory_space<vmem_shared>>) dst(%arg11 : memref<128x64xf32, #tpu.memory_space<vmem>>)
      %dma_start3A_404 = arith.constant 2 : i32
      %dma_start3A_405 = arith.constant 0 : i32
      %dma_start3A_406 = tpu.memref_slice %arg10[%dma_start3A_404, %dma_start3A_405] : memref<8x128xi32, #tpu.memory_space<vmem>> -> memref<1x128xi32, #tpu.memory_space<vmem>>
      %dma_start3A_407 = tpu.memref_squeeze %dma_start3A_406 : memref<1x128xi32, #tpu.memory_space<vmem>> -> memref<128xi32, #tpu.memory_space<vmem>>
      %dma_start3A_408 = arith.constant 0 : i32
      %dma_start3A_409 = arith.constant 0 : i32
      %dma_start3A_410 = tpu.memref_slice %arg13[%dma_start3A_408, %dma_start3A_409] : memref<10240x64xf32, #tpu.memory_space<vmem_shared>> -> memref<10240x64xf32, #tpu.memory_space<vmem_shared>>
      tpu.enqueue_indirect_dma source(%arg11 : memref<128x64xf32, #tpu.memory_space<vmem>>) target(%dma_start3A_410 : memref<10240x64xf32, #tpu.memory_space<vmem_shared>>) offsets(%dma_start3A_407 : memref<128xi32, #tpu.memory_space<vmem>>) semaphore(%arg16 : memref<!tpu.dma_semaphore, #tpu.memory_space<semaphore_mem>>) {add = true}
      %dma_wait3A_411 = arith.constant 2 : i32
      %dma_wait3A_412 = arith.constant 0 : i32
      %dma_wait3A_413 = tpu.memref_slice %arg10[%dma_wait3A_411, %dma_wait3A_412] : memref<8x128xi32, #tpu.memory_space<vmem>> -> memref<1x128xi32, #tpu.memory_space<vmem>>
      %dma_wait3A_414 = tpu.memref_squeeze %dma_wait3A_413 : memref<1x128xi32, #tpu.memory_space<vmem>> -> memref<128xi32, #tpu.memory_space<vmem>>
      %dma_wait3A_415 = arith.constant 0 : i32
      %dma_wait3A_416 = arith.constant 0 : i32
      %dma_wait3A_417 = tpu.memref_slice %arg13[%dma_wait3A_415, %dma_wait3A_416] : memref<10240x64xf32, #tpu.memory_space<vmem_shared>> -> memref<10240x64xf32, #tpu.memory_space<vmem_shared>>
      tpu.wait_indirect_dma semaphore(%arg17 : memref<!tpu.dma_semaphore, #tpu.memory_space<semaphore_mem>>) src(%arg12 : memref<128x64xf32, #tpu.memory_space<vmem>>) dst(%dma_wait3A_417 : memref<10240x64xf32, #tpu.memory_space<vmem_shared>>)
      %dma_start3A_418 = arith.constant 3 : i32
      %dma_start3A_419 = arith.constant 0 : i32
      %dma_start3A_420 = tpu.memref_slice %arg9[%dma_start3A_418, %dma_start3A_419] : memref<8x128xi32, #tpu.memory_space<vmem>> -> memref<1x128xi32, #tpu.memory_space<vmem>>
      %dma_start3A_421 = tpu.memref_squeeze %dma_start3A_420 : memref<1x128xi32, #tpu.memory_space<vmem>> -> memref<128xi32, #tpu.memory_space<vmem>>
      %dma_start3A_422 = arith.constant 0 : i32
      %dma_start3A_423 = arith.constant 0 : i32
      %dma_start3A_424 = tpu.memref_slice %arg20[%dma_start3A_422, %dma_start3A_423] : memref<10240x64xf32, #tpu.memory_space<vmem_shared>> -> memref<10240x64xf32, #tpu.memory_space<vmem_shared>>
      tpu.enqueue_indirect_dma source(%dma_start3A_424 : memref<10240x64xf32, #tpu.memory_space<vmem_shared>>) target(%arg12 : memref<128x64xf32, #tpu.memory_space<vmem>>) offsets(%dma_start3A_421 : memref<128xi32, #tpu.memory_space<vmem>>) semaphore(%arg15 : memref<!tpu.dma_semaphore, #tpu.memory_space<semaphore_mem>>)
      %dma_wait3A_425 = arith.constant 3 : i32
      %dma_wait3A_426 = arith.constant 0 : i32
      %dma_wait3A_427 = tpu.memref_slice %arg9[%dma_wait3A_425, %dma_wait3A_426] : memref<8x128xi32, #tpu.memory_space<vmem>> -> memref<1x128xi32, #tpu.memory_space<vmem>>
      %dma_wait3A_428 = tpu.memref_squeeze %dma_wait3A_427 : memref<1x128xi32, #tpu.memory_space<vmem>> -> memref<128xi32, #tpu.memory_space<vmem>>
      %dma_wait3A_429 = arith.constant 0 : i32
      %dma_wait3A_430 = arith.constant 0 : i32
      %dma_wait3A_431 = tpu.memref_slice %arg20[%dma_wait3A_429, %dma_wait3A_430] : memref<10240x64xf32, #tpu.memory_space<vmem_shared>> -> memref<10240x64xf32, #tpu.memory_space<vmem_shared>>
      tpu.wait_indirect_dma semaphore(%arg15 : memref<!tpu.dma_semaphore, #tpu.memory_space<semaphore_mem>>) src(%dma_wait3A_431 : memref<10240x64xf32, #tpu.memory_space<vmem_shared>>) dst(%arg12 : memref<128x64xf32, #tpu.memory_space<vmem>>)
      %dma_start3A_432 = arith.constant 3 : i32
      %dma_start3A_433 = arith.constant 0 : i32
      %dma_start3A_434 = tpu.memref_slice %arg10[%dma_start3A_432, %dma_start3A_433] : memref<8x128xi32, #tpu.memory_space<vmem>> -> memref<1x128xi32, #tpu.memory_space<vmem>>
      %dma_start3A_435 = tpu.memref_squeeze %dma_start3A_434 : memref<1x128xi32, #tpu.memory_space<vmem>> -> memref<128xi32, #tpu.memory_space<vmem>>
      %dma_start3A_436 = arith.constant 0 : i32
      %dma_start3A_437 = arith.constant 0 : i32
      %dma_start3A_438 = tpu.memref_slice %arg13[%dma_start3A_436, %dma_start3A_437] : memref<10240x64xf32, #tpu.memory_space<vmem_shared>> -> memref<10240x64xf32, #tpu.memory_space<vmem_shared>>
      tpu.enqueue_indirect_dma source(%arg12 : memref<128x64xf32, #tpu.memory_space<vmem>>) target(%dma_start3A_438 : memref<10240x64xf32, #tpu.memory_space<vmem_shared>>) offsets(%dma_start3A_435 : memref<128xi32, #tpu.memory_space<vmem>>) semaphore(%arg17 : memref<!tpu.dma_semaphore, #tpu.memory_space<semaphore_mem>>) {add = true}
      %dma_wait3A_439 = arith.constant 3 : i32
      %dma_wait3A_440 = arith.constant 0 : i32
      %dma_wait3A_441 = tpu.memref_slice %arg10[%dma_wait3A_439, %dma_wait3A_440] : memref<8x128xi32, #tpu.memory_space<vmem>> -> memref<1x128xi32, #tpu.memory_space<vmem>>
      %dma_wait3A_442 = tpu.memref_squeeze %dma_wait3A_441 : memref<1x128xi32, #tpu.memory_space<vmem>> -> memref<128xi32, #tpu.memory_space<vmem>>
      %dma_wait3A_443 = arith.constant 0 : i32
      %dma_wait3A_444 = arith.constant 0 : i32
      %dma_wait3A_445 = tpu.memref_slice %arg13[%dma_wait3A_443, %dma_wait3A_444] : memref<10240x64xf32, #tpu.memory_space<vmem_shared>> -> memref<10240x64xf32, #tpu.memory_space<vmem_shared>>
      tpu.wait_indirect_dma semaphore(%arg16 : memref<!tpu.dma_semaphore, #tpu.memory_space<semaphore_mem>>) src(%arg11 : memref<128x64xf32, #tpu.memory_space<vmem>>) dst(%dma_wait3A_445 : memref<10240x64xf32, #tpu.memory_space<vmem_shared>>)
      %dma_start3A_446 = arith.constant 4 : i32
      %dma_start3A_447 = arith.constant 0 : i32
      %dma_start3A_448 = tpu.memref_slice %arg9[%dma_start3A_446, %dma_start3A_447] : memref<8x128xi32, #tpu.memory_space<vmem>> -> memref<1x128xi32, #tpu.memory_space<vmem>>
      %dma_start3A_449 = tpu.memref_squeeze %dma_start3A_448 : memref<1x128xi32, #tpu.memory_space<vmem>> -> memref<128xi32, #tpu.memory_space<vmem>>
      %dma_start3A_450 = arith.constant 0 : i32
      %dma_start3A_451 = arith.constant 0 : i32
      %dma_start3A_452 = tpu.memref_slice %arg20[%dma_start3A_450, %dma_start3A_451] : memref<10240x64xf32, #tpu.memory_space<vmem_shared>> -> memref<10240x64xf32, #tpu.memory_space<vmem_shared>>
      tpu.enqueue_indirect_dma source(%dma_start3A_452 : memref<10240x64xf32, #tpu.memory_space<vmem_shared>>) target(%arg11 : memref<128x64xf32, #tpu.memory_space<vmem>>) offsets(%dma_start3A_449 : memref<128xi32, #tpu.memory_space<vmem>>) semaphore(%arg14 : memref<!tpu.dma_semaphore, #tpu.memory_space<semaphore_mem>>)
      %dma_wait3A_453 = arith.constant 4 : i32
      %dma_wait3A_454 = arith.constant 0 : i32
      %dma_wait3A_455 = tpu.memref_slice %arg9[%dma_wait3A_453, %dma_wait3A_454] : memref<8x128xi32, #tpu.memory_space<vmem>> -> memref<1x128xi32, #tpu.memory_space<vmem>>
      %dma_wait3A_456 = tpu.memref_squeeze %dma_wait3A_455 : memref<1x128xi32, #tpu.memory_space<vmem>> -> memref<128xi32, #tpu.memory_space<vmem>>
      %dma_wait3A_457 = arith.constant 0 : i32
      %dma_wait3A_458 = arith.constant 0 : i32
      %dma_wait3A_459 = tpu.memref_slice %arg20[%dma_wait3A_457, %dma_wait3A_458] : memref<10240x64xf32, #tpu.memory_space<vmem_shared>> -> memref<10240x64xf32, #tpu.memory_space<vmem_shared>>
      tpu.wait_indirect_dma semaphore(%arg14 : memref<!tpu.dma_semaphore, #tpu.memory_space<semaphore_mem>>) src(%dma_wait3A_459 : memref<10240x64xf32, #tpu.memory_space<vmem_shared>>) dst(%arg11 : memref<128x64xf32, #tpu.memory_space<vmem>>)
      %dma_start3A_460 = arith.constant 4 : i32
      %dma_start3A_461 = arith.constant 0 : i32
      %dma_start3A_462 = tpu.memref_slice %arg10[%dma_start3A_460, %dma_start3A_461] : memref<8x128xi32, #tpu.memory_space<vmem>> -> memref<1x128xi32, #tpu.memory_space<vmem>>
      %dma_start3A_463 = tpu.memref_squeeze %dma_start3A_462 : memref<1x128xi32, #tpu.memory_space<vmem>> -> memref<128xi32, #tpu.memory_space<vmem>>
      %dma_start3A_464 = arith.constant 0 : i32
      %dma_start3A_465 = arith.constant 0 : i32
      %dma_start3A_466 = tpu.memref_slice %arg13[%dma_start3A_464, %dma_start3A_465] : memref<10240x64xf32, #tpu.memory_space<vmem_shared>> -> memref<10240x64xf32, #tpu.memory_space<vmem_shared>>
      tpu.enqueue_indirect_dma source(%arg11 : memref<128x64xf32, #tpu.memory_space<vmem>>) target(%dma_start3A_466 : memref<10240x64xf32, #tpu.memory_space<vmem_shared>>) offsets(%dma_start3A_463 : memref<128xi32, #tpu.memory_space<vmem>>) semaphore(%arg16 : memref<!tpu.dma_semaphore, #tpu.memory_space<semaphore_mem>>) {add = true}
      %dma_wait3A_467 = arith.constant 4 : i32
      %dma_wait3A_468 = arith.constant 0 : i32
      %dma_wait3A_469 = tpu.memref_slice %arg10[%dma_wait3A_467, %dma_wait3A_468] : memref<8x128xi32, #tpu.memory_space<vmem>> -> memref<1x128xi32, #tpu.memory_space<vmem>>
      %dma_wait3A_470 = tpu.memref_squeeze %dma_wait3A_469 : memref<1x128xi32, #tpu.memory_space<vmem>> -> memref<128xi32, #tpu.memory_space<vmem>>
      %dma_wait3A_471 = arith.constant 0 : i32
      %dma_wait3A_472 = arith.constant 0 : i32
      %dma_wait3A_473 = tpu.memref_slice %arg13[%dma_wait3A_471, %dma_wait3A_472] : memref<10240x64xf32, #tpu.memory_space<vmem_shared>> -> memref<10240x64xf32, #tpu.memory_space<vmem_shared>>
      tpu.wait_indirect_dma semaphore(%arg17 : memref<!tpu.dma_semaphore, #tpu.memory_space<semaphore_mem>>) src(%arg12 : memref<128x64xf32, #tpu.memory_space<vmem>>) dst(%dma_wait3A_473 : memref<10240x64xf32, #tpu.memory_space<vmem_shared>>)
      %dma_start3A_474 = arith.constant 5 : i32
      %dma_start3A_475 = arith.constant 0 : i32
      %dma_start3A_476 = tpu.memref_slice %arg9[%dma_start3A_474, %dma_start3A_475] : memref<8x128xi32, #tpu.memory_space<vmem>> -> memref<1x128xi32, #tpu.memory_space<vmem>>
      %dma_start3A_477 = tpu.memref_squeeze %dma_start3A_476 : memref<1x128xi32, #tpu.memory_space<vmem>> -> memref<128xi32, #tpu.memory_space<vmem>>
      %dma_start3A_478 = arith.constant 0 : i32
      %dma_start3A_479 = arith.constant 0 : i32
      %dma_start3A_480 = tpu.memref_slice %arg20[%dma_start3A_478, %dma_start3A_479] : memref<10240x64xf32, #tpu.memory_space<vmem_shared>> -> memref<10240x64xf32, #tpu.memory_space<vmem_shared>>
      tpu.enqueue_indirect_dma source(%dma_start3A_480 : memref<10240x64xf32, #tpu.memory_space<vmem_shared>>) target(%arg12 : memref<128x64xf32, #tpu.memory_space<vmem>>) offsets(%dma_start3A_477 : memref<128xi32, #tpu.memory_space<vmem>>) semaphore(%arg15 : memref<!tpu.dma_semaphore, #tpu.memory_space<semaphore_mem>>)
      %dma_wait3A_481 = arith.constant 5 : i32
      %dma_wait3A_482 = arith.constant 0 : i32
      %dma_wait3A_483 = tpu.memref_slice %arg9[%dma_wait3A_481, %dma_wait3A_482] : memref<8x128xi32, #tpu.memory_space<vmem>> -> memref<1x128xi32, #tpu.memory_space<vmem>>
      %dma_wait3A_484 = tpu.memref_squeeze %dma_wait3A_483 : memref<1x128xi32, #tpu.memory_space<vmem>> -> memref<128xi32, #tpu.memory_space<vmem>>
      %dma_wait3A_485 = arith.constant 0 : i32
      %dma_wait3A_486 = arith.constant 0 : i32
      %dma_wait3A_487 = tpu.memref_slice %arg20[%dma_wait3A_485, %dma_wait3A_486] : memref<10240x64xf32, #tpu.memory_space<vmem_shared>> -> memref<10240x64xf32, #tpu.memory_space<vmem_shared>>
      tpu.wait_indirect_dma semaphore(%arg15 : memref<!tpu.dma_semaphore, #tpu.memory_space<semaphore_mem>>) src(%dma_wait3A_487 : memref<10240x64xf32, #tpu.memory_space<vmem_shared>>) dst(%arg12 : memref<128x64xf32, #tpu.memory_space<vmem>>)
      %dma_start3A_488 = arith.constant 5 : i32
      %dma_start3A_489 = arith.constant 0 : i32
      %dma_start3A_490 = tpu.memref_slice %arg10[%dma_start3A_488, %dma_start3A_489] : memref<8x128xi32, #tpu.memory_space<vmem>> -> memref<1x128xi32, #tpu.memory_space<vmem>>
      %dma_start3A_491 = tpu.memref_squeeze %dma_start3A_490 : memref<1x128xi32, #tpu.memory_space<vmem>> -> memref<128xi32, #tpu.memory_space<vmem>>
      %dma_start3A_492 = arith.constant 0 : i32
      %dma_start3A_493 = arith.constant 0 : i32
      %dma_start3A_494 = tpu.memref_slice %arg13[%dma_start3A_492, %dma_start3A_493] : memref<10240x64xf32, #tpu.memory_space<vmem_shared>> -> memref<10240x64xf32, #tpu.memory_space<vmem_shared>>
      tpu.enqueue_indirect_dma source(%arg12 : memref<128x64xf32, #tpu.memory_space<vmem>>) target(%dma_start3A_494 : memref<10240x64xf32, #tpu.memory_space<vmem_shared>>) offsets(%dma_start3A_491 : memref<128xi32, #tpu.memory_space<vmem>>) semaphore(%arg17 : memref<!tpu.dma_semaphore, #tpu.memory_space<semaphore_mem>>) {add = true}
      %dma_wait3A_495 = arith.constant 5 : i32
      %dma_wait3A_496 = arith.constant 0 : i32
      %dma_wait3A_497 = tpu.memref_slice %arg10[%dma_wait3A_495, %dma_wait3A_496] : memref<8x128xi32, #tpu.memory_space<vmem>> -> memref<1x128xi32, #tpu.memory_space<vmem>>
      %dma_wait3A_498 = tpu.memref_squeeze %dma_wait3A_497 : memref<1x128xi32, #tpu.memory_space<vmem>> -> memref<128xi32, #tpu.memory_space<vmem>>
      %dma_wait3A_499 = arith.constant 0 : i32
      %dma_wait3A_500 = arith.constant 0 : i32
      %dma_wait3A_501 = tpu.memref_slice %arg13[%dma_wait3A_499, %dma_wait3A_500] : memref<10240x64xf32, #tpu.memory_space<vmem_shared>> -> memref<10240x64xf32, #tpu.memory_space<vmem_shared>>
      tpu.wait_indirect_dma semaphore(%arg16 : memref<!tpu.dma_semaphore, #tpu.memory_space<semaphore_mem>>) src(%arg11 : memref<128x64xf32, #tpu.memory_space<vmem>>) dst(%dma_wait3A_501 : memref<10240x64xf32, #tpu.memory_space<vmem_shared>>)
      %dma_start3A_502 = arith.constant 6 : i32
      %dma_start3A_503 = arith.constant 0 : i32
      %dma_start3A_504 = tpu.memref_slice %arg9[%dma_start3A_502, %dma_start3A_503] : memref<8x128xi32, #tpu.memory_space<vmem>> -> memref<1x128xi32, #tpu.memory_space<vmem>>
      %dma_start3A_505 = tpu.memref_squeeze %dma_start3A_504 : memref<1x128xi32, #tpu.memory_space<vmem>> -> memref<128xi32, #tpu.memory_space<vmem>>
      %dma_start3A_506 = arith.constant 0 : i32
      %dma_start3A_507 = arith.constant 0 : i32
      %dma_start3A_508 = tpu.memref_slice %arg20[%dma_start3A_506, %dma_start3A_507] : memref<10240x64xf32, #tpu.memory_space<vmem_shared>> -> memref<10240x64xf32, #tpu.memory_space<vmem_shared>>
      tpu.enqueue_indirect_dma source(%dma_start3A_508 : memref<10240x64xf32, #tpu.memory_space<vmem_shared>>) target(%arg11 : memref<128x64xf32, #tpu.memory_space<vmem>>) offsets(%dma_start3A_505 : memref<128xi32, #tpu.memory_space<vmem>>) semaphore(%arg14 : memref<!tpu.dma_semaphore, #tpu.memory_space<semaphore_mem>>)
      %dma_wait3A_509 = arith.constant 6 : i32
      %dma_wait3A_510 = arith.constant 0 : i32
      %dma_wait3A_511 = tpu.memref_slice %arg9[%dma_wait3A_509, %dma_wait3A_510] : memref<8x128xi32, #tpu.memory_space<vmem>> -> memref<1x128xi32, #tpu.memory_space<vmem>>
      %dma_wait3A_512 = tpu.memref_squeeze %dma_wait3A_511 : memref<1x128xi32, #tpu.memory_space<vmem>> -> memref<128xi32, #tpu.memory_space<vmem>>
      %dma_wait3A_513 = arith.constant 0 : i32
      %dma_wait3A_514 = arith.constant 0 : i32
      %dma_wait3A_515 = tpu.memref_slice %arg20[%dma_wait3A_513, %dma_wait3A_514] : memref<10240x64xf32, #tpu.memory_space<vmem_shared>> -> memref<10240x64xf32, #tpu.memory_space<vmem_shared>>
      tpu.wait_indirect_dma semaphore(%arg14 : memref<!tpu.dma_semaphore, #tpu.memory_space<semaphore_mem>>) src(%dma_wait3A_515 : memref<10240x64xf32, #tpu.memory_space<vmem_shared>>) dst(%arg11 : memref<128x64xf32, #tpu.memory_space<vmem>>)
      %dma_start3A_516 = arith.constant 6 : i32
      %dma_start3A_517 = arith.constant 0 : i32
      %dma_start3A_518 = tpu.memref_slice %arg10[%dma_start3A_516, %dma_start3A_517] : memref<8x128xi32, #tpu.memory_space<vmem>> -> memref<1x128xi32, #tpu.memory_space<vmem>>
      %dma_start3A_519 = tpu.memref_squeeze %dma_start3A_518 : memref<1x128xi32, #tpu.memory_space<vmem>> -> memref<128xi32, #tpu.memory_space<vmem>>
      %dma_start3A_520 = arith.constant 0 : i32
      %dma_start3A_521 = arith.constant 0 : i32
      %dma_start3A_522 = tpu.memref_slice %arg13[%dma_start3A_520, %dma_start3A_521] : memref<10240x64xf32, #tpu.memory_space<vmem_shared>> -> memref<10240x64xf32, #tpu.memory_space<vmem_shared>>
      tpu.enqueue_indirect_dma source(%arg11 : memref<128x64xf32, #tpu.memory_space<vmem>>) target(%dma_start3A_522 : memref<10240x64xf32, #tpu.memory_space<vmem_shared>>) offsets(%dma_start3A_519 : memref<128xi32, #tpu.memory_space<vmem>>) semaphore(%arg16 : memref<!tpu.dma_semaphore, #tpu.memory_space<semaphore_mem>>) {add = true}
      %dma_wait3A_523 = arith.constant 6 : i32
      %dma_wait3A_524 = arith.constant 0 : i32
      %dma_wait3A_525 = tpu.memref_slice %arg10[%dma_wait3A_523, %dma_wait3A_524] : memref<8x128xi32, #tpu.memory_space<vmem>> -> memref<1x128xi32, #tpu.memory_space<vmem>>
      %dma_wait3A_526 = tpu.memref_squeeze %dma_wait3A_525 : memref<1x128xi32, #tpu.memory_space<vmem>> -> memref<128xi32, #tpu.memory_space<vmem>>
      %dma_wait3A_527 = arith.constant 0 : i32
      %dma_wait3A_528 = arith.constant 0 : i32
      %dma_wait3A_529 = tpu.memref_slice %arg13[%dma_wait3A_527, %dma_wait3A_528] : memref<10240x64xf32, #tpu.memory_space<vmem_shared>> -> memref<10240x64xf32, #tpu.memory_space<vmem_shared>>
      tpu.wait_indirect_dma semaphore(%arg17 : memref<!tpu.dma_semaphore, #tpu.memory_space<semaphore_mem>>) src(%arg12 : memref<128x64xf32, #tpu.memory_space<vmem>>) dst(%dma_wait3A_529 : memref<10240x64xf32, #tpu.memory_space<vmem_shared>>)
      %dma_start3A_530 = arith.constant 7 : i32
      %dma_start3A_531 = arith.constant 0 : i32
      %dma_start3A_532 = tpu.memref_slice %arg9[%dma_start3A_530, %dma_start3A_531] : memref<8x128xi32, #tpu.memory_space<vmem>> -> memref<1x128xi32, #tpu.memory_space<vmem>>
      %dma_start3A_533 = tpu.memref_squeeze %dma_start3A_532 : memref<1x128xi32, #tpu.memory_space<vmem>> -> memref<128xi32, #tpu.memory_space<vmem>>
      %dma_start3A_534 = arith.constant 0 : i32
      %dma_start3A_535 = arith.constant 0 : i32
      %dma_start3A_536 = tpu.memref_slice %arg20[%dma_start3A_534, %dma_start3A_535] : memref<10240x64xf32, #tpu.memory_space<vmem_shared>> -> memref<10240x64xf32, #tpu.memory_space<vmem_shared>>
      tpu.enqueue_indirect_dma source(%dma_start3A_536 : memref<10240x64xf32, #tpu.memory_space<vmem_shared>>) target(%arg12 : memref<128x64xf32, #tpu.memory_space<vmem>>) offsets(%dma_start3A_533 : memref<128xi32, #tpu.memory_space<vmem>>) semaphore(%arg15 : memref<!tpu.dma_semaphore, #tpu.memory_space<semaphore_mem>>)
      %dma_wait3A_537 = arith.constant 7 : i32
      %dma_wait3A_538 = arith.constant 0 : i32
      %dma_wait3A_539 = tpu.memref_slice %arg9[%dma_wait3A_537, %dma_wait3A_538] : memref<8x128xi32, #tpu.memory_space<vmem>> -> memref<1x128xi32, #tpu.memory_space<vmem>>
      %dma_wait3A_540 = tpu.memref_squeeze %dma_wait3A_539 : memref<1x128xi32, #tpu.memory_space<vmem>> -> memref<128xi32, #tpu.memory_space<vmem>>
      %dma_wait3A_541 = arith.constant 0 : i32
      %dma_wait3A_542 = arith.constant 0 : i32
      %dma_wait3A_543 = tpu.memref_slice %arg20[%dma_wait3A_541, %dma_wait3A_542] : memref<10240x64xf32, #tpu.memory_space<vmem_shared>> -> memref<10240x64xf32, #tpu.memory_space<vmem_shared>>
      tpu.wait_indirect_dma semaphore(%arg15 : memref<!tpu.dma_semaphore, #tpu.memory_space<semaphore_mem>>) src(%dma_wait3A_543 : memref<10240x64xf32, #tpu.memory_space<vmem_shared>>) dst(%arg12 : memref<128x64xf32, #tpu.memory_space<vmem>>)
      %dma_start3A_544 = arith.constant 7 : i32
      %dma_start3A_545 = arith.constant 0 : i32
      %dma_start3A_546 = tpu.memref_slice %arg10[%dma_start3A_544, %dma_start3A_545] : memref<8x128xi32, #tpu.memory_space<vmem>> -> memref<1x128xi32, #tpu.memory_space<vmem>>
      %dma_start3A_547 = tpu.memref_squeeze %dma_start3A_546 : memref<1x128xi32, #tpu.memory_space<vmem>> -> memref<128xi32, #tpu.memory_space<vmem>>
      %dma_start3A_548 = arith.constant 0 : i32
      %dma_start3A_549 = arith.constant 0 : i32
      %dma_start3A_550 = tpu.memref_slice %arg13[%dma_start3A_548, %dma_start3A_549] : memref<10240x64xf32, #tpu.memory_space<vmem_shared>> -> memref<10240x64xf32, #tpu.memory_space<vmem_shared>>
      tpu.enqueue_indirect_dma source(%arg12 : memref<128x64xf32, #tpu.memory_space<vmem>>) target(%dma_start3A_550 : memref<10240x64xf32, #tpu.memory_space<vmem_shared>>) offsets(%dma_start3A_547 : memref<128xi32, #tpu.memory_space<vmem>>) semaphore(%arg17 : memref<!tpu.dma_semaphore, #tpu.memory_space<semaphore_mem>>) {add = true}
      %dma_wait3A_551 = arith.constant 7 : i32
      %dma_wait3A_552 = arith.constant 0 : i32
      %dma_wait3A_553 = tpu.memref_slice %arg10[%dma_wait3A_551, %dma_wait3A_552] : memref<8x128xi32, #tpu.memory_space<vmem>> -> memref<1x128xi32, #tpu.memory_space<vmem>>
      %dma_wait3A_554 = tpu.memref_squeeze %dma_wait3A_553 : memref<1x128xi32, #tpu.memory_space<vmem>> -> memref<128xi32, #tpu.memory_space<vmem>>
      %dma_wait3A_555 = arith.constant 0 : i32
      %dma_wait3A_556 = arith.constant 0 : i32
      %dma_wait3A_557 = tpu.memref_slice %arg13[%dma_wait3A_555, %dma_wait3A_556] : memref<10240x64xf32, #tpu.memory_space<vmem_shared>> -> memref<10240x64xf32, #tpu.memory_space<vmem_shared>>
      tpu.wait_indirect_dma semaphore(%arg16 : memref<!tpu.dma_semaphore, #tpu.memory_space<semaphore_mem>>) src(%arg11 : memref<128x64xf32, #tpu.memory_space<vmem>>) dst(%dma_wait3A_557 : memref<10240x64xf32, #tpu.memory_space<vmem_shared>>)
      %dma_wait3A_558 = arith.constant 0 : i32
      %dma_wait3A_559 = arith.constant 0 : i32
      %dma_wait3A_560 = tpu.memref_slice %arg3[%dma_wait3A_558, %dma_wait3A_559] : memref<2560x128xi32, #tpu.memory_space<hbm>> -> memref<8x128xi32, #tpu.memory_space<hbm>>
      %dma_wait3A_561 = arith.constant 0 : i32
      %dma_wait3A_562 = arith.constant 0 : i32
      %dma_wait3A_563 = tpu.memref_slice %arg3[%dma_wait3A_561, %dma_wait3A_562] : memref<2560x128xi32, #tpu.memory_space<hbm>> -> memref<8x128xi32, #tpu.memory_space<hbm>>
      tpu.wait_dma2 semaphore(%arg18 : memref<!tpu.dma_semaphore, #tpu.memory_space<semaphore_mem>>) src(%dma_wait3A_563 : memref<8x128xi32, #tpu.memory_space<hbm>>) dst(%arg7 : memref<8x128xi32, #tpu.memory_space<vmem>>)
      %dma_wait3A_564 = arith.constant 0 : i32
      %dma_wait3A_565 = arith.constant 0 : i32
      %dma_wait3A_566 = tpu.memref_slice %arg4[%dma_wait3A_564, %dma_wait3A_565] : memref<2560x128xi32, #tpu.memory_space<hbm>> -> memref<8x128xi32, #tpu.memory_space<hbm>>
      %dma_wait3A_567 = arith.constant 0 : i32
      %dma_wait3A_568 = arith.constant 0 : i32
      %dma_wait3A_569 = tpu.memref_slice %arg4[%dma_wait3A_567, %dma_wait3A_568] : memref<2560x128xi32, #tpu.memory_space<hbm>> -> memref<8x128xi32, #tpu.memory_space<hbm>>
      tpu.wait_dma2 semaphore(%arg18 : memref<!tpu.dma_semaphore, #tpu.memory_space<semaphore_mem>>) src(%dma_wait3A_569 : memref<8x128xi32, #tpu.memory_space<hbm>>) dst(%arg8 : memref<8x128xi32, #tpu.memory_space<vmem>>)
      %dma_start3A_570 = arith.constant 0 : i32
      %dma_start3A_571 = arith.constant 0 : i32
      %dma_start3A_572 = tpu.memref_slice %arg7[%dma_start3A_570, %dma_start3A_571] : memref<8x128xi32, #tpu.memory_space<vmem>> -> memref<1x128xi32, #tpu.memory_space<vmem>>
      %dma_start3A_573 = tpu.memref_squeeze %dma_start3A_572 : memref<1x128xi32, #tpu.memory_space<vmem>> -> memref<128xi32, #tpu.memory_space<vmem>>
      %dma_start3A_574 = arith.constant 0 : i32
      %dma_start3A_575 = arith.constant 0 : i32
      %dma_start3A_576 = tpu.memref_slice %arg20[%dma_start3A_574, %dma_start3A_575] : memref<10240x64xf32, #tpu.memory_space<vmem_shared>> -> memref<10240x64xf32, #tpu.memory_space<vmem_shared>>
      tpu.enqueue_indirect_dma source(%dma_start3A_576 : memref<10240x64xf32, #tpu.memory_space<vmem_shared>>) target(%arg11 : memref<128x64xf32, #tpu.memory_space<vmem>>) offsets(%dma_start3A_573 : memref<128xi32, #tpu.memory_space<vmem>>) semaphore(%arg14 : memref<!tpu.dma_semaphore, #tpu.memory_space<semaphore_mem>>)
      %mul3A_577 = arith.constant 2 : i32
      %mul3A_578 = arith.muli %mul3A_577, %scan3A_87 : i32
      %add3A_579 = arith.constant 3 : i32
      %add3A_580 = arith.addi %mul3A_578, %add3A_579 : i32
      %min3A_581 = arith.constant 9 : i32
      %min3A_582 = arith.minsi %add3A_580, %min3A_581 : i32
      %add3A_583 = arith.addi %mul3A_4, %min3A_582 : i32
      %mul3A_584 = arith.constant 8 : i32
      %mul3A_585 = arith.muli %add3A_583, %mul3A_584 : i32
      %multiple_of3A_586 = tpu.assume_multiple %mul3A_585, 8 : i32
      %dma_start3A_587 = arith.constant 0 : i32
      %dma_start3A_588 = tpu.memref_slice %arg3[%multiple_of3A_586, %dma_start3A_587] : memref<2560x128xi32, #tpu.memory_space<hbm>> -> memref<8x128xi32, #tpu.memory_space<hbm>>
      %dma_start3A_589 = arith.constant 0 : i32
      %dma_start3A_590 = tpu.memref_slice %arg3[%multiple_of3A_586, %dma_start3A_589] : memref<2560x128xi32, #tpu.memory_space<hbm>> -> memref<8x128xi32, #tpu.memory_space<hbm>>
      tpu.enqueue_dma source(%dma_start3A_590 : memref<8x128xi32, #tpu.memory_space<hbm>>) target(%arg9 : memref<8x128xi32, #tpu.memory_space<vmem>>) target_semaphore(%arg19 : memref<!tpu.dma_semaphore, #tpu.memory_space<semaphore_mem>>)
      %dma_start3A_591 = arith.constant 0 : i32
      %dma_start3A_592 = tpu.memref_slice %arg4[%multiple_of3A_586, %dma_start3A_591] : memref<2560x128xi32, #tpu.memory_space<hbm>> -> memref<8x128xi32, #tpu.memory_space<hbm>>
      %dma_start3A_593 = arith.constant 0 : i32
      %dma_start3A_594 = tpu.memref_slice %arg4[%multiple_of3A_586, %dma_start3A_593] : memref<2560x128xi32, #tpu.memory_space<hbm>> -> memref<8x128xi32, #tpu.memory_space<hbm>>
      tpu.enqueue_dma source(%dma_start3A_594 : memref<8x128xi32, #tpu.memory_space<hbm>>) target(%arg10 : memref<8x128xi32, #tpu.memory_space<vmem>>) target_semaphore(%arg19 : memref<!tpu.dma_semaphore, #tpu.memory_space<semaphore_mem>>)
    }
    %scan3A_59 = arith.constant 5 : i32
    %dma_wait3A_60 = arith.constant 0 : i32
    %dma_wait3A_61 = arith.constant 0 : i32
    %dma_wait3A_62 = tpu.memref_slice %arg7[%dma_wait3A_60, %dma_wait3A_61] : memref<8x128xi32, #tpu.memory_space<vmem>> -> memref<1x128xi32, #tpu.memory_space<vmem>>
    %dma_wait3A_63 = tpu.memref_squeeze %dma_wait3A_62 : memref<1x128xi32, #tpu.memory_space<vmem>> -> memref<128xi32, #tpu.memory_space<vmem>>
    %dma_wait3A_64 = arith.constant 0 : i32
    %dma_wait3A_65 = arith.constant 0 : i32
    %dma_wait3A_66 = tpu.memref_slice %arg20[%dma_wait3A_64, %dma_wait3A_65] : memref<10240x64xf32, #tpu.memory_space<vmem_shared>> -> memref<10240x64xf32, #tpu.memory_space<vmem_shared>>
    tpu.wait_indirect_dma semaphore(%arg14 : memref<!tpu.dma_semaphore, #tpu.memory_space<semaphore_mem>>) src(%dma_wait3A_66 : memref<10240x64xf32, #tpu.memory_space<vmem_shared>>) dst(%arg11 : memref<128x64xf32, #tpu.memory_space<vmem>>)
    %dma_wait3A_67 = arith.constant 0 : i32
    %dma_wait3A_68 = arith.constant 0 : i32
    %dma_wait3A_69 = tpu.memref_slice %arg8[%dma_wait3A_67, %dma_wait3A_68] : memref<8x128xi32, #tpu.memory_space<vmem>> -> memref<1x128xi32, #tpu.memory_space<vmem>>
    %dma_wait3A_70 = tpu.memref_squeeze %dma_wait3A_69 : memref<1x128xi32, #tpu.memory_space<vmem>> -> memref<128xi32, #tpu.memory_space<vmem>>
    %dma_wait3A_71 = arith.constant 0 : i32
    %dma_wait3A_72 = arith.constant 0 : i32
    %dma_wait3A_73 = tpu.memref_slice %arg13[%dma_wait3A_71, %dma_wait3A_72] : memref<10240x64xf32, #tpu.memory_space<vmem_shared>> -> memref<10240x64xf32, #tpu.memory_space<vmem_shared>>
    tpu.wait_indirect_dma semaphore(%arg17 : memref<!tpu.dma_semaphore, #tpu.memory_space<semaphore_mem>>) src(%arg12 : memref<128x64xf32, #tpu.memory_space<vmem>>) dst(%dma_wait3A_73 : memref<10240x64xf32, #tpu.memory_space<vmem_shared>>)
    %dma_wait3A_74 = arith.constant 0 : i32
    %dma_wait3A_75 = arith.constant 0 : i32
    %dma_wait3A_76 = tpu.memref_slice %arg3[%dma_wait3A_74, %dma_wait3A_75] : memref<2560x128xi32, #tpu.memory_space<hbm>> -> memref<8x128xi32, #tpu.memory_space<hbm>>
    %dma_wait3A_77 = arith.constant 0 : i32
    %dma_wait3A_78 = arith.constant 0 : i32
    %dma_wait3A_79 = tpu.memref_slice %arg3[%dma_wait3A_77, %dma_wait3A_78] : memref<2560x128xi32, #tpu.memory_space<hbm>> -> memref<8x128xi32, #tpu.memory_space<hbm>>
    tpu.wait_dma2 semaphore(%arg19 : memref<!tpu.dma_semaphore, #tpu.memory_space<semaphore_mem>>) src(%dma_wait3A_79 : memref<8x128xi32, #tpu.memory_space<hbm>>) dst(%arg9 : memref<8x128xi32, #tpu.memory_space<vmem>>)
    %dma_wait3A_80 = arith.constant 0 : i32
    %dma_wait3A_81 = arith.constant 0 : i32
    %dma_wait3A_82 = tpu.memref_slice %arg4[%dma_wait3A_80, %dma_wait3A_81] : memref<2560x128xi32, #tpu.memory_space<hbm>> -> memref<8x128xi32, #tpu.memory_space<hbm>>
    %dma_wait3A_83 = arith.constant 0 : i32
    %dma_wait3A_84 = arith.constant 0 : i32
    %dma_wait3A_85 = tpu.memref_slice %arg4[%dma_wait3A_83, %dma_wait3A_84] : memref<2560x128xi32, #tpu.memory_space<hbm>> -> memref<8x128xi32, #tpu.memory_space<hbm>>
    tpu.wait_dma2 semaphore(%arg19 : memref<!tpu.dma_semaphore, #tpu.memory_space<semaphore_mem>>) src(%dma_wait3A_85 : memref<8x128xi32, #tpu.memory_space<hbm>>) dst(%arg10 : memref<8x128xi32, #tpu.memory_space<vmem>>)
    %barrier3A_86 = arith.constant 0 : index
    tpu.barrier barrier_id(%barrier3A_86)
    "tpu.region"() ({
      %run_scoped3A = tpu.sem_alloc : memref<!tpu.dma_semaphore, #tpu.memory_space<semaphore_mem>>
      %dma_start3A_87 = arith.constant 0 : i32
      %dma_start3A_88 = arith.constant 0 : i32
      %dma_start3A_89 = tpu.memref_slice %arg6[%arg0, %dma_start3A_87, %dma_start3A_88] : memref<2x10240x64xf32, #tpu.memory_space<hbm>> -> memref<1x10240x64xf32, #tpu.memory_space<hbm>>
      %dma_start3A_90 = tpu.memref_squeeze %dma_start3A_89 : memref<1x10240x64xf32, #tpu.memory_space<hbm>> -> memref<10240x64xf32, #tpu.memory_space<hbm>>
      %dma_start3A_91 = arith.constant 0 : i32
      %dma_start3A_92 = tpu.memref_slice %dma_start3A_90[%mul3A_0, %dma_start3A_91] : memref<10240x64xf32, #tpu.memory_space<hbm>> -> memref<640x64xf32, #tpu.memory_space<hbm>>
      %dma_start3A_93 = arith.constant 0 : i32
      %dma_start3A_94 = tpu.memref_slice %arg13[%mul3A_0, %dma_start3A_93] : memref<10240x64xf32, #tpu.memory_space<vmem_shared>> -> memref<640x64xf32, #tpu.memory_space<vmem_shared>>
      tpu.enqueue_dma source(%dma_start3A_94 : memref<640x64xf32, #tpu.memory_space<vmem_shared>>) target(%dma_start3A_92 : memref<640x64xf32, #tpu.memory_space<hbm>>) target_semaphore(%run_scoped3A : memref<!tpu.dma_semaphore, #tpu.memory_space<semaphore_mem>>)
      %dma_wait3A_95 = arith.constant 0 : i32
      %dma_wait3A_96 = arith.constant 0 : i32
      %dma_wait3A_97 = tpu.memref_slice %arg6[%arg0, %dma_wait3A_95, %dma_wait3A_96] : memref<2x10240x64xf32, #tpu.memory_space<hbm>> -> memref<1x10240x64xf32, #tpu.memory_space<hbm>>
      %dma_wait3A_98 = tpu.memref_squeeze %dma_wait3A_97 : memref<1x10240x64xf32, #tpu.memory_space<hbm>> -> memref<10240x64xf32, #tpu.memory_space<hbm>>
      %dma_wait3A_99 = arith.constant 0 : i32
      %dma_wait3A_100 = tpu.memref_slice %dma_wait3A_98[%mul3A_0, %dma_wait3A_99] : memref<10240x64xf32, #tpu.memory_space<hbm>> -> memref<640x64xf32, #tpu.memory_space<hbm>>
      %dma_wait3A_101 = arith.constant 0 : i32
      %dma_wait3A_102 = tpu.memref_slice %arg13[%mul3A_0, %dma_wait3A_101] : memref<10240x64xf32, #tpu.memory_space<vmem_shared>> -> memref<640x64xf32, #tpu.memory_space<vmem_shared>>
      tpu.wait_dma2 semaphore(%run_scoped3A : memref<!tpu.dma_semaphore, #tpu.memory_space<semaphore_mem>>) src(%dma_wait3A_102 : memref<640x64xf32, #tpu.memory_space<vmem_shared>>) dst(%dma_wait3A_100 : memref<640x64xf32, #tpu.memory_space<hbm>>)
      tpu.yield
    }) : () -> ()
    return
  }
}

#map = affine_map<(d0, d1) -> (0, 0, 0)>
#map1 = affine_map<(d0, d1) -> (0, 0)>
#map2 = affine_map<(d0, d1) -> (0)>
module attributes {stable_mosaic.version = 14 : i64} {
  func.func @body(%arg0: i32, %arg1: i32, %arg2: memref<2x10240x128xf32, #tpu.memory_space<hbm>>, %arg3: memref<2560x128xi32, #tpu.memory_space<hbm>>, %arg4: memref<2560x128xi32, #tpu.memory_space<hbm>>, %arg5: memref<640x128xf32, #tpu.memory_space<hbm>>, %arg6: memref<10240xf32, #tpu.memory_space<hbm>>, %arg7: memref<2x10240x128xf32, #tpu.memory_space<hbm>>, %arg8: memref<2x16x10240xf32, #tpu.memory_space<hbm>>, %arg9: memref<8x128xi32, #tpu.memory_space<vmem>>, %arg10: memref<8x128xi32, #tpu.memory_space<vmem>>, %arg11: memref<8x128xi32, #tpu.memory_space<vmem>>, %arg12: memref<8x128xi32, #tpu.memory_space<vmem>>, %arg13: memref<128x128xf32, #tpu.memory_space<vmem>>, %arg14: memref<128x128xf32, #tpu.memory_space<vmem>>, %arg15: memref<10240x128xf32, #tpu.memory_space<vmem_shared>>, %arg16: memref<!tpu.dma_semaphore, #tpu.memory_space<semaphore_mem>>, %arg17: memref<!tpu.dma_semaphore, #tpu.memory_space<semaphore_mem>>, %arg18: memref<!tpu.dma_semaphore, #tpu.memory_space<semaphore_mem>>, %arg19: memref<!tpu.dma_semaphore, #tpu.memory_space<semaphore_mem>>, %arg20: memref<!tpu.dma_semaphore, #tpu.memory_space<semaphore_mem>>, %arg21: memref<!tpu.dma_semaphore, #tpu.memory_space<semaphore_mem>>, %arg22: memref<10240xf32, #tpu.memory_space<vmem>>) attributes {dimension_semantics = [#tpu.dimension_semantics<core_parallel>, #tpu.dimension_semantics<subcore_parallel>], iteration_bounds = array<i64: 2, 16>, scalar_prefetch = 0 : i64, scratch_operands = 14 : i64, tpu.core_type = #tpu.core_type<sc_vector_subcore>, window_params = [{transform_indices = #map}, {transform_indices = #map1}, {transform_indices = #map1}, {transform_indices = #map1}, {transform_indices = #map2}, {transform_indices = #map}, {transform_indices = #map}]} {
    %mul3A = arith.constant 640 : i32
    %mul3A_0 = arith.muli %arg1, %mul3A : i32
    %mul3A_1 = arith.constant 20 : i32
    %mul3A_2 = arith.muli %arg1, %mul3A_1 : i32
    "tpu.region"() ({
      %run_scoped3A = tpu.sem_alloc : memref<!tpu.dma_semaphore, #tpu.memory_space<semaphore_mem>>
      %dma_start3A_92 = arith.constant 0 : i32
      %dma_start3A_93 = tpu.memref_slice %arg15[%mul3A_0, %dma_start3A_92] : memref<10240x128xf32, #tpu.memory_space<vmem_shared>> -> memref<640x128xf32, #tpu.memory_space<vmem_shared>>
      tpu.enqueue_dma source(%arg5 : memref<640x128xf32, #tpu.memory_space<hbm>>) target(%dma_start3A_93 : memref<640x128xf32, #tpu.memory_space<vmem_shared>>) target_semaphore(%run_scoped3A : memref<!tpu.dma_semaphore, #tpu.memory_space<semaphore_mem>>)
      %dma_wait3A_94 = arith.constant 0 : i32
      %dma_wait3A_95 = tpu.memref_slice %arg15[%mul3A_0, %dma_wait3A_94] : memref<10240x128xf32, #tpu.memory_space<vmem_shared>> -> memref<640x128xf32, #tpu.memory_space<vmem_shared>>
      tpu.wait_dma2 semaphore(%run_scoped3A : memref<!tpu.dma_semaphore, #tpu.memory_space<semaphore_mem>>) src(%arg5 : memref<640x128xf32, #tpu.memory_space<hbm>>) dst(%dma_wait3A_95 : memref<640x128xf32, #tpu.memory_space<vmem_shared>>)
      tpu.yield
    }) : () -> ()
    "tpu.region"() ({
      %run_scoped3A = tpu.sem_alloc : memref<!tpu.dma_semaphore, #tpu.memory_space<semaphore_mem>>
      tpu.enqueue_dma source(%arg6 : memref<10240xf32, #tpu.memory_space<hbm>>) target(%arg22 : memref<10240xf32, #tpu.memory_space<vmem>>) target_semaphore(%run_scoped3A : memref<!tpu.dma_semaphore, #tpu.memory_space<semaphore_mem>>)
      tpu.wait_dma2 semaphore(%run_scoped3A : memref<!tpu.dma_semaphore, #tpu.memory_space<semaphore_mem>>) src(%arg6 : memref<10240xf32, #tpu.memory_space<hbm>>) dst(%arg22 : memref<10240xf32, #tpu.memory_space<vmem>>)
      tpu.yield
    }) : () -> ()
    %broadcast_in_dim3A = arith.constant 1.000000e+00 : f32
    %broadcast_in_dim3A_3 = vector.broadcast %broadcast_in_dim3A : f32 to vector<16xf32>
    %add3A = arith.constant 0 : i32
    %add3A_4 = arith.addi %mul3A_2, %add3A : i32
    %mul3A_5 = arith.constant 8 : i32
    %mul3A_6 = arith.muli %add3A_4, %mul3A_5 : i32
    %multiple_of3A = tpu.assume_multiple %mul3A_6, 8 : i32
    %dma_start3A = arith.constant 0 : i32
    %dma_start3A_7 = tpu.memref_slice %arg3[%multiple_of3A, %dma_start3A] : memref<2560x128xi32, #tpu.memory_space<hbm>> -> memref<8x128xi32, #tpu.memory_space<hbm>>
    %dma_start3A_8 = arith.constant 0 : i32
    %dma_start3A_9 = tpu.memref_slice %arg3[%multiple_of3A, %dma_start3A_8] : memref<2560x128xi32, #tpu.memory_space<hbm>> -> memref<8x128xi32, #tpu.memory_space<hbm>>
    tpu.enqueue_dma source(%dma_start3A_9 : memref<8x128xi32, #tpu.memory_space<hbm>>) target(%arg9 : memref<8x128xi32, #tpu.memory_space<vmem>>) target_semaphore(%arg20 : memref<!tpu.dma_semaphore, #tpu.memory_space<semaphore_mem>>)
    %dma_start3A_10 = arith.constant 0 : i32
    %dma_start3A_11 = tpu.memref_slice %arg4[%multiple_of3A, %dma_start3A_10] : memref<2560x128xi32, #tpu.memory_space<hbm>> -> memref<8x128xi32, #tpu.memory_space<hbm>>
    %dma_start3A_12 = arith.constant 0 : i32
    %dma_start3A_13 = tpu.memref_slice %arg4[%multiple_of3A, %dma_start3A_12] : memref<2560x128xi32, #tpu.memory_space<hbm>> -> memref<8x128xi32, #tpu.memory_space<hbm>>
    tpu.enqueue_dma source(%dma_start3A_13 : memref<8x128xi32, #tpu.memory_space<hbm>>) target(%arg10 : memref<8x128xi32, #tpu.memory_space<vmem>>) target_semaphore(%arg20 : memref<!tpu.dma_semaphore, #tpu.memory_space<semaphore_mem>>)
    %add3A_14 = arith.constant 1 : i32
    %add3A_15 = arith.addi %mul3A_2, %add3A_14 : i32
    %mul3A_16 = arith.constant 8 : i32
    %mul3A_17 = arith.muli %add3A_15, %mul3A_16 : i32
    %multiple_of3A_18 = tpu.assume_multiple %mul3A_17, 8 : i32
    %dma_start3A_19 = arith.constant 0 : i32
    %dma_start3A_20 = tpu.memref_slice %arg3[%multiple_of3A_18, %dma_start3A_19] : memref<2560x128xi32, #tpu.memory_space<hbm>> -> memref<8x128xi32, #tpu.memory_space<hbm>>
    %dma_start3A_21 = arith.constant 0 : i32
    %dma_start3A_22 = tpu.memref_slice %arg3[%multiple_of3A_18, %dma_start3A_21] : memref<2560x128xi32, #tpu.memory_space<hbm>> -> memref<8x128xi32, #tpu.memory_space<hbm>>
    tpu.enqueue_dma source(%dma_start3A_22 : memref<8x128xi32, #tpu.memory_space<hbm>>) target(%arg11 : memref<8x128xi32, #tpu.memory_space<vmem>>) target_semaphore(%arg21 : memref<!tpu.dma_semaphore, #tpu.memory_space<semaphore_mem>>)
    %dma_start3A_23 = arith.constant 0 : i32
    %dma_start3A_24 = tpu.memref_slice %arg4[%multiple_of3A_18, %dma_start3A_23] : memref<2560x128xi32, #tpu.memory_space<hbm>> -> memref<8x128xi32, #tpu.memory_space<hbm>>
    %dma_start3A_25 = arith.constant 0 : i32
    %dma_start3A_26 = tpu.memref_slice %arg4[%multiple_of3A_18, %dma_start3A_25] : memref<2560x128xi32, #tpu.memory_space<hbm>> -> memref<8x128xi32, #tpu.memory_space<hbm>>
    tpu.enqueue_dma source(%dma_start3A_26 : memref<8x128xi32, #tpu.memory_space<hbm>>) target(%arg12 : memref<8x128xi32, #tpu.memory_space<vmem>>) target_semaphore(%arg21 : memref<!tpu.dma_semaphore, #tpu.memory_space<semaphore_mem>>)
    "tpu.region"() ({
      %run_scoped3A = tpu.sem_alloc : memref<!tpu.dma_semaphore, #tpu.memory_space<semaphore_mem>>
      %dma_start3A_92 = arith.constant 0 : i32
      %dma_start3A_93 = arith.constant 0 : i32
      %dma_start3A_94 = tpu.memref_slice %arg5[%dma_start3A_92, %dma_start3A_93] : memref<640x128xf32, #tpu.memory_space<hbm>> -> memref<128x128xf32, #tpu.memory_space<hbm>>
      %dma_start3A_95 = arith.constant 0 : i32
      %dma_start3A_96 = arith.constant 0 : i32
      %dma_start3A_97 = tpu.memref_slice %arg5[%dma_start3A_95, %dma_start3A_96] : memref<640x128xf32, #tpu.memory_space<hbm>> -> memref<128x128xf32, #tpu.memory_space<hbm>>
      tpu.enqueue_dma source(%dma_start3A_97 : memref<128x128xf32, #tpu.memory_space<hbm>>) target(%arg14 : memref<128x128xf32, #tpu.memory_space<vmem>>) target_semaphore(%run_scoped3A : memref<!tpu.dma_semaphore, #tpu.memory_space<semaphore_mem>>)
      %dma_wait3A_98 = arith.constant 0 : i32
      %dma_wait3A_99 = arith.constant 0 : i32
      %dma_wait3A_100 = tpu.memref_slice %arg5[%dma_wait3A_98, %dma_wait3A_99] : memref<640x128xf32, #tpu.memory_space<hbm>> -> memref<128x128xf32, #tpu.memory_space<hbm>>
      %dma_wait3A_101 = arith.constant 0 : i32
      %dma_wait3A_102 = arith.constant 0 : i32
      %dma_wait3A_103 = tpu.memref_slice %arg5[%dma_wait3A_101, %dma_wait3A_102] : memref<640x128xf32, #tpu.memory_space<hbm>> -> memref<128x128xf32, #tpu.memory_space<hbm>>
      tpu.wait_dma2 semaphore(%run_scoped3A : memref<!tpu.dma_semaphore, #tpu.memory_space<semaphore_mem>>) src(%dma_wait3A_103 : memref<128x128xf32, #tpu.memory_space<hbm>>) dst(%arg14 : memref<128x128xf32, #tpu.memory_space<vmem>>)
      tpu.yield
    }) : () -> ()
    %barrier3A = arith.constant 0 : index
    tpu.barrier barrier_id(%barrier3A)
    %dma_wait3A = arith.constant 0 : i32
    %dma_wait3A_27 = arith.constant 0 : i32
    %dma_wait3A_28 = tpu.memref_slice %arg3[%dma_wait3A, %dma_wait3A_27] : memref<2560x128xi32, #tpu.memory_space<hbm>> -> memref<8x128xi32, #tpu.memory_space<hbm>>
    %dma_wait3A_29 = arith.constant 0 : i32
    %dma_wait3A_30 = arith.constant 0 : i32
    %dma_wait3A_31 = tpu.memref_slice %arg3[%dma_wait3A_29, %dma_wait3A_30] : memref<2560x128xi32, #tpu.memory_space<hbm>> -> memref<8x128xi32, #tpu.memory_space<hbm>>
    tpu.wait_dma2 semaphore(%arg20 : memref<!tpu.dma_semaphore, #tpu.memory_space<semaphore_mem>>) src(%dma_wait3A_31 : memref<8x128xi32, #tpu.memory_space<hbm>>) dst(%arg9 : memref<8x128xi32, #tpu.memory_space<vmem>>)
    %dma_wait3A_32 = arith.constant 0 : i32
    %dma_wait3A_33 = arith.constant 0 : i32
    %dma_wait3A_34 = tpu.memref_slice %arg4[%dma_wait3A_32, %dma_wait3A_33] : memref<2560x128xi32, #tpu.memory_space<hbm>> -> memref<8x128xi32, #tpu.memory_space<hbm>>
    %dma_wait3A_35 = arith.constant 0 : i32
    %dma_wait3A_36 = arith.constant 0 : i32
    %dma_wait3A_37 = tpu.memref_slice %arg4[%dma_wait3A_35, %dma_wait3A_36] : memref<2560x128xi32, #tpu.memory_space<hbm>> -> memref<8x128xi32, #tpu.memory_space<hbm>>
    tpu.wait_dma2 semaphore(%arg20 : memref<!tpu.dma_semaphore, #tpu.memory_space<semaphore_mem>>) src(%dma_wait3A_37 : memref<8x128xi32, #tpu.memory_space<hbm>>) dst(%arg10 : memref<8x128xi32, #tpu.memory_space<vmem>>)
    %dma_start3A_38 = arith.constant 0 : i32
    %dma_start3A_39 = arith.constant 0 : i32
    %dma_start3A_40 = tpu.memref_slice %arg10[%dma_start3A_38, %dma_start3A_39] : memref<8x128xi32, #tpu.memory_space<vmem>> -> memref<1x128xi32, #tpu.memory_space<vmem>>
    %dma_start3A_41 = tpu.memref_squeeze %dma_start3A_40 : memref<1x128xi32, #tpu.memory_space<vmem>> -> memref<128xi32, #tpu.memory_space<vmem>>
    %dma_start3A_42 = arith.constant 0 : i32
    %dma_start3A_43 = arith.constant 0 : i32
    %dma_start3A_44 = tpu.memref_slice %arg15[%dma_start3A_42, %dma_start3A_43] : memref<10240x128xf32, #tpu.memory_space<vmem_shared>> -> memref<10240x128xf32, #tpu.memory_space<vmem_shared>>
    tpu.enqueue_indirect_dma source(%arg14 : memref<128x128xf32, #tpu.memory_space<vmem>>) target(%dma_start3A_44 : memref<10240x128xf32, #tpu.memory_space<vmem_shared>>) offsets(%dma_start3A_41 : memref<128xi32, #tpu.memory_space<vmem>>) semaphore(%arg19 : memref<!tpu.dma_semaphore, #tpu.memory_space<semaphore_mem>>) {add = true}
    %dma_start3A_45 = arith.constant 0 : i32
    %dma_start3A_46 = arith.constant 0 : i32
    %dma_start3A_47 = tpu.memref_slice %arg9[%dma_start3A_45, %dma_start3A_46] : memref<8x128xi32, #tpu.memory_space<vmem>> -> memref<1x128xi32, #tpu.memory_space<vmem>>
    %dma_start3A_48 = tpu.memref_squeeze %dma_start3A_47 : memref<1x128xi32, #tpu.memory_space<vmem>> -> memref<128xi32, #tpu.memory_space<vmem>>
    %dma_start3A_49 = arith.constant 0 : i32
    %dma_start3A_50 = arith.constant 0 : i32
    %dma_start3A_51 = tpu.memref_slice %arg2[%arg0, %dma_start3A_49, %dma_start3A_50] : memref<2x10240x128xf32, #tpu.memory_space<hbm>> -> memref<1x10240x128xf32, #tpu.memory_space<hbm>>
    %dma_start3A_52 = tpu.memref_squeeze %dma_start3A_51 : memref<1x10240x128xf32, #tpu.memory_space<hbm>> -> memref<10240x128xf32, #tpu.memory_space<hbm>>
    %dma_start3A_53 = arith.constant 0 : i32
    %dma_start3A_54 = arith.constant 0 : i32
    %dma_start3A_55 = tpu.memref_slice %dma_start3A_52[%dma_start3A_53, %dma_start3A_54] : memref<10240x128xf32, #tpu.memory_space<hbm>> -> memref<10240x128xf32, #tpu.memory_space<hbm>>
    tpu.enqueue_indirect_dma source(%dma_start3A_55 : memref<10240x128xf32, #tpu.memory_space<hbm>>) target(%arg13 : memref<128x128xf32, #tpu.memory_space<vmem>>) offsets(%dma_start3A_48 : memref<128xi32, #tpu.memory_space<vmem>>) semaphore(%arg16 : memref<!tpu.dma_semaphore, #tpu.memory_space<semaphore_mem>>)
    %scan3A = arith.constant 0 : i32
    %scan3A_56 = arith.constant 0 : i32
    %scan3A_57 = arith.constant 10 : i32
    %scan3A_58 = arith.addi %scan3A_56, %scan3A_57 : i32
    %scan3A_59 = arith.constant 1 : i32
    scf.for %scan3A_92 = %scan3A_56 to %scan3A_58 step %scan3A_59  : i32 {
      %dma_wait3A_93 = arith.constant 0 : i32
      %dma_wait3A_94 = arith.constant 0 : i32
      %dma_wait3A_95 = tpu.memref_slice %arg9[%dma_wait3A_93, %dma_wait3A_94] : memref<8x128xi32, #tpu.memory_space<vmem>> -> memref<1x128xi32, #tpu.memory_space<vmem>>
      %dma_wait3A_96 = tpu.memref_squeeze %dma_wait3A_95 : memref<1x128xi32, #tpu.memory_space<vmem>> -> memref<128xi32, #tpu.memory_space<vmem>>
      %dma_wait3A_97 = arith.constant 0 : i32
      %dma_wait3A_98 = arith.constant 0 : i32
      %dma_wait3A_99 = tpu.memref_slice %arg2[%arg0, %dma_wait3A_97, %dma_wait3A_98] : memref<2x10240x128xf32, #tpu.memory_space<hbm>> -> memref<1x10240x128xf32, #tpu.memory_space<hbm>>
      %dma_wait3A_100 = tpu.memref_squeeze %dma_wait3A_99 : memref<1x10240x128xf32, #tpu.memory_space<hbm>> -> memref<10240x128xf32, #tpu.memory_space<hbm>>
      %dma_wait3A_101 = arith.constant 0 : i32
      %dma_wait3A_102 = arith.constant 0 : i32
      %dma_wait3A_103 = tpu.memref_slice %dma_wait3A_100[%dma_wait3A_101, %dma_wait3A_102] : memref<10240x128xf32, #tpu.memory_space<hbm>> -> memref<10240x128xf32, #tpu.memory_space<hbm>>
      tpu.wait_indirect_dma semaphore(%arg16 : memref<!tpu.dma_semaphore, #tpu.memory_space<semaphore_mem>>) src(%dma_wait3A_103 : memref<10240x128xf32, #tpu.memory_space<hbm>>) dst(%arg13 : memref<128x128xf32, #tpu.memory_space<vmem>>)
      %dma_start3A_104 = arith.constant 0 : i32
      %dma_start3A_105 = arith.constant 0 : i32
      %dma_start3A_106 = tpu.memref_slice %arg10[%dma_start3A_104, %dma_start3A_105] : memref<8x128xi32, #tpu.memory_space<vmem>> -> memref<1x128xi32, #tpu.memory_space<vmem>>
      %dma_start3A_107 = tpu.memref_squeeze %dma_start3A_106 : memref<1x128xi32, #tpu.memory_space<vmem>> -> memref<128xi32, #tpu.memory_space<vmem>>
      %dma_start3A_108 = arith.constant 0 : i32
      %dma_start3A_109 = arith.constant 0 : i32
      %dma_start3A_110 = tpu.memref_slice %arg15[%dma_start3A_108, %dma_start3A_109] : memref<10240x128xf32, #tpu.memory_space<vmem_shared>> -> memref<10240x128xf32, #tpu.memory_space<vmem_shared>>
      tpu.enqueue_indirect_dma source(%arg13 : memref<128x128xf32, #tpu.memory_space<vmem>>) target(%dma_start3A_110 : memref<10240x128xf32, #tpu.memory_space<vmem_shared>>) offsets(%dma_start3A_107 : memref<128xi32, #tpu.memory_space<vmem>>) semaphore(%arg18 : memref<!tpu.dma_semaphore, #tpu.memory_space<semaphore_mem>>) {add = true}
      %dma_wait3A_111 = arith.constant 0 : i32
      %dma_wait3A_112 = arith.constant 0 : i32
      %dma_wait3A_113 = tpu.memref_slice %arg10[%dma_wait3A_111, %dma_wait3A_112] : memref<8x128xi32, #tpu.memory_space<vmem>> -> memref<1x128xi32, #tpu.memory_space<vmem>>
      %dma_wait3A_114 = tpu.memref_squeeze %dma_wait3A_113 : memref<1x128xi32, #tpu.memory_space<vmem>> -> memref<128xi32, #tpu.memory_space<vmem>>
      %dma_wait3A_115 = arith.constant 0 : i32
      %dma_wait3A_116 = arith.constant 0 : i32
      %dma_wait3A_117 = tpu.memref_slice %arg15[%dma_wait3A_115, %dma_wait3A_116] : memref<10240x128xf32, #tpu.memory_space<vmem_shared>> -> memref<10240x128xf32, #tpu.memory_space<vmem_shared>>
      tpu.wait_indirect_dma semaphore(%arg19 : memref<!tpu.dma_semaphore, #tpu.memory_space<semaphore_mem>>) src(%arg14 : memref<128x128xf32, #tpu.memory_space<vmem>>) dst(%dma_wait3A_117 : memref<10240x128xf32, #tpu.memory_space<vmem_shared>>)
      %dma_start3A_118 = arith.constant 1 : i32
      %dma_start3A_119 = arith.constant 0 : i32
      %dma_start3A_120 = tpu.memref_slice %arg9[%dma_start3A_118, %dma_start3A_119] : memref<8x128xi32, #tpu.memory_space<vmem>> -> memref<1x128xi32, #tpu.memory_space<vmem>>
      %dma_start3A_121 = tpu.memref_squeeze %dma_start3A_120 : memref<1x128xi32, #tpu.memory_space<vmem>> -> memref<128xi32, #tpu.memory_space<vmem>>
      %dma_start3A_122 = arith.constant 0 : i32
      %dma_start3A_123 = arith.constant 0 : i32
      %dma_start3A_124 = tpu.memref_slice %arg2[%arg0, %dma_start3A_122, %dma_start3A_123] : memref<2x10240x128xf32, #tpu.memory_space<hbm>> -> memref<1x10240x128xf32, #tpu.memory_space<hbm>>
      %dma_start3A_125 = tpu.memref_squeeze %dma_start3A_124 : memref<1x10240x128xf32, #tpu.memory_space<hbm>> -> memref<10240x128xf32, #tpu.memory_space<hbm>>
      %dma_start3A_126 = arith.constant 0 : i32
      %dma_start3A_127 = arith.constant 0 : i32
      %dma_start3A_128 = tpu.memref_slice %dma_start3A_125[%dma_start3A_126, %dma_start3A_127] : memref<10240x128xf32, #tpu.memory_space<hbm>> -> memref<10240x128xf32, #tpu.memory_space<hbm>>
      tpu.enqueue_indirect_dma source(%dma_start3A_128 : memref<10240x128xf32, #tpu.memory_space<hbm>>) target(%arg14 : memref<128x128xf32, #tpu.memory_space<vmem>>) offsets(%dma_start3A_121 : memref<128xi32, #tpu.memory_space<vmem>>) semaphore(%arg17 : memref<!tpu.dma_semaphore, #tpu.memory_space<semaphore_mem>>)
      %eq3A = arith.constant 0 : i32
      %eq3A_129 = arith.cmpi eq, %arg0, %eq3A : i32
      %convert_element_type3A = arith.extui %eq3A_129 : i1 to i32
      %cond3A = arith.constant 0 : i32
      %cond3A_130 = arith.cmpi ne, %convert_element_type3A, %cond3A : i32
      scf.if %cond3A_130 {
        %get3A = arith.constant 0 : i32
        %get3A_805 = arith.index_cast %get3A : i32 to index
        %get3A_806 = arith.constant 0 : index
        %get3A_807 = tpu.vector_load %arg10[%get3A_805, %get3A_806] {strides = array<i32>} : memref<8x128xi32, #tpu.memory_space<vmem>>, vector<16xi32>,
        tpu.vector_store_idx %arg22[%get3A_807], %broadcast_in_dim3A_3 {add = true} : memref<10240xf32, #tpu.memory_space<vmem>>[vector<16xi32>], vector<16xf32>,
        %get3A_808 = arith.constant 0 : i32
        %get3A_809 = arith.index_cast %get3A_808 : i32 to index
        %get3A_810 = arith.constant 16 : index
        %get3A_811 = tpu.vector_load %arg10[%get3A_809, %get3A_810] {strides = array<i32>} : memref<8x128xi32, #tpu.memory_space<vmem>>, vector<16xi32>,
        tpu.vector_store_idx %arg22[%get3A_811], %broadcast_in_dim3A_3 {add = true} : memref<10240xf32, #tpu.memory_space<vmem>>[vector<16xi32>], vector<16xf32>,
        %get3A_812 = arith.constant 0 : i32
        %get3A_813 = arith.index_cast %get3A_812 : i32 to index
        %get3A_814 = arith.constant 32 : index
        %get3A_815 = tpu.vector_load %arg10[%get3A_813, %get3A_814] {strides = array<i32>} : memref<8x128xi32, #tpu.memory_space<vmem>>, vector<16xi32>,
        tpu.vector_store_idx %arg22[%get3A_815], %broadcast_in_dim3A_3 {add = true} : memref<10240xf32, #tpu.memory_space<vmem>>[vector<16xi32>], vector<16xf32>,
        %get3A_816 = arith.constant 0 : i32
        %get3A_817 = arith.index_cast %get3A_816 : i32 to index
        %get3A_818 = arith.constant 48 : index
        %get3A_819 = tpu.vector_load %arg10[%get3A_817, %get3A_818] {strides = array<i32>} : memref<8x128xi32, #tpu.memory_space<vmem>>, vector<16xi32>,
        tpu.vector_store_idx %arg22[%get3A_819], %broadcast_in_dim3A_3 {add = true} : memref<10240xf32, #tpu.memory_space<vmem>>[vector<16xi32>], vector<16xf32>,
        %get3A_820 = arith.constant 0 : i32
        %get3A_821 = arith.index_cast %get3A_820 : i32 to index
        %get3A_822 = arith.constant 64 : index
        %get3A_823 = tpu.vector_load %arg10[%get3A_821, %get3A_822] {strides = array<i32>} : memref<8x128xi32, #tpu.memory_space<vmem>>, vector<16xi32>,
        tpu.vector_store_idx %arg22[%get3A_823], %broadcast_in_dim3A_3 {add = true} : memref<10240xf32, #tpu.memory_space<vmem>>[vector<16xi32>], vector<16xf32>,
        %get3A_824 = arith.constant 0 : i32
        %get3A_825 = arith.index_cast %get3A_824 : i32 to index
        %get3A_826 = arith.constant 80 : index
        %get3A_827 = tpu.vector_load %arg10[%get3A_825, %get3A_826] {strides = array<i32>} : memref<8x128xi32, #tpu.memory_space<vmem>>, vector<16xi32>,
        tpu.vector_store_idx %arg22[%get3A_827], %broadcast_in_dim3A_3 {add = true} : memref<10240xf32, #tpu.memory_space<vmem>>[vector<16xi32>], vector<16xf32>,
        %get3A_828 = arith.constant 0 : i32
        %get3A_829 = arith.index_cast %get3A_828 : i32 to index
        %get3A_830 = arith.constant 96 : index
        %get3A_831 = tpu.vector_load %arg10[%get3A_829, %get3A_830] {strides = array<i32>} : memref<8x128xi32, #tpu.memory_space<vmem>>, vector<16xi32>,
        tpu.vector_store_idx %arg22[%get3A_831], %broadcast_in_dim3A_3 {add = true} : memref<10240xf32, #tpu.memory_space<vmem>>[vector<16xi32>], vector<16xf32>,
        %get3A_832 = arith.constant 0 : i32
        %get3A_833 = arith.index_cast %get3A_832 : i32 to index
        %get3A_834 = arith.constant 112 : index
        %get3A_835 = tpu.vector_load %arg10[%get3A_833, %get3A_834] {strides = array<i32>} : memref<8x128xi32, #tpu.memory_space<vmem>>, vector<16xi32>,
        tpu.vector_store_idx %arg22[%get3A_835], %broadcast_in_dim3A_3 {add = true} : memref<10240xf32, #tpu.memory_space<vmem>>[vector<16xi32>], vector<16xf32>,
      } else {
      }
      %dma_wait3A_131 = arith.constant 1 : i32
      %dma_wait3A_132 = arith.constant 0 : i32
      %dma_wait3A_133 = tpu.memref_slice %arg9[%dma_wait3A_131, %dma_wait3A_132] : memref<8x128xi32, #tpu.memory_space<vmem>> -> memref<1x128xi32, #tpu.memory_space<vmem>>
      %dma_wait3A_134 = tpu.memref_squeeze %dma_wait3A_133 : memref<1x128xi32, #tpu.memory_space<vmem>> -> memref<128xi32, #tpu.memory_space<vmem>>
      %dma_wait3A_135 = arith.constant 0 : i32
      %dma_wait3A_136 = arith.constant 0 : i32
      %dma_wait3A_137 = tpu.memref_slice %arg2[%arg0, %dma_wait3A_135, %dma_wait3A_136] : memref<2x10240x128xf32, #tpu.memory_space<hbm>> -> memref<1x10240x128xf32, #tpu.memory_space<hbm>>
      %dma_wait3A_138 = tpu.memref_squeeze %dma_wait3A_137 : memref<1x10240x128xf32, #tpu.memory_space<hbm>> -> memref<10240x128xf32, #tpu.memory_space<hbm>>
      %dma_wait3A_139 = arith.constant 0 : i32
      %dma_wait3A_140 = arith.constant 0 : i32
      %dma_wait3A_141 = tpu.memref_slice %dma_wait3A_138[%dma_wait3A_139, %dma_wait3A_140] : memref<10240x128xf32, #tpu.memory_space<hbm>> -> memref<10240x128xf32, #tpu.memory_space<hbm>>
      tpu.wait_indirect_dma semaphore(%arg17 : memref<!tpu.dma_semaphore, #tpu.memory_space<semaphore_mem>>) src(%dma_wait3A_141 : memref<10240x128xf32, #tpu.memory_space<hbm>>) dst(%arg14 : memref<128x128xf32, #tpu.memory_space<vmem>>)
      %dma_start3A_142 = arith.constant 1 : i32
      %dma_start3A_143 = arith.constant 0 : i32
      %dma_start3A_144 = tpu.memref_slice %arg10[%dma_start3A_142, %dma_start3A_143] : memref<8x128xi32, #tpu.memory_space<vmem>> -> memref<1x128xi32, #tpu.memory_space<vmem>>
      %dma_start3A_145 = tpu.memref_squeeze %dma_start3A_144 : memref<1x128xi32, #tpu.memory_space<vmem>> -> memref<128xi32, #tpu.memory_space<vmem>>
      %dma_start3A_146 = arith.constant 0 : i32
      %dma_start3A_147 = arith.constant 0 : i32
      %dma_start3A_148 = tpu.memref_slice %arg15[%dma_start3A_146, %dma_start3A_147] : memref<10240x128xf32, #tpu.memory_space<vmem_shared>> -> memref<10240x128xf32, #tpu.memory_space<vmem_shared>>
      tpu.enqueue_indirect_dma source(%arg14 : memref<128x128xf32, #tpu.memory_space<vmem>>) target(%dma_start3A_148 : memref<10240x128xf32, #tpu.memory_space<vmem_shared>>) offsets(%dma_start3A_145 : memref<128xi32, #tpu.memory_space<vmem>>) semaphore(%arg19 : memref<!tpu.dma_semaphore, #tpu.memory_space<semaphore_mem>>) {add = true}
      %dma_wait3A_149 = arith.constant 1 : i32
      %dma_wait3A_150 = arith.constant 0 : i32
      %dma_wait3A_151 = tpu.memref_slice %arg10[%dma_wait3A_149, %dma_wait3A_150] : memref<8x128xi32, #tpu.memory_space<vmem>> -> memref<1x128xi32, #tpu.memory_space<vmem>>
      %dma_wait3A_152 = tpu.memref_squeeze %dma_wait3A_151 : memref<1x128xi32, #tpu.memory_space<vmem>> -> memref<128xi32, #tpu.memory_space<vmem>>
      %dma_wait3A_153 = arith.constant 0 : i32
      %dma_wait3A_154 = arith.constant 0 : i32
      %dma_wait3A_155 = tpu.memref_slice %arg15[%dma_wait3A_153, %dma_wait3A_154] : memref<10240x128xf32, #tpu.memory_space<vmem_shared>> -> memref<10240x128xf32, #tpu.memory_space<vmem_shared>>
      tpu.wait_indirect_dma semaphore(%arg18 : memref<!tpu.dma_semaphore, #tpu.memory_space<semaphore_mem>>) src(%arg13 : memref<128x128xf32, #tpu.memory_space<vmem>>) dst(%dma_wait3A_155 : memref<10240x128xf32, #tpu.memory_space<vmem_shared>>)
      %dma_start3A_156 = arith.constant 2 : i32
      %dma_start3A_157 = arith.constant 0 : i32
      %dma_start3A_158 = tpu.memref_slice %arg9[%dma_start3A_156, %dma_start3A_157] : memref<8x128xi32, #tpu.memory_space<vmem>> -> memref<1x128xi32, #tpu.memory_space<vmem>>
      %dma_start3A_159 = tpu.memref_squeeze %dma_start3A_158 : memref<1x128xi32, #tpu.memory_space<vmem>> -> memref<128xi32, #tpu.memory_space<vmem>>
      %dma_start3A_160 = arith.constant 0 : i32
      %dma_start3A_161 = arith.constant 0 : i32
      %dma_start3A_162 = tpu.memref_slice %arg2[%arg0, %dma_start3A_160, %dma_start3A_161] : memref<2x10240x128xf32, #tpu.memory_space<hbm>> -> memref<1x10240x128xf32, #tpu.memory_space<hbm>>
      %dma_start3A_163 = tpu.memref_squeeze %dma_start3A_162 : memref<1x10240x128xf32, #tpu.memory_space<hbm>> -> memref<10240x128xf32, #tpu.memory_space<hbm>>
      %dma_start3A_164 = arith.constant 0 : i32
      %dma_start3A_165 = arith.constant 0 : i32
      %dma_start3A_166 = tpu.memref_slice %dma_start3A_163[%dma_start3A_164, %dma_start3A_165] : memref<10240x128xf32, #tpu.memory_space<hbm>> -> memref<10240x128xf32, #tpu.memory_space<hbm>>
      tpu.enqueue_indirect_dma source(%dma_start3A_166 : memref<10240x128xf32, #tpu.memory_space<hbm>>) target(%arg13 : memref<128x128xf32, #tpu.memory_space<vmem>>) offsets(%dma_start3A_159 : memref<128xi32, #tpu.memory_space<vmem>>) semaphore(%arg16 : memref<!tpu.dma_semaphore, #tpu.memory_space<semaphore_mem>>)
      %eq3A_167 = arith.constant 0 : i32
      %eq3A_168 = arith.cmpi eq, %arg0, %eq3A_167 : i32
      %convert_element_type3A_169 = arith.extui %eq3A_168 : i1 to i32
      %cond3A_170 = arith.constant 0 : i32
      %cond3A_171 = arith.cmpi ne, %convert_element_type3A_169, %cond3A_170 : i32
      scf.if %cond3A_171 {
        %get3A = arith.constant 1 : i32
        %get3A_805 = arith.index_cast %get3A : i32 to index
        %get3A_806 = arith.constant 0 : index
        %get3A_807 = tpu.vector_load %arg10[%get3A_805, %get3A_806] {strides = array<i32>} : memref<8x128xi32, #tpu.memory_space<vmem>>, vector<16xi32>,
        tpu.vector_store_idx %arg22[%get3A_807], %broadcast_in_dim3A_3 {add = true} : memref<10240xf32, #tpu.memory_space<vmem>>[vector<16xi32>], vector<16xf32>,
        %get3A_808 = arith.constant 1 : i32
        %get3A_809 = arith.index_cast %get3A_808 : i32 to index
        %get3A_810 = arith.constant 16 : index
        %get3A_811 = tpu.vector_load %arg10[%get3A_809, %get3A_810] {strides = array<i32>} : memref<8x128xi32, #tpu.memory_space<vmem>>, vector<16xi32>,
        tpu.vector_store_idx %arg22[%get3A_811], %broadcast_in_dim3A_3 {add = true} : memref<10240xf32, #tpu.memory_space<vmem>>[vector<16xi32>], vector<16xf32>,
        %get3A_812 = arith.constant 1 : i32
        %get3A_813 = arith.index_cast %get3A_812 : i32 to index
        %get3A_814 = arith.constant 32 : index
        %get3A_815 = tpu.vector_load %arg10[%get3A_813, %get3A_814] {strides = array<i32>} : memref<8x128xi32, #tpu.memory_space<vmem>>, vector<16xi32>,
        tpu.vector_store_idx %arg22[%get3A_815], %broadcast_in_dim3A_3 {add = true} : memref<10240xf32, #tpu.memory_space<vmem>>[vector<16xi32>], vector<16xf32>,
        %get3A_816 = arith.constant 1 : i32
        %get3A_817 = arith.index_cast %get3A_816 : i32 to index
        %get3A_818 = arith.constant 48 : index
        %get3A_819 = tpu.vector_load %arg10[%get3A_817, %get3A_818] {strides = array<i32>} : memref<8x128xi32, #tpu.memory_space<vmem>>, vector<16xi32>,
        tpu.vector_store_idx %arg22[%get3A_819], %broadcast_in_dim3A_3 {add = true} : memref<10240xf32, #tpu.memory_space<vmem>>[vector<16xi32>], vector<16xf32>,
        %get3A_820 = arith.constant 1 : i32
        %get3A_821 = arith.index_cast %get3A_820 : i32 to index
        %get3A_822 = arith.constant 64 : index
        %get3A_823 = tpu.vector_load %arg10[%get3A_821, %get3A_822] {strides = array<i32>} : memref<8x128xi32, #tpu.memory_space<vmem>>, vector<16xi32>,
        tpu.vector_store_idx %arg22[%get3A_823], %broadcast_in_dim3A_3 {add = true} : memref<10240xf32, #tpu.memory_space<vmem>>[vector<16xi32>], vector<16xf32>,
        %get3A_824 = arith.constant 1 : i32
        %get3A_825 = arith.index_cast %get3A_824 : i32 to index
        %get3A_826 = arith.constant 80 : index
        %get3A_827 = tpu.vector_load %arg10[%get3A_825, %get3A_826] {strides = array<i32>} : memref<8x128xi32, #tpu.memory_space<vmem>>, vector<16xi32>,
        tpu.vector_store_idx %arg22[%get3A_827], %broadcast_in_dim3A_3 {add = true} : memref<10240xf32, #tpu.memory_space<vmem>>[vector<16xi32>], vector<16xf32>,
        %get3A_828 = arith.constant 1 : i32
        %get3A_829 = arith.index_cast %get3A_828 : i32 to index
        %get3A_830 = arith.constant 96 : index
        %get3A_831 = tpu.vector_load %arg10[%get3A_829, %get3A_830] {strides = array<i32>} : memref<8x128xi32, #tpu.memory_space<vmem>>, vector<16xi32>,
        tpu.vector_store_idx %arg22[%get3A_831], %broadcast_in_dim3A_3 {add = true} : memref<10240xf32, #tpu.memory_space<vmem>>[vector<16xi32>], vector<16xf32>,
        %get3A_832 = arith.constant 1 : i32
        %get3A_833 = arith.index_cast %get3A_832 : i32 to index
        %get3A_834 = arith.constant 112 : index
        %get3A_835 = tpu.vector_load %arg10[%get3A_833, %get3A_834] {strides = array<i32>} : memref<8x128xi32, #tpu.memory_space<vmem>>, vector<16xi32>,
        tpu.vector_store_idx %arg22[%get3A_835], %broadcast_in_dim3A_3 {add = true} : memref<10240xf32, #tpu.memory_space<vmem>>[vector<16xi32>], vector<16xf32>,
      } else {
      }
      %dma_wait3A_172 = arith.constant 2 : i32
      %dma_wait3A_173 = arith.constant 0 : i32
      %dma_wait3A_174 = tpu.memref_slice %arg9[%dma_wait3A_172, %dma_wait3A_173] : memref<8x128xi32, #tpu.memory_space<vmem>> -> memref<1x128xi32, #tpu.memory_space<vmem>>
      %dma_wait3A_175 = tpu.memref_squeeze %dma_wait3A_174 : memref<1x128xi32, #tpu.memory_space<vmem>> -> memref<128xi32, #tpu.memory_space<vmem>>
      %dma_wait3A_176 = arith.constant 0 : i32
      %dma_wait3A_177 = arith.constant 0 : i32
      %dma_wait3A_178 = tpu.memref_slice %arg2[%arg0, %dma_wait3A_176, %dma_wait3A_177] : memref<2x10240x128xf32, #tpu.memory_space<hbm>> -> memref<1x10240x128xf32, #tpu.memory_space<hbm>>
      %dma_wait3A_179 = tpu.memref_squeeze %dma_wait3A_178 : memref<1x10240x128xf32, #tpu.memory_space<hbm>> -> memref<10240x128xf32, #tpu.memory_space<hbm>>
      %dma_wait3A_180 = arith.constant 0 : i32
      %dma_wait3A_181 = arith.constant 0 : i32
      %dma_wait3A_182 = tpu.memref_slice %dma_wait3A_179[%dma_wait3A_180, %dma_wait3A_181] : memref<10240x128xf32, #tpu.memory_space<hbm>> -> memref<10240x128xf32, #tpu.memory_space<hbm>>
      tpu.wait_indirect_dma semaphore(%arg16 : memref<!tpu.dma_semaphore, #tpu.memory_space<semaphore_mem>>) src(%dma_wait3A_182 : memref<10240x128xf32, #tpu.memory_space<hbm>>) dst(%arg13 : memref<128x128xf32, #tpu.memory_space<vmem>>)
      %dma_start3A_183 = arith.constant 2 : i32
      %dma_start3A_184 = arith.constant 0 : i32
      %dma_start3A_185 = tpu.memref_slice %arg10[%dma_start3A_183, %dma_start3A_184] : memref<8x128xi32, #tpu.memory_space<vmem>> -> memref<1x128xi32, #tpu.memory_space<vmem>>
      %dma_start3A_186 = tpu.memref_squeeze %dma_start3A_185 : memref<1x128xi32, #tpu.memory_space<vmem>> -> memref<128xi32, #tpu.memory_space<vmem>>
      %dma_start3A_187 = arith.constant 0 : i32
      %dma_start3A_188 = arith.constant 0 : i32
      %dma_start3A_189 = tpu.memref_slice %arg15[%dma_start3A_187, %dma_start3A_188] : memref<10240x128xf32, #tpu.memory_space<vmem_shared>> -> memref<10240x128xf32, #tpu.memory_space<vmem_shared>>
      tpu.enqueue_indirect_dma source(%arg13 : memref<128x128xf32, #tpu.memory_space<vmem>>) target(%dma_start3A_189 : memref<10240x128xf32, #tpu.memory_space<vmem_shared>>) offsets(%dma_start3A_186 : memref<128xi32, #tpu.memory_space<vmem>>) semaphore(%arg18 : memref<!tpu.dma_semaphore, #tpu.memory_space<semaphore_mem>>) {add = true}
      %dma_wait3A_190 = arith.constant 2 : i32
      %dma_wait3A_191 = arith.constant 0 : i32
      %dma_wait3A_192 = tpu.memref_slice %arg10[%dma_wait3A_190, %dma_wait3A_191] : memref<8x128xi32, #tpu.memory_space<vmem>> -> memref<1x128xi32, #tpu.memory_space<vmem>>
      %dma_wait3A_193 = tpu.memref_squeeze %dma_wait3A_192 : memref<1x128xi32, #tpu.memory_space<vmem>> -> memref<128xi32, #tpu.memory_space<vmem>>
      %dma_wait3A_194 = arith.constant 0 : i32
      %dma_wait3A_195 = arith.constant 0 : i32
      %dma_wait3A_196 = tpu.memref_slice %arg15[%dma_wait3A_194, %dma_wait3A_195] : memref<10240x128xf32, #tpu.memory_space<vmem_shared>> -> memref<10240x128xf32, #tpu.memory_space<vmem_shared>>
      tpu.wait_indirect_dma semaphore(%arg19 : memref<!tpu.dma_semaphore, #tpu.memory_space<semaphore_mem>>) src(%arg14 : memref<128x128xf32, #tpu.memory_space<vmem>>) dst(%dma_wait3A_196 : memref<10240x128xf32, #tpu.memory_space<vmem_shared>>)
      %dma_start3A_197 = arith.constant 3 : i32
      %dma_start3A_198 = arith.constant 0 : i32
      %dma_start3A_199 = tpu.memref_slice %arg9[%dma_start3A_197, %dma_start3A_198] : memref<8x128xi32, #tpu.memory_space<vmem>> -> memref<1x128xi32, #tpu.memory_space<vmem>>
      %dma_start3A_200 = tpu.memref_squeeze %dma_start3A_199 : memref<1x128xi32, #tpu.memory_space<vmem>> -> memref<128xi32, #tpu.memory_space<vmem>>
      %dma_start3A_201 = arith.constant 0 : i32
      %dma_start3A_202 = arith.constant 0 : i32
      %dma_start3A_203 = tpu.memref_slice %arg2[%arg0, %dma_start3A_201, %dma_start3A_202] : memref<2x10240x128xf32, #tpu.memory_space<hbm>> -> memref<1x10240x128xf32, #tpu.memory_space<hbm>>
      %dma_start3A_204 = tpu.memref_squeeze %dma_start3A_203 : memref<1x10240x128xf32, #tpu.memory_space<hbm>> -> memref<10240x128xf32, #tpu.memory_space<hbm>>
      %dma_start3A_205 = arith.constant 0 : i32
      %dma_start3A_206 = arith.constant 0 : i32
      %dma_start3A_207 = tpu.memref_slice %dma_start3A_204[%dma_start3A_205, %dma_start3A_206] : memref<10240x128xf32, #tpu.memory_space<hbm>> -> memref<10240x128xf32, #tpu.memory_space<hbm>>
      tpu.enqueue_indirect_dma source(%dma_start3A_207 : memref<10240x128xf32, #tpu.memory_space<hbm>>) target(%arg14 : memref<128x128xf32, #tpu.memory_space<vmem>>) offsets(%dma_start3A_200 : memref<128xi32, #tpu.memory_space<vmem>>) semaphore(%arg17 : memref<!tpu.dma_semaphore, #tpu.memory_space<semaphore_mem>>)
      %eq3A_208 = arith.constant 0 : i32
      %eq3A_209 = arith.cmpi eq, %arg0, %eq3A_208 : i32
      %convert_element_type3A_210 = arith.extui %eq3A_209 : i1 to i32
      %cond3A_211 = arith.constant 0 : i32
      %cond3A_212 = arith.cmpi ne, %convert_element_type3A_210, %cond3A_211 : i32
      scf.if %cond3A_212 {
        %get3A = arith.constant 2 : i32
        %get3A_805 = arith.index_cast %get3A : i32 to index
        %get3A_806 = arith.constant 0 : index
        %get3A_807 = tpu.vector_load %arg10[%get3A_805, %get3A_806] {strides = array<i32>} : memref<8x128xi32, #tpu.memory_space<vmem>>, vector<16xi32>,
        tpu.vector_store_idx %arg22[%get3A_807], %broadcast_in_dim3A_3 {add = true} : memref<10240xf32, #tpu.memory_space<vmem>>[vector<16xi32>], vector<16xf32>,
        %get3A_808 = arith.constant 2 : i32
        %get3A_809 = arith.index_cast %get3A_808 : i32 to index
        %get3A_810 = arith.constant 16 : index
        %get3A_811 = tpu.vector_load %arg10[%get3A_809, %get3A_810] {strides = array<i32>} : memref<8x128xi32, #tpu.memory_space<vmem>>, vector<16xi32>,
        tpu.vector_store_idx %arg22[%get3A_811], %broadcast_in_dim3A_3 {add = true} : memref<10240xf32, #tpu.memory_space<vmem>>[vector<16xi32>], vector<16xf32>,
        %get3A_812 = arith.constant 2 : i32
        %get3A_813 = arith.index_cast %get3A_812 : i32 to index
        %get3A_814 = arith.constant 32 : index
        %get3A_815 = tpu.vector_load %arg10[%get3A_813, %get3A_814] {strides = array<i32>} : memref<8x128xi32, #tpu.memory_space<vmem>>, vector<16xi32>,
        tpu.vector_store_idx %arg22[%get3A_815], %broadcast_in_dim3A_3 {add = true} : memref<10240xf32, #tpu.memory_space<vmem>>[vector<16xi32>], vector<16xf32>,
        %get3A_816 = arith.constant 2 : i32
        %get3A_817 = arith.index_cast %get3A_816 : i32 to index
        %get3A_818 = arith.constant 48 : index
        %get3A_819 = tpu.vector_load %arg10[%get3A_817, %get3A_818] {strides = array<i32>} : memref<8x128xi32, #tpu.memory_space<vmem>>, vector<16xi32>,
        tpu.vector_store_idx %arg22[%get3A_819], %broadcast_in_dim3A_3 {add = true} : memref<10240xf32, #tpu.memory_space<vmem>>[vector<16xi32>], vector<16xf32>,
        %get3A_820 = arith.constant 2 : i32
        %get3A_821 = arith.index_cast %get3A_820 : i32 to index
        %get3A_822 = arith.constant 64 : index
        %get3A_823 = tpu.vector_load %arg10[%get3A_821, %get3A_822] {strides = array<i32>} : memref<8x128xi32, #tpu.memory_space<vmem>>, vector<16xi32>,
        tpu.vector_store_idx %arg22[%get3A_823], %broadcast_in_dim3A_3 {add = true} : memref<10240xf32, #tpu.memory_space<vmem>>[vector<16xi32>], vector<16xf32>,
        %get3A_824 = arith.constant 2 : i32
        %get3A_825 = arith.index_cast %get3A_824 : i32 to index
        %get3A_826 = arith.constant 80 : index
        %get3A_827 = tpu.vector_load %arg10[%get3A_825, %get3A_826] {strides = array<i32>} : memref<8x128xi32, #tpu.memory_space<vmem>>, vector<16xi32>,
        tpu.vector_store_idx %arg22[%get3A_827], %broadcast_in_dim3A_3 {add = true} : memref<10240xf32, #tpu.memory_space<vmem>>[vector<16xi32>], vector<16xf32>,
        %get3A_828 = arith.constant 2 : i32
        %get3A_829 = arith.index_cast %get3A_828 : i32 to index
        %get3A_830 = arith.constant 96 : index
        %get3A_831 = tpu.vector_load %arg10[%get3A_829, %get3A_830] {strides = array<i32>} : memref<8x128xi32, #tpu.memory_space<vmem>>, vector<16xi32>,
        tpu.vector_store_idx %arg22[%get3A_831], %broadcast_in_dim3A_3 {add = true} : memref<10240xf32, #tpu.memory_space<vmem>>[vector<16xi32>], vector<16xf32>,
        %get3A_832 = arith.constant 2 : i32
        %get3A_833 = arith.index_cast %get3A_832 : i32 to index
        %get3A_834 = arith.constant 112 : index
        %get3A_835 = tpu.vector_load %arg10[%get3A_833, %get3A_834] {strides = array<i32>} : memref<8x128xi32, #tpu.memory_space<vmem>>, vector<16xi32>,
        tpu.vector_store_idx %arg22[%get3A_835], %broadcast_in_dim3A_3 {add = true} : memref<10240xf32, #tpu.memory_space<vmem>>[vector<16xi32>], vector<16xf32>,
      } else {
      }
      %dma_wait3A_213 = arith.constant 3 : i32
      %dma_wait3A_214 = arith.constant 0 : i32
      %dma_wait3A_215 = tpu.memref_slice %arg9[%dma_wait3A_213, %dma_wait3A_214] : memref<8x128xi32, #tpu.memory_space<vmem>> -> memref<1x128xi32, #tpu.memory_space<vmem>>
      %dma_wait3A_216 = tpu.memref_squeeze %dma_wait3A_215 : memref<1x128xi32, #tpu.memory_space<vmem>> -> memref<128xi32, #tpu.memory_space<vmem>>
      %dma_wait3A_217 = arith.constant 0 : i32
      %dma_wait3A_218 = arith.constant 0 : i32
      %dma_wait3A_219 = tpu.memref_slice %arg2[%arg0, %dma_wait3A_217, %dma_wait3A_218] : memref<2x10240x128xf32, #tpu.memory_space<hbm>> -> memref<1x10240x128xf32, #tpu.memory_space<hbm>>
      %dma_wait3A_220 = tpu.memref_squeeze %dma_wait3A_219 : memref<1x10240x128xf32, #tpu.memory_space<hbm>> -> memref<10240x128xf32, #tpu.memory_space<hbm>>
      %dma_wait3A_221 = arith.constant 0 : i32
      %dma_wait3A_222 = arith.constant 0 : i32
      %dma_wait3A_223 = tpu.memref_slice %dma_wait3A_220[%dma_wait3A_221, %dma_wait3A_222] : memref<10240x128xf32, #tpu.memory_space<hbm>> -> memref<10240x128xf32, #tpu.memory_space<hbm>>
      tpu.wait_indirect_dma semaphore(%arg17 : memref<!tpu.dma_semaphore, #tpu.memory_space<semaphore_mem>>) src(%dma_wait3A_223 : memref<10240x128xf32, #tpu.memory_space<hbm>>) dst(%arg14 : memref<128x128xf32, #tpu.memory_space<vmem>>)
      %dma_start3A_224 = arith.constant 3 : i32
      %dma_start3A_225 = arith.constant 0 : i32
      %dma_start3A_226 = tpu.memref_slice %arg10[%dma_start3A_224, %dma_start3A_225] : memref<8x128xi32, #tpu.memory_space<vmem>> -> memref<1x128xi32, #tpu.memory_space<vmem>>
      %dma_start3A_227 = tpu.memref_squeeze %dma_start3A_226 : memref<1x128xi32, #tpu.memory_space<vmem>> -> memref<128xi32, #tpu.memory_space<vmem>>
      %dma_start3A_228 = arith.constant 0 : i32
      %dma_start3A_229 = arith.constant 0 : i32
      %dma_start3A_230 = tpu.memref_slice %arg15[%dma_start3A_228, %dma_start3A_229] : memref<10240x128xf32, #tpu.memory_space<vmem_shared>> -> memref<10240x128xf32, #tpu.memory_space<vmem_shared>>
      tpu.enqueue_indirect_dma source(%arg14 : memref<128x128xf32, #tpu.memory_space<vmem>>) target(%dma_start3A_230 : memref<10240x128xf32, #tpu.memory_space<vmem_shared>>) offsets(%dma_start3A_227 : memref<128xi32, #tpu.memory_space<vmem>>) semaphore(%arg19 : memref<!tpu.dma_semaphore, #tpu.memory_space<semaphore_mem>>) {add = true}
      %dma_wait3A_231 = arith.constant 3 : i32
      %dma_wait3A_232 = arith.constant 0 : i32
      %dma_wait3A_233 = tpu.memref_slice %arg10[%dma_wait3A_231, %dma_wait3A_232] : memref<8x128xi32, #tpu.memory_space<vmem>> -> memref<1x128xi32, #tpu.memory_space<vmem>>
      %dma_wait3A_234 = tpu.memref_squeeze %dma_wait3A_233 : memref<1x128xi32, #tpu.memory_space<vmem>> -> memref<128xi32, #tpu.memory_space<vmem>>
      %dma_wait3A_235 = arith.constant 0 : i32
      %dma_wait3A_236 = arith.constant 0 : i32
      %dma_wait3A_237 = tpu.memref_slice %arg15[%dma_wait3A_235, %dma_wait3A_236] : memref<10240x128xf32, #tpu.memory_space<vmem_shared>> -> memref<10240x128xf32, #tpu.memory_space<vmem_shared>>
      tpu.wait_indirect_dma semaphore(%arg18 : memref<!tpu.dma_semaphore, #tpu.memory_space<semaphore_mem>>) src(%arg13 : memref<128x128xf32, #tpu.memory_space<vmem>>) dst(%dma_wait3A_237 : memref<10240x128xf32, #tpu.memory_space<vmem_shared>>)
      %dma_start3A_238 = arith.constant 4 : i32
      %dma_start3A_239 = arith.constant 0 : i32
      %dma_start3A_240 = tpu.memref_slice %arg9[%dma_start3A_238, %dma_start3A_239] : memref<8x128xi32, #tpu.memory_space<vmem>> -> memref<1x128xi32, #tpu.memory_space<vmem>>
      %dma_start3A_241 = tpu.memref_squeeze %dma_start3A_240 : memref<1x128xi32, #tpu.memory_space<vmem>> -> memref<128xi32, #tpu.memory_space<vmem>>
      %dma_start3A_242 = arith.constant 0 : i32
      %dma_start3A_243 = arith.constant 0 : i32
      %dma_start3A_244 = tpu.memref_slice %arg2[%arg0, %dma_start3A_242, %dma_start3A_243] : memref<2x10240x128xf32, #tpu.memory_space<hbm>> -> memref<1x10240x128xf32, #tpu.memory_space<hbm>>
      %dma_start3A_245 = tpu.memref_squeeze %dma_start3A_244 : memref<1x10240x128xf32, #tpu.memory_space<hbm>> -> memref<10240x128xf32, #tpu.memory_space<hbm>>
      %dma_start3A_246 = arith.constant 0 : i32
      %dma_start3A_247 = arith.constant 0 : i32
      %dma_start3A_248 = tpu.memref_slice %dma_start3A_245[%dma_start3A_246, %dma_start3A_247] : memref<10240x128xf32, #tpu.memory_space<hbm>> -> memref<10240x128xf32, #tpu.memory_space<hbm>>
      tpu.enqueue_indirect_dma source(%dma_start3A_248 : memref<10240x128xf32, #tpu.memory_space<hbm>>) target(%arg13 : memref<128x128xf32, #tpu.memory_space<vmem>>) offsets(%dma_start3A_241 : memref<128xi32, #tpu.memory_space<vmem>>) semaphore(%arg16 : memref<!tpu.dma_semaphore, #tpu.memory_space<semaphore_mem>>)
      %eq3A_249 = arith.constant 0 : i32
      %eq3A_250 = arith.cmpi eq, %arg0, %eq3A_249 : i32
      %convert_element_type3A_251 = arith.extui %eq3A_250 : i1 to i32
      %cond3A_252 = arith.constant 0 : i32
      %cond3A_253 = arith.cmpi ne, %convert_element_type3A_251, %cond3A_252 : i32
      scf.if %cond3A_253 {
        %get3A = arith.constant 3 : i32
        %get3A_805 = arith.index_cast %get3A : i32 to index
        %get3A_806 = arith.constant 0 : index
        %get3A_807 = tpu.vector_load %arg10[%get3A_805, %get3A_806] {strides = array<i32>} : memref<8x128xi32, #tpu.memory_space<vmem>>, vector<16xi32>,
        tpu.vector_store_idx %arg22[%get3A_807], %broadcast_in_dim3A_3 {add = true} : memref<10240xf32, #tpu.memory_space<vmem>>[vector<16xi32>], vector<16xf32>,
        %get3A_808 = arith.constant 3 : i32
        %get3A_809 = arith.index_cast %get3A_808 : i32 to index
        %get3A_810 = arith.constant 16 : index
        %get3A_811 = tpu.vector_load %arg10[%get3A_809, %get3A_810] {strides = array<i32>} : memref<8x128xi32, #tpu.memory_space<vmem>>, vector<16xi32>,
        tpu.vector_store_idx %arg22[%get3A_811], %broadcast_in_dim3A_3 {add = true} : memref<10240xf32, #tpu.memory_space<vmem>>[vector<16xi32>], vector<16xf32>,
        %get3A_812 = arith.constant 3 : i32
        %get3A_813 = arith.index_cast %get3A_812 : i32 to index
        %get3A_814 = arith.constant 32 : index
        %get3A_815 = tpu.vector_load %arg10[%get3A_813, %get3A_814] {strides = array<i32>} : memref<8x128xi32, #tpu.memory_space<vmem>>, vector<16xi32>,
        tpu.vector_store_idx %arg22[%get3A_815], %broadcast_in_dim3A_3 {add = true} : memref<10240xf32, #tpu.memory_space<vmem>>[vector<16xi32>], vector<16xf32>,
        %get3A_816 = arith.constant 3 : i32
        %get3A_817 = arith.index_cast %get3A_816 : i32 to index
        %get3A_818 = arith.constant 48 : index
        %get3A_819 = tpu.vector_load %arg10[%get3A_817, %get3A_818] {strides = array<i32>} : memref<8x128xi32, #tpu.memory_space<vmem>>, vector<16xi32>,
        tpu.vector_store_idx %arg22[%get3A_819], %broadcast_in_dim3A_3 {add = true} : memref<10240xf32, #tpu.memory_space<vmem>>[vector<16xi32>], vector<16xf32>,
        %get3A_820 = arith.constant 3 : i32
        %get3A_821 = arith.index_cast %get3A_820 : i32 to index
        %get3A_822 = arith.constant 64 : index
        %get3A_823 = tpu.vector_load %arg10[%get3A_821, %get3A_822] {strides = array<i32>} : memref<8x128xi32, #tpu.memory_space<vmem>>, vector<16xi32>,
        tpu.vector_store_idx %arg22[%get3A_823], %broadcast_in_dim3A_3 {add = true} : memref<10240xf32, #tpu.memory_space<vmem>>[vector<16xi32>], vector<16xf32>,
        %get3A_824 = arith.constant 3 : i32
        %get3A_825 = arith.index_cast %get3A_824 : i32 to index
        %get3A_826 = arith.constant 80 : index
        %get3A_827 = tpu.vector_load %arg10[%get3A_825, %get3A_826] {strides = array<i32>} : memref<8x128xi32, #tpu.memory_space<vmem>>, vector<16xi32>,
        tpu.vector_store_idx %arg22[%get3A_827], %broadcast_in_dim3A_3 {add = true} : memref<10240xf32, #tpu.memory_space<vmem>>[vector<16xi32>], vector<16xf32>,
        %get3A_828 = arith.constant 3 : i32
        %get3A_829 = arith.index_cast %get3A_828 : i32 to index
        %get3A_830 = arith.constant 96 : index
        %get3A_831 = tpu.vector_load %arg10[%get3A_829, %get3A_830] {strides = array<i32>} : memref<8x128xi32, #tpu.memory_space<vmem>>, vector<16xi32>,
        tpu.vector_store_idx %arg22[%get3A_831], %broadcast_in_dim3A_3 {add = true} : memref<10240xf32, #tpu.memory_space<vmem>>[vector<16xi32>], vector<16xf32>,
        %get3A_832 = arith.constant 3 : i32
        %get3A_833 = arith.index_cast %get3A_832 : i32 to index
        %get3A_834 = arith.constant 112 : index
        %get3A_835 = tpu.vector_load %arg10[%get3A_833, %get3A_834] {strides = array<i32>} : memref<8x128xi32, #tpu.memory_space<vmem>>, vector<16xi32>,
        tpu.vector_store_idx %arg22[%get3A_835], %broadcast_in_dim3A_3 {add = true} : memref<10240xf32, #tpu.memory_space<vmem>>[vector<16xi32>], vector<16xf32>,
      } else {
      }
      %dma_wait3A_254 = arith.constant 4 : i32
      %dma_wait3A_255 = arith.constant 0 : i32
      %dma_wait3A_256 = tpu.memref_slice %arg9[%dma_wait3A_254, %dma_wait3A_255] : memref<8x128xi32, #tpu.memory_space<vmem>> -> memref<1x128xi32, #tpu.memory_space<vmem>>
      %dma_wait3A_257 = tpu.memref_squeeze %dma_wait3A_256 : memref<1x128xi32, #tpu.memory_space<vmem>> -> memref<128xi32, #tpu.memory_space<vmem>>
      %dma_wait3A_258 = arith.constant 0 : i32
      %dma_wait3A_259 = arith.constant 0 : i32
      %dma_wait3A_260 = tpu.memref_slice %arg2[%arg0, %dma_wait3A_258, %dma_wait3A_259] : memref<2x10240x128xf32, #tpu.memory_space<hbm>> -> memref<1x10240x128xf32, #tpu.memory_space<hbm>>
      %dma_wait3A_261 = tpu.memref_squeeze %dma_wait3A_260 : memref<1x10240x128xf32, #tpu.memory_space<hbm>> -> memref<10240x128xf32, #tpu.memory_space<hbm>>
      %dma_wait3A_262 = arith.constant 0 : i32
      %dma_wait3A_263 = arith.constant 0 : i32
      %dma_wait3A_264 = tpu.memref_slice %dma_wait3A_261[%dma_wait3A_262, %dma_wait3A_263] : memref<10240x128xf32, #tpu.memory_space<hbm>> -> memref<10240x128xf32, #tpu.memory_space<hbm>>
      tpu.wait_indirect_dma semaphore(%arg16 : memref<!tpu.dma_semaphore, #tpu.memory_space<semaphore_mem>>) src(%dma_wait3A_264 : memref<10240x128xf32, #tpu.memory_space<hbm>>) dst(%arg13 : memref<128x128xf32, #tpu.memory_space<vmem>>)
      %dma_start3A_265 = arith.constant 4 : i32
      %dma_start3A_266 = arith.constant 0 : i32
      %dma_start3A_267 = tpu.memref_slice %arg10[%dma_start3A_265, %dma_start3A_266] : memref<8x128xi32, #tpu.memory_space<vmem>> -> memref<1x128xi32, #tpu.memory_space<vmem>>
      %dma_start3A_268 = tpu.memref_squeeze %dma_start3A_267 : memref<1x128xi32, #tpu.memory_space<vmem>> -> memref<128xi32, #tpu.memory_space<vmem>>
      %dma_start3A_269 = arith.constant 0 : i32
      %dma_start3A_270 = arith.constant 0 : i32
      %dma_start3A_271 = tpu.memref_slice %arg15[%dma_start3A_269, %dma_start3A_270] : memref<10240x128xf32, #tpu.memory_space<vmem_shared>> -> memref<10240x128xf32, #tpu.memory_space<vmem_shared>>
      tpu.enqueue_indirect_dma source(%arg13 : memref<128x128xf32, #tpu.memory_space<vmem>>) target(%dma_start3A_271 : memref<10240x128xf32, #tpu.memory_space<vmem_shared>>) offsets(%dma_start3A_268 : memref<128xi32, #tpu.memory_space<vmem>>) semaphore(%arg18 : memref<!tpu.dma_semaphore, #tpu.memory_space<semaphore_mem>>) {add = true}
      %dma_wait3A_272 = arith.constant 4 : i32
      %dma_wait3A_273 = arith.constant 0 : i32
      %dma_wait3A_274 = tpu.memref_slice %arg10[%dma_wait3A_272, %dma_wait3A_273] : memref<8x128xi32, #tpu.memory_space<vmem>> -> memref<1x128xi32, #tpu.memory_space<vmem>>
      %dma_wait3A_275 = tpu.memref_squeeze %dma_wait3A_274 : memref<1x128xi32, #tpu.memory_space<vmem>> -> memref<128xi32, #tpu.memory_space<vmem>>
      %dma_wait3A_276 = arith.constant 0 : i32
      %dma_wait3A_277 = arith.constant 0 : i32
      %dma_wait3A_278 = tpu.memref_slice %arg15[%dma_wait3A_276, %dma_wait3A_277] : memref<10240x128xf32, #tpu.memory_space<vmem_shared>> -> memref<10240x128xf32, #tpu.memory_space<vmem_shared>>
      tpu.wait_indirect_dma semaphore(%arg19 : memref<!tpu.dma_semaphore, #tpu.memory_space<semaphore_mem>>) src(%arg14 : memref<128x128xf32, #tpu.memory_space<vmem>>) dst(%dma_wait3A_278 : memref<10240x128xf32, #tpu.memory_space<vmem_shared>>)
      %dma_start3A_279 = arith.constant 5 : i32
      %dma_start3A_280 = arith.constant 0 : i32
      %dma_start3A_281 = tpu.memref_slice %arg9[%dma_start3A_279, %dma_start3A_280] : memref<8x128xi32, #tpu.memory_space<vmem>> -> memref<1x128xi32, #tpu.memory_space<vmem>>
      %dma_start3A_282 = tpu.memref_squeeze %dma_start3A_281 : memref<1x128xi32, #tpu.memory_space<vmem>> -> memref<128xi32, #tpu.memory_space<vmem>>
      %dma_start3A_283 = arith.constant 0 : i32
      %dma_start3A_284 = arith.constant 0 : i32
      %dma_start3A_285 = tpu.memref_slice %arg2[%arg0, %dma_start3A_283, %dma_start3A_284] : memref<2x10240x128xf32, #tpu.memory_space<hbm>> -> memref<1x10240x128xf32, #tpu.memory_space<hbm>>
      %dma_start3A_286 = tpu.memref_squeeze %dma_start3A_285 : memref<1x10240x128xf32, #tpu.memory_space<hbm>> -> memref<10240x128xf32, #tpu.memory_space<hbm>>
      %dma_start3A_287 = arith.constant 0 : i32
      %dma_start3A_288 = arith.constant 0 : i32
      %dma_start3A_289 = tpu.memref_slice %dma_start3A_286[%dma_start3A_287, %dma_start3A_288] : memref<10240x128xf32, #tpu.memory_space<hbm>> -> memref<10240x128xf32, #tpu.memory_space<hbm>>
      tpu.enqueue_indirect_dma source(%dma_start3A_289 : memref<10240x128xf32, #tpu.memory_space<hbm>>) target(%arg14 : memref<128x128xf32, #tpu.memory_space<vmem>>) offsets(%dma_start3A_282 : memref<128xi32, #tpu.memory_space<vmem>>) semaphore(%arg17 : memref<!tpu.dma_semaphore, #tpu.memory_space<semaphore_mem>>)
      %eq3A_290 = arith.constant 0 : i32
      %eq3A_291 = arith.cmpi eq, %arg0, %eq3A_290 : i32
      %convert_element_type3A_292 = arith.extui %eq3A_291 : i1 to i32
      %cond3A_293 = arith.constant 0 : i32
      %cond3A_294 = arith.cmpi ne, %convert_element_type3A_292, %cond3A_293 : i32
      scf.if %cond3A_294 {
        %get3A = arith.constant 4 : i32
        %get3A_805 = arith.index_cast %get3A : i32 to index
        %get3A_806 = arith.constant 0 : index
        %get3A_807 = tpu.vector_load %arg10[%get3A_805, %get3A_806] {strides = array<i32>} : memref<8x128xi32, #tpu.memory_space<vmem>>, vector<16xi32>,
        tpu.vector_store_idx %arg22[%get3A_807], %broadcast_in_dim3A_3 {add = true} : memref<10240xf32, #tpu.memory_space<vmem>>[vector<16xi32>], vector<16xf32>,
        %get3A_808 = arith.constant 4 : i32
        %get3A_809 = arith.index_cast %get3A_808 : i32 to index
        %get3A_810 = arith.constant 16 : index
        %get3A_811 = tpu.vector_load %arg10[%get3A_809, %get3A_810] {strides = array<i32>} : memref<8x128xi32, #tpu.memory_space<vmem>>, vector<16xi32>,
        tpu.vector_store_idx %arg22[%get3A_811], %broadcast_in_dim3A_3 {add = true} : memref<10240xf32, #tpu.memory_space<vmem>>[vector<16xi32>], vector<16xf32>,
        %get3A_812 = arith.constant 4 : i32
        %get3A_813 = arith.index_cast %get3A_812 : i32 to index
        %get3A_814 = arith.constant 32 : index
        %get3A_815 = tpu.vector_load %arg10[%get3A_813, %get3A_814] {strides = array<i32>} : memref<8x128xi32, #tpu.memory_space<vmem>>, vector<16xi32>,
        tpu.vector_store_idx %arg22[%get3A_815], %broadcast_in_dim3A_3 {add = true} : memref<10240xf32, #tpu.memory_space<vmem>>[vector<16xi32>], vector<16xf32>,
        %get3A_816 = arith.constant 4 : i32
        %get3A_817 = arith.index_cast %get3A_816 : i32 to index
        %get3A_818 = arith.constant 48 : index
        %get3A_819 = tpu.vector_load %arg10[%get3A_817, %get3A_818] {strides = array<i32>} : memref<8x128xi32, #tpu.memory_space<vmem>>, vector<16xi32>,
        tpu.vector_store_idx %arg22[%get3A_819], %broadcast_in_dim3A_3 {add = true} : memref<10240xf32, #tpu.memory_space<vmem>>[vector<16xi32>], vector<16xf32>,
        %get3A_820 = arith.constant 4 : i32
        %get3A_821 = arith.index_cast %get3A_820 : i32 to index
        %get3A_822 = arith.constant 64 : index
        %get3A_823 = tpu.vector_load %arg10[%get3A_821, %get3A_822] {strides = array<i32>} : memref<8x128xi32, #tpu.memory_space<vmem>>, vector<16xi32>,
        tpu.vector_store_idx %arg22[%get3A_823], %broadcast_in_dim3A_3 {add = true} : memref<10240xf32, #tpu.memory_space<vmem>>[vector<16xi32>], vector<16xf32>,
        %get3A_824 = arith.constant 4 : i32
        %get3A_825 = arith.index_cast %get3A_824 : i32 to index
        %get3A_826 = arith.constant 80 : index
        %get3A_827 = tpu.vector_load %arg10[%get3A_825, %get3A_826] {strides = array<i32>} : memref<8x128xi32, #tpu.memory_space<vmem>>, vector<16xi32>,
        tpu.vector_store_idx %arg22[%get3A_827], %broadcast_in_dim3A_3 {add = true} : memref<10240xf32, #tpu.memory_space<vmem>>[vector<16xi32>], vector<16xf32>,
        %get3A_828 = arith.constant 4 : i32
        %get3A_829 = arith.index_cast %get3A_828 : i32 to index
        %get3A_830 = arith.constant 96 : index
        %get3A_831 = tpu.vector_load %arg10[%get3A_829, %get3A_830] {strides = array<i32>} : memref<8x128xi32, #tpu.memory_space<vmem>>, vector<16xi32>,
        tpu.vector_store_idx %arg22[%get3A_831], %broadcast_in_dim3A_3 {add = true} : memref<10240xf32, #tpu.memory_space<vmem>>[vector<16xi32>], vector<16xf32>,
        %get3A_832 = arith.constant 4 : i32
        %get3A_833 = arith.index_cast %get3A_832 : i32 to index
        %get3A_834 = arith.constant 112 : index
        %get3A_835 = tpu.vector_load %arg10[%get3A_833, %get3A_834] {strides = array<i32>} : memref<8x128xi32, #tpu.memory_space<vmem>>, vector<16xi32>,
        tpu.vector_store_idx %arg22[%get3A_835], %broadcast_in_dim3A_3 {add = true} : memref<10240xf32, #tpu.memory_space<vmem>>[vector<16xi32>], vector<16xf32>,
      } else {
      }
      %dma_wait3A_295 = arith.constant 5 : i32
      %dma_wait3A_296 = arith.constant 0 : i32
      %dma_wait3A_297 = tpu.memref_slice %arg9[%dma_wait3A_295, %dma_wait3A_296] : memref<8x128xi32, #tpu.memory_space<vmem>> -> memref<1x128xi32, #tpu.memory_space<vmem>>
      %dma_wait3A_298 = tpu.memref_squeeze %dma_wait3A_297 : memref<1x128xi32, #tpu.memory_space<vmem>> -> memref<128xi32, #tpu.memory_space<vmem>>
      %dma_wait3A_299 = arith.constant 0 : i32
      %dma_wait3A_300 = arith.constant 0 : i32
      %dma_wait3A_301 = tpu.memref_slice %arg2[%arg0, %dma_wait3A_299, %dma_wait3A_300] : memref<2x10240x128xf32, #tpu.memory_space<hbm>> -> memref<1x10240x128xf32, #tpu.memory_space<hbm>>
      %dma_wait3A_302 = tpu.memref_squeeze %dma_wait3A_301 : memref<1x10240x128xf32, #tpu.memory_space<hbm>> -> memref<10240x128xf32, #tpu.memory_space<hbm>>
      %dma_wait3A_303 = arith.constant 0 : i32
      %dma_wait3A_304 = arith.constant 0 : i32
      %dma_wait3A_305 = tpu.memref_slice %dma_wait3A_302[%dma_wait3A_303, %dma_wait3A_304] : memref<10240x128xf32, #tpu.memory_space<hbm>> -> memref<10240x128xf32, #tpu.memory_space<hbm>>
      tpu.wait_indirect_dma semaphore(%arg17 : memref<!tpu.dma_semaphore, #tpu.memory_space<semaphore_mem>>) src(%dma_wait3A_305 : memref<10240x128xf32, #tpu.memory_space<hbm>>) dst(%arg14 : memref<128x128xf32, #tpu.memory_space<vmem>>)
      %dma_start3A_306 = arith.constant 5 : i32
      %dma_start3A_307 = arith.constant 0 : i32
      %dma_start3A_308 = tpu.memref_slice %arg10[%dma_start3A_306, %dma_start3A_307] : memref<8x128xi32, #tpu.memory_space<vmem>> -> memref<1x128xi32, #tpu.memory_space<vmem>>
      %dma_start3A_309 = tpu.memref_squeeze %dma_start3A_308 : memref<1x128xi32, #tpu.memory_space<vmem>> -> memref<128xi32, #tpu.memory_space<vmem>>
      %dma_start3A_310 = arith.constant 0 : i32
      %dma_start3A_311 = arith.constant 0 : i32
      %dma_start3A_312 = tpu.memref_slice %arg15[%dma_start3A_310, %dma_start3A_311] : memref<10240x128xf32, #tpu.memory_space<vmem_shared>> -> memref<10240x128xf32, #tpu.memory_space<vmem_shared>>
      tpu.enqueue_indirect_dma source(%arg14 : memref<128x128xf32, #tpu.memory_space<vmem>>) target(%dma_start3A_312 : memref<10240x128xf32, #tpu.memory_space<vmem_shared>>) offsets(%dma_start3A_309 : memref<128xi32, #tpu.memory_space<vmem>>) semaphore(%arg19 : memref<!tpu.dma_semaphore, #tpu.memory_space<semaphore_mem>>) {add = true}
      %dma_wait3A_313 = arith.constant 5 : i32
      %dma_wait3A_314 = arith.constant 0 : i32
      %dma_wait3A_315 = tpu.memref_slice %arg10[%dma_wait3A_313, %dma_wait3A_314] : memref<8x128xi32, #tpu.memory_space<vmem>> -> memref<1x128xi32, #tpu.memory_space<vmem>>
      %dma_wait3A_316 = tpu.memref_squeeze %dma_wait3A_315 : memref<1x128xi32, #tpu.memory_space<vmem>> -> memref<128xi32, #tpu.memory_space<vmem>>
      %dma_wait3A_317 = arith.constant 0 : i32
      %dma_wait3A_318 = arith.constant 0 : i32
      %dma_wait3A_319 = tpu.memref_slice %arg15[%dma_wait3A_317, %dma_wait3A_318] : memref<10240x128xf32, #tpu.memory_space<vmem_shared>> -> memref<10240x128xf32, #tpu.memory_space<vmem_shared>>
      tpu.wait_indirect_dma semaphore(%arg18 : memref<!tpu.dma_semaphore, #tpu.memory_space<semaphore_mem>>) src(%arg13 : memref<128x128xf32, #tpu.memory_space<vmem>>) dst(%dma_wait3A_319 : memref<10240x128xf32, #tpu.memory_space<vmem_shared>>)
      %dma_start3A_320 = arith.constant 6 : i32
      %dma_start3A_321 = arith.constant 0 : i32
      %dma_start3A_322 = tpu.memref_slice %arg9[%dma_start3A_320, %dma_start3A_321] : memref<8x128xi32, #tpu.memory_space<vmem>> -> memref<1x128xi32, #tpu.memory_space<vmem>>
      %dma_start3A_323 = tpu.memref_squeeze %dma_start3A_322 : memref<1x128xi32, #tpu.memory_space<vmem>> -> memref<128xi32, #tpu.memory_space<vmem>>
      %dma_start3A_324 = arith.constant 0 : i32
      %dma_start3A_325 = arith.constant 0 : i32
      %dma_start3A_326 = tpu.memref_slice %arg2[%arg0, %dma_start3A_324, %dma_start3A_325] : memref<2x10240x128xf32, #tpu.memory_space<hbm>> -> memref<1x10240x128xf32, #tpu.memory_space<hbm>>
      %dma_start3A_327 = tpu.memref_squeeze %dma_start3A_326 : memref<1x10240x128xf32, #tpu.memory_space<hbm>> -> memref<10240x128xf32, #tpu.memory_space<hbm>>
      %dma_start3A_328 = arith.constant 0 : i32
      %dma_start3A_329 = arith.constant 0 : i32
      %dma_start3A_330 = tpu.memref_slice %dma_start3A_327[%dma_start3A_328, %dma_start3A_329] : memref<10240x128xf32, #tpu.memory_space<hbm>> -> memref<10240x128xf32, #tpu.memory_space<hbm>>
      tpu.enqueue_indirect_dma source(%dma_start3A_330 : memref<10240x128xf32, #tpu.memory_space<hbm>>) target(%arg13 : memref<128x128xf32, #tpu.memory_space<vmem>>) offsets(%dma_start3A_323 : memref<128xi32, #tpu.memory_space<vmem>>) semaphore(%arg16 : memref<!tpu.dma_semaphore, #tpu.memory_space<semaphore_mem>>)
      %eq3A_331 = arith.constant 0 : i32
      %eq3A_332 = arith.cmpi eq, %arg0, %eq3A_331 : i32
      %convert_element_type3A_333 = arith.extui %eq3A_332 : i1 to i32
      %cond3A_334 = arith.constant 0 : i32
      %cond3A_335 = arith.cmpi ne, %convert_element_type3A_333, %cond3A_334 : i32
      scf.if %cond3A_335 {
        %get3A = arith.constant 5 : i32
        %get3A_805 = arith.index_cast %get3A : i32 to index
        %get3A_806 = arith.constant 0 : index
        %get3A_807 = tpu.vector_load %arg10[%get3A_805, %get3A_806] {strides = array<i32>} : memref<8x128xi32, #tpu.memory_space<vmem>>, vector<16xi32>,
        tpu.vector_store_idx %arg22[%get3A_807], %broadcast_in_dim3A_3 {add = true} : memref<10240xf32, #tpu.memory_space<vmem>>[vector<16xi32>], vector<16xf32>,
        %get3A_808 = arith.constant 5 : i32
        %get3A_809 = arith.index_cast %get3A_808 : i32 to index
        %get3A_810 = arith.constant 16 : index
        %get3A_811 = tpu.vector_load %arg10[%get3A_809, %get3A_810] {strides = array<i32>} : memref<8x128xi32, #tpu.memory_space<vmem>>, vector<16xi32>,
        tpu.vector_store_idx %arg22[%get3A_811], %broadcast_in_dim3A_3 {add = true} : memref<10240xf32, #tpu.memory_space<vmem>>[vector<16xi32>], vector<16xf32>,
        %get3A_812 = arith.constant 5 : i32
        %get3A_813 = arith.index_cast %get3A_812 : i32 to index
        %get3A_814 = arith.constant 32 : index
        %get3A_815 = tpu.vector_load %arg10[%get3A_813, %get3A_814] {strides = array<i32>} : memref<8x128xi32, #tpu.memory_space<vmem>>, vector<16xi32>,
        tpu.vector_store_idx %arg22[%get3A_815], %broadcast_in_dim3A_3 {add = true} : memref<10240xf32, #tpu.memory_space<vmem>>[vector<16xi32>], vector<16xf32>,
        %get3A_816 = arith.constant 5 : i32
        %get3A_817 = arith.index_cast %get3A_816 : i32 to index
        %get3A_818 = arith.constant 48 : index
        %get3A_819 = tpu.vector_load %arg10[%get3A_817, %get3A_818] {strides = array<i32>} : memref<8x128xi32, #tpu.memory_space<vmem>>, vector<16xi32>,
        tpu.vector_store_idx %arg22[%get3A_819], %broadcast_in_dim3A_3 {add = true} : memref<10240xf32, #tpu.memory_space<vmem>>[vector<16xi32>], vector<16xf32>,
        %get3A_820 = arith.constant 5 : i32
        %get3A_821 = arith.index_cast %get3A_820 : i32 to index
        %get3A_822 = arith.constant 64 : index
        %get3A_823 = tpu.vector_load %arg10[%get3A_821, %get3A_822] {strides = array<i32>} : memref<8x128xi32, #tpu.memory_space<vmem>>, vector<16xi32>,
        tpu.vector_store_idx %arg22[%get3A_823], %broadcast_in_dim3A_3 {add = true} : memref<10240xf32, #tpu.memory_space<vmem>>[vector<16xi32>], vector<16xf32>,
        %get3A_824 = arith.constant 5 : i32
        %get3A_825 = arith.index_cast %get3A_824 : i32 to index
        %get3A_826 = arith.constant 80 : index
        %get3A_827 = tpu.vector_load %arg10[%get3A_825, %get3A_826] {strides = array<i32>} : memref<8x128xi32, #tpu.memory_space<vmem>>, vector<16xi32>,
        tpu.vector_store_idx %arg22[%get3A_827], %broadcast_in_dim3A_3 {add = true} : memref<10240xf32, #tpu.memory_space<vmem>>[vector<16xi32>], vector<16xf32>,
        %get3A_828 = arith.constant 5 : i32
        %get3A_829 = arith.index_cast %get3A_828 : i32 to index
        %get3A_830 = arith.constant 96 : index
        %get3A_831 = tpu.vector_load %arg10[%get3A_829, %get3A_830] {strides = array<i32>} : memref<8x128xi32, #tpu.memory_space<vmem>>, vector<16xi32>,
        tpu.vector_store_idx %arg22[%get3A_831], %broadcast_in_dim3A_3 {add = true} : memref<10240xf32, #tpu.memory_space<vmem>>[vector<16xi32>], vector<16xf32>,
        %get3A_832 = arith.constant 5 : i32
        %get3A_833 = arith.index_cast %get3A_832 : i32 to index
        %get3A_834 = arith.constant 112 : index
        %get3A_835 = tpu.vector_load %arg10[%get3A_833, %get3A_834] {strides = array<i32>} : memref<8x128xi32, #tpu.memory_space<vmem>>, vector<16xi32>,
        tpu.vector_store_idx %arg22[%get3A_835], %broadcast_in_dim3A_3 {add = true} : memref<10240xf32, #tpu.memory_space<vmem>>[vector<16xi32>], vector<16xf32>,
      } else {
      }
      %dma_wait3A_336 = arith.constant 6 : i32
      %dma_wait3A_337 = arith.constant 0 : i32
      %dma_wait3A_338 = tpu.memref_slice %arg9[%dma_wait3A_336, %dma_wait3A_337] : memref<8x128xi32, #tpu.memory_space<vmem>> -> memref<1x128xi32, #tpu.memory_space<vmem>>
      %dma_wait3A_339 = tpu.memref_squeeze %dma_wait3A_338 : memref<1x128xi32, #tpu.memory_space<vmem>> -> memref<128xi32, #tpu.memory_space<vmem>>
      %dma_wait3A_340 = arith.constant 0 : i32
      %dma_wait3A_341 = arith.constant 0 : i32
      %dma_wait3A_342 = tpu.memref_slice %arg2[%arg0, %dma_wait3A_340, %dma_wait3A_341] : memref<2x10240x128xf32, #tpu.memory_space<hbm>> -> memref<1x10240x128xf32, #tpu.memory_space<hbm>>
      %dma_wait3A_343 = tpu.memref_squeeze %dma_wait3A_342 : memref<1x10240x128xf32, #tpu.memory_space<hbm>> -> memref<10240x128xf32, #tpu.memory_space<hbm>>
      %dma_wait3A_344 = arith.constant 0 : i32
      %dma_wait3A_345 = arith.constant 0 : i32
      %dma_wait3A_346 = tpu.memref_slice %dma_wait3A_343[%dma_wait3A_344, %dma_wait3A_345] : memref<10240x128xf32, #tpu.memory_space<hbm>> -> memref<10240x128xf32, #tpu.memory_space<hbm>>
      tpu.wait_indirect_dma semaphore(%arg16 : memref<!tpu.dma_semaphore, #tpu.memory_space<semaphore_mem>>) src(%dma_wait3A_346 : memref<10240x128xf32, #tpu.memory_space<hbm>>) dst(%arg13 : memref<128x128xf32, #tpu.memory_space<vmem>>)
      %dma_start3A_347 = arith.constant 6 : i32
      %dma_start3A_348 = arith.constant 0 : i32
      %dma_start3A_349 = tpu.memref_slice %arg10[%dma_start3A_347, %dma_start3A_348] : memref<8x128xi32, #tpu.memory_space<vmem>> -> memref<1x128xi32, #tpu.memory_space<vmem>>
      %dma_start3A_350 = tpu.memref_squeeze %dma_start3A_349 : memref<1x128xi32, #tpu.memory_space<vmem>> -> memref<128xi32, #tpu.memory_space<vmem>>
      %dma_start3A_351 = arith.constant 0 : i32
      %dma_start3A_352 = arith.constant 0 : i32
      %dma_start3A_353 = tpu.memref_slice %arg15[%dma_start3A_351, %dma_start3A_352] : memref<10240x128xf32, #tpu.memory_space<vmem_shared>> -> memref<10240x128xf32, #tpu.memory_space<vmem_shared>>
      tpu.enqueue_indirect_dma source(%arg13 : memref<128x128xf32, #tpu.memory_space<vmem>>) target(%dma_start3A_353 : memref<10240x128xf32, #tpu.memory_space<vmem_shared>>) offsets(%dma_start3A_350 : memref<128xi32, #tpu.memory_space<vmem>>) semaphore(%arg18 : memref<!tpu.dma_semaphore, #tpu.memory_space<semaphore_mem>>) {add = true}
      %dma_wait3A_354 = arith.constant 6 : i32
      %dma_wait3A_355 = arith.constant 0 : i32
      %dma_wait3A_356 = tpu.memref_slice %arg10[%dma_wait3A_354, %dma_wait3A_355] : memref<8x128xi32, #tpu.memory_space<vmem>> -> memref<1x128xi32, #tpu.memory_space<vmem>>
      %dma_wait3A_357 = tpu.memref_squeeze %dma_wait3A_356 : memref<1x128xi32, #tpu.memory_space<vmem>> -> memref<128xi32, #tpu.memory_space<vmem>>
      %dma_wait3A_358 = arith.constant 0 : i32
      %dma_wait3A_359 = arith.constant 0 : i32
      %dma_wait3A_360 = tpu.memref_slice %arg15[%dma_wait3A_358, %dma_wait3A_359] : memref<10240x128xf32, #tpu.memory_space<vmem_shared>> -> memref<10240x128xf32, #tpu.memory_space<vmem_shared>>
      tpu.wait_indirect_dma semaphore(%arg19 : memref<!tpu.dma_semaphore, #tpu.memory_space<semaphore_mem>>) src(%arg14 : memref<128x128xf32, #tpu.memory_space<vmem>>) dst(%dma_wait3A_360 : memref<10240x128xf32, #tpu.memory_space<vmem_shared>>)
      %dma_start3A_361 = arith.constant 7 : i32
      %dma_start3A_362 = arith.constant 0 : i32
      %dma_start3A_363 = tpu.memref_slice %arg9[%dma_start3A_361, %dma_start3A_362] : memref<8x128xi32, #tpu.memory_space<vmem>> -> memref<1x128xi32, #tpu.memory_space<vmem>>
      %dma_start3A_364 = tpu.memref_squeeze %dma_start3A_363 : memref<1x128xi32, #tpu.memory_space<vmem>> -> memref<128xi32, #tpu.memory_space<vmem>>
      %dma_start3A_365 = arith.constant 0 : i32
      %dma_start3A_366 = arith.constant 0 : i32
      %dma_start3A_367 = tpu.memref_slice %arg2[%arg0, %dma_start3A_365, %dma_start3A_366] : memref<2x10240x128xf32, #tpu.memory_space<hbm>> -> memref<1x10240x128xf32, #tpu.memory_space<hbm>>
      %dma_start3A_368 = tpu.memref_squeeze %dma_start3A_367 : memref<1x10240x128xf32, #tpu.memory_space<hbm>> -> memref<10240x128xf32, #tpu.memory_space<hbm>>
      %dma_start3A_369 = arith.constant 0 : i32
      %dma_start3A_370 = arith.constant 0 : i32
      %dma_start3A_371 = tpu.memref_slice %dma_start3A_368[%dma_start3A_369, %dma_start3A_370] : memref<10240x128xf32, #tpu.memory_space<hbm>> -> memref<10240x128xf32, #tpu.memory_space<hbm>>
      tpu.enqueue_indirect_dma source(%dma_start3A_371 : memref<10240x128xf32, #tpu.memory_space<hbm>>) target(%arg14 : memref<128x128xf32, #tpu.memory_space<vmem>>) offsets(%dma_start3A_364 : memref<128xi32, #tpu.memory_space<vmem>>) semaphore(%arg17 : memref<!tpu.dma_semaphore, #tpu.memory_space<semaphore_mem>>)
      %eq3A_372 = arith.constant 0 : i32
      %eq3A_373 = arith.cmpi eq, %arg0, %eq3A_372 : i32
      %convert_element_type3A_374 = arith.extui %eq3A_373 : i1 to i32
      %cond3A_375 = arith.constant 0 : i32
      %cond3A_376 = arith.cmpi ne, %convert_element_type3A_374, %cond3A_375 : i32
      scf.if %cond3A_376 {
        %get3A = arith.constant 6 : i32
        %get3A_805 = arith.index_cast %get3A : i32 to index
        %get3A_806 = arith.constant 0 : index
        %get3A_807 = tpu.vector_load %arg10[%get3A_805, %get3A_806] {strides = array<i32>} : memref<8x128xi32, #tpu.memory_space<vmem>>, vector<16xi32>,
        tpu.vector_store_idx %arg22[%get3A_807], %broadcast_in_dim3A_3 {add = true} : memref<10240xf32, #tpu.memory_space<vmem>>[vector<16xi32>], vector<16xf32>,
        %get3A_808 = arith.constant 6 : i32
        %get3A_809 = arith.index_cast %get3A_808 : i32 to index
        %get3A_810 = arith.constant 16 : index
        %get3A_811 = tpu.vector_load %arg10[%get3A_809, %get3A_810] {strides = array<i32>} : memref<8x128xi32, #tpu.memory_space<vmem>>, vector<16xi32>,
        tpu.vector_store_idx %arg22[%get3A_811], %broadcast_in_dim3A_3 {add = true} : memref<10240xf32, #tpu.memory_space<vmem>>[vector<16xi32>], vector<16xf32>,
        %get3A_812 = arith.constant 6 : i32
        %get3A_813 = arith.index_cast %get3A_812 : i32 to index
        %get3A_814 = arith.constant 32 : index
        %get3A_815 = tpu.vector_load %arg10[%get3A_813, %get3A_814] {strides = array<i32>} : memref<8x128xi32, #tpu.memory_space<vmem>>, vector<16xi32>,
        tpu.vector_store_idx %arg22[%get3A_815], %broadcast_in_dim3A_3 {add = true} : memref<10240xf32, #tpu.memory_space<vmem>>[vector<16xi32>], vector<16xf32>,
        %get3A_816 = arith.constant 6 : i32
        %get3A_817 = arith.index_cast %get3A_816 : i32 to index
        %get3A_818 = arith.constant 48 : index
        %get3A_819 = tpu.vector_load %arg10[%get3A_817, %get3A_818] {strides = array<i32>} : memref<8x128xi32, #tpu.memory_space<vmem>>, vector<16xi32>,
        tpu.vector_store_idx %arg22[%get3A_819], %broadcast_in_dim3A_3 {add = true} : memref<10240xf32, #tpu.memory_space<vmem>>[vector<16xi32>], vector<16xf32>,
        %get3A_820 = arith.constant 6 : i32
        %get3A_821 = arith.index_cast %get3A_820 : i32 to index
        %get3A_822 = arith.constant 64 : index
        %get3A_823 = tpu.vector_load %arg10[%get3A_821, %get3A_822] {strides = array<i32>} : memref<8x128xi32, #tpu.memory_space<vmem>>, vector<16xi32>,
        tpu.vector_store_idx %arg22[%get3A_823], %broadcast_in_dim3A_3 {add = true} : memref<10240xf32, #tpu.memory_space<vmem>>[vector<16xi32>], vector<16xf32>,
        %get3A_824 = arith.constant 6 : i32
        %get3A_825 = arith.index_cast %get3A_824 : i32 to index
        %get3A_826 = arith.constant 80 : index
        %get3A_827 = tpu.vector_load %arg10[%get3A_825, %get3A_826] {strides = array<i32>} : memref<8x128xi32, #tpu.memory_space<vmem>>, vector<16xi32>,
        tpu.vector_store_idx %arg22[%get3A_827], %broadcast_in_dim3A_3 {add = true} : memref<10240xf32, #tpu.memory_space<vmem>>[vector<16xi32>], vector<16xf32>,
        %get3A_828 = arith.constant 6 : i32
        %get3A_829 = arith.index_cast %get3A_828 : i32 to index
        %get3A_830 = arith.constant 96 : index
        %get3A_831 = tpu.vector_load %arg10[%get3A_829, %get3A_830] {strides = array<i32>} : memref<8x128xi32, #tpu.memory_space<vmem>>, vector<16xi32>,
        tpu.vector_store_idx %arg22[%get3A_831], %broadcast_in_dim3A_3 {add = true} : memref<10240xf32, #tpu.memory_space<vmem>>[vector<16xi32>], vector<16xf32>,
        %get3A_832 = arith.constant 6 : i32
        %get3A_833 = arith.index_cast %get3A_832 : i32 to index
        %get3A_834 = arith.constant 112 : index
        %get3A_835 = tpu.vector_load %arg10[%get3A_833, %get3A_834] {strides = array<i32>} : memref<8x128xi32, #tpu.memory_space<vmem>>, vector<16xi32>,
        tpu.vector_store_idx %arg22[%get3A_835], %broadcast_in_dim3A_3 {add = true} : memref<10240xf32, #tpu.memory_space<vmem>>[vector<16xi32>], vector<16xf32>,
      } else {
      }
      %dma_wait3A_377 = arith.constant 7 : i32
      %dma_wait3A_378 = arith.constant 0 : i32
      %dma_wait3A_379 = tpu.memref_slice %arg9[%dma_wait3A_377, %dma_wait3A_378] : memref<8x128xi32, #tpu.memory_space<vmem>> -> memref<1x128xi32, #tpu.memory_space<vmem>>
      %dma_wait3A_380 = tpu.memref_squeeze %dma_wait3A_379 : memref<1x128xi32, #tpu.memory_space<vmem>> -> memref<128xi32, #tpu.memory_space<vmem>>
      %dma_wait3A_381 = arith.constant 0 : i32
      %dma_wait3A_382 = arith.constant 0 : i32
      %dma_wait3A_383 = tpu.memref_slice %arg2[%arg0, %dma_wait3A_381, %dma_wait3A_382] : memref<2x10240x128xf32, #tpu.memory_space<hbm>> -> memref<1x10240x128xf32, #tpu.memory_space<hbm>>
      %dma_wait3A_384 = tpu.memref_squeeze %dma_wait3A_383 : memref<1x10240x128xf32, #tpu.memory_space<hbm>> -> memref<10240x128xf32, #tpu.memory_space<hbm>>
      %dma_wait3A_385 = arith.constant 0 : i32
      %dma_wait3A_386 = arith.constant 0 : i32
      %dma_wait3A_387 = tpu.memref_slice %dma_wait3A_384[%dma_wait3A_385, %dma_wait3A_386] : memref<10240x128xf32, #tpu.memory_space<hbm>> -> memref<10240x128xf32, #tpu.memory_space<hbm>>
      tpu.wait_indirect_dma semaphore(%arg17 : memref<!tpu.dma_semaphore, #tpu.memory_space<semaphore_mem>>) src(%dma_wait3A_387 : memref<10240x128xf32, #tpu.memory_space<hbm>>) dst(%arg14 : memref<128x128xf32, #tpu.memory_space<vmem>>)
      %dma_start3A_388 = arith.constant 7 : i32
      %dma_start3A_389 = arith.constant 0 : i32
      %dma_start3A_390 = tpu.memref_slice %arg10[%dma_start3A_388, %dma_start3A_389] : memref<8x128xi32, #tpu.memory_space<vmem>> -> memref<1x128xi32, #tpu.memory_space<vmem>>
      %dma_start3A_391 = tpu.memref_squeeze %dma_start3A_390 : memref<1x128xi32, #tpu.memory_space<vmem>> -> memref<128xi32, #tpu.memory_space<vmem>>
      %dma_start3A_392 = arith.constant 0 : i32
      %dma_start3A_393 = arith.constant 0 : i32
      %dma_start3A_394 = tpu.memref_slice %arg15[%dma_start3A_392, %dma_start3A_393] : memref<10240x128xf32, #tpu.memory_space<vmem_shared>> -> memref<10240x128xf32, #tpu.memory_space<vmem_shared>>
      tpu.enqueue_indirect_dma source(%arg14 : memref<128x128xf32, #tpu.memory_space<vmem>>) target(%dma_start3A_394 : memref<10240x128xf32, #tpu.memory_space<vmem_shared>>) offsets(%dma_start3A_391 : memref<128xi32, #tpu.memory_space<vmem>>) semaphore(%arg19 : memref<!tpu.dma_semaphore, #tpu.memory_space<semaphore_mem>>) {add = true}
      %dma_wait3A_395 = arith.constant 7 : i32
      %dma_wait3A_396 = arith.constant 0 : i32
      %dma_wait3A_397 = tpu.memref_slice %arg10[%dma_wait3A_395, %dma_wait3A_396] : memref<8x128xi32, #tpu.memory_space<vmem>> -> memref<1x128xi32, #tpu.memory_space<vmem>>
      %dma_wait3A_398 = tpu.memref_squeeze %dma_wait3A_397 : memref<1x128xi32, #tpu.memory_space<vmem>> -> memref<128xi32, #tpu.memory_space<vmem>>
      %dma_wait3A_399 = arith.constant 0 : i32
      %dma_wait3A_400 = arith.constant 0 : i32
      %dma_wait3A_401 = tpu.memref_slice %arg15[%dma_wait3A_399, %dma_wait3A_400] : memref<10240x128xf32, #tpu.memory_space<vmem_shared>> -> memref<10240x128xf32, #tpu.memory_space<vmem_shared>>
      tpu.wait_indirect_dma semaphore(%arg18 : memref<!tpu.dma_semaphore, #tpu.memory_space<semaphore_mem>>) src(%arg13 : memref<128x128xf32, #tpu.memory_space<vmem>>) dst(%dma_wait3A_401 : memref<10240x128xf32, #tpu.memory_space<vmem_shared>>)
      %dma_wait3A_402 = arith.constant 0 : i32
      %dma_wait3A_403 = arith.constant 0 : i32
      %dma_wait3A_404 = tpu.memref_slice %arg3[%dma_wait3A_402, %dma_wait3A_403] : memref<2560x128xi32, #tpu.memory_space<hbm>> -> memref<8x128xi32, #tpu.memory_space<hbm>>
      %dma_wait3A_405 = arith.constant 0 : i32
      %dma_wait3A_406 = arith.constant 0 : i32
      %dma_wait3A_407 = tpu.memref_slice %arg3[%dma_wait3A_405, %dma_wait3A_406] : memref<2560x128xi32, #tpu.memory_space<hbm>> -> memref<8x128xi32, #tpu.memory_space<hbm>>
      tpu.wait_dma2 semaphore(%arg21 : memref<!tpu.dma_semaphore, #tpu.memory_space<semaphore_mem>>) src(%dma_wait3A_407 : memref<8x128xi32, #tpu.memory_space<hbm>>) dst(%arg11 : memref<8x128xi32, #tpu.memory_space<vmem>>)
      %dma_wait3A_408 = arith.constant 0 : i32
      %dma_wait3A_409 = arith.constant 0 : i32
      %dma_wait3A_410 = tpu.memref_slice %arg4[%dma_wait3A_408, %dma_wait3A_409] : memref<2560x128xi32, #tpu.memory_space<hbm>> -> memref<8x128xi32, #tpu.memory_space<hbm>>
      %dma_wait3A_411 = arith.constant 0 : i32
      %dma_wait3A_412 = arith.constant 0 : i32
      %dma_wait3A_413 = tpu.memref_slice %arg4[%dma_wait3A_411, %dma_wait3A_412] : memref<2560x128xi32, #tpu.memory_space<hbm>> -> memref<8x128xi32, #tpu.memory_space<hbm>>
      tpu.wait_dma2 semaphore(%arg21 : memref<!tpu.dma_semaphore, #tpu.memory_space<semaphore_mem>>) src(%dma_wait3A_413 : memref<8x128xi32, #tpu.memory_space<hbm>>) dst(%arg12 : memref<8x128xi32, #tpu.memory_space<vmem>>)
      %dma_start3A_414 = arith.constant 0 : i32
      %dma_start3A_415 = arith.constant 0 : i32
      %dma_start3A_416 = tpu.memref_slice %arg11[%dma_start3A_414, %dma_start3A_415] : memref<8x128xi32, #tpu.memory_space<vmem>> -> memref<1x128xi32, #tpu.memory_space<vmem>>
      %dma_start3A_417 = tpu.memref_squeeze %dma_start3A_416 : memref<1x128xi32, #tpu.memory_space<vmem>> -> memref<128xi32, #tpu.memory_space<vmem>>
      %dma_start3A_418 = arith.constant 0 : i32
      %dma_start3A_419 = arith.constant 0 : i32
      %dma_start3A_420 = tpu.memref_slice %arg2[%arg0, %dma_start3A_418, %dma_start3A_419] : memref<2x10240x128xf32, #tpu.memory_space<hbm>> -> memref<1x10240x128xf32, #tpu.memory_space<hbm>>
      %dma_start3A_421 = tpu.memref_squeeze %dma_start3A_420 : memref<1x10240x128xf32, #tpu.memory_space<hbm>> -> memref<10240x128xf32, #tpu.memory_space<hbm>>
      %dma_start3A_422 = arith.constant 0 : i32
      %dma_start3A_423 = arith.constant 0 : i32
      %dma_start3A_424 = tpu.memref_slice %dma_start3A_421[%dma_start3A_422, %dma_start3A_423] : memref<10240x128xf32, #tpu.memory_space<hbm>> -> memref<10240x128xf32, #tpu.memory_space<hbm>>
      tpu.enqueue_indirect_dma source(%dma_start3A_424 : memref<10240x128xf32, #tpu.memory_space<hbm>>) target(%arg13 : memref<128x128xf32, #tpu.memory_space<vmem>>) offsets(%dma_start3A_417 : memref<128xi32, #tpu.memory_space<vmem>>) semaphore(%arg16 : memref<!tpu.dma_semaphore, #tpu.memory_space<semaphore_mem>>)
      %eq3A_425 = arith.constant 0 : i32
      %eq3A_426 = arith.cmpi eq, %arg0, %eq3A_425 : i32
      %convert_element_type3A_427 = arith.extui %eq3A_426 : i1 to i32
      %cond3A_428 = arith.constant 0 : i32
      %cond3A_429 = arith.cmpi ne, %convert_element_type3A_427, %cond3A_428 : i32
      scf.if %cond3A_429 {
        %get3A = arith.constant 7 : i32
        %get3A_805 = arith.index_cast %get3A : i32 to index
        %get3A_806 = arith.constant 0 : index
        %get3A_807 = tpu.vector_load %arg10[%get3A_805, %get3A_806] {strides = array<i32>} : memref<8x128xi32, #tpu.memory_space<vmem>>, vector<16xi32>,
        tpu.vector_store_idx %arg22[%get3A_807], %broadcast_in_dim3A_3 {add = true} : memref<10240xf32, #tpu.memory_space<vmem>>[vector<16xi32>], vector<16xf32>,
        %get3A_808 = arith.constant 7 : i32
        %get3A_809 = arith.index_cast %get3A_808 : i32 to index
        %get3A_810 = arith.constant 16 : index
        %get3A_811 = tpu.vector_load %arg10[%get3A_809, %get3A_810] {strides = array<i32>} : memref<8x128xi32, #tpu.memory_space<vmem>>, vector<16xi32>,
        tpu.vector_store_idx %arg22[%get3A_811], %broadcast_in_dim3A_3 {add = true} : memref<10240xf32, #tpu.memory_space<vmem>>[vector<16xi32>], vector<16xf32>,
        %get3A_812 = arith.constant 7 : i32
        %get3A_813 = arith.index_cast %get3A_812 : i32 to index
        %get3A_814 = arith.constant 32 : index
        %get3A_815 = tpu.vector_load %arg10[%get3A_813, %get3A_814] {strides = array<i32>} : memref<8x128xi32, #tpu.memory_space<vmem>>, vector<16xi32>,
        tpu.vector_store_idx %arg22[%get3A_815], %broadcast_in_dim3A_3 {add = true} : memref<10240xf32, #tpu.memory_space<vmem>>[vector<16xi32>], vector<16xf32>,
        %get3A_816 = arith.constant 7 : i32
        %get3A_817 = arith.index_cast %get3A_816 : i32 to index
        %get3A_818 = arith.constant 48 : index
        %get3A_819 = tpu.vector_load %arg10[%get3A_817, %get3A_818] {strides = array<i32>} : memref<8x128xi32, #tpu.memory_space<vmem>>, vector<16xi32>,
        tpu.vector_store_idx %arg22[%get3A_819], %broadcast_in_dim3A_3 {add = true} : memref<10240xf32, #tpu.memory_space<vmem>>[vector<16xi32>], vector<16xf32>,
        %get3A_820 = arith.constant 7 : i32
        %get3A_821 = arith.index_cast %get3A_820 : i32 to index
        %get3A_822 = arith.constant 64 : index
        %get3A_823 = tpu.vector_load %arg10[%get3A_821, %get3A_822] {strides = array<i32>} : memref<8x128xi32, #tpu.memory_space<vmem>>, vector<16xi32>,
        tpu.vector_store_idx %arg22[%get3A_823], %broadcast_in_dim3A_3 {add = true} : memref<10240xf32, #tpu.memory_space<vmem>>[vector<16xi32>], vector<16xf32>,
        %get3A_824 = arith.constant 7 : i32
        %get3A_825 = arith.index_cast %get3A_824 : i32 to index
        %get3A_826 = arith.constant 80 : index
        %get3A_827 = tpu.vector_load %arg10[%get3A_825, %get3A_826] {strides = array<i32>} : memref<8x128xi32, #tpu.memory_space<vmem>>, vector<16xi32>,
        tpu.vector_store_idx %arg22[%get3A_827], %broadcast_in_dim3A_3 {add = true} : memref<10240xf32, #tpu.memory_space<vmem>>[vector<16xi32>], vector<16xf32>,
        %get3A_828 = arith.constant 7 : i32
        %get3A_829 = arith.index_cast %get3A_828 : i32 to index
        %get3A_830 = arith.constant 96 : index
        %get3A_831 = tpu.vector_load %arg10[%get3A_829, %get3A_830] {strides = array<i32>} : memref<8x128xi32, #tpu.memory_space<vmem>>, vector<16xi32>,
        tpu.vector_store_idx %arg22[%get3A_831], %broadcast_in_dim3A_3 {add = true} : memref<10240xf32, #tpu.memory_space<vmem>>[vector<16xi32>], vector<16xf32>,
        %get3A_832 = arith.constant 7 : i32
        %get3A_833 = arith.index_cast %get3A_832 : i32 to index
        %get3A_834 = arith.constant 112 : index
        %get3A_835 = tpu.vector_load %arg10[%get3A_833, %get3A_834] {strides = array<i32>} : memref<8x128xi32, #tpu.memory_space<vmem>>, vector<16xi32>,
        tpu.vector_store_idx %arg22[%get3A_835], %broadcast_in_dim3A_3 {add = true} : memref<10240xf32, #tpu.memory_space<vmem>>[vector<16xi32>], vector<16xf32>,
      } else {
      }
      %mul3A_430 = arith.constant 2 : i32
      %mul3A_431 = arith.muli %mul3A_430, %scan3A_92 : i32
      %add3A_432 = arith.constant 2 : i32
      %add3A_433 = arith.addi %mul3A_431, %add3A_432 : i32
      %min3A = arith.constant 19 : i32
      %min3A_434 = arith.minsi %add3A_433, %min3A : i32
      %add3A_435 = arith.addi %mul3A_2, %min3A_434 : i32
      %mul3A_436 = arith.constant 8 : i32
      %mul3A_437 = arith.muli %add3A_435, %mul3A_436 : i32
      %multiple_of3A_438 = tpu.assume_multiple %mul3A_437, 8 : i32
      %dma_start3A_439 = arith.constant 0 : i32
      %dma_start3A_440 = tpu.memref_slice %arg3[%multiple_of3A_438, %dma_start3A_439] : memref<2560x128xi32, #tpu.memory_space<hbm>> -> memref<8x128xi32, #tpu.memory_space<hbm>>
      %dma_start3A_441 = arith.constant 0 : i32
      %dma_start3A_442 = tpu.memref_slice %arg3[%multiple_of3A_438, %dma_start3A_441] : memref<2560x128xi32, #tpu.memory_space<hbm>> -> memref<8x128xi32, #tpu.memory_space<hbm>>
      tpu.enqueue_dma source(%dma_start3A_442 : memref<8x128xi32, #tpu.memory_space<hbm>>) target(%arg9 : memref<8x128xi32, #tpu.memory_space<vmem>>) target_semaphore(%arg20 : memref<!tpu.dma_semaphore, #tpu.memory_space<semaphore_mem>>)
      %dma_start3A_443 = arith.constant 0 : i32
      %dma_start3A_444 = tpu.memref_slice %arg4[%multiple_of3A_438, %dma_start3A_443] : memref<2560x128xi32, #tpu.memory_space<hbm>> -> memref<8x128xi32, #tpu.memory_space<hbm>>
      %dma_start3A_445 = arith.constant 0 : i32
      %dma_start3A_446 = tpu.memref_slice %arg4[%multiple_of3A_438, %dma_start3A_445] : memref<2560x128xi32, #tpu.memory_space<hbm>> -> memref<8x128xi32, #tpu.memory_space<hbm>>
      tpu.enqueue_dma source(%dma_start3A_446 : memref<8x128xi32, #tpu.memory_space<hbm>>) target(%arg10 : memref<8x128xi32, #tpu.memory_space<vmem>>) target_semaphore(%arg20 : memref<!tpu.dma_semaphore, #tpu.memory_space<semaphore_mem>>)
      %dma_wait3A_447 = arith.constant 0 : i32
      %dma_wait3A_448 = arith.constant 0 : i32
      %dma_wait3A_449 = tpu.memref_slice %arg11[%dma_wait3A_447, %dma_wait3A_448] : memref<8x128xi32, #tpu.memory_space<vmem>> -> memref<1x128xi32, #tpu.memory_space<vmem>>
      %dma_wait3A_450 = tpu.memref_squeeze %dma_wait3A_449 : memref<1x128xi32, #tpu.memory_space<vmem>> -> memref<128xi32, #tpu.memory_space<vmem>>
      %dma_wait3A_451 = arith.constant 0 : i32
      %dma_wait3A_452 = arith.constant 0 : i32
      %dma_wait3A_453 = tpu.memref_slice %arg2[%arg0, %dma_wait3A_451, %dma_wait3A_452] : memref<2x10240x128xf32, #tpu.memory_space<hbm>> -> memref<1x10240x128xf32, #tpu.memory_space<hbm>>
      %dma_wait3A_454 = tpu.memref_squeeze %dma_wait3A_453 : memref<1x10240x128xf32, #tpu.memory_space<hbm>> -> memref<10240x128xf32, #tpu.memory_space<hbm>>
      %dma_wait3A_455 = arith.constant 0 : i32
      %dma_wait3A_456 = arith.constant 0 : i32
      %dma_wait3A_457 = tpu.memref_slice %dma_wait3A_454[%dma_wait3A_455, %dma_wait3A_456] : memref<10240x128xf32, #tpu.memory_space<hbm>> -> memref<10240x128xf32, #tpu.memory_space<hbm>>
      tpu.wait_indirect_dma semaphore(%arg16 : memref<!tpu.dma_semaphore, #tpu.memory_space<semaphore_mem>>) src(%dma_wait3A_457 : memref<10240x128xf32, #tpu.memory_space<hbm>>) dst(%arg13 : memref<128x128xf32, #tpu.memory_space<vmem>>)
      %dma_start3A_458 = arith.constant 0 : i32
      %dma_start3A_459 = arith.constant 0 : i32
      %dma_start3A_460 = tpu.memref_slice %arg12[%dma_start3A_458, %dma_start3A_459] : memref<8x128xi32, #tpu.memory_space<vmem>> -> memref<1x128xi32, #tpu.memory_space<vmem>>
      %dma_start3A_461 = tpu.memref_squeeze %dma_start3A_460 : memref<1x128xi32, #tpu.memory_space<vmem>> -> memref<128xi32, #tpu.memory_space<vmem>>
      %dma_start3A_462 = arith.constant 0 : i32
      %dma_start3A_463 = arith.constant 0 : i32
      %dma_start3A_464 = tpu.memref_slice %arg15[%dma_start3A_462, %dma_start3A_463] : memref<10240x128xf32, #tpu.memory_space<vmem_shared>> -> memref<10240x128xf32, #tpu.memory_space<vmem_shared>>
      tpu.enqueue_indirect_dma source(%arg13 : memref<128x128xf32, #tpu.memory_space<vmem>>) target(%dma_start3A_464 : memref<10240x128xf32, #tpu.memory_space<vmem_shared>>) offsets(%dma_start3A_461 : memref<128xi32, #tpu.memory_space<vmem>>) semaphore(%arg18 : memref<!tpu.dma_semaphore, #tpu.memory_space<semaphore_mem>>) {add = true}
      %dma_wait3A_465 = arith.constant 0 : i32
      %dma_wait3A_466 = arith.constant 0 : i32
      %dma_wait3A_467 = tpu.memref_slice %arg12[%dma_wait3A_465, %dma_wait3A_466] : memref<8x128xi32, #tpu.memory_space<vmem>> -> memref<1x128xi32, #tpu.memory_space<vmem>>
      %dma_wait3A_468 = tpu.memref_squeeze %dma_wait3A_467 : memref<1x128xi32, #tpu.memory_space<vmem>> -> memref<128xi32, #tpu.memory_space<vmem>>
      %dma_wait3A_469 = arith.constant 0 : i32
      %dma_wait3A_470 = arith.constant 0 : i32
      %dma_wait3A_471 = tpu.memref_slice %arg15[%dma_wait3A_469, %dma_wait3A_470] : memref<10240x128xf32, #tpu.memory_space<vmem_shared>> -> memref<10240x128xf32, #tpu.memory_space<vmem_shared>>
      tpu.wait_indirect_dma semaphore(%arg19 : memref<!tpu.dma_semaphore, #tpu.memory_space<semaphore_mem>>) src(%arg14 : memref<128x128xf32, #tpu.memory_space<vmem>>) dst(%dma_wait3A_471 : memref<10240x128xf32, #tpu.memory_space<vmem_shared>>)
      %dma_start3A_472 = arith.constant 1 : i32
      %dma_start3A_473 = arith.constant 0 : i32
      %dma_start3A_474 = tpu.memref_slice %arg11[%dma_start3A_472, %dma_start3A_473] : memref<8x128xi32, #tpu.memory_space<vmem>> -> memref<1x128xi32, #tpu.memory_space<vmem>>
      %dma_start3A_475 = tpu.memref_squeeze %dma_start3A_474 : memref<1x128xi32, #tpu.memory_space<vmem>> -> memref<128xi32, #tpu.memory_space<vmem>>
      %dma_start3A_476 = arith.constant 0 : i32
      %dma_start3A_477 = arith.constant 0 : i32
      %dma_start3A_478 = tpu.memref_slice %arg2[%arg0, %dma_start3A_476, %dma_start3A_477] : memref<2x10240x128xf32, #tpu.memory_space<hbm>> -> memref<1x10240x128xf32, #tpu.memory_space<hbm>>
      %dma_start3A_479 = tpu.memref_squeeze %dma_start3A_478 : memref<1x10240x128xf32, #tpu.memory_space<hbm>> -> memref<10240x128xf32, #tpu.memory_space<hbm>>
      %dma_start3A_480 = arith.constant 0 : i32
      %dma_start3A_481 = arith.constant 0 : i32
      %dma_start3A_482 = tpu.memref_slice %dma_start3A_479[%dma_start3A_480, %dma_start3A_481] : memref<10240x128xf32, #tpu.memory_space<hbm>> -> memref<10240x128xf32, #tpu.memory_space<hbm>>
      tpu.enqueue_indirect_dma source(%dma_start3A_482 : memref<10240x128xf32, #tpu.memory_space<hbm>>) target(%arg14 : memref<128x128xf32, #tpu.memory_space<vmem>>) offsets(%dma_start3A_475 : memref<128xi32, #tpu.memory_space<vmem>>) semaphore(%arg17 : memref<!tpu.dma_semaphore, #tpu.memory_space<semaphore_mem>>)
      %eq3A_483 = arith.constant 1 : i32
      %eq3A_484 = arith.cmpi eq, %arg0, %eq3A_483 : i32
      %convert_element_type3A_485 = arith.extui %eq3A_484 : i1 to i32
      %cond3A_486 = arith.constant 0 : i32
      %cond3A_487 = arith.cmpi ne, %convert_element_type3A_485, %cond3A_486 : i32
      scf.if %cond3A_487 {
        %get3A = arith.constant 0 : i32
        %get3A_805 = arith.index_cast %get3A : i32 to index
        %get3A_806 = arith.constant 0 : index
        %get3A_807 = tpu.vector_load %arg12[%get3A_805, %get3A_806] {strides = array<i32>} : memref<8x128xi32, #tpu.memory_space<vmem>>, vector<16xi32>,
        tpu.vector_store_idx %arg22[%get3A_807], %broadcast_in_dim3A_3 {add = true} : memref<10240xf32, #tpu.memory_space<vmem>>[vector<16xi32>], vector<16xf32>,
        %get3A_808 = arith.constant 0 : i32
        %get3A_809 = arith.index_cast %get3A_808 : i32 to index
        %get3A_810 = arith.constant 16 : index
        %get3A_811 = tpu.vector_load %arg12[%get3A_809, %get3A_810] {strides = array<i32>} : memref<8x128xi32, #tpu.memory_space<vmem>>, vector<16xi32>,
        tpu.vector_store_idx %arg22[%get3A_811], %broadcast_in_dim3A_3 {add = true} : memref<10240xf32, #tpu.memory_space<vmem>>[vector<16xi32>], vector<16xf32>,
        %get3A_812 = arith.constant 0 : i32
        %get3A_813 = arith.index_cast %get3A_812 : i32 to index
        %get3A_814 = arith.constant 32 : index
        %get3A_815 = tpu.vector_load %arg12[%get3A_813, %get3A_814] {strides = array<i32>} : memref<8x128xi32, #tpu.memory_space<vmem>>, vector<16xi32>,
        tpu.vector_store_idx %arg22[%get3A_815], %broadcast_in_dim3A_3 {add = true} : memref<10240xf32, #tpu.memory_space<vmem>>[vector<16xi32>], vector<16xf32>,
        %get3A_816 = arith.constant 0 : i32
        %get3A_817 = arith.index_cast %get3A_816 : i32 to index
        %get3A_818 = arith.constant 48 : index
        %get3A_819 = tpu.vector_load %arg12[%get3A_817, %get3A_818] {strides = array<i32>} : memref<8x128xi32, #tpu.memory_space<vmem>>, vector<16xi32>,
        tpu.vector_store_idx %arg22[%get3A_819], %broadcast_in_dim3A_3 {add = true} : memref<10240xf32, #tpu.memory_space<vmem>>[vector<16xi32>], vector<16xf32>,
        %get3A_820 = arith.constant 0 : i32
        %get3A_821 = arith.index_cast %get3A_820 : i32 to index
        %get3A_822 = arith.constant 64 : index
        %get3A_823 = tpu.vector_load %arg12[%get3A_821, %get3A_822] {strides = array<i32>} : memref<8x128xi32, #tpu.memory_space<vmem>>, vector<16xi32>,
        tpu.vector_store_idx %arg22[%get3A_823], %broadcast_in_dim3A_3 {add = true} : memref<10240xf32, #tpu.memory_space<vmem>>[vector<16xi32>], vector<16xf32>,
        %get3A_824 = arith.constant 0 : i32
        %get3A_825 = arith.index_cast %get3A_824 : i32 to index
        %get3A_826 = arith.constant 80 : index
        %get3A_827 = tpu.vector_load %arg12[%get3A_825, %get3A_826] {strides = array<i32>} : memref<8x128xi32, #tpu.memory_space<vmem>>, vector<16xi32>,
        tpu.vector_store_idx %arg22[%get3A_827], %broadcast_in_dim3A_3 {add = true} : memref<10240xf32, #tpu.memory_space<vmem>>[vector<16xi32>], vector<16xf32>,
        %get3A_828 = arith.constant 0 : i32
        %get3A_829 = arith.index_cast %get3A_828 : i32 to index
        %get3A_830 = arith.constant 96 : index
        %get3A_831 = tpu.vector_load %arg12[%get3A_829, %get3A_830] {strides = array<i32>} : memref<8x128xi32, #tpu.memory_space<vmem>>, vector<16xi32>,
        tpu.vector_store_idx %arg22[%get3A_831], %broadcast_in_dim3A_3 {add = true} : memref<10240xf32, #tpu.memory_space<vmem>>[vector<16xi32>], vector<16xf32>,
        %get3A_832 = arith.constant 0 : i32
        %get3A_833 = arith.index_cast %get3A_832 : i32 to index
        %get3A_834 = arith.constant 112 : index
        %get3A_835 = tpu.vector_load %arg12[%get3A_833, %get3A_834] {strides = array<i32>} : memref<8x128xi32, #tpu.memory_space<vmem>>, vector<16xi32>,
        tpu.vector_store_idx %arg22[%get3A_835], %broadcast_in_dim3A_3 {add = true} : memref<10240xf32, #tpu.memory_space<vmem>>[vector<16xi32>], vector<16xf32>,
      } else {
      }
      %dma_wait3A_488 = arith.constant 1 : i32
      %dma_wait3A_489 = arith.constant 0 : i32
      %dma_wait3A_490 = tpu.memref_slice %arg11[%dma_wait3A_488, %dma_wait3A_489] : memref<8x128xi32, #tpu.memory_space<vmem>> -> memref<1x128xi32, #tpu.memory_space<vmem>>
      %dma_wait3A_491 = tpu.memref_squeeze %dma_wait3A_490 : memref<1x128xi32, #tpu.memory_space<vmem>> -> memref<128xi32, #tpu.memory_space<vmem>>
      %dma_wait3A_492 = arith.constant 0 : i32
      %dma_wait3A_493 = arith.constant 0 : i32
      %dma_wait3A_494 = tpu.memref_slice %arg2[%arg0, %dma_wait3A_492, %dma_wait3A_493] : memref<2x10240x128xf32, #tpu.memory_space<hbm>> -> memref<1x10240x128xf32, #tpu.memory_space<hbm>>
      %dma_wait3A_495 = tpu.memref_squeeze %dma_wait3A_494 : memref<1x10240x128xf32, #tpu.memory_space<hbm>> -> memref<10240x128xf32, #tpu.memory_space<hbm>>
      %dma_wait3A_496 = arith.constant 0 : i32
      %dma_wait3A_497 = arith.constant 0 : i32
      %dma_wait3A_498 = tpu.memref_slice %dma_wait3A_495[%dma_wait3A_496, %dma_wait3A_497] : memref<10240x128xf32, #tpu.memory_space<hbm>> -> memref<10240x128xf32, #tpu.memory_space<hbm>>
      tpu.wait_indirect_dma semaphore(%arg17 : memref<!tpu.dma_semaphore, #tpu.memory_space<semaphore_mem>>) src(%dma_wait3A_498 : memref<10240x128xf32, #tpu.memory_space<hbm>>) dst(%arg14 : memref<128x128xf32, #tpu.memory_space<vmem>>)
      %dma_start3A_499 = arith.constant 1 : i32
      %dma_start3A_500 = arith.constant 0 : i32
      %dma_start3A_501 = tpu.memref_slice %arg12[%dma_start3A_499, %dma_start3A_500] : memref<8x128xi32, #tpu.memory_space<vmem>> -> memref<1x128xi32, #tpu.memory_space<vmem>>
      %dma_start3A_502 = tpu.memref_squeeze %dma_start3A_501 : memref<1x128xi32, #tpu.memory_space<vmem>> -> memref<128xi32, #tpu.memory_space<vmem>>
      %dma_start3A_503 = arith.constant 0 : i32
      %dma_start3A_504 = arith.constant 0 : i32
      %dma_start3A_505 = tpu.memref_slice %arg15[%dma_start3A_503, %dma_start3A_504] : memref<10240x128xf32, #tpu.memory_space<vmem_shared>> -> memref<10240x128xf32, #tpu.memory_space<vmem_shared>>
      tpu.enqueue_indirect_dma source(%arg14 : memref<128x128xf32, #tpu.memory_space<vmem>>) target(%dma_start3A_505 : memref<10240x128xf32, #tpu.memory_space<vmem_shared>>) offsets(%dma_start3A_502 : memref<128xi32, #tpu.memory_space<vmem>>) semaphore(%arg19 : memref<!tpu.dma_semaphore, #tpu.memory_space<semaphore_mem>>) {add = true}
      %dma_wait3A_506 = arith.constant 1 : i32
      %dma_wait3A_507 = arith.constant 0 : i32
      %dma_wait3A_508 = tpu.memref_slice %arg12[%dma_wait3A_506, %dma_wait3A_507] : memref<8x128xi32, #tpu.memory_space<vmem>> -> memref<1x128xi32, #tpu.memory_space<vmem>>
      %dma_wait3A_509 = tpu.memref_squeeze %dma_wait3A_508 : memref<1x128xi32, #tpu.memory_space<vmem>> -> memref<128xi32, #tpu.memory_space<vmem>>
      %dma_wait3A_510 = arith.constant 0 : i32
      %dma_wait3A_511 = arith.constant 0 : i32
      %dma_wait3A_512 = tpu.memref_slice %arg15[%dma_wait3A_510, %dma_wait3A_511] : memref<10240x128xf32, #tpu.memory_space<vmem_shared>> -> memref<10240x128xf32, #tpu.memory_space<vmem_shared>>
      tpu.wait_indirect_dma semaphore(%arg18 : memref<!tpu.dma_semaphore, #tpu.memory_space<semaphore_mem>>) src(%arg13 : memref<128x128xf32, #tpu.memory_space<vmem>>) dst(%dma_wait3A_512 : memref<10240x128xf32, #tpu.memory_space<vmem_shared>>)
      %dma_start3A_513 = arith.constant 2 : i32
      %dma_start3A_514 = arith.constant 0 : i32
      %dma_start3A_515 = tpu.memref_slice %arg11[%dma_start3A_513, %dma_start3A_514] : memref<8x128xi32, #tpu.memory_space<vmem>> -> memref<1x128xi32, #tpu.memory_space<vmem>>
      %dma_start3A_516 = tpu.memref_squeeze %dma_start3A_515 : memref<1x128xi32, #tpu.memory_space<vmem>> -> memref<128xi32, #tpu.memory_space<vmem>>
      %dma_start3A_517 = arith.constant 0 : i32
      %dma_start3A_518 = arith.constant 0 : i32
      %dma_start3A_519 = tpu.memref_slice %arg2[%arg0, %dma_start3A_517, %dma_start3A_518] : memref<2x10240x128xf32, #tpu.memory_space<hbm>> -> memref<1x10240x128xf32, #tpu.memory_space<hbm>>
      %dma_start3A_520 = tpu.memref_squeeze %dma_start3A_519 : memref<1x10240x128xf32, #tpu.memory_space<hbm>> -> memref<10240x128xf32, #tpu.memory_space<hbm>>
      %dma_start3A_521 = arith.constant 0 : i32
      %dma_start3A_522 = arith.constant 0 : i32
      %dma_start3A_523 = tpu.memref_slice %dma_start3A_520[%dma_start3A_521, %dma_start3A_522] : memref<10240x128xf32, #tpu.memory_space<hbm>> -> memref<10240x128xf32, #tpu.memory_space<hbm>>
      tpu.enqueue_indirect_dma source(%dma_start3A_523 : memref<10240x128xf32, #tpu.memory_space<hbm>>) target(%arg13 : memref<128x128xf32, #tpu.memory_space<vmem>>) offsets(%dma_start3A_516 : memref<128xi32, #tpu.memory_space<vmem>>) semaphore(%arg16 : memref<!tpu.dma_semaphore, #tpu.memory_space<semaphore_mem>>)
      %eq3A_524 = arith.constant 1 : i32
      %eq3A_525 = arith.cmpi eq, %arg0, %eq3A_524 : i32
      %convert_element_type3A_526 = arith.extui %eq3A_525 : i1 to i32
      %cond3A_527 = arith.constant 0 : i32
      %cond3A_528 = arith.cmpi ne, %convert_element_type3A_526, %cond3A_527 : i32
      scf.if %cond3A_528 {
        %get3A = arith.constant 1 : i32
        %get3A_805 = arith.index_cast %get3A : i32 to index
        %get3A_806 = arith.constant 0 : index
        %get3A_807 = tpu.vector_load %arg12[%get3A_805, %get3A_806] {strides = array<i32>} : memref<8x128xi32, #tpu.memory_space<vmem>>, vector<16xi32>,
        tpu.vector_store_idx %arg22[%get3A_807], %broadcast_in_dim3A_3 {add = true} : memref<10240xf32, #tpu.memory_space<vmem>>[vector<16xi32>], vector<16xf32>,
        %get3A_808 = arith.constant 1 : i32
        %get3A_809 = arith.index_cast %get3A_808 : i32 to index
        %get3A_810 = arith.constant 16 : index
        %get3A_811 = tpu.vector_load %arg12[%get3A_809, %get3A_810] {strides = array<i32>} : memref<8x128xi32, #tpu.memory_space<vmem>>, vector<16xi32>,
        tpu.vector_store_idx %arg22[%get3A_811], %broadcast_in_dim3A_3 {add = true} : memref<10240xf32, #tpu.memory_space<vmem>>[vector<16xi32>], vector<16xf32>,
        %get3A_812 = arith.constant 1 : i32
        %get3A_813 = arith.index_cast %get3A_812 : i32 to index
        %get3A_814 = arith.constant 32 : index
        %get3A_815 = tpu.vector_load %arg12[%get3A_813, %get3A_814] {strides = array<i32>} : memref<8x128xi32, #tpu.memory_space<vmem>>, vector<16xi32>,
        tpu.vector_store_idx %arg22[%get3A_815], %broadcast_in_dim3A_3 {add = true} : memref<10240xf32, #tpu.memory_space<vmem>>[vector<16xi32>], vector<16xf32>,
        %get3A_816 = arith.constant 1 : i32
        %get3A_817 = arith.index_cast %get3A_816 : i32 to index
        %get3A_818 = arith.constant 48 : index
        %get3A_819 = tpu.vector_load %arg12[%get3A_817, %get3A_818] {strides = array<i32>} : memref<8x128xi32, #tpu.memory_space<vmem>>, vector<16xi32>,
        tpu.vector_store_idx %arg22[%get3A_819], %broadcast_in_dim3A_3 {add = true} : memref<10240xf32, #tpu.memory_space<vmem>>[vector<16xi32>], vector<16xf32>,
        %get3A_820 = arith.constant 1 : i32
        %get3A_821 = arith.index_cast %get3A_820 : i32 to index
        %get3A_822 = arith.constant 64 : index
        %get3A_823 = tpu.vector_load %arg12[%get3A_821, %get3A_822] {strides = array<i32>} : memref<8x128xi32, #tpu.memory_space<vmem>>, vector<16xi32>,
        tpu.vector_store_idx %arg22[%get3A_823], %broadcast_in_dim3A_3 {add = true} : memref<10240xf32, #tpu.memory_space<vmem>>[vector<16xi32>], vector<16xf32>,
        %get3A_824 = arith.constant 1 : i32
        %get3A_825 = arith.index_cast %get3A_824 : i32 to index
        %get3A_826 = arith.constant 80 : index
        %get3A_827 = tpu.vector_load %arg12[%get3A_825, %get3A_826] {strides = array<i32>} : memref<8x128xi32, #tpu.memory_space<vmem>>, vector<16xi32>,
        tpu.vector_store_idx %arg22[%get3A_827], %broadcast_in_dim3A_3 {add = true} : memref<10240xf32, #tpu.memory_space<vmem>>[vector<16xi32>], vector<16xf32>,
        %get3A_828 = arith.constant 1 : i32
        %get3A_829 = arith.index_cast %get3A_828 : i32 to index
        %get3A_830 = arith.constant 96 : index
        %get3A_831 = tpu.vector_load %arg12[%get3A_829, %get3A_830] {strides = array<i32>} : memref<8x128xi32, #tpu.memory_space<vmem>>, vector<16xi32>,
        tpu.vector_store_idx %arg22[%get3A_831], %broadcast_in_dim3A_3 {add = true} : memref<10240xf32, #tpu.memory_space<vmem>>[vector<16xi32>], vector<16xf32>,
        %get3A_832 = arith.constant 1 : i32
        %get3A_833 = arith.index_cast %get3A_832 : i32 to index
        %get3A_834 = arith.constant 112 : index
        %get3A_835 = tpu.vector_load %arg12[%get3A_833, %get3A_834] {strides = array<i32>} : memref<8x128xi32, #tpu.memory_space<vmem>>, vector<16xi32>,
        tpu.vector_store_idx %arg22[%get3A_835], %broadcast_in_dim3A_3 {add = true} : memref<10240xf32, #tpu.memory_space<vmem>>[vector<16xi32>], vector<16xf32>,
      } else {
      }
      %dma_wait3A_529 = arith.constant 2 : i32
      %dma_wait3A_530 = arith.constant 0 : i32
      %dma_wait3A_531 = tpu.memref_slice %arg11[%dma_wait3A_529, %dma_wait3A_530] : memref<8x128xi32, #tpu.memory_space<vmem>> -> memref<1x128xi32, #tpu.memory_space<vmem>>
      %dma_wait3A_532 = tpu.memref_squeeze %dma_wait3A_531 : memref<1x128xi32, #tpu.memory_space<vmem>> -> memref<128xi32, #tpu.memory_space<vmem>>
      %dma_wait3A_533 = arith.constant 0 : i32
      %dma_wait3A_534 = arith.constant 0 : i32
      %dma_wait3A_535 = tpu.memref_slice %arg2[%arg0, %dma_wait3A_533, %dma_wait3A_534] : memref<2x10240x128xf32, #tpu.memory_space<hbm>> -> memref<1x10240x128xf32, #tpu.memory_space<hbm>>
      %dma_wait3A_536 = tpu.memref_squeeze %dma_wait3A_535 : memref<1x10240x128xf32, #tpu.memory_space<hbm>> -> memref<10240x128xf32, #tpu.memory_space<hbm>>
      %dma_wait3A_537 = arith.constant 0 : i32
      %dma_wait3A_538 = arith.constant 0 : i32
      %dma_wait3A_539 = tpu.memref_slice %dma_wait3A_536[%dma_wait3A_537, %dma_wait3A_538] : memref<10240x128xf32, #tpu.memory_space<hbm>> -> memref<10240x128xf32, #tpu.memory_space<hbm>>
      tpu.wait_indirect_dma semaphore(%arg16 : memref<!tpu.dma_semaphore, #tpu.memory_space<semaphore_mem>>) src(%dma_wait3A_539 : memref<10240x128xf32, #tpu.memory_space<hbm>>) dst(%arg13 : memref<128x128xf32, #tpu.memory_space<vmem>>)
      %dma_start3A_540 = arith.constant 2 : i32
      %dma_start3A_541 = arith.constant 0 : i32
      %dma_start3A_542 = tpu.memref_slice %arg12[%dma_start3A_540, %dma_start3A_541] : memref<8x128xi32, #tpu.memory_space<vmem>> -> memref<1x128xi32, #tpu.memory_space<vmem>>
      %dma_start3A_543 = tpu.memref_squeeze %dma_start3A_542 : memref<1x128xi32, #tpu.memory_space<vmem>> -> memref<128xi32, #tpu.memory_space<vmem>>
      %dma_start3A_544 = arith.constant 0 : i32
      %dma_start3A_545 = arith.constant 0 : i32
      %dma_start3A_546 = tpu.memref_slice %arg15[%dma_start3A_544, %dma_start3A_545] : memref<10240x128xf32, #tpu.memory_space<vmem_shared>> -> memref<10240x128xf32, #tpu.memory_space<vmem_shared>>
      tpu.enqueue_indirect_dma source(%arg13 : memref<128x128xf32, #tpu.memory_space<vmem>>) target(%dma_start3A_546 : memref<10240x128xf32, #tpu.memory_space<vmem_shared>>) offsets(%dma_start3A_543 : memref<128xi32, #tpu.memory_space<vmem>>) semaphore(%arg18 : memref<!tpu.dma_semaphore, #tpu.memory_space<semaphore_mem>>) {add = true}
      %dma_wait3A_547 = arith.constant 2 : i32
      %dma_wait3A_548 = arith.constant 0 : i32
      %dma_wait3A_549 = tpu.memref_slice %arg12[%dma_wait3A_547, %dma_wait3A_548] : memref<8x128xi32, #tpu.memory_space<vmem>> -> memref<1x128xi32, #tpu.memory_space<vmem>>
      %dma_wait3A_550 = tpu.memref_squeeze %dma_wait3A_549 : memref<1x128xi32, #tpu.memory_space<vmem>> -> memref<128xi32, #tpu.memory_space<vmem>>
      %dma_wait3A_551 = arith.constant 0 : i32
      %dma_wait3A_552 = arith.constant 0 : i32
      %dma_wait3A_553 = tpu.memref_slice %arg15[%dma_wait3A_551, %dma_wait3A_552] : memref<10240x128xf32, #tpu.memory_space<vmem_shared>> -> memref<10240x128xf32, #tpu.memory_space<vmem_shared>>
      tpu.wait_indirect_dma semaphore(%arg19 : memref<!tpu.dma_semaphore, #tpu.memory_space<semaphore_mem>>) src(%arg14 : memref<128x128xf32, #tpu.memory_space<vmem>>) dst(%dma_wait3A_553 : memref<10240x128xf32, #tpu.memory_space<vmem_shared>>)
      %dma_start3A_554 = arith.constant 3 : i32
      %dma_start3A_555 = arith.constant 0 : i32
      %dma_start3A_556 = tpu.memref_slice %arg11[%dma_start3A_554, %dma_start3A_555] : memref<8x128xi32, #tpu.memory_space<vmem>> -> memref<1x128xi32, #tpu.memory_space<vmem>>
      %dma_start3A_557 = tpu.memref_squeeze %dma_start3A_556 : memref<1x128xi32, #tpu.memory_space<vmem>> -> memref<128xi32, #tpu.memory_space<vmem>>
      %dma_start3A_558 = arith.constant 0 : i32
      %dma_start3A_559 = arith.constant 0 : i32
      %dma_start3A_560 = tpu.memref_slice %arg2[%arg0, %dma_start3A_558, %dma_start3A_559] : memref<2x10240x128xf32, #tpu.memory_space<hbm>> -> memref<1x10240x128xf32, #tpu.memory_space<hbm>>
      %dma_start3A_561 = tpu.memref_squeeze %dma_start3A_560 : memref<1x10240x128xf32, #tpu.memory_space<hbm>> -> memref<10240x128xf32, #tpu.memory_space<hbm>>
      %dma_start3A_562 = arith.constant 0 : i32
      %dma_start3A_563 = arith.constant 0 : i32
      %dma_start3A_564 = tpu.memref_slice %dma_start3A_561[%dma_start3A_562, %dma_start3A_563] : memref<10240x128xf32, #tpu.memory_space<hbm>> -> memref<10240x128xf32, #tpu.memory_space<hbm>>
      tpu.enqueue_indirect_dma source(%dma_start3A_564 : memref<10240x128xf32, #tpu.memory_space<hbm>>) target(%arg14 : memref<128x128xf32, #tpu.memory_space<vmem>>) offsets(%dma_start3A_557 : memref<128xi32, #tpu.memory_space<vmem>>) semaphore(%arg17 : memref<!tpu.dma_semaphore, #tpu.memory_space<semaphore_mem>>)
      %eq3A_565 = arith.constant 1 : i32
      %eq3A_566 = arith.cmpi eq, %arg0, %eq3A_565 : i32
      %convert_element_type3A_567 = arith.extui %eq3A_566 : i1 to i32
      %cond3A_568 = arith.constant 0 : i32
      %cond3A_569 = arith.cmpi ne, %convert_element_type3A_567, %cond3A_568 : i32
      scf.if %cond3A_569 {
        %get3A = arith.constant 2 : i32
        %get3A_805 = arith.index_cast %get3A : i32 to index
        %get3A_806 = arith.constant 0 : index
        %get3A_807 = tpu.vector_load %arg12[%get3A_805, %get3A_806] {strides = array<i32>} : memref<8x128xi32, #tpu.memory_space<vmem>>, vector<16xi32>,
        tpu.vector_store_idx %arg22[%get3A_807], %broadcast_in_dim3A_3 {add = true} : memref<10240xf32, #tpu.memory_space<vmem>>[vector<16xi32>], vector<16xf32>,
        %get3A_808 = arith.constant 2 : i32
        %get3A_809 = arith.index_cast %get3A_808 : i32 to index
        %get3A_810 = arith.constant 16 : index
        %get3A_811 = tpu.vector_load %arg12[%get3A_809, %get3A_810] {strides = array<i32>} : memref<8x128xi32, #tpu.memory_space<vmem>>, vector<16xi32>,
        tpu.vector_store_idx %arg22[%get3A_811], %broadcast_in_dim3A_3 {add = true} : memref<10240xf32, #tpu.memory_space<vmem>>[vector<16xi32>], vector<16xf32>,
        %get3A_812 = arith.constant 2 : i32
        %get3A_813 = arith.index_cast %get3A_812 : i32 to index
        %get3A_814 = arith.constant 32 : index
        %get3A_815 = tpu.vector_load %arg12[%get3A_813, %get3A_814] {strides = array<i32>} : memref<8x128xi32, #tpu.memory_space<vmem>>, vector<16xi32>,
        tpu.vector_store_idx %arg22[%get3A_815], %broadcast_in_dim3A_3 {add = true} : memref<10240xf32, #tpu.memory_space<vmem>>[vector<16xi32>], vector<16xf32>,
        %get3A_816 = arith.constant 2 : i32
        %get3A_817 = arith.index_cast %get3A_816 : i32 to index
        %get3A_818 = arith.constant 48 : index
        %get3A_819 = tpu.vector_load %arg12[%get3A_817, %get3A_818] {strides = array<i32>} : memref<8x128xi32, #tpu.memory_space<vmem>>, vector<16xi32>,
        tpu.vector_store_idx %arg22[%get3A_819], %broadcast_in_dim3A_3 {add = true} : memref<10240xf32, #tpu.memory_space<vmem>>[vector<16xi32>], vector<16xf32>,
        %get3A_820 = arith.constant 2 : i32
        %get3A_821 = arith.index_cast %get3A_820 : i32 to index
        %get3A_822 = arith.constant 64 : index
        %get3A_823 = tpu.vector_load %arg12[%get3A_821, %get3A_822] {strides = array<i32>} : memref<8x128xi32, #tpu.memory_space<vmem>>, vector<16xi32>,
        tpu.vector_store_idx %arg22[%get3A_823], %broadcast_in_dim3A_3 {add = true} : memref<10240xf32, #tpu.memory_space<vmem>>[vector<16xi32>], vector<16xf32>,
        %get3A_824 = arith.constant 2 : i32
        %get3A_825 = arith.index_cast %get3A_824 : i32 to index
        %get3A_826 = arith.constant 80 : index
        %get3A_827 = tpu.vector_load %arg12[%get3A_825, %get3A_826] {strides = array<i32>} : memref<8x128xi32, #tpu.memory_space<vmem>>, vector<16xi32>,
        tpu.vector_store_idx %arg22[%get3A_827], %broadcast_in_dim3A_3 {add = true} : memref<10240xf32, #tpu.memory_space<vmem>>[vector<16xi32>], vector<16xf32>,
        %get3A_828 = arith.constant 2 : i32
        %get3A_829 = arith.index_cast %get3A_828 : i32 to index
        %get3A_830 = arith.constant 96 : index
        %get3A_831 = tpu.vector_load %arg12[%get3A_829, %get3A_830] {strides = array<i32>} : memref<8x128xi32, #tpu.memory_space<vmem>>, vector<16xi32>,
        tpu.vector_store_idx %arg22[%get3A_831], %broadcast_in_dim3A_3 {add = true} : memref<10240xf32, #tpu.memory_space<vmem>>[vector<16xi32>], vector<16xf32>,
        %get3A_832 = arith.constant 2 : i32
        %get3A_833 = arith.index_cast %get3A_832 : i32 to index
        %get3A_834 = arith.constant 112 : index
        %get3A_835 = tpu.vector_load %arg12[%get3A_833, %get3A_834] {strides = array<i32>} : memref<8x128xi32, #tpu.memory_space<vmem>>, vector<16xi32>,
        tpu.vector_store_idx %arg22[%get3A_835], %broadcast_in_dim3A_3 {add = true} : memref<10240xf32, #tpu.memory_space<vmem>>[vector<16xi32>], vector<16xf32>,
      } else {
      }
      %dma_wait3A_570 = arith.constant 3 : i32
      %dma_wait3A_571 = arith.constant 0 : i32
      %dma_wait3A_572 = tpu.memref_slice %arg11[%dma_wait3A_570, %dma_wait3A_571] : memref<8x128xi32, #tpu.memory_space<vmem>> -> memref<1x128xi32, #tpu.memory_space<vmem>>
      %dma_wait3A_573 = tpu.memref_squeeze %dma_wait3A_572 : memref<1x128xi32, #tpu.memory_space<vmem>> -> memref<128xi32, #tpu.memory_space<vmem>>
      %dma_wait3A_574 = arith.constant 0 : i32
      %dma_wait3A_575 = arith.constant 0 : i32
      %dma_wait3A_576 = tpu.memref_slice %arg2[%arg0, %dma_wait3A_574, %dma_wait3A_575] : memref<2x10240x128xf32, #tpu.memory_space<hbm>> -> memref<1x10240x128xf32, #tpu.memory_space<hbm>>
      %dma_wait3A_577 = tpu.memref_squeeze %dma_wait3A_576 : memref<1x10240x128xf32, #tpu.memory_space<hbm>> -> memref<10240x128xf32, #tpu.memory_space<hbm>>
      %dma_wait3A_578 = arith.constant 0 : i32
      %dma_wait3A_579 = arith.constant 0 : i32
      %dma_wait3A_580 = tpu.memref_slice %dma_wait3A_577[%dma_wait3A_578, %dma_wait3A_579] : memref<10240x128xf32, #tpu.memory_space<hbm>> -> memref<10240x128xf32, #tpu.memory_space<hbm>>
      tpu.wait_indirect_dma semaphore(%arg17 : memref<!tpu.dma_semaphore, #tpu.memory_space<semaphore_mem>>) src(%dma_wait3A_580 : memref<10240x128xf32, #tpu.memory_space<hbm>>) dst(%arg14 : memref<128x128xf32, #tpu.memory_space<vmem>>)
      %dma_start3A_581 = arith.constant 3 : i32
      %dma_start3A_582 = arith.constant 0 : i32
      %dma_start3A_583 = tpu.memref_slice %arg12[%dma_start3A_581, %dma_start3A_582] : memref<8x128xi32, #tpu.memory_space<vmem>> -> memref<1x128xi32, #tpu.memory_space<vmem>>
      %dma_start3A_584 = tpu.memref_squeeze %dma_start3A_583 : memref<1x128xi32, #tpu.memory_space<vmem>> -> memref<128xi32, #tpu.memory_space<vmem>>
      %dma_start3A_585 = arith.constant 0 : i32
      %dma_start3A_586 = arith.constant 0 : i32
      %dma_start3A_587 = tpu.memref_slice %arg15[%dma_start3A_585, %dma_start3A_586] : memref<10240x128xf32, #tpu.memory_space<vmem_shared>> -> memref<10240x128xf32, #tpu.memory_space<vmem_shared>>
      tpu.enqueue_indirect_dma source(%arg14 : memref<128x128xf32, #tpu.memory_space<vmem>>) target(%dma_start3A_587 : memref<10240x128xf32, #tpu.memory_space<vmem_shared>>) offsets(%dma_start3A_584 : memref<128xi32, #tpu.memory_space<vmem>>) semaphore(%arg19 : memref<!tpu.dma_semaphore, #tpu.memory_space<semaphore_mem>>) {add = true}
      %dma_wait3A_588 = arith.constant 3 : i32
      %dma_wait3A_589 = arith.constant 0 : i32
      %dma_wait3A_590 = tpu.memref_slice %arg12[%dma_wait3A_588, %dma_wait3A_589] : memref<8x128xi32, #tpu.memory_space<vmem>> -> memref<1x128xi32, #tpu.memory_space<vmem>>
      %dma_wait3A_591 = tpu.memref_squeeze %dma_wait3A_590 : memref<1x128xi32, #tpu.memory_space<vmem>> -> memref<128xi32, #tpu.memory_space<vmem>>
      %dma_wait3A_592 = arith.constant 0 : i32
      %dma_wait3A_593 = arith.constant 0 : i32
      %dma_wait3A_594 = tpu.memref_slice %arg15[%dma_wait3A_592, %dma_wait3A_593] : memref<10240x128xf32, #tpu.memory_space<vmem_shared>> -> memref<10240x128xf32, #tpu.memory_space<vmem_shared>>
      tpu.wait_indirect_dma semaphore(%arg18 : memref<!tpu.dma_semaphore, #tpu.memory_space<semaphore_mem>>) src(%arg13 : memref<128x128xf32, #tpu.memory_space<vmem>>) dst(%dma_wait3A_594 : memref<10240x128xf32, #tpu.memory_space<vmem_shared>>)
      %dma_start3A_595 = arith.constant 4 : i32
      %dma_start3A_596 = arith.constant 0 : i32
      %dma_start3A_597 = tpu.memref_slice %arg11[%dma_start3A_595, %dma_start3A_596] : memref<8x128xi32, #tpu.memory_space<vmem>> -> memref<1x128xi32, #tpu.memory_space<vmem>>
      %dma_start3A_598 = tpu.memref_squeeze %dma_start3A_597 : memref<1x128xi32, #tpu.memory_space<vmem>> -> memref<128xi32, #tpu.memory_space<vmem>>
      %dma_start3A_599 = arith.constant 0 : i32
      %dma_start3A_600 = arith.constant 0 : i32
      %dma_start3A_601 = tpu.memref_slice %arg2[%arg0, %dma_start3A_599, %dma_start3A_600] : memref<2x10240x128xf32, #tpu.memory_space<hbm>> -> memref<1x10240x128xf32, #tpu.memory_space<hbm>>
      %dma_start3A_602 = tpu.memref_squeeze %dma_start3A_601 : memref<1x10240x128xf32, #tpu.memory_space<hbm>> -> memref<10240x128xf32, #tpu.memory_space<hbm>>
      %dma_start3A_603 = arith.constant 0 : i32
      %dma_start3A_604 = arith.constant 0 : i32
      %dma_start3A_605 = tpu.memref_slice %dma_start3A_602[%dma_start3A_603, %dma_start3A_604] : memref<10240x128xf32, #tpu.memory_space<hbm>> -> memref<10240x128xf32, #tpu.memory_space<hbm>>
      tpu.enqueue_indirect_dma source(%dma_start3A_605 : memref<10240x128xf32, #tpu.memory_space<hbm>>) target(%arg13 : memref<128x128xf32, #tpu.memory_space<vmem>>) offsets(%dma_start3A_598 : memref<128xi32, #tpu.memory_space<vmem>>) semaphore(%arg16 : memref<!tpu.dma_semaphore, #tpu.memory_space<semaphore_mem>>)
      %eq3A_606 = arith.constant 1 : i32
      %eq3A_607 = arith.cmpi eq, %arg0, %eq3A_606 : i32
      %convert_element_type3A_608 = arith.extui %eq3A_607 : i1 to i32
      %cond3A_609 = arith.constant 0 : i32
      %cond3A_610 = arith.cmpi ne, %convert_element_type3A_608, %cond3A_609 : i32
      scf.if %cond3A_610 {
        %get3A = arith.constant 3 : i32
        %get3A_805 = arith.index_cast %get3A : i32 to index
        %get3A_806 = arith.constant 0 : index
        %get3A_807 = tpu.vector_load %arg12[%get3A_805, %get3A_806] {strides = array<i32>} : memref<8x128xi32, #tpu.memory_space<vmem>>, vector<16xi32>,
        tpu.vector_store_idx %arg22[%get3A_807], %broadcast_in_dim3A_3 {add = true} : memref<10240xf32, #tpu.memory_space<vmem>>[vector<16xi32>], vector<16xf32>,
        %get3A_808 = arith.constant 3 : i32
        %get3A_809 = arith.index_cast %get3A_808 : i32 to index
        %get3A_810 = arith.constant 16 : index
        %get3A_811 = tpu.vector_load %arg12[%get3A_809, %get3A_810] {strides = array<i32>} : memref<8x128xi32, #tpu.memory_space<vmem>>, vector<16xi32>,
        tpu.vector_store_idx %arg22[%get3A_811], %broadcast_in_dim3A_3 {add = true} : memref<10240xf32, #tpu.memory_space<vmem>>[vector<16xi32>], vector<16xf32>,
        %get3A_812 = arith.constant 3 : i32
        %get3A_813 = arith.index_cast %get3A_812 : i32 to index
        %get3A_814 = arith.constant 32 : index
        %get3A_815 = tpu.vector_load %arg12[%get3A_813, %get3A_814] {strides = array<i32>} : memref<8x128xi32, #tpu.memory_space<vmem>>, vector<16xi32>,
        tpu.vector_store_idx %arg22[%get3A_815], %broadcast_in_dim3A_3 {add = true} : memref<10240xf32, #tpu.memory_space<vmem>>[vector<16xi32>], vector<16xf32>,
        %get3A_816 = arith.constant 3 : i32
        %get3A_817 = arith.index_cast %get3A_816 : i32 to index
        %get3A_818 = arith.constant 48 : index
        %get3A_819 = tpu.vector_load %arg12[%get3A_817, %get3A_818] {strides = array<i32>} : memref<8x128xi32, #tpu.memory_space<vmem>>, vector<16xi32>,
        tpu.vector_store_idx %arg22[%get3A_819], %broadcast_in_dim3A_3 {add = true} : memref<10240xf32, #tpu.memory_space<vmem>>[vector<16xi32>], vector<16xf32>,
        %get3A_820 = arith.constant 3 : i32
        %get3A_821 = arith.index_cast %get3A_820 : i32 to index
        %get3A_822 = arith.constant 64 : index
        %get3A_823 = tpu.vector_load %arg12[%get3A_821, %get3A_822] {strides = array<i32>} : memref<8x128xi32, #tpu.memory_space<vmem>>, vector<16xi32>,
        tpu.vector_store_idx %arg22[%get3A_823], %broadcast_in_dim3A_3 {add = true} : memref<10240xf32, #tpu.memory_space<vmem>>[vector<16xi32>], vector<16xf32>,
        %get3A_824 = arith.constant 3 : i32
        %get3A_825 = arith.index_cast %get3A_824 : i32 to index
        %get3A_826 = arith.constant 80 : index
        %get3A_827 = tpu.vector_load %arg12[%get3A_825, %get3A_826] {strides = array<i32>} : memref<8x128xi32, #tpu.memory_space<vmem>>, vector<16xi32>,
        tpu.vector_store_idx %arg22[%get3A_827], %broadcast_in_dim3A_3 {add = true} : memref<10240xf32, #tpu.memory_space<vmem>>[vector<16xi32>], vector<16xf32>,
        %get3A_828 = arith.constant 3 : i32
        %get3A_829 = arith.index_cast %get3A_828 : i32 to index
        %get3A_830 = arith.constant 96 : index
        %get3A_831 = tpu.vector_load %arg12[%get3A_829, %get3A_830] {strides = array<i32>} : memref<8x128xi32, #tpu.memory_space<vmem>>, vector<16xi32>,
        tpu.vector_store_idx %arg22[%get3A_831], %broadcast_in_dim3A_3 {add = true} : memref<10240xf32, #tpu.memory_space<vmem>>[vector<16xi32>], vector<16xf32>,
        %get3A_832 = arith.constant 3 : i32
        %get3A_833 = arith.index_cast %get3A_832 : i32 to index
        %get3A_834 = arith.constant 112 : index
        %get3A_835 = tpu.vector_load %arg12[%get3A_833, %get3A_834] {strides = array<i32>} : memref<8x128xi32, #tpu.memory_space<vmem>>, vector<16xi32>,
        tpu.vector_store_idx %arg22[%get3A_835], %broadcast_in_dim3A_3 {add = true} : memref<10240xf32, #tpu.memory_space<vmem>>[vector<16xi32>], vector<16xf32>,
      } else {
      }
      %dma_wait3A_611 = arith.constant 4 : i32
      %dma_wait3A_612 = arith.constant 0 : i32
      %dma_wait3A_613 = tpu.memref_slice %arg11[%dma_wait3A_611, %dma_wait3A_612] : memref<8x128xi32, #tpu.memory_space<vmem>> -> memref<1x128xi32, #tpu.memory_space<vmem>>
      %dma_wait3A_614 = tpu.memref_squeeze %dma_wait3A_613 : memref<1x128xi32, #tpu.memory_space<vmem>> -> memref<128xi32, #tpu.memory_space<vmem>>
      %dma_wait3A_615 = arith.constant 0 : i32
      %dma_wait3A_616 = arith.constant 0 : i32
      %dma_wait3A_617 = tpu.memref_slice %arg2[%arg0, %dma_wait3A_615, %dma_wait3A_616] : memref<2x10240x128xf32, #tpu.memory_space<hbm>> -> memref<1x10240x128xf32, #tpu.memory_space<hbm>>
      %dma_wait3A_618 = tpu.memref_squeeze %dma_wait3A_617 : memref<1x10240x128xf32, #tpu.memory_space<hbm>> -> memref<10240x128xf32, #tpu.memory_space<hbm>>
      %dma_wait3A_619 = arith.constant 0 : i32
      %dma_wait3A_620 = arith.constant 0 : i32
      %dma_wait3A_621 = tpu.memref_slice %dma_wait3A_618[%dma_wait3A_619, %dma_wait3A_620] : memref<10240x128xf32, #tpu.memory_space<hbm>> -> memref<10240x128xf32, #tpu.memory_space<hbm>>
      tpu.wait_indirect_dma semaphore(%arg16 : memref<!tpu.dma_semaphore, #tpu.memory_space<semaphore_mem>>) src(%dma_wait3A_621 : memref<10240x128xf32, #tpu.memory_space<hbm>>) dst(%arg13 : memref<128x128xf32, #tpu.memory_space<vmem>>)
      %dma_start3A_622 = arith.constant 4 : i32
      %dma_start3A_623 = arith.constant 0 : i32
      %dma_start3A_624 = tpu.memref_slice %arg12[%dma_start3A_622, %dma_start3A_623] : memref<8x128xi32, #tpu.memory_space<vmem>> -> memref<1x128xi32, #tpu.memory_space<vmem>>
      %dma_start3A_625 = tpu.memref_squeeze %dma_start3A_624 : memref<1x128xi32, #tpu.memory_space<vmem>> -> memref<128xi32, #tpu.memory_space<vmem>>
      %dma_start3A_626 = arith.constant 0 : i32
      %dma_start3A_627 = arith.constant 0 : i32
      %dma_start3A_628 = tpu.memref_slice %arg15[%dma_start3A_626, %dma_start3A_627] : memref<10240x128xf32, #tpu.memory_space<vmem_shared>> -> memref<10240x128xf32, #tpu.memory_space<vmem_shared>>
      tpu.enqueue_indirect_dma source(%arg13 : memref<128x128xf32, #tpu.memory_space<vmem>>) target(%dma_start3A_628 : memref<10240x128xf32, #tpu.memory_space<vmem_shared>>) offsets(%dma_start3A_625 : memref<128xi32, #tpu.memory_space<vmem>>) semaphore(%arg18 : memref<!tpu.dma_semaphore, #tpu.memory_space<semaphore_mem>>) {add = true}
      %dma_wait3A_629 = arith.constant 4 : i32
      %dma_wait3A_630 = arith.constant 0 : i32
      %dma_wait3A_631 = tpu.memref_slice %arg12[%dma_wait3A_629, %dma_wait3A_630] : memref<8x128xi32, #tpu.memory_space<vmem>> -> memref<1x128xi32, #tpu.memory_space<vmem>>
      %dma_wait3A_632 = tpu.memref_squeeze %dma_wait3A_631 : memref<1x128xi32, #tpu.memory_space<vmem>> -> memref<128xi32, #tpu.memory_space<vmem>>
      %dma_wait3A_633 = arith.constant 0 : i32
      %dma_wait3A_634 = arith.constant 0 : i32
      %dma_wait3A_635 = tpu.memref_slice %arg15[%dma_wait3A_633, %dma_wait3A_634] : memref<10240x128xf32, #tpu.memory_space<vmem_shared>> -> memref<10240x128xf32, #tpu.memory_space<vmem_shared>>
      tpu.wait_indirect_dma semaphore(%arg19 : memref<!tpu.dma_semaphore, #tpu.memory_space<semaphore_mem>>) src(%arg14 : memref<128x128xf32, #tpu.memory_space<vmem>>) dst(%dma_wait3A_635 : memref<10240x128xf32, #tpu.memory_space<vmem_shared>>)
      %dma_start3A_636 = arith.constant 5 : i32
      %dma_start3A_637 = arith.constant 0 : i32
      %dma_start3A_638 = tpu.memref_slice %arg11[%dma_start3A_636, %dma_start3A_637] : memref<8x128xi32, #tpu.memory_space<vmem>> -> memref<1x128xi32, #tpu.memory_space<vmem>>
      %dma_start3A_639 = tpu.memref_squeeze %dma_start3A_638 : memref<1x128xi32, #tpu.memory_space<vmem>> -> memref<128xi32, #tpu.memory_space<vmem>>
      %dma_start3A_640 = arith.constant 0 : i32
      %dma_start3A_641 = arith.constant 0 : i32
      %dma_start3A_642 = tpu.memref_slice %arg2[%arg0, %dma_start3A_640, %dma_start3A_641] : memref<2x10240x128xf32, #tpu.memory_space<hbm>> -> memref<1x10240x128xf32, #tpu.memory_space<hbm>>
      %dma_start3A_643 = tpu.memref_squeeze %dma_start3A_642 : memref<1x10240x128xf32, #tpu.memory_space<hbm>> -> memref<10240x128xf32, #tpu.memory_space<hbm>>
      %dma_start3A_644 = arith.constant 0 : i32
      %dma_start3A_645 = arith.constant 0 : i32
      %dma_start3A_646 = tpu.memref_slice %dma_start3A_643[%dma_start3A_644, %dma_start3A_645] : memref<10240x128xf32, #tpu.memory_space<hbm>> -> memref<10240x128xf32, #tpu.memory_space<hbm>>
      tpu.enqueue_indirect_dma source(%dma_start3A_646 : memref<10240x128xf32, #tpu.memory_space<hbm>>) target(%arg14 : memref<128x128xf32, #tpu.memory_space<vmem>>) offsets(%dma_start3A_639 : memref<128xi32, #tpu.memory_space<vmem>>) semaphore(%arg17 : memref<!tpu.dma_semaphore, #tpu.memory_space<semaphore_mem>>)
      %eq3A_647 = arith.constant 1 : i32
      %eq3A_648 = arith.cmpi eq, %arg0, %eq3A_647 : i32
      %convert_element_type3A_649 = arith.extui %eq3A_648 : i1 to i32
      %cond3A_650 = arith.constant 0 : i32
      %cond3A_651 = arith.cmpi ne, %convert_element_type3A_649, %cond3A_650 : i32
      scf.if %cond3A_651 {
        %get3A = arith.constant 4 : i32
        %get3A_805 = arith.index_cast %get3A : i32 to index
        %get3A_806 = arith.constant 0 : index
        %get3A_807 = tpu.vector_load %arg12[%get3A_805, %get3A_806] {strides = array<i32>} : memref<8x128xi32, #tpu.memory_space<vmem>>, vector<16xi32>,
        tpu.vector_store_idx %arg22[%get3A_807], %broadcast_in_dim3A_3 {add = true} : memref<10240xf32, #tpu.memory_space<vmem>>[vector<16xi32>], vector<16xf32>,
        %get3A_808 = arith.constant 4 : i32
        %get3A_809 = arith.index_cast %get3A_808 : i32 to index
        %get3A_810 = arith.constant 16 : index
        %get3A_811 = tpu.vector_load %arg12[%get3A_809, %get3A_810] {strides = array<i32>} : memref<8x128xi32, #tpu.memory_space<vmem>>, vector<16xi32>,
        tpu.vector_store_idx %arg22[%get3A_811], %broadcast_in_dim3A_3 {add = true} : memref<10240xf32, #tpu.memory_space<vmem>>[vector<16xi32>], vector<16xf32>,
        %get3A_812 = arith.constant 4 : i32
        %get3A_813 = arith.index_cast %get3A_812 : i32 to index
        %get3A_814 = arith.constant 32 : index
        %get3A_815 = tpu.vector_load %arg12[%get3A_813, %get3A_814] {strides = array<i32>} : memref<8x128xi32, #tpu.memory_space<vmem>>, vector<16xi32>,
        tpu.vector_store_idx %arg22[%get3A_815], %broadcast_in_dim3A_3 {add = true} : memref<10240xf32, #tpu.memory_space<vmem>>[vector<16xi32>], vector<16xf32>,
        %get3A_816 = arith.constant 4 : i32
        %get3A_817 = arith.index_cast %get3A_816 : i32 to index
        %get3A_818 = arith.constant 48 : index
        %get3A_819 = tpu.vector_load %arg12[%get3A_817, %get3A_818] {strides = array<i32>} : memref<8x128xi32, #tpu.memory_space<vmem>>, vector<16xi32>,
        tpu.vector_store_idx %arg22[%get3A_819], %broadcast_in_dim3A_3 {add = true} : memref<10240xf32, #tpu.memory_space<vmem>>[vector<16xi32>], vector<16xf32>,
        %get3A_820 = arith.constant 4 : i32
        %get3A_821 = arith.index_cast %get3A_820 : i32 to index
        %get3A_822 = arith.constant 64 : index
        %get3A_823 = tpu.vector_load %arg12[%get3A_821, %get3A_822] {strides = array<i32>} : memref<8x128xi32, #tpu.memory_space<vmem>>, vector<16xi32>,
        tpu.vector_store_idx %arg22[%get3A_823], %broadcast_in_dim3A_3 {add = true} : memref<10240xf32, #tpu.memory_space<vmem>>[vector<16xi32>], vector<16xf32>,
        %get3A_824 = arith.constant 4 : i32
        %get3A_825 = arith.index_cast %get3A_824 : i32 to index
        %get3A_826 = arith.constant 80 : index
        %get3A_827 = tpu.vector_load %arg12[%get3A_825, %get3A_826] {strides = array<i32>} : memref<8x128xi32, #tpu.memory_space<vmem>>, vector<16xi32>,
        tpu.vector_store_idx %arg22[%get3A_827], %broadcast_in_dim3A_3 {add = true} : memref<10240xf32, #tpu.memory_space<vmem>>[vector<16xi32>], vector<16xf32>,
        %get3A_828 = arith.constant 4 : i32
        %get3A_829 = arith.index_cast %get3A_828 : i32 to index
        %get3A_830 = arith.constant 96 : index
        %get3A_831 = tpu.vector_load %arg12[%get3A_829, %get3A_830] {strides = array<i32>} : memref<8x128xi32, #tpu.memory_space<vmem>>, vector<16xi32>,
        tpu.vector_store_idx %arg22[%get3A_831], %broadcast_in_dim3A_3 {add = true} : memref<10240xf32, #tpu.memory_space<vmem>>[vector<16xi32>], vector<16xf32>,
        %get3A_832 = arith.constant 4 : i32
        %get3A_833 = arith.index_cast %get3A_832 : i32 to index
        %get3A_834 = arith.constant 112 : index
        %get3A_835 = tpu.vector_load %arg12[%get3A_833, %get3A_834] {strides = array<i32>} : memref<8x128xi32, #tpu.memory_space<vmem>>, vector<16xi32>,
        tpu.vector_store_idx %arg22[%get3A_835], %broadcast_in_dim3A_3 {add = true} : memref<10240xf32, #tpu.memory_space<vmem>>[vector<16xi32>], vector<16xf32>,
      } else {
      }
      %dma_wait3A_652 = arith.constant 5 : i32
      %dma_wait3A_653 = arith.constant 0 : i32
      %dma_wait3A_654 = tpu.memref_slice %arg11[%dma_wait3A_652, %dma_wait3A_653] : memref<8x128xi32, #tpu.memory_space<vmem>> -> memref<1x128xi32, #tpu.memory_space<vmem>>
      %dma_wait3A_655 = tpu.memref_squeeze %dma_wait3A_654 : memref<1x128xi32, #tpu.memory_space<vmem>> -> memref<128xi32, #tpu.memory_space<vmem>>
      %dma_wait3A_656 = arith.constant 0 : i32
      %dma_wait3A_657 = arith.constant 0 : i32
      %dma_wait3A_658 = tpu.memref_slice %arg2[%arg0, %dma_wait3A_656, %dma_wait3A_657] : memref<2x10240x128xf32, #tpu.memory_space<hbm>> -> memref<1x10240x128xf32, #tpu.memory_space<hbm>>
      %dma_wait3A_659 = tpu.memref_squeeze %dma_wait3A_658 : memref<1x10240x128xf32, #tpu.memory_space<hbm>> -> memref<10240x128xf32, #tpu.memory_space<hbm>>
      %dma_wait3A_660 = arith.constant 0 : i32
      %dma_wait3A_661 = arith.constant 0 : i32
      %dma_wait3A_662 = tpu.memref_slice %dma_wait3A_659[%dma_wait3A_660, %dma_wait3A_661] : memref<10240x128xf32, #tpu.memory_space<hbm>> -> memref<10240x128xf32, #tpu.memory_space<hbm>>
      tpu.wait_indirect_dma semaphore(%arg17 : memref<!tpu.dma_semaphore, #tpu.memory_space<semaphore_mem>>) src(%dma_wait3A_662 : memref<10240x128xf32, #tpu.memory_space<hbm>>) dst(%arg14 : memref<128x128xf32, #tpu.memory_space<vmem>>)
      %dma_start3A_663 = arith.constant 5 : i32
      %dma_start3A_664 = arith.constant 0 : i32
      %dma_start3A_665 = tpu.memref_slice %arg12[%dma_start3A_663, %dma_start3A_664] : memref<8x128xi32, #tpu.memory_space<vmem>> -> memref<1x128xi32, #tpu.memory_space<vmem>>
      %dma_start3A_666 = tpu.memref_squeeze %dma_start3A_665 : memref<1x128xi32, #tpu.memory_space<vmem>> -> memref<128xi32, #tpu.memory_space<vmem>>
      %dma_start3A_667 = arith.constant 0 : i32
      %dma_start3A_668 = arith.constant 0 : i32
      %dma_start3A_669 = tpu.memref_slice %arg15[%dma_start3A_667, %dma_start3A_668] : memref<10240x128xf32, #tpu.memory_space<vmem_shared>> -> memref<10240x128xf32, #tpu.memory_space<vmem_shared>>
      tpu.enqueue_indirect_dma source(%arg14 : memref<128x128xf32, #tpu.memory_space<vmem>>) target(%dma_start3A_669 : memref<10240x128xf32, #tpu.memory_space<vmem_shared>>) offsets(%dma_start3A_666 : memref<128xi32, #tpu.memory_space<vmem>>) semaphore(%arg19 : memref<!tpu.dma_semaphore, #tpu.memory_space<semaphore_mem>>) {add = true}
      %dma_wait3A_670 = arith.constant 5 : i32
      %dma_wait3A_671 = arith.constant 0 : i32
      %dma_wait3A_672 = tpu.memref_slice %arg12[%dma_wait3A_670, %dma_wait3A_671] : memref<8x128xi32, #tpu.memory_space<vmem>> -> memref<1x128xi32, #tpu.memory_space<vmem>>
      %dma_wait3A_673 = tpu.memref_squeeze %dma_wait3A_672 : memref<1x128xi32, #tpu.memory_space<vmem>> -> memref<128xi32, #tpu.memory_space<vmem>>
      %dma_wait3A_674 = arith.constant 0 : i32
      %dma_wait3A_675 = arith.constant 0 : i32
      %dma_wait3A_676 = tpu.memref_slice %arg15[%dma_wait3A_674, %dma_wait3A_675] : memref<10240x128xf32, #tpu.memory_space<vmem_shared>> -> memref<10240x128xf32, #tpu.memory_space<vmem_shared>>
      tpu.wait_indirect_dma semaphore(%arg18 : memref<!tpu.dma_semaphore, #tpu.memory_space<semaphore_mem>>) src(%arg13 : memref<128x128xf32, #tpu.memory_space<vmem>>) dst(%dma_wait3A_676 : memref<10240x128xf32, #tpu.memory_space<vmem_shared>>)
      %dma_start3A_677 = arith.constant 6 : i32
      %dma_start3A_678 = arith.constant 0 : i32
      %dma_start3A_679 = tpu.memref_slice %arg11[%dma_start3A_677, %dma_start3A_678] : memref<8x128xi32, #tpu.memory_space<vmem>> -> memref<1x128xi32, #tpu.memory_space<vmem>>
      %dma_start3A_680 = tpu.memref_squeeze %dma_start3A_679 : memref<1x128xi32, #tpu.memory_space<vmem>> -> memref<128xi32, #tpu.memory_space<vmem>>
      %dma_start3A_681 = arith.constant 0 : i32
      %dma_start3A_682 = arith.constant 0 : i32
      %dma_start3A_683 = tpu.memref_slice %arg2[%arg0, %dma_start3A_681, %dma_start3A_682] : memref<2x10240x128xf32, #tpu.memory_space<hbm>> -> memref<1x10240x128xf32, #tpu.memory_space<hbm>>
      %dma_start3A_684 = tpu.memref_squeeze %dma_start3A_683 : memref<1x10240x128xf32, #tpu.memory_space<hbm>> -> memref<10240x128xf32, #tpu.memory_space<hbm>>
      %dma_start3A_685 = arith.constant 0 : i32
      %dma_start3A_686 = arith.constant 0 : i32
      %dma_start3A_687 = tpu.memref_slice %dma_start3A_684[%dma_start3A_685, %dma_start3A_686] : memref<10240x128xf32, #tpu.memory_space<hbm>> -> memref<10240x128xf32, #tpu.memory_space<hbm>>
      tpu.enqueue_indirect_dma source(%dma_start3A_687 : memref<10240x128xf32, #tpu.memory_space<hbm>>) target(%arg13 : memref<128x128xf32, #tpu.memory_space<vmem>>) offsets(%dma_start3A_680 : memref<128xi32, #tpu.memory_space<vmem>>) semaphore(%arg16 : memref<!tpu.dma_semaphore, #tpu.memory_space<semaphore_mem>>)
      %eq3A_688 = arith.constant 1 : i32
      %eq3A_689 = arith.cmpi eq, %arg0, %eq3A_688 : i32
      %convert_element_type3A_690 = arith.extui %eq3A_689 : i1 to i32
      %cond3A_691 = arith.constant 0 : i32
      %cond3A_692 = arith.cmpi ne, %convert_element_type3A_690, %cond3A_691 : i32
      scf.if %cond3A_692 {
        %get3A = arith.constant 5 : i32
        %get3A_805 = arith.index_cast %get3A : i32 to index
        %get3A_806 = arith.constant 0 : index
        %get3A_807 = tpu.vector_load %arg12[%get3A_805, %get3A_806] {strides = array<i32>} : memref<8x128xi32, #tpu.memory_space<vmem>>, vector<16xi32>,
        tpu.vector_store_idx %arg22[%get3A_807], %broadcast_in_dim3A_3 {add = true} : memref<10240xf32, #tpu.memory_space<vmem>>[vector<16xi32>], vector<16xf32>,
        %get3A_808 = arith.constant 5 : i32
        %get3A_809 = arith.index_cast %get3A_808 : i32 to index
        %get3A_810 = arith.constant 16 : index
        %get3A_811 = tpu.vector_load %arg12[%get3A_809, %get3A_810] {strides = array<i32>} : memref<8x128xi32, #tpu.memory_space<vmem>>, vector<16xi32>,
        tpu.vector_store_idx %arg22[%get3A_811], %broadcast_in_dim3A_3 {add = true} : memref<10240xf32, #tpu.memory_space<vmem>>[vector<16xi32>], vector<16xf32>,
        %get3A_812 = arith.constant 5 : i32
        %get3A_813 = arith.index_cast %get3A_812 : i32 to index
        %get3A_814 = arith.constant 32 : index
        %get3A_815 = tpu.vector_load %arg12[%get3A_813, %get3A_814] {strides = array<i32>} : memref<8x128xi32, #tpu.memory_space<vmem>>, vector<16xi32>,
        tpu.vector_store_idx %arg22[%get3A_815], %broadcast_in_dim3A_3 {add = true} : memref<10240xf32, #tpu.memory_space<vmem>>[vector<16xi32>], vector<16xf32>,
        %get3A_816 = arith.constant 5 : i32
        %get3A_817 = arith.index_cast %get3A_816 : i32 to index
        %get3A_818 = arith.constant 48 : index
        %get3A_819 = tpu.vector_load %arg12[%get3A_817, %get3A_818] {strides = array<i32>} : memref<8x128xi32, #tpu.memory_space<vmem>>, vector<16xi32>,
        tpu.vector_store_idx %arg22[%get3A_819], %broadcast_in_dim3A_3 {add = true} : memref<10240xf32, #tpu.memory_space<vmem>>[vector<16xi32>], vector<16xf32>,
        %get3A_820 = arith.constant 5 : i32
        %get3A_821 = arith.index_cast %get3A_820 : i32 to index
        %get3A_822 = arith.constant 64 : index
        %get3A_823 = tpu.vector_load %arg12[%get3A_821, %get3A_822] {strides = array<i32>} : memref<8x128xi32, #tpu.memory_space<vmem>>, vector<16xi32>,
        tpu.vector_store_idx %arg22[%get3A_823], %broadcast_in_dim3A_3 {add = true} : memref<10240xf32, #tpu.memory_space<vmem>>[vector<16xi32>], vector<16xf32>,
        %get3A_824 = arith.constant 5 : i32
        %get3A_825 = arith.index_cast %get3A_824 : i32 to index
        %get3A_826 = arith.constant 80 : index
        %get3A_827 = tpu.vector_load %arg12[%get3A_825, %get3A_826] {strides = array<i32>} : memref<8x128xi32, #tpu.memory_space<vmem>>, vector<16xi32>,
        tpu.vector_store_idx %arg22[%get3A_827], %broadcast_in_dim3A_3 {add = true} : memref<10240xf32, #tpu.memory_space<vmem>>[vector<16xi32>], vector<16xf32>,
        %get3A_828 = arith.constant 5 : i32
        %get3A_829 = arith.index_cast %get3A_828 : i32 to index
        %get3A_830 = arith.constant 96 : index
        %get3A_831 = tpu.vector_load %arg12[%get3A_829, %get3A_830] {strides = array<i32>} : memref<8x128xi32, #tpu.memory_space<vmem>>, vector<16xi32>,
        tpu.vector_store_idx %arg22[%get3A_831], %broadcast_in_dim3A_3 {add = true} : memref<10240xf32, #tpu.memory_space<vmem>>[vector<16xi32>], vector<16xf32>,
        %get3A_832 = arith.constant 5 : i32
        %get3A_833 = arith.index_cast %get3A_832 : i32 to index
        %get3A_834 = arith.constant 112 : index
        %get3A_835 = tpu.vector_load %arg12[%get3A_833, %get3A_834] {strides = array<i32>} : memref<8x128xi32, #tpu.memory_space<vmem>>, vector<16xi32>,
        tpu.vector_store_idx %arg22[%get3A_835], %broadcast_in_dim3A_3 {add = true} : memref<10240xf32, #tpu.memory_space<vmem>>[vector<16xi32>], vector<16xf32>,
      } else {
      }
      %dma_wait3A_693 = arith.constant 6 : i32
      %dma_wait3A_694 = arith.constant 0 : i32
      %dma_wait3A_695 = tpu.memref_slice %arg11[%dma_wait3A_693, %dma_wait3A_694] : memref<8x128xi32, #tpu.memory_space<vmem>> -> memref<1x128xi32, #tpu.memory_space<vmem>>
      %dma_wait3A_696 = tpu.memref_squeeze %dma_wait3A_695 : memref<1x128xi32, #tpu.memory_space<vmem>> -> memref<128xi32, #tpu.memory_space<vmem>>
      %dma_wait3A_697 = arith.constant 0 : i32
      %dma_wait3A_698 = arith.constant 0 : i32
      %dma_wait3A_699 = tpu.memref_slice %arg2[%arg0, %dma_wait3A_697, %dma_wait3A_698] : memref<2x10240x128xf32, #tpu.memory_space<hbm>> -> memref<1x10240x128xf32, #tpu.memory_space<hbm>>
      %dma_wait3A_700 = tpu.memref_squeeze %dma_wait3A_699 : memref<1x10240x128xf32, #tpu.memory_space<hbm>> -> memref<10240x128xf32, #tpu.memory_space<hbm>>
      %dma_wait3A_701 = arith.constant 0 : i32
      %dma_wait3A_702 = arith.constant 0 : i32
      %dma_wait3A_703 = tpu.memref_slice %dma_wait3A_700[%dma_wait3A_701, %dma_wait3A_702] : memref<10240x128xf32, #tpu.memory_space<hbm>> -> memref<10240x128xf32, #tpu.memory_space<hbm>>
      tpu.wait_indirect_dma semaphore(%arg16 : memref<!tpu.dma_semaphore, #tpu.memory_space<semaphore_mem>>) src(%dma_wait3A_703 : memref<10240x128xf32, #tpu.memory_space<hbm>>) dst(%arg13 : memref<128x128xf32, #tpu.memory_space<vmem>>)
      %dma_start3A_704 = arith.constant 6 : i32
      %dma_start3A_705 = arith.constant 0 : i32
      %dma_start3A_706 = tpu.memref_slice %arg12[%dma_start3A_704, %dma_start3A_705] : memref<8x128xi32, #tpu.memory_space<vmem>> -> memref<1x128xi32, #tpu.memory_space<vmem>>
      %dma_start3A_707 = tpu.memref_squeeze %dma_start3A_706 : memref<1x128xi32, #tpu.memory_space<vmem>> -> memref<128xi32, #tpu.memory_space<vmem>>
      %dma_start3A_708 = arith.constant 0 : i32
      %dma_start3A_709 = arith.constant 0 : i32
      %dma_start3A_710 = tpu.memref_slice %arg15[%dma_start3A_708, %dma_start3A_709] : memref<10240x128xf32, #tpu.memory_space<vmem_shared>> -> memref<10240x128xf32, #tpu.memory_space<vmem_shared>>
      tpu.enqueue_indirect_dma source(%arg13 : memref<128x128xf32, #tpu.memory_space<vmem>>) target(%dma_start3A_710 : memref<10240x128xf32, #tpu.memory_space<vmem_shared>>) offsets(%dma_start3A_707 : memref<128xi32, #tpu.memory_space<vmem>>) semaphore(%arg18 : memref<!tpu.dma_semaphore, #tpu.memory_space<semaphore_mem>>) {add = true}
      %dma_wait3A_711 = arith.constant 6 : i32
      %dma_wait3A_712 = arith.constant 0 : i32
      %dma_wait3A_713 = tpu.memref_slice %arg12[%dma_wait3A_711, %dma_wait3A_712] : memref<8x128xi32, #tpu.memory_space<vmem>> -> memref<1x128xi32, #tpu.memory_space<vmem>>
      %dma_wait3A_714 = tpu.memref_squeeze %dma_wait3A_713 : memref<1x128xi32, #tpu.memory_space<vmem>> -> memref<128xi32, #tpu.memory_space<vmem>>
      %dma_wait3A_715 = arith.constant 0 : i32
      %dma_wait3A_716 = arith.constant 0 : i32
      %dma_wait3A_717 = tpu.memref_slice %arg15[%dma_wait3A_715, %dma_wait3A_716] : memref<10240x128xf32, #tpu.memory_space<vmem_shared>> -> memref<10240x128xf32, #tpu.memory_space<vmem_shared>>
      tpu.wait_indirect_dma semaphore(%arg19 : memref<!tpu.dma_semaphore, #tpu.memory_space<semaphore_mem>>) src(%arg14 : memref<128x128xf32, #tpu.memory_space<vmem>>) dst(%dma_wait3A_717 : memref<10240x128xf32, #tpu.memory_space<vmem_shared>>)
      %dma_start3A_718 = arith.constant 7 : i32
      %dma_start3A_719 = arith.constant 0 : i32
      %dma_start3A_720 = tpu.memref_slice %arg11[%dma_start3A_718, %dma_start3A_719] : memref<8x128xi32, #tpu.memory_space<vmem>> -> memref<1x128xi32, #tpu.memory_space<vmem>>
      %dma_start3A_721 = tpu.memref_squeeze %dma_start3A_720 : memref<1x128xi32, #tpu.memory_space<vmem>> -> memref<128xi32, #tpu.memory_space<vmem>>
      %dma_start3A_722 = arith.constant 0 : i32
      %dma_start3A_723 = arith.constant 0 : i32
      %dma_start3A_724 = tpu.memref_slice %arg2[%arg0, %dma_start3A_722, %dma_start3A_723] : memref<2x10240x128xf32, #tpu.memory_space<hbm>> -> memref<1x10240x128xf32, #tpu.memory_space<hbm>>
      %dma_start3A_725 = tpu.memref_squeeze %dma_start3A_724 : memref<1x10240x128xf32, #tpu.memory_space<hbm>> -> memref<10240x128xf32, #tpu.memory_space<hbm>>
      %dma_start3A_726 = arith.constant 0 : i32
      %dma_start3A_727 = arith.constant 0 : i32
      %dma_start3A_728 = tpu.memref_slice %dma_start3A_725[%dma_start3A_726, %dma_start3A_727] : memref<10240x128xf32, #tpu.memory_space<hbm>> -> memref<10240x128xf32, #tpu.memory_space<hbm>>
      tpu.enqueue_indirect_dma source(%dma_start3A_728 : memref<10240x128xf32, #tpu.memory_space<hbm>>) target(%arg14 : memref<128x128xf32, #tpu.memory_space<vmem>>) offsets(%dma_start3A_721 : memref<128xi32, #tpu.memory_space<vmem>>) semaphore(%arg17 : memref<!tpu.dma_semaphore, #tpu.memory_space<semaphore_mem>>)
      %eq3A_729 = arith.constant 1 : i32
      %eq3A_730 = arith.cmpi eq, %arg0, %eq3A_729 : i32
      %convert_element_type3A_731 = arith.extui %eq3A_730 : i1 to i32
      %cond3A_732 = arith.constant 0 : i32
      %cond3A_733 = arith.cmpi ne, %convert_element_type3A_731, %cond3A_732 : i32
      scf.if %cond3A_733 {
        %get3A = arith.constant 6 : i32
        %get3A_805 = arith.index_cast %get3A : i32 to index
        %get3A_806 = arith.constant 0 : index
        %get3A_807 = tpu.vector_load %arg12[%get3A_805, %get3A_806] {strides = array<i32>} : memref<8x128xi32, #tpu.memory_space<vmem>>, vector<16xi32>,
        tpu.vector_store_idx %arg22[%get3A_807], %broadcast_in_dim3A_3 {add = true} : memref<10240xf32, #tpu.memory_space<vmem>>[vector<16xi32>], vector<16xf32>,
        %get3A_808 = arith.constant 6 : i32
        %get3A_809 = arith.index_cast %get3A_808 : i32 to index
        %get3A_810 = arith.constant 16 : index
        %get3A_811 = tpu.vector_load %arg12[%get3A_809, %get3A_810] {strides = array<i32>} : memref<8x128xi32, #tpu.memory_space<vmem>>, vector<16xi32>,
        tpu.vector_store_idx %arg22[%get3A_811], %broadcast_in_dim3A_3 {add = true} : memref<10240xf32, #tpu.memory_space<vmem>>[vector<16xi32>], vector<16xf32>,
        %get3A_812 = arith.constant 6 : i32
        %get3A_813 = arith.index_cast %get3A_812 : i32 to index
        %get3A_814 = arith.constant 32 : index
        %get3A_815 = tpu.vector_load %arg12[%get3A_813, %get3A_814] {strides = array<i32>} : memref<8x128xi32, #tpu.memory_space<vmem>>, vector<16xi32>,
        tpu.vector_store_idx %arg22[%get3A_815], %broadcast_in_dim3A_3 {add = true} : memref<10240xf32, #tpu.memory_space<vmem>>[vector<16xi32>], vector<16xf32>,
        %get3A_816 = arith.constant 6 : i32
        %get3A_817 = arith.index_cast %get3A_816 : i32 to index
        %get3A_818 = arith.constant 48 : index
        %get3A_819 = tpu.vector_load %arg12[%get3A_817, %get3A_818] {strides = array<i32>} : memref<8x128xi32, #tpu.memory_space<vmem>>, vector<16xi32>,
        tpu.vector_store_idx %arg22[%get3A_819], %broadcast_in_dim3A_3 {add = true} : memref<10240xf32, #tpu.memory_space<vmem>>[vector<16xi32>], vector<16xf32>,
        %get3A_820 = arith.constant 6 : i32
        %get3A_821 = arith.index_cast %get3A_820 : i32 to index
        %get3A_822 = arith.constant 64 : index
        %get3A_823 = tpu.vector_load %arg12[%get3A_821, %get3A_822] {strides = array<i32>} : memref<8x128xi32, #tpu.memory_space<vmem>>, vector<16xi32>,
        tpu.vector_store_idx %arg22[%get3A_823], %broadcast_in_dim3A_3 {add = true} : memref<10240xf32, #tpu.memory_space<vmem>>[vector<16xi32>], vector<16xf32>,
        %get3A_824 = arith.constant 6 : i32
        %get3A_825 = arith.index_cast %get3A_824 : i32 to index
        %get3A_826 = arith.constant 80 : index
        %get3A_827 = tpu.vector_load %arg12[%get3A_825, %get3A_826] {strides = array<i32>} : memref<8x128xi32, #tpu.memory_space<vmem>>, vector<16xi32>,
        tpu.vector_store_idx %arg22[%get3A_827], %broadcast_in_dim3A_3 {add = true} : memref<10240xf32, #tpu.memory_space<vmem>>[vector<16xi32>], vector<16xf32>,
        %get3A_828 = arith.constant 6 : i32
        %get3A_829 = arith.index_cast %get3A_828 : i32 to index
        %get3A_830 = arith.constant 96 : index
        %get3A_831 = tpu.vector_load %arg12[%get3A_829, %get3A_830] {strides = array<i32>} : memref<8x128xi32, #tpu.memory_space<vmem>>, vector<16xi32>,
        tpu.vector_store_idx %arg22[%get3A_831], %broadcast_in_dim3A_3 {add = true} : memref<10240xf32, #tpu.memory_space<vmem>>[vector<16xi32>], vector<16xf32>,
        %get3A_832 = arith.constant 6 : i32
        %get3A_833 = arith.index_cast %get3A_832 : i32 to index
        %get3A_834 = arith.constant 112 : index
        %get3A_835 = tpu.vector_load %arg12[%get3A_833, %get3A_834] {strides = array<i32>} : memref<8x128xi32, #tpu.memory_space<vmem>>, vector<16xi32>,
        tpu.vector_store_idx %arg22[%get3A_835], %broadcast_in_dim3A_3 {add = true} : memref<10240xf32, #tpu.memory_space<vmem>>[vector<16xi32>], vector<16xf32>,
      } else {
      }
      %dma_wait3A_734 = arith.constant 7 : i32
      %dma_wait3A_735 = arith.constant 0 : i32
      %dma_wait3A_736 = tpu.memref_slice %arg11[%dma_wait3A_734, %dma_wait3A_735] : memref<8x128xi32, #tpu.memory_space<vmem>> -> memref<1x128xi32, #tpu.memory_space<vmem>>
      %dma_wait3A_737 = tpu.memref_squeeze %dma_wait3A_736 : memref<1x128xi32, #tpu.memory_space<vmem>> -> memref<128xi32, #tpu.memory_space<vmem>>
      %dma_wait3A_738 = arith.constant 0 : i32
      %dma_wait3A_739 = arith.constant 0 : i32
      %dma_wait3A_740 = tpu.memref_slice %arg2[%arg0, %dma_wait3A_738, %dma_wait3A_739] : memref<2x10240x128xf32, #tpu.memory_space<hbm>> -> memref<1x10240x128xf32, #tpu.memory_space<hbm>>
      %dma_wait3A_741 = tpu.memref_squeeze %dma_wait3A_740 : memref<1x10240x128xf32, #tpu.memory_space<hbm>> -> memref<10240x128xf32, #tpu.memory_space<hbm>>
      %dma_wait3A_742 = arith.constant 0 : i32
      %dma_wait3A_743 = arith.constant 0 : i32
      %dma_wait3A_744 = tpu.memref_slice %dma_wait3A_741[%dma_wait3A_742, %dma_wait3A_743] : memref<10240x128xf32, #tpu.memory_space<hbm>> -> memref<10240x128xf32, #tpu.memory_space<hbm>>
      tpu.wait_indirect_dma semaphore(%arg17 : memref<!tpu.dma_semaphore, #tpu.memory_space<semaphore_mem>>) src(%dma_wait3A_744 : memref<10240x128xf32, #tpu.memory_space<hbm>>) dst(%arg14 : memref<128x128xf32, #tpu.memory_space<vmem>>)
      %dma_start3A_745 = arith.constant 7 : i32
      %dma_start3A_746 = arith.constant 0 : i32
      %dma_start3A_747 = tpu.memref_slice %arg12[%dma_start3A_745, %dma_start3A_746] : memref<8x128xi32, #tpu.memory_space<vmem>> -> memref<1x128xi32, #tpu.memory_space<vmem>>
      %dma_start3A_748 = tpu.memref_squeeze %dma_start3A_747 : memref<1x128xi32, #tpu.memory_space<vmem>> -> memref<128xi32, #tpu.memory_space<vmem>>
      %dma_start3A_749 = arith.constant 0 : i32
      %dma_start3A_750 = arith.constant 0 : i32
      %dma_start3A_751 = tpu.memref_slice %arg15[%dma_start3A_749, %dma_start3A_750] : memref<10240x128xf32, #tpu.memory_space<vmem_shared>> -> memref<10240x128xf32, #tpu.memory_space<vmem_shared>>
      tpu.enqueue_indirect_dma source(%arg14 : memref<128x128xf32, #tpu.memory_space<vmem>>) target(%dma_start3A_751 : memref<10240x128xf32, #tpu.memory_space<vmem_shared>>) offsets(%dma_start3A_748 : memref<128xi32, #tpu.memory_space<vmem>>) semaphore(%arg19 : memref<!tpu.dma_semaphore, #tpu.memory_space<semaphore_mem>>) {add = true}
      %dma_wait3A_752 = arith.constant 7 : i32
      %dma_wait3A_753 = arith.constant 0 : i32
      %dma_wait3A_754 = tpu.memref_slice %arg12[%dma_wait3A_752, %dma_wait3A_753] : memref<8x128xi32, #tpu.memory_space<vmem>> -> memref<1x128xi32, #tpu.memory_space<vmem>>
      %dma_wait3A_755 = tpu.memref_squeeze %dma_wait3A_754 : memref<1x128xi32, #tpu.memory_space<vmem>> -> memref<128xi32, #tpu.memory_space<vmem>>
      %dma_wait3A_756 = arith.constant 0 : i32
      %dma_wait3A_757 = arith.constant 0 : i32
      %dma_wait3A_758 = tpu.memref_slice %arg15[%dma_wait3A_756, %dma_wait3A_757] : memref<10240x128xf32, #tpu.memory_space<vmem_shared>> -> memref<10240x128xf32, #tpu.memory_space<vmem_shared>>
      tpu.wait_indirect_dma semaphore(%arg18 : memref<!tpu.dma_semaphore, #tpu.memory_space<semaphore_mem>>) src(%arg13 : memref<128x128xf32, #tpu.memory_space<vmem>>) dst(%dma_wait3A_758 : memref<10240x128xf32, #tpu.memory_space<vmem_shared>>)
      %dma_wait3A_759 = arith.constant 0 : i32
      %dma_wait3A_760 = arith.constant 0 : i32
      %dma_wait3A_761 = tpu.memref_slice %arg3[%dma_wait3A_759, %dma_wait3A_760] : memref<2560x128xi32, #tpu.memory_space<hbm>> -> memref<8x128xi32, #tpu.memory_space<hbm>>
      %dma_wait3A_762 = arith.constant 0 : i32
      %dma_wait3A_763 = arith.constant 0 : i32
      %dma_wait3A_764 = tpu.memref_slice %arg3[%dma_wait3A_762, %dma_wait3A_763] : memref<2560x128xi32, #tpu.memory_space<hbm>> -> memref<8x128xi32, #tpu.memory_space<hbm>>
      tpu.wait_dma2 semaphore(%arg20 : memref<!tpu.dma_semaphore, #tpu.memory_space<semaphore_mem>>) src(%dma_wait3A_764 : memref<8x128xi32, #tpu.memory_space<hbm>>) dst(%arg9 : memref<8x128xi32, #tpu.memory_space<vmem>>)
      %dma_wait3A_765 = arith.constant 0 : i32
      %dma_wait3A_766 = arith.constant 0 : i32
      %dma_wait3A_767 = tpu.memref_slice %arg4[%dma_wait3A_765, %dma_wait3A_766] : memref<2560x128xi32, #tpu.memory_space<hbm>> -> memref<8x128xi32, #tpu.memory_space<hbm>>
      %dma_wait3A_768 = arith.constant 0 : i32
      %dma_wait3A_769 = arith.constant 0 : i32
      %dma_wait3A_770 = tpu.memref_slice %arg4[%dma_wait3A_768, %dma_wait3A_769] : memref<2560x128xi32, #tpu.memory_space<hbm>> -> memref<8x128xi32, #tpu.memory_space<hbm>>
      tpu.wait_dma2 semaphore(%arg20 : memref<!tpu.dma_semaphore, #tpu.memory_space<semaphore_mem>>) src(%dma_wait3A_770 : memref<8x128xi32, #tpu.memory_space<hbm>>) dst(%arg10 : memref<8x128xi32, #tpu.memory_space<vmem>>)
      %dma_start3A_771 = arith.constant 0 : i32
      %dma_start3A_772 = arith.constant 0 : i32
      %dma_start3A_773 = tpu.memref_slice %arg9[%dma_start3A_771, %dma_start3A_772] : memref<8x128xi32, #tpu.memory_space<vmem>> -> memref<1x128xi32, #tpu.memory_space<vmem>>
      %dma_start3A_774 = tpu.memref_squeeze %dma_start3A_773 : memref<1x128xi32, #tpu.memory_space<vmem>> -> memref<128xi32, #tpu.memory_space<vmem>>
      %dma_start3A_775 = arith.constant 0 : i32
      %dma_start3A_776 = arith.constant 0 : i32
      %dma_start3A_777 = tpu.memref_slice %arg2[%arg0, %dma_start3A_775, %dma_start3A_776] : memref<2x10240x128xf32, #tpu.memory_space<hbm>> -> memref<1x10240x128xf32, #tpu.memory_space<hbm>>
      %dma_start3A_778 = tpu.memref_squeeze %dma_start3A_777 : memref<1x10240x128xf32, #tpu.memory_space<hbm>> -> memref<10240x128xf32, #tpu.memory_space<hbm>>
      %dma_start3A_779 = arith.constant 0 : i32
      %dma_start3A_780 = arith.constant 0 : i32
      %dma_start3A_781 = tpu.memref_slice %dma_start3A_778[%dma_start3A_779, %dma_start3A_780] : memref<10240x128xf32, #tpu.memory_space<hbm>> -> memref<10240x128xf32, #tpu.memory_space<hbm>>
      tpu.enqueue_indirect_dma source(%dma_start3A_781 : memref<10240x128xf32, #tpu.memory_space<hbm>>) target(%arg13 : memref<128x128xf32, #tpu.memory_space<vmem>>) offsets(%dma_start3A_774 : memref<128xi32, #tpu.memory_space<vmem>>) semaphore(%arg16 : memref<!tpu.dma_semaphore, #tpu.memory_space<semaphore_mem>>)
      %eq3A_782 = arith.constant 1 : i32
      %eq3A_783 = arith.cmpi eq, %arg0, %eq3A_782 : i32
      %convert_element_type3A_784 = arith.extui %eq3A_783 : i1 to i32
      %cond3A_785 = arith.constant 0 : i32
      %cond3A_786 = arith.cmpi ne, %convert_element_type3A_784, %cond3A_785 : i32
      scf.if %cond3A_786 {
        %get3A = arith.constant 7 : i32
        %get3A_805 = arith.index_cast %get3A : i32 to index
        %get3A_806 = arith.constant 0 : index
        %get3A_807 = tpu.vector_load %arg12[%get3A_805, %get3A_806] {strides = array<i32>} : memref<8x128xi32, #tpu.memory_space<vmem>>, vector<16xi32>,
        tpu.vector_store_idx %arg22[%get3A_807], %broadcast_in_dim3A_3 {add = true} : memref<10240xf32, #tpu.memory_space<vmem>>[vector<16xi32>], vector<16xf32>,
        %get3A_808 = arith.constant 7 : i32
        %get3A_809 = arith.index_cast %get3A_808 : i32 to index
        %get3A_810 = arith.constant 16 : index
        %get3A_811 = tpu.vector_load %arg12[%get3A_809, %get3A_810] {strides = array<i32>} : memref<8x128xi32, #tpu.memory_space<vmem>>, vector<16xi32>,
        tpu.vector_store_idx %arg22[%get3A_811], %broadcast_in_dim3A_3 {add = true} : memref<10240xf32, #tpu.memory_space<vmem>>[vector<16xi32>], vector<16xf32>,
        %get3A_812 = arith.constant 7 : i32
        %get3A_813 = arith.index_cast %get3A_812 : i32 to index
        %get3A_814 = arith.constant 32 : index
        %get3A_815 = tpu.vector_load %arg12[%get3A_813, %get3A_814] {strides = array<i32>} : memref<8x128xi32, #tpu.memory_space<vmem>>, vector<16xi32>,
        tpu.vector_store_idx %arg22[%get3A_815], %broadcast_in_dim3A_3 {add = true} : memref<10240xf32, #tpu.memory_space<vmem>>[vector<16xi32>], vector<16xf32>,
        %get3A_816 = arith.constant 7 : i32
        %get3A_817 = arith.index_cast %get3A_816 : i32 to index
        %get3A_818 = arith.constant 48 : index
        %get3A_819 = tpu.vector_load %arg12[%get3A_817, %get3A_818] {strides = array<i32>} : memref<8x128xi32, #tpu.memory_space<vmem>>, vector<16xi32>,
        tpu.vector_store_idx %arg22[%get3A_819], %broadcast_in_dim3A_3 {add = true} : memref<10240xf32, #tpu.memory_space<vmem>>[vector<16xi32>], vector<16xf32>,
        %get3A_820 = arith.constant 7 : i32
        %get3A_821 = arith.index_cast %get3A_820 : i32 to index
        %get3A_822 = arith.constant 64 : index
        %get3A_823 = tpu.vector_load %arg12[%get3A_821, %get3A_822] {strides = array<i32>} : memref<8x128xi32, #tpu.memory_space<vmem>>, vector<16xi32>,
        tpu.vector_store_idx %arg22[%get3A_823], %broadcast_in_dim3A_3 {add = true} : memref<10240xf32, #tpu.memory_space<vmem>>[vector<16xi32>], vector<16xf32>,
        %get3A_824 = arith.constant 7 : i32
        %get3A_825 = arith.index_cast %get3A_824 : i32 to index
        %get3A_826 = arith.constant 80 : index
        %get3A_827 = tpu.vector_load %arg12[%get3A_825, %get3A_826] {strides = array<i32>} : memref<8x128xi32, #tpu.memory_space<vmem>>, vector<16xi32>,
        tpu.vector_store_idx %arg22[%get3A_827], %broadcast_in_dim3A_3 {add = true} : memref<10240xf32, #tpu.memory_space<vmem>>[vector<16xi32>], vector<16xf32>,
        %get3A_828 = arith.constant 7 : i32
        %get3A_829 = arith.index_cast %get3A_828 : i32 to index
        %get3A_830 = arith.constant 96 : index
        %get3A_831 = tpu.vector_load %arg12[%get3A_829, %get3A_830] {strides = array<i32>} : memref<8x128xi32, #tpu.memory_space<vmem>>, vector<16xi32>,
        tpu.vector_store_idx %arg22[%get3A_831], %broadcast_in_dim3A_3 {add = true} : memref<10240xf32, #tpu.memory_space<vmem>>[vector<16xi32>], vector<16xf32>,
        %get3A_832 = arith.constant 7 : i32
        %get3A_833 = arith.index_cast %get3A_832 : i32 to index
        %get3A_834 = arith.constant 112 : index
        %get3A_835 = tpu.vector_load %arg12[%get3A_833, %get3A_834] {strides = array<i32>} : memref<8x128xi32, #tpu.memory_space<vmem>>, vector<16xi32>,
        tpu.vector_store_idx %arg22[%get3A_835], %broadcast_in_dim3A_3 {add = true} : memref<10240xf32, #tpu.memory_space<vmem>>[vector<16xi32>], vector<16xf32>,
      } else {
      }
      %mul3A_787 = arith.constant 2 : i32
      %mul3A_788 = arith.muli %mul3A_787, %scan3A_92 : i32
      %add3A_789 = arith.constant 3 : i32
      %add3A_790 = arith.addi %mul3A_788, %add3A_789 : i32
      %min3A_791 = arith.constant 19 : i32
      %min3A_792 = arith.minsi %add3A_790, %min3A_791 : i32
      %add3A_793 = arith.addi %mul3A_2, %min3A_792 : i32
      %mul3A_794 = arith.constant 8 : i32
      %mul3A_795 = arith.muli %add3A_793, %mul3A_794 : i32
      %multiple_of3A_796 = tpu.assume_multiple %mul3A_795, 8 : i32
      %dma_start3A_797 = arith.constant 0 : i32
      %dma_start3A_798 = tpu.memref_slice %arg3[%multiple_of3A_796, %dma_start3A_797] : memref<2560x128xi32, #tpu.memory_space<hbm>> -> memref<8x128xi32, #tpu.memory_space<hbm>>
      %dma_start3A_799 = arith.constant 0 : i32
      %dma_start3A_800 = tpu.memref_slice %arg3[%multiple_of3A_796, %dma_start3A_799] : memref<2560x128xi32, #tpu.memory_space<hbm>> -> memref<8x128xi32, #tpu.memory_space<hbm>>
      tpu.enqueue_dma source(%dma_start3A_800 : memref<8x128xi32, #tpu.memory_space<hbm>>) target(%arg11 : memref<8x128xi32, #tpu.memory_space<vmem>>) target_semaphore(%arg21 : memref<!tpu.dma_semaphore, #tpu.memory_space<semaphore_mem>>)
      %dma_start3A_801 = arith.constant 0 : i32
      %dma_start3A_802 = tpu.memref_slice %arg4[%multiple_of3A_796, %dma_start3A_801] : memref<2560x128xi32, #tpu.memory_space<hbm>> -> memref<8x128xi32, #tpu.memory_space<hbm>>
      %dma_start3A_803 = arith.constant 0 : i32
      %dma_start3A_804 = tpu.memref_slice %arg4[%multiple_of3A_796, %dma_start3A_803] : memref<2560x128xi32, #tpu.memory_space<hbm>> -> memref<8x128xi32, #tpu.memory_space<hbm>>
      tpu.enqueue_dma source(%dma_start3A_804 : memref<8x128xi32, #tpu.memory_space<hbm>>) target(%arg12 : memref<8x128xi32, #tpu.memory_space<vmem>>) target_semaphore(%arg21 : memref<!tpu.dma_semaphore, #tpu.memory_space<semaphore_mem>>)
    }
    %scan3A_60 = arith.constant 10 : i32
    %dma_wait3A_61 = arith.constant 0 : i32
    %dma_wait3A_62 = arith.constant 0 : i32
    %dma_wait3A_63 = tpu.memref_slice %arg9[%dma_wait3A_61, %dma_wait3A_62] : memref<8x128xi32, #tpu.memory_space<vmem>> -> memref<1x128xi32, #tpu.memory_space<vmem>>
    %dma_wait3A_64 = tpu.memref_squeeze %dma_wait3A_63 : memref<1x128xi32, #tpu.memory_space<vmem>> -> memref<128xi32, #tpu.memory_space<vmem>>
    %dma_wait3A_65 = arith.constant 0 : i32
    %dma_wait3A_66 = arith.constant 0 : i32
    %dma_wait3A_67 = tpu.memref_slice %arg2[%arg0, %dma_wait3A_65, %dma_wait3A_66] : memref<2x10240x128xf32, #tpu.memory_space<hbm>> -> memref<1x10240x128xf32, #tpu.memory_space<hbm>>
    %dma_wait3A_68 = tpu.memref_squeeze %dma_wait3A_67 : memref<1x10240x128xf32, #tpu.memory_space<hbm>> -> memref<10240x128xf32, #tpu.memory_space<hbm>>
    %dma_wait3A_69 = arith.constant 0 : i32
    %dma_wait3A_70 = arith.constant 0 : i32
    %dma_wait3A_71 = tpu.memref_slice %dma_wait3A_68[%dma_wait3A_69, %dma_wait3A_70] : memref<10240x128xf32, #tpu.memory_space<hbm>> -> memref<10240x128xf32, #tpu.memory_space<hbm>>
    tpu.wait_indirect_dma semaphore(%arg16 : memref<!tpu.dma_semaphore, #tpu.memory_space<semaphore_mem>>) src(%dma_wait3A_71 : memref<10240x128xf32, #tpu.memory_space<hbm>>) dst(%arg13 : memref<128x128xf32, #tpu.memory_space<vmem>>)
    %dma_wait3A_72 = arith.constant 0 : i32
    %dma_wait3A_73 = arith.constant 0 : i32
    %dma_wait3A_74 = tpu.memref_slice %arg10[%dma_wait3A_72, %dma_wait3A_73] : memref<8x128xi32, #tpu.memory_space<vmem>> -> memref<1x128xi32, #tpu.memory_space<vmem>>
    %dma_wait3A_75 = tpu.memref_squeeze %dma_wait3A_74 : memref<1x128xi32, #tpu.memory_space<vmem>> -> memref<128xi32, #tpu.memory_space<vmem>>
    %dma_wait3A_76 = arith.constant 0 : i32
    %dma_wait3A_77 = arith.constant 0 : i32
    %dma_wait3A_78 = tpu.memref_slice %arg15[%dma_wait3A_76, %dma_wait3A_77] : memref<10240x128xf32, #tpu.memory_space<vmem_shared>> -> memref<10240x128xf32, #tpu.memory_space<vmem_shared>>
    tpu.wait_indirect_dma semaphore(%arg19 : memref<!tpu.dma_semaphore, #tpu.memory_space<semaphore_mem>>) src(%arg14 : memref<128x128xf32, #tpu.memory_space<vmem>>) dst(%dma_wait3A_78 : memref<10240x128xf32, #tpu.memory_space<vmem_shared>>)
    %dma_wait3A_79 = arith.constant 0 : i32
    %dma_wait3A_80 = arith.constant 0 : i32
    %dma_wait3A_81 = tpu.memref_slice %arg3[%dma_wait3A_79, %dma_wait3A_80] : memref<2560x128xi32, #tpu.memory_space<hbm>> -> memref<8x128xi32, #tpu.memory_space<hbm>>
    %dma_wait3A_82 = arith.constant 0 : i32
    %dma_wait3A_83 = arith.constant 0 : i32
    %dma_wait3A_84 = tpu.memref_slice %arg3[%dma_wait3A_82, %dma_wait3A_83] : memref<2560x128xi32, #tpu.memory_space<hbm>> -> memref<8x128xi32, #tpu.memory_space<hbm>>
    tpu.wait_dma2 semaphore(%arg21 : memref<!tpu.dma_semaphore, #tpu.memory_space<semaphore_mem>>) src(%dma_wait3A_84 : memref<8x128xi32, #tpu.memory_space<hbm>>) dst(%arg11 : memref<8x128xi32, #tpu.memory_space<vmem>>)
    %dma_wait3A_85 = arith.constant 0 : i32
    %dma_wait3A_86 = arith.constant 0 : i32
    %dma_wait3A_87 = tpu.memref_slice %arg4[%dma_wait3A_85, %dma_wait3A_86] : memref<2560x128xi32, #tpu.memory_space<hbm>> -> memref<8x128xi32, #tpu.memory_space<hbm>>
    %dma_wait3A_88 = arith.constant 0 : i32
    %dma_wait3A_89 = arith.constant 0 : i32
    %dma_wait3A_90 = tpu.memref_slice %arg4[%dma_wait3A_88, %dma_wait3A_89] : memref<2560x128xi32, #tpu.memory_space<hbm>> -> memref<8x128xi32, #tpu.memory_space<hbm>>
    tpu.wait_dma2 semaphore(%arg21 : memref<!tpu.dma_semaphore, #tpu.memory_space<semaphore_mem>>) src(%dma_wait3A_90 : memref<8x128xi32, #tpu.memory_space<hbm>>) dst(%arg12 : memref<8x128xi32, #tpu.memory_space<vmem>>)
    %barrier3A_91 = arith.constant 0 : index
    tpu.barrier barrier_id(%barrier3A_91)
    "tpu.region"() ({
      %run_scoped3A = tpu.sem_alloc : memref<!tpu.dma_semaphore, #tpu.memory_space<semaphore_mem>>
      %dma_start3A_92 = arith.constant 0 : i32
      %dma_start3A_93 = arith.constant 0 : i32
      %dma_start3A_94 = tpu.memref_slice %arg7[%arg0, %dma_start3A_92, %dma_start3A_93] : memref<2x10240x128xf32, #tpu.memory_space<hbm>> -> memref<1x10240x128xf32, #tpu.memory_space<hbm>>
      %dma_start3A_95 = tpu.memref_squeeze %dma_start3A_94 : memref<1x10240x128xf32, #tpu.memory_space<hbm>> -> memref<10240x128xf32, #tpu.memory_space<hbm>>
      %dma_start3A_96 = arith.constant 0 : i32
      %dma_start3A_97 = tpu.memref_slice %dma_start3A_95[%mul3A_0, %dma_start3A_96] : memref<10240x128xf32, #tpu.memory_space<hbm>> -> memref<640x128xf32, #tpu.memory_space<hbm>>
      %dma_start3A_98 = arith.constant 0 : i32
      %dma_start3A_99 = tpu.memref_slice %arg15[%mul3A_0, %dma_start3A_98] : memref<10240x128xf32, #tpu.memory_space<vmem_shared>> -> memref<640x128xf32, #tpu.memory_space<vmem_shared>>
      tpu.enqueue_dma source(%dma_start3A_99 : memref<640x128xf32, #tpu.memory_space<vmem_shared>>) target(%dma_start3A_97 : memref<640x128xf32, #tpu.memory_space<hbm>>) target_semaphore(%run_scoped3A : memref<!tpu.dma_semaphore, #tpu.memory_space<semaphore_mem>>)
      %dma_wait3A_100 = arith.constant 0 : i32
      %dma_wait3A_101 = arith.constant 0 : i32
      %dma_wait3A_102 = tpu.memref_slice %arg7[%arg0, %dma_wait3A_100, %dma_wait3A_101] : memref<2x10240x128xf32, #tpu.memory_space<hbm>> -> memref<1x10240x128xf32, #tpu.memory_space<hbm>>
      %dma_wait3A_103 = tpu.memref_squeeze %dma_wait3A_102 : memref<1x10240x128xf32, #tpu.memory_space<hbm>> -> memref<10240x128xf32, #tpu.memory_space<hbm>>
      %dma_wait3A_104 = arith.constant 0 : i32
      %dma_wait3A_105 = tpu.memref_slice %dma_wait3A_103[%mul3A_0, %dma_wait3A_104] : memref<10240x128xf32, #tpu.memory_space<hbm>> -> memref<640x128xf32, #tpu.memory_space<hbm>>
      %dma_wait3A_106 = arith.constant 0 : i32
      %dma_wait3A_107 = tpu.memref_slice %arg15[%mul3A_0, %dma_wait3A_106] : memref<10240x128xf32, #tpu.memory_space<vmem_shared>> -> memref<640x128xf32, #tpu.memory_space<vmem_shared>>
      tpu.wait_dma2 semaphore(%run_scoped3A : memref<!tpu.dma_semaphore, #tpu.memory_space<semaphore_mem>>) src(%dma_wait3A_107 : memref<640x128xf32, #tpu.memory_space<vmem_shared>>) dst(%dma_wait3A_105 : memref<640x128xf32, #tpu.memory_space<hbm>>)
      tpu.yield
    }) : () -> ()
    "tpu.region"() ({
      %run_scoped3A = tpu.sem_alloc : memref<!tpu.dma_semaphore, #tpu.memory_space<semaphore_mem>>
      %dma_start3A_92 = arith.constant 0 : i32
      %dma_start3A_93 = arith.constant 0 : i32
      %dma_start3A_94 = tpu.memref_slice %arg8[%arg0, %dma_start3A_92, %dma_start3A_93] : memref<2x16x10240xf32, #tpu.memory_space<hbm>> -> memref<1x16x10240xf32, #tpu.memory_space<hbm>>
      %dma_start3A_95 = tpu.memref_squeeze %dma_start3A_94 : memref<1x16x10240xf32, #tpu.memory_space<hbm>> -> memref<16x10240xf32, #tpu.memory_space<hbm>>
      %dma_start3A_96 = arith.constant 0 : i32
      %dma_start3A_97 = tpu.memref_slice %dma_start3A_95[%arg1, %dma_start3A_96] : memref<16x10240xf32, #tpu.memory_space<hbm>> -> memref<1x10240xf32, #tpu.memory_space<hbm>>
      %dma_start3A_98 = tpu.memref_squeeze %dma_start3A_97 : memref<1x10240xf32, #tpu.memory_space<hbm>> -> memref<10240xf32, #tpu.memory_space<hbm>>
      %dma_start3A_99 = arith.constant 0 : i32
      %dma_start3A_100 = arith.constant 0 : i32
      %dma_start3A_101 = tpu.memref_slice %arg8[%arg0, %dma_start3A_99, %dma_start3A_100] : memref<2x16x10240xf32, #tpu.memory_space<hbm>> -> memref<1x16x10240xf32, #tpu.memory_space<hbm>>
      %dma_start3A_102 = tpu.memref_squeeze %dma_start3A_101 : memref<1x16x10240xf32, #tpu.memory_space<hbm>> -> memref<16x10240xf32, #tpu.memory_space<hbm>>
      %dma_start3A_103 = arith.constant 0 : i32
      %dma_start3A_104 = tpu.memref_slice %dma_start3A_102[%arg1, %dma_start3A_103] : memref<16x10240xf32, #tpu.memory_space<hbm>> -> memref<1x10240xf32, #tpu.memory_space<hbm>>
      %dma_start3A_105 = tpu.memref_squeeze %dma_start3A_104 : memref<1x10240xf32, #tpu.memory_space<hbm>> -> memref<10240xf32, #tpu.memory_space<hbm>>
      tpu.enqueue_dma source(%arg22 : memref<10240xf32, #tpu.memory_space<vmem>>) target(%dma_start3A_105 : memref<10240xf32, #tpu.memory_space<hbm>>) target_semaphore(%run_scoped3A : memref<!tpu.dma_semaphore, #tpu.memory_space<semaphore_mem>>)
      %dma_wait3A_106 = arith.constant 0 : i32
      %dma_wait3A_107 = arith.constant 0 : i32
      %dma_wait3A_108 = tpu.memref_slice %arg8[%arg0, %dma_wait3A_106, %dma_wait3A_107] : memref<2x16x10240xf32, #tpu.memory_space<hbm>> -> memref<1x16x10240xf32, #tpu.memory_space<hbm>>
      %dma_wait3A_109 = tpu.memref_squeeze %dma_wait3A_108 : memref<1x16x10240xf32, #tpu.memory_space<hbm>> -> memref<16x10240xf32, #tpu.memory_space<hbm>>
      %dma_wait3A_110 = arith.constant 0 : i32
      %dma_wait3A_111 = tpu.memref_slice %dma_wait3A_109[%arg1, %dma_wait3A_110] : memref<16x10240xf32, #tpu.memory_space<hbm>> -> memref<1x10240xf32, #tpu.memory_space<hbm>>
      %dma_wait3A_112 = tpu.memref_squeeze %dma_wait3A_111 : memref<1x10240xf32, #tpu.memory_space<hbm>> -> memref<10240xf32, #tpu.memory_space<hbm>>
      %dma_wait3A_113 = arith.constant 0 : i32
      %dma_wait3A_114 = arith.constant 0 : i32
      %dma_wait3A_115 = tpu.memref_slice %arg8[%arg0, %dma_wait3A_113, %dma_wait3A_114] : memref<2x16x10240xf32, #tpu.memory_space<hbm>> -> memref<1x16x10240xf32, #tpu.memory_space<hbm>>
      %dma_wait3A_116 = tpu.memref_squeeze %dma_wait3A_115 : memref<1x16x10240xf32, #tpu.memory_space<hbm>> -> memref<16x10240xf32, #tpu.memory_space<hbm>>
      %dma_wait3A_117 = arith.constant 0 : i32
      %dma_wait3A_118 = tpu.memref_slice %dma_wait3A_116[%arg1, %dma_wait3A_117] : memref<16x10240xf32, #tpu.memory_space<hbm>> -> memref<1x10240xf32, #tpu.memory_space<hbm>>
      %dma_wait3A_119 = tpu.memref_squeeze %dma_wait3A_118 : memref<1x10240xf32, #tpu.memory_space<hbm>> -> memref<10240xf32, #tpu.memory_space<hbm>>
      tpu.wait_dma2 semaphore(%run_scoped3A : memref<!tpu.dma_semaphore, #tpu.memory_space<semaphore_mem>>) src(%arg22 : memref<10240xf32, #tpu.memory_space<vmem>>) dst(%dma_wait3A_119 : memref<10240xf32, #tpu.memory_space<hbm>>)
      tpu.yield
    }) : () -> ()
    return
  }
}

module attributes {stable_mosaic.version = 14 : i64} {
  func.func @_dense1_body(%arg0: i32, %arg1: memref<2x1000x128xf32, #tpu.memory_space<vmem>>, %arg2: memref<1000x256xf32, #tpu.memory_space<vmem>>, %arg3: memref<1000x1xf32, #tpu.memory_space<vmem>>, %arg4: memref<256x256xf32, #tpu.memory_space<vmem>>, %arg5: memref<64x128xf32, #tpu.memory_space<vmem>>, %arg6: memref<1000x256xf32, #tpu.memory_space<vmem>>, %arg7: memref<1000x64xf32, #tpu.memory_space<vmem>>) attributes {dimension_semantics = [#tpu.dimension_semantics<arbitrary>], iteration_bounds = array<i64: 10>, scalar_prefetch = 0 : i64, scratch_operands = 0 : i64, tpu.core_type = #tpu.core_type<tc>, window_params = [{transform_indices = @transform_0, window_bounds = array<i64: 2, 1000, 128>}, {transform_indices = @transform_1, window_bounds = array<i64: 1000, 256>}, {transform_indices = @transform_2, window_bounds = array<i64: 1000, 1>}, {pipeline_mode = #tpu.pipeline_mode<synchronous>, transform_indices = @transform_3, window_bounds = array<i64: 256, 256>}, {pipeline_mode = #tpu.pipeline_mode<synchronous>, transform_indices = @transform_4, window_bounds = array<i64: 64, 128>}, {transform_indices = @transform_5, window_bounds = array<i64: 1000, 256>}, {transform_indices = @transform_6, window_bounds = array<i64: 1000, 64>}]} {
    %get3A = arith.constant 0 : index
    %get3A_0 = arith.constant 0 : index
    %get3A_1 = arith.constant 0 : index
    %get3A_2 = vector.load %arg1[%get3A, %get3A_0, %get3A_1] : memref<2x1000x128xf32, #tpu.memory_space<vmem>>, vector<2x1000x128xf32>
    %slice3A = vector.extract_strided_slice %get3A_2 {offsets = [0, 0, 0], sizes = [1, 1000, 128], strides = [1, 1, 1]} : vector<2x1000x128xf32> to vector<1x1000x128xf32>
    %squeeze3A = vector.shape_cast %slice3A : vector<1x1000x128xf32> to vector<1000x128xf32>
    %slice3A_3 = vector.extract_strided_slice %get3A_2 {offsets = [1, 0, 0], sizes = [1, 1000, 128], strides = [1, 1, 1]} : vector<2x1000x128xf32> to vector<1x1000x128xf32>
    %squeeze3A_4 = vector.shape_cast %slice3A_3 : vector<1x1000x128xf32> to vector<1000x128xf32>
    %concatenate3A = tpu.concatenate %squeeze3A, %squeeze3A_4 in 1 : vector<1000x128xf32>, vector<1000x128xf32> -> vector<1000x256xf32>
    %get3A_5 = arith.constant 0 : index
    %get3A_6 = arith.constant 0 : index
    %get3A_7 = vector.load %arg2[%get3A_5, %get3A_6] : memref<1000x256xf32, #tpu.memory_space<vmem>>, vector<1000x256xf32>
    %add3A = arith.addf %concatenate3A, %get3A_7 : vector<1000x256xf32>
    %get3A_8 = arith.constant 0 : index
    %get3A_9 = arith.constant 0 : index
    %get3A_10 = vector.load %arg3[%get3A_8, %get3A_9] : memref<1000x1xf32, #tpu.memory_space<vmem>>, vector<1000x1xf32>
    %add3A_11 = arith.constant 1.000000e+00 : f32
    %add3A_12 = vector.broadcast %add3A_11 : f32 to vector<1000x1xf32>
    %add3A_13 = arith.addf %get3A_10, %add3A_12 : vector<1000x1xf32>
    %div3A = arith.constant 1.000000e+00 : f32
    %div3A_14 = vector.broadcast %div3A : f32 to vector<1000x1xf32>
    %div3A_15 = arith.divf %div3A_14, %add3A_13 : vector<1000x1xf32>
    %mul3A = vector.broadcast %div3A_15 : vector<1000x1xf32> to vector<1000x256xf32>
    %mul3A_16 = arith.mulf %add3A, %mul3A : vector<1000x256xf32>
    %get3A_17 = arith.constant 0 : index
    %get3A_18 = arith.constant 0 : index
    %get3A_19 = vector.load %arg4[%get3A_17, %get3A_18] : memref<256x256xf32, #tpu.memory_space<vmem>>, vector<256x256xf32>
    %dot_general3A = arith.constant dense<0.000000e+00> : vector<1000x256xf32>
    %dot_general3A_20 = tpu.matmul %mul3A_16, %get3A_19, %dot_general3A {dimension_numbers = #tpu.dot_dimension_numbers<[1], [1], [0], [0], [0, 0, 1, 0], [], []>, transpose_lhs_hint = false} : vector<1000x256xf32>, vector<256x256xf32>, vector<1000x256xf32> -> vector<1000x256xf32>
    %max3A = arith.constant 0.000000e+00 : f32
    %max3A_21 = vector.broadcast %max3A : f32 to vector<1000x256xf32>
    %max3A_22 = arith.maximumf %dot_general3A_20, %max3A_21 : vector<1000x256xf32>
    %swap3A = arith.constant 0 : index
    %swap3A_23 = arith.constant 0 : index
    %swap3A_24 = vector.load %arg6[%swap3A, %swap3A_23] : memref<1000x256xf32, #tpu.memory_space<vmem>>, vector<1000x256xf32>
    tpu.vector_store %arg6[%swap3A, %swap3A_23], %max3A_22 {strides = array<i32>} : memref<1000x256xf32, #tpu.memory_space<vmem>>, vector<1000x256xf32>,
    %slice3A_25 = vector.extract_strided_slice %max3A_22 {offsets = [0, 0], sizes = [1000, 128], strides = [1, 1]} : vector<1000x256xf32> to vector<1000x128xf32>
    %get3A_26 = arith.constant 0 : index
    %get3A_27 = arith.constant 0 : index
    %get3A_28 = vector.load %arg5[%get3A_26, %get3A_27] : memref<64x128xf32, #tpu.memory_space<vmem>>, vector<64x128xf32>
    %dot_general3A_29 = arith.constant dense<0.000000e+00> : vector<1000x64xf32>
    %dot_general3A_30 = tpu.matmul %slice3A_25, %get3A_28, %dot_general3A_29 {dimension_numbers = #tpu.dot_dimension_numbers<[1], [1], [0], [0], [0, 0, 1, 0], [], []>, transpose_lhs_hint = false} : vector<1000x128xf32>, vector<64x128xf32>, vector<1000x64xf32> -> vector<1000x64xf32>
    %swap3A_31 = arith.constant 0 : index
    %swap3A_32 = arith.constant 0 : index
    %swap3A_33 = vector.load %arg7[%swap3A_31, %swap3A_32] : memref<1000x64xf32, #tpu.memory_space<vmem>>, vector<1000x64xf32>
    tpu.vector_store %arg7[%swap3A_31, %swap3A_32], %dot_general3A_30 {strides = array<i32>} : memref<1000x64xf32, #tpu.memory_space<vmem>>, vector<1000x64xf32>,
    return
  }
  func.func @transform_0(%arg0: i32) -> (i32, i32, i32) {
    %c0_i32 = arith.constant 0 : i32
    %c0_i32_0 = arith.constant 0 : i32
    %c0_i32_1 = arith.constant 0 : i32
    return %c0_i32, %arg0, %c0_i32_0 : i32, i32, i32
  }
  func.func @transform_1(%arg0: i32) -> (i32, i32) {
    %c0_i32 = arith.constant 0 : i32
    %c0_i32_0 = arith.constant 0 : i32
    return %arg0, %c0_i32 : i32, i32
  }
  func.func @transform_2(%arg0: i32) -> (i32, i32) {
    %c0_i32 = arith.constant 0 : i32
    %c0_i32_0 = arith.constant 0 : i32
    return %arg0, %c0_i32 : i32, i32
  }
  func.func @transform_3(%arg0: i32) -> (i32, i32) {
    %c0_i32 = arith.constant 0 : i32
    %c0_i32_0 = arith.constant 0 : i32
    %c0_i32_1 = arith.constant 0 : i32
    return %c0_i32, %c0_i32_0 : i32, i32
  }
  func.func @transform_4(%arg0: i32) -> (i32, i32) {
    %c0_i32 = arith.constant 0 : i32
    %c0_i32_0 = arith.constant 0 : i32
    %c0_i32_1 = arith.constant 0 : i32
    return %c0_i32, %c0_i32_0 : i32, i32
  }
  func.func @transform_5(%arg0: i32) -> (i32, i32) {
    %c0_i32 = arith.constant 0 : i32
    %c0_i32_0 = arith.constant 0 : i32
    return %arg0, %c0_i32 : i32, i32
  }
  func.func @transform_6(%arg0: i32) -> (i32, i32) {
    %c0_i32 = arith.constant 0 : i32
    %c0_i32_0 = arith.constant 0 : i32
    return %arg0, %c0_i32 : i32, i32
  }
}

module attributes {stable_mosaic.version = 14 : i64} {
  func.func @_recons_body(%arg0: i32, %arg1: memref<256x128xf32, #tpu.memory_space<vmem>>, %arg2: memref<10000x128xf32, #tpu.memory_space<vmem>>, %arg3: memref<256x10000xf32, #tpu.memory_space<vmem>>) attributes {dimension_semantics = [#tpu.dimension_semantics<arbitrary>], iteration_bounds = array<i64: 40>, scalar_prefetch = 0 : i64, scratch_operands = 0 : i64, tpu.core_type = #tpu.core_type<tc>, window_params = [{transform_indices = @transform_0, window_bounds = array<i64: 256, 128>}, {pipeline_mode = #tpu.pipeline_mode<synchronous>, transform_indices = @transform_1, window_bounds = array<i64: 10000, 128>}, {transform_indices = @transform_2, window_bounds = array<i64: 256, 10000>}]} {
    %get3A = arith.constant 0 : index
    %get3A_0 = arith.constant 0 : index
    %get3A_1 = vector.load %arg1[%get3A, %get3A_0] : memref<256x128xf32, #tpu.memory_space<vmem>>, vector<256x128xf32>
    %get3A_2 = arith.constant 0 : index
    %get3A_3 = arith.constant 0 : index
    %get3A_4 = vector.load %arg2[%get3A_2, %get3A_3] : memref<10000x128xf32, #tpu.memory_space<vmem>>, vector<10000x128xf32>
    %dot_general3A = arith.constant dense<0.000000e+00> : vector<256x10000xf32>
    %dot_general3A_5 = tpu.matmul %get3A_1, %get3A_4, %dot_general3A {dimension_numbers = #tpu.dot_dimension_numbers<[1], [1], [0], [0], [0, 0, 1, 0], [], []>, transpose_lhs_hint = false} : vector<256x128xf32>, vector<10000x128xf32>, vector<256x10000xf32> -> vector<256x10000xf32>
    %neg3A = arith.constant 0.000000e+00 : f32
    %neg3A_6 = vector.broadcast %neg3A : f32 to vector<256x10000xf32>
    %neg3A_7 = arith.subf %neg3A_6, %dot_general3A_5 : vector<256x10000xf32>
    %exp3A = math.exp %neg3A_7 : vector<256x10000xf32>
    %add3A = arith.constant 1.000000e+00 : f32
    %add3A_8 = vector.broadcast %add3A : f32 to vector<256x10000xf32>
    %add3A_9 = arith.addf %add3A_8, %exp3A : vector<256x10000xf32>
    %div3A = arith.constant 1.000000e+00 : f32
    %div3A_10 = vector.broadcast %div3A : f32 to vector<256x10000xf32>
    %div3A_11 = arith.divf %div3A_10, %add3A_9 : vector<256x10000xf32>
    %swap3A = arith.constant 0 : index
    %swap3A_12 = arith.constant 0 : index
    %swap3A_13 = vector.load %arg3[%swap3A, %swap3A_12] : memref<256x10000xf32, #tpu.memory_space<vmem>>, vector<256x10000xf32>
    tpu.vector_store %arg3[%swap3A, %swap3A_12], %div3A_11 {strides = array<i32>} : memref<256x10000xf32, #tpu.memory_space<vmem>>, vector<256x10000xf32>,
    return
  }
  func.func @transform_0(%arg0: i32) -> (i32, i32) {
    %c0_i32 = arith.constant 0 : i32
    %c0_i32_0 = arith.constant 0 : i32
    return %arg0, %c0_i32 : i32, i32
  }
  func.func @transform_1(%arg0: i32) -> (i32, i32) {
    %c0_i32 = arith.constant 0 : i32
    %c0_i32_0 = arith.constant 0 : i32
    %c0_i32_1 = arith.constant 0 : i32
    return %c0_i32, %c0_i32_0 : i32, i32
  }
  func.func @transform_2(%arg0: i32) -> (i32, i32) {
    %c0_i32 = arith.constant 0 : i32
    %c0_i32_0 = arith.constant 0 : i32
    return %arg0, %c0_i32 : i32, i32
  }
}

module attributes {stable_mosaic.version = 14 : i64} {
  func.func @_dense2_body(%arg0: i32, %arg1: memref<2x1000x64xf32, #tpu.memory_space<vmem>>, %arg2: memref<1000x64xf32, #tpu.memory_space<vmem>>, %arg3: memref<1000x1xf32, #tpu.memory_space<vmem>>, %arg4: memref<1000x64xf32, #tpu.memory_space<vmem>>) attributes {dimension_semantics = [#tpu.dimension_semantics<arbitrary>], iteration_bounds = array<i64: 10>, scalar_prefetch = 0 : i64, scratch_operands = 0 : i64, tpu.core_type = #tpu.core_type<tc>, window_params = [{transform_indices = @transform_0, window_bounds = array<i64: 2, 1000, 64>}, {transform_indices = @transform_1, window_bounds = array<i64: 1000, 64>}, {transform_indices = @transform_2, window_bounds = array<i64: 1000, 1>}, {transform_indices = @transform_3, window_bounds = array<i64: 1000, 64>}]} {
    %get3A = arith.constant 0 : index
    %get3A_0 = arith.constant 0 : index
    %get3A_1 = arith.constant 0 : index
    %get3A_2 = vector.load %arg1[%get3A, %get3A_0, %get3A_1] : memref<2x1000x64xf32, #tpu.memory_space<vmem>>, vector<2x1000x64xf32>
    %slice3A = vector.extract_strided_slice %get3A_2 {offsets = [0, 0, 0], sizes = [1, 1000, 64], strides = [1, 1, 1]} : vector<2x1000x64xf32> to vector<1x1000x64xf32>
    %squeeze3A = vector.shape_cast %slice3A : vector<1x1000x64xf32> to vector<1000x64xf32>
    %slice3A_3 = vector.extract_strided_slice %get3A_2 {offsets = [1, 0, 0], sizes = [1, 1000, 64], strides = [1, 1, 1]} : vector<2x1000x64xf32> to vector<1x1000x64xf32>
    %squeeze3A_4 = vector.shape_cast %slice3A_3 : vector<1x1000x64xf32> to vector<1000x64xf32>
    %add3A = arith.addf %squeeze3A, %squeeze3A_4 : vector<1000x64xf32>
    %get3A_5 = arith.constant 0 : index
    %get3A_6 = arith.constant 0 : index
    %get3A_7 = vector.load %arg2[%get3A_5, %get3A_6] : memref<1000x64xf32, #tpu.memory_space<vmem>>, vector<1000x64xf32>
    %add3A_8 = arith.addf %add3A, %get3A_7 : vector<1000x64xf32>
    %get3A_9 = arith.constant 0 : index
    %get3A_10 = arith.constant 0 : index
    %get3A_11 = vector.load %arg3[%get3A_9, %get3A_10] : memref<1000x1xf32, #tpu.memory_space<vmem>>, vector<1000x1xf32>
    %add3A_12 = arith.constant 1.000000e+00 : f32
    %add3A_13 = vector.broadcast %add3A_12 : f32 to vector<1000x1xf32>
    %add3A_14 = arith.addf %get3A_11, %add3A_13 : vector<1000x1xf32>
    %div3A = arith.constant 1.000000e+00 : f32
    %div3A_15 = vector.broadcast %div3A : f32 to vector<1000x1xf32>
    %div3A_16 = arith.divf %div3A_15, %add3A_14 : vector<1000x1xf32>
    %mul3A = vector.broadcast %div3A_16 : vector<1000x1xf32> to vector<1000x64xf32>
    %mul3A_17 = arith.mulf %add3A_8, %mul3A : vector<1000x64xf32>
    %max3A = arith.constant 0.000000e+00 : f32
    %max3A_18 = vector.broadcast %max3A : f32 to vector<1000x64xf32>
    %max3A_19 = arith.maximumf %mul3A_17, %max3A_18 : vector<1000x64xf32>
    %swap3A = arith.constant 0 : index
    %swap3A_20 = arith.constant 0 : index
    %swap3A_21 = vector.load %arg4[%swap3A, %swap3A_20] : memref<1000x64xf32, #tpu.memory_space<vmem>>, vector<1000x64xf32>
    tpu.vector_store %arg4[%swap3A, %swap3A_20], %max3A_19 {strides = array<i32>} : memref<1000x64xf32, #tpu.memory_space<vmem>>, vector<1000x64xf32>,
    return
  }
  func.func @transform_0(%arg0: i32) -> (i32, i32, i32) {
    %c0_i32 = arith.constant 0 : i32
    %c0_i32_0 = arith.constant 0 : i32
    %c0_i32_1 = arith.constant 0 : i32
    return %c0_i32, %arg0, %c0_i32_0 : i32, i32, i32
  }
  func.func @transform_1(%arg0: i32) -> (i32, i32) {
    %c0_i32 = arith.constant 0 : i32
    %c0_i32_0 = arith.constant 0 : i32
    return %arg0, %c0_i32 : i32, i32
  }
  func.func @transform_2(%arg0: i32) -> (i32, i32) {
    %c0_i32 = arith.constant 0 : i32
    %c0_i32_0 = arith.constant 0 : i32
    return %arg0, %c0_i32 : i32, i32
  }
  func.func @transform_3(%arg0: i32) -> (i32, i32) {
    %c0_i32 = arith.constant 0 : i32
    %c0_i32_0 = arith.constant 0 : i32
    return %arg0, %c0_i32 : i32, i32
  }
}

</mosaic_0001>

<sc_bundles>
// kernel: kernel.10.cloned.1.call-start
scs
__scs_entry_jumppad:
0x0: {  	(pc) =	sbr.rel $0x88, $3  }
0x1: {  	(tag) =	ssettag $0x0;
	lr =	simm.s32 $0x1  }
0x2: {  	[smem:$0x3F9C] =	sst lr;
	_ =	strace $0xD0000000  }
0x3: {  	_ = 	snop  }
0x4: {  	_ = 	snop  }
0x5: {  	_ = 	snop  }
0x6: {  	_ = 	snop  }
0x7: {  	_ = 	snop  }
__scs_overlays_trampoline_lowered:
0x8: {  	[smem:$0x3FAB] =	sst s0  }
0x9: {  	[smem:$0x3FAC] =	sst s1  }
0xa: {  	[smem:$0x3FAD] =	sst s2  }
0xb: {  	[smem:$0x3FAE] =	sst s3  }
0xc: {  	[smem:$0x3FAF] =	sst s4  }
0xd: {  	[smem:$0x3FB0] =	sst s5  }
0xe: {  	[smem:$0x3FB1] =	sst s6  }
0xf: {  	[smem:$0x3FB2] =	sst s7  }
0x10: {  	[smem:$0x3FB3] =	sst s8  }
0x11: {  	[smem:$0x3FB4] =	sst s9;
	s0 =	simm.s32 @!p0 $0x0  }
0x12: {  	s1 =	sld [smem:$0x3F9A];
	s0 =	simm.s32 @p0 $0x1  }
0x13: {  	[smem:$0x3FB5] =	sst s0;
	s0 =	simm.s32 @!p1 $0x0  }
0x14: {  	s2 =	sld [smem:$0x3F99];
	s0 =	simm.s32 @p1 $0x1  }
0x15: {  	[smem:$0x3FB6] =	sst s0;
	s0 =	simm.s32 @!p2 $0x0  }
0x16: {  	s3 =	sld [smem:$0x3FDB];
	s0 =	simm.s32 @p2 $0x1  }
0x17: {  	s4 =	simm.s32 $0x1BF5;
	[smem:$0x3FB8] =	sst s0  }
0x18: {  	s0 =	sld [smem:$0x3F9B];
	_ =	swait.ge [sflag:s4], $0x0  }
0x19: {  	s7 =	sld [smem:$0x3F9C]  }
0x1a: {  	s8 =	sadd.s32 $0xFFFFE003, lr  }
0x1b: {  	s9 =	sadd.s32 $0xFFFFFEF7, lr;
	s5 =	simm.s32 $0xFFFFFFFF;
	p2 =	slt.u32 s8, $0xFFFFF086  }
0x1c: {  	p1 =	slt.u32 s9, $0xF7A;
	s5 =	simm.s32 @!p2 $0x0  }
0x1d: {  	s5 =	simm.s32 @p1 $0x1;
	p0 =	seq.s32 s7, s2  }
0x1e: {  	s7 =	smul.u32 @!p0 $0xF7A, s2;
	p2 =	seq.s32 @!p0 s5, $0x0  }
0x1f: {  	s9 =	smul.u32 $0xF7A, s1;
	s8 =	simm.s32 @!p0 $0x1BF5;
	p2 =	por !p2, p0  }
0x20: {  	[sflag:s8] =	ssyncset.s32 @!p0 $0xFFFFF086;
	s6 =	sadd.s32 @!p0 s3, s7;
	s7 =	simm.s32 @!p0 $0x108  }
0x21: {  	s3 =	sadd.s32 s3, s9;
	s6 =	sadd.s32 @!p0 $0x88, s6;
	s7 =	simm.s32 @p2 $0x1082  }
0x22: {  	[simem:s7], [sflag:s8] =	dma.local @!p0 [hbm:s6], $0xF7A  }
0x23: {  	s9 =	sor.u32 $0xD0000000, s2;
	s6 =	simm.s32 $0x108;
	_ =	swait.ge @!p0 [sflag:s8], $0x0  }
0x24: {  	s3 =	sadd.s32 $0x88, s3;
	s6 =	simm.s32 @!p1 $0x1082;
	[sflag:s4] =	ssyncset.s32 $0xFFFFF086  }
0x25: {  	[simem:s6], [sflag:s4] =	dma.local [hbm:s3], $0xF7A  }
0x26: {  	[smem:$0x3F9C] =	sst s1;
	(tag) =	ssettag s2;
	_ =	strace s9  }
0x27: {  	s1 =	sld [smem:$0x3FAC]  }
0x28: {  	s2 =	sld [smem:$0x3FAD]  }
0x29: {  	s4 =	sld [smem:$0x3FAF]  }
0x2a: {  	p0 =	seq.s32 s5, $0x0;
	s5 =	sld [smem:$0x3FB0]  }
0x2b: {  	s6 =	sld [smem:$0x3FB1]  }
0x2c: {  	s7 =	sld [smem:$0x3FB2]  }
0x2d: {  	s3 =	simm.s32 $0x108;
	s8 =	sld [smem:$0x3FB3]  }
0x2e: {  	s3 =	simm.s32 @!p0 $0x1082;
	s9 =	sld [smem:$0x3FB4]  }
0x2f: {  	lr =	sadd.s32 s0, s3;
	s0 =	sld [smem:$0x3FAB]  }
0x30: {  	s3 =	sld [smem:$0x3FAE]  }
0x31: {  	[smem:$0x3FB7] =	sst s10  }
0x32: {  	s10 =	sld [smem:$0x3FB5];
	_ =	sdelay $0x3  }
0x33: {  	p0 =	seq.s32 s10, $0x1;
	s10 =	sld [smem:$0x3FB7];
	_ =	sdelay $0x3  }
0x34: {  	[smem:$0x3FB7] =	sst s10  }
0x35: {  	s10 =	sld [smem:$0x3FB6];
	_ =	sdelay $0x3  }
0x36: {  	p1 =	seq.s32 s10, $0x1;
	s10 =	sld [smem:$0x3FB7];
	_ =	sdelay $0x3  }
0x37: {  	[smem:$0x3FB7] =	sst s10  }
0x38: {  	s10 =	sld [smem:$0x3FB8]  }
0x39: {  	_ = 	snop;
	(pc) =	sbr.ind lr, $3  }
0x3a: {  	_ = 	snop  }
0x3b: {  	_ = 	snop  }
0x3c: {  	p2 =	seq.s32 s10, $0x1;
	s10 =	sld [smem:$0x3FB7]  }
0x3d: {  	_ =	shalt  }
0x3e: {  	_ =	shalt  }
0x3f: {  	_ =	shalt  }
0x40: {  	_ =	shalt  }
0x41: {  	_ =	shalt  }
0x42: {  	_ =	shalt  }
0x43: {  	_ =	shalt  }
0x44: {  	_ =	shalt  }
0x45: {  	_ =	shalt  }
0x46: {  	_ =	shalt  }
0x47: {  	_ =	shalt  }
0x48: {  	_ =	shalt  }
0x49: {  	_ =	shalt  }
0x4a: {  	_ =	shalt  }
0x4b: {  	_ =	shalt  }
0x4c: {  	_ =	shalt  }
0x4d: {  	_ =	shalt  }
0x4e: {  	_ =	shalt  }
0x4f: {  	_ =	shalt  }
0x50: {  	_ =	shalt  }
0x51: {  	_ =	shalt  }
0x52: {  	_ =	shalt  }
0x53: {  	_ =	shalt  }
0x54: {  	_ =	shalt  }
0x55: {  	_ =	shalt  }
0x56: {  	_ =	shalt  }
0x57: {  	_ =	shalt  }
0x58: {  	_ =	shalt  }
0x59: {  	_ =	shalt  }
0x5a: {  	_ =	shalt  }
0x5b: {  	_ =	shalt  }
0x5c: {  	_ =	shalt  }
0x5d: {  	_ =	shalt  }
0x5e: {  	_ =	shalt  }
0x5f: {  	_ =	shalt  }
0x60: {  	_ =	shalt  }
0x61: {  	_ =	shalt  }
0x62: {  	_ =	shalt  }
0x63: {  	_ =	shalt  }
0x64: {  	_ =	shalt  }
0x65: {  	_ =	shalt  }
0x66: {  	_ =	shalt  }
0x67: {  	_ =	shalt  }
0x68: {  	_ =	shalt  }
0x69: {  	_ =	shalt  }
0x6a: {  	_ =	shalt  }
0x6b: {  	_ =	shalt  }
0x6c: {  	_ =	shalt  }
0x6d: {  	_ =	shalt  }
0x6e: {  	_ =	shalt  }
0x6f: {  	_ =	shalt  }
0x70: {  	_ =	shalt  }
0x71: {  	_ =	shalt  }
0x72: {  	_ =	shalt  }
0x73: {  	_ =	shalt  }
0x74: {  	_ =	shalt  }
0x75: {  	_ =	shalt  }
0x76: {  	_ =	shalt  }
0x77: {  	_ =	shalt  }
0x78: {  	_ =	shalt  }
0x79: {  	_ =	shalt  }
0x7a: {  	_ =	shalt  }
0x7b: {  	_ =	shalt  }
0x7c: {  	_ =	shalt  }
0x7d: {  	_ =	shalt  }
0x7e: {  	_ =	shalt  }
0x7f: {  	_ =	shalt  }
0x80: {  	_ =	shalt  }
0x81: {  	_ =	shalt  }
0x82: {  	_ =	shalt  }
0x83: {  	_ =	shalt  }
0x84: {  	_ =	shalt  }
0x85: {  	_ =	shalt  }
0x86: {  	_ =	shalt  }
0x87: {  	_ =	shalt  }
.Lfunc_end0:
.L_simem_size_0:
called_computation.1_lowered:
.L_overlay_start_0:
0x88: {  	s2 =	sld [smem:$0x3FD9]  }
0x89: {  	s3 =	sld [smem:$0x3FFE];
	_ =	sdelay $0x1  }
0x8a: {  	s1 =	srdreg.scid  }
0x8b: {  	s0 =	sand.u32 $0x1, s1  }
0x8c: {  	s14 =	sshll.u32 s0, $0xA;
	s2 =	sadd.s32 s3, s2  }
0x8d: {  	s2 =	sadd.s32 s2, s14  }
0x8e: {  	[smem:$0x3FC3] =	sst s2  }
0x8f: {  	_ = 	snop  }
0x90: {  	s2 =	sld [smem:$0x3FD0];
	_ =	sdelay $0x2  }
0x91: {  	s15 =	simm.s32 $0xA;
	s4 =	simm.s32 $0x10  }
0x92: {  	[smem:s4], [sflag:s15] =	dma.local [hbm:s2], $0x1  }
0x93: {  	_ =	swait.eq [sflag:s15], $0x1  }
0x94: {  	[sflag:s15] =	ssyncset.done $0x0  }
0x95: {  	[sflag:s15] =	ssyncadd.s32 $0xFFFFFFFF  }
0x96: {  	s16 =	sld [smem:$0x10];
	(tm) =	ssettm $0x1  }
0x97: {  	s17 =	sld [smem:$0x3FFB];
	_ =	sdelay $0x3  }
0x98: {  	_ =	strace s17  }
0x99: {  	s3 =	sld [smem:$0x3FFC];
	_ =	sdelay $0x3  }
0x9a: {  	_ =	strace s3  }
0x9b: {  	s3 =	sld [smem:$0x3FFD];
	_ =	sdelay $0x3  }
0x9c: {  	_ =	strace s3  }
0x9d: {  	_ =	strace $0x8FFFFFFF  }
0x9e: {  	s18 =	sld [smem:$0x3FDB];
	_ =	sdelay $0x1  }
0x9f: {  	s19 =	simm.s32 $_scs_section_size  }
0xa0: {  	s5 =	simm.s32 $_size__tile_overlayer_lowered;
	s6 =	simm.s32 $_tile_overlayer_lowered  }
0xa1: {  	s22 =	simm.s32 $0x1BFF;
	s21 =	sshll.u32 s6, $0x1;
	s3 =	sadd.s32 s19, s18  }
0xa2: {  	s7 =	simm.s32 $0x0;
	s20 =	sshll.u32 s5, $0x1;
	s5 =	sadd.s32 s21, s3  }
0xa3: {  	[timem:s7], [sflag:s22] =	dma.local [hbm:s5], s20  }
0xa4: {  	_ =	swait.ge [sflag:s22], s20  }
0xa5: {  	s4 =	ssub.s32 $0x0, s20;
	[sflag:s22] =	ssyncset.done $0x0  }
0xa6: {  	[sflag:s22] =	ssyncadd.s32 s4;
	_ =	sdelay $0x1  }
0xa7: {  	s23 =	simm.s32 $0x1B8B  }
0xa8: {  	_ =	swait.ge [sflag:s23], $0x1  }
0xa9: {  	[sflag:s23] =	ssyncset.done $0x0  }
0xaa: {  	s25 =	simm.s32 $0x1B8E;
	s24 =	sld [smem:$0x3FFE];
	[sflag:s23] =	ssyncadd.s32 $0xFFFFFFFF  }
0xab: {  	s26 =	simm.s32 $execute0_lowered;
	[smem:$0x3FD2] =	sst s25  }
0xac: {  	s5 =	sshll.u32 s26, $0x1;
	_ =	strace $0x80000049;
	[dreg:$0x1] =	wrdreg $0xFFFFFFFF  }
0xad: {  	s28 =	simm.s32 $_size_execute0_lowered;
	s3 =	sadd.s32 s3, s5;
	[dreg:$0x0] =	wrdreg $0x0  }
0xae: {  	s5 =	sshll.u32 s28, $0x1;
	[dreg:$0x2] =	wrdreg s3  }
0xaf: {  	[dreg:$0x3] =	wrdreg s5  }
0xb0: {  	[dreg:$0x4] =	wrdreg $0xC0  }
0xb1: {  	_ =	task [dreg:s7], $0x5FFFF  }
0xb2: {  	[dreg:$0x1] =	wrdreg $0xFFFFFFFF  }
0xb3: {  	[dreg:$0x0] =	wrdreg $0x60  }
0xb4: {  	[dreg:$0x2] =	wrdreg s24  }
0xb5: {  	[dreg:$0x3] =	wrdreg s16  }
0xb6: {  	[dreg:$0x4] =	wrdreg $0x50000  }
0xb7: {  	[dreg:$0x5] =	wrdreg $0xF0000  }
0xb8: {  	[dreg:$0x6] =	wrdreg $0x9  }
0xb9: {  	_ =	task.clear_ibuf [dreg:s7], $0x7FFFF;
	_ =	strace $0x90000049  }
0xba: {  	s29 =	simm.s32 $0x9;
	_ =	strace $0x8000004B  }
0xbb: {  	_ =	swait.ge [sflag:s29], $0x1  }
0xbc: {  	[sflag:s29] =	ssyncadd.s32 $0xFFFFFFFF  }
0xbd: {  	_ =	strace $0x9000004B  }
0xbe: {  	_ =	sfence  }
0xbf: {  	s30 =	sld [smem:$0x0];
	_ =	sdelay $0x2  }
0xc0: {  	s31 =	sshll.u32 s1, $0xD;
	s1 =	sshrl.u32 s1, $0x2  }
0xc1: {  	s3 =	sand.u32 $0x4000, s31;
	s1 =	sadd.s32 s1, s30  }
0xc2: {  	s0 =	sor.u32 s3, s0;
	s1 =	sshll.u32 s1, $0x11  }
0xc3: {  	s0 =	sor.u32 s1, s0  }
0xc4: {  	s0 =	sadd.s32 $0x8F2B, s0  }
0xc5: {  	[sflag:s0] =	ssyncadd.remote.s32 $0x1  }
0xc6: {  	_ =	sfence.sel $0xFFFF  }
0xc7: {  	[dreg:$0x0] =	wrdreg $0xFFFFFFFF;
	(pc) =	sbr.abs _section_cstart, $3  }
0xc8: {  	[dreg:$0x1] =	wrdreg $0xFFFFFFFF  }
0xc9: {  	_ =	task.clear_ibuf [dreg:s7], $0x2FFFF;
	_ =	strace $0x9FFFFFFF  }
0xca: {  	(tm) =	ssettm $0x7FFFFFFF  }
0xcb: {  	_ =	shalt  }
tec
execute0_lowered:
.L_overlay_start_1:
0x0: {  	(tag) =	ssettag $0x1  }
0x1: {  	s2 =	rddreg [dreg:$0x0]  }
0x2: {  	s1 =	rddreg [dreg:$0x1]  }
0x3: {  	s0 =	srdreg.scid;
	s3 =	rddreg [dreg:$0x2]  }
0x4: {  	s15 =	stileid.u32;
	s4 =	rddreg [dreg:$0x3]  }
0x5: {  	s5 =	simm.s32 $0x0;
	s23 =	simm.s32 $0x480;
	s25 =	simm.s32 $0x100  }
0x6: {  	s26 =	simm.s32 $0x500;
	s16 =	simm.s32 $0x580;
	[smem:$0x7FF] =	sst s5  }
0x7: {  	s17 =	simm.s32 $0x200;
	_ =	strace $0x8000004A;
	[dreg:$0x7] =	wrdreg s23  }
0x8: {  	s18 =	simm.s32 $0x600;
	s19 =	simm.s32 $0x280;
	[dreg:$0x8] =	wrdreg s25  }
0x9: {  	s20 =	simm.s32 $0x680;
	s22 =	simm.s32 $0x300;
	[dreg:$0x9] =	wrdreg s26  }
0xa: {  	s28 =	simm.s32 $0x4;
	s29 =	simm.s32 $0x2;
	[dreg:$0xb] =	wrdreg s16  }
0xb: {  	s30 =	simm.s32 $0x3;
	s31 =	simm.s32 $0x6;
	[dreg:$0xc] =	wrdreg s17  }
0xc: {  	s8 =	sand.u32 $0x1, s0;
	s9 =	smul.u32 $0xA000, s15;
	[dreg:$0xd] =	wrdreg s18  }
0xd: {  	s6 =	sadd.s32 $0xE00, s2;
	s7 =	sadd.s32 $0x1EE00, s2;
	[dreg:$0xe] =	wrdreg s19  }
0xe: {  	s0 =	sshll.u32 s8, $0x4;
	s13 =	smul.u32 $0x14000, s8;
	[dreg:$0xf] =	wrdreg s20  }
0xf: {  	s8 =	ssub.s32 $0x2, s8;
	[dreg:$0x10] =	wrdreg s22;
	s25 =	simm.s32 $0x380  }
0x10: {  	s16 =	simm.s32 $0x880;
	s17 =	simm.s32 $0xC80;
	[dreg:$0x12] =	wrdreg s25  }
0x11: {  	s19 =	simm.s32 $0x900;
	s20 =	simm.s32 $0xD00;
	[dreg:$0x14] =	wrdreg s16  }
0x12: {  	s22 =	simm.s32 $0xD80;
	s10 =	sor.u32 s15, s0;
	[dreg:$0x15] =	wrdreg s17  }
0x13: {  	s0 =	sshrl.u32 s9, $0x3;
	s24 =	sshrl.u32 s8, $0x1;
	[dreg:$0x16] =	wrdreg s19  }
0x14: {  	s15 =	sshll.u32 s15, $0x6;
	s16 =	simm.s32 $0x7;
	[dreg:$0x17] =	wrdreg s20  }
0x15: {  	[dreg:$0x19] =	wrdreg s22;
	s19 =	simm.s32 $0x800;
	s20 =	simm.s32 $0xC00  }
0x16: {  	s25 =	simm.s32 $0xA80;
	s12 =	sadd.s32 s0, s2;
	s2 =	sadd.s32 s13, s2  }
0x17: {  	s13 =	ssub.s32 s8, s24;
	s24 =	simm.s32 $0x700;
	[dreg:$0x1c] =	wrdreg s25  }
0x18: {  	s8 =	sor.u32 $0x1C07, s15;
	s15 =	simm.s32 $0x780;
	[dreg:$0x11] =	wrdreg s24  }
0x19: {  	s22 =	simm.s32 $0x5;
	s12 =	sadd.s32 $0xAE00, s12;
	[dreg:$0x13] =	wrdreg s15  }
0x1a: {  	s11 =	smul.u32 $0xA, s10;
	s18 =	smax.u32 s13, $0x1;
	[dreg:$0x1e] =	wrdreg s12  }
0x1b: {  	s10 =	smul.u32 $0x500, s10;
	s24 =	simm.s32 $0xE00;
	[smem:$0x7FC] =	sst s18  }
0x1c: {  	s25 =	simm.s32 $0x1000;
	s14 =	sadd.s32 $0x2, s11;
	[dreg:$0x1b] =	wrdreg s24  }
0x1d: {  	s2 =	sadd.s32 $0x20200, s2;
	s11 =	sadd.s32 $0x3, s11;
	[dreg:$0x5] =	wrdreg s14  }
0x1e: {  	s21 =	sadd.s32 s6, s10;
	s23 =	sadd.s32 s1, s10;
	[dreg:$0x6] =	wrdreg s11  }
0x1f: {  	s10 =	sor.u32 $0x80, s10;
	s18 =	simm.s32 $0x400;
	[dreg:$0x1f] =	wrdreg s21  }
0x20: {  	s24 =	sadd.s32 s0, s2;
	s14 =	simm.s32 $0x180;
	[smem:$0x7F9] =	sst s23  }
0x21: {  	s2 =	simm.s32 $0xB00;
	s26 =	sadd.s32 s6, s10;
	[dreg:$0xa] =	wrdreg s14  }
0x22: {  	s0 =	simm.s32 $0xF00;
	s10 =	sadd.s32 s1, s10;
	[smem:$0x7FA] =	sst s26  }
0x23: {  	s11 =	sadd.s32 s9, s3;
	s21 =	simm.s32 $0x980;
	[smem:$0x7FB] =	sst s10  }
0x24: {  	s9 =	sadd.s32 s9, s4;
	s23 =	simm.s32 $0xA00;
	[dreg:$0x18] =	wrdreg s21  }
0x25: {  	s15 =	sshrl.u32 s11, $0x3;
	s9 =	sshrl.u32 s9, $0x3;
	[dreg:$0x1a] =	wrdreg s23  }
0x26: {  	s21 =	simm.s32 $0x3000;
	s26 =	simm.s32 $0xE80;
	s23 =	simm.s32 $0x80  }
0x27: {  	s10 =	simm.s32 $0xF80;
	s11 =	simm.s32 $0x0;
	[smem:$0x7FD] =	sst s9  }
0x28: {  	[dreg:$0x1d] =	wrdreg s26;
	s26 =	simm.s32 $0x1;
	s9 =	simm.s32 $0xB80  }
.LBB2_1:
0x29: {  	[spmem:s15], [sflag:s8] =	dma.local [hbm:s7], $0x1400  }
0x2a: {  	_ =	swait.ge [sflag:s16], $0x1400  }
0x2b: {  	s13 =	sld [smem:$0x7FD]  }
0x2c: {  	[sflag:s16] =	ssyncset.done $0x0  }
0x2d: {  	s12 =	rddreg [dreg:$0x1e];
	[sflag:s16] =	ssyncadd.s32 $0xFFFFEC00  }
0x2e: {  	[spmem:s13], [sflag:s8] =	dma.local [hbm:s12], $0x1400  }
0x2f: {  	_ =	swait.ge [sflag:s16], $0x1400  }
0x30: {  	[sflag:s16] =	ssyncset.done $0x0;
	s14 =	rddreg [dreg:$0x1f]  }
0x31: {  	s17 =	sld [smem:$0x7F9];
	[sflag:s16] =	ssyncadd.s32 $0xFFFFEC00  }
0x32: {  	[tilespmem:s5], [sflag:$0x5] =	stream.linear.gather [hbm4b:s14+s5], $0x400, $0x38;
	[tilespmem:$0x19000] =	vst v63  }
0x33: {  	s13 =	sld [smem:$0x7FA]  }
0x34: {  	[tilespmem:s18], [sflag:$0x5] =	stream.linear.gather [hbm4b:s17+s5], $0x400, $0x38;
	[tilespmem:$0x19000] =	vst v63  }
0x35: {  	s14 =	sld [smem:$0x7FB]  }
0x36: {  	[tilespmem:s19], [sflag:$0x6] =	stream.linear.gather [hbm4b:s13+s5], $0x400, $0x38;
	[tilespmem:$0x19000] =	vst v63  }
0x37: {  	_ = 	snop  }
0x38: {  	[tilespmem:s20], [sflag:$0x6] =	stream.linear.gather [hbm4b:s14+s5], $0x400, $0x38;
	[tilespmem:$0x19000] =	vst v63  }
0x39: {  	_ = 	snop  }
0x3a: {  	[tilespmem:s21], [sflag:$0x7] =	stream.linear.gather [hbm4b:s7+s5], $0x2000, $0x38;
	[tilespmem:$0x19000] =	vst v63  }
0x3b: {  	_ =	swait.ge [sflag:s16], $0x2000  }
0x3c: {  	[sflag:s16] =	ssyncset.done $0x0  }
0x3d: {  	[sflag:s16] =	ssyncadd.s32 $0xFFFFE000  }
0x3e: {  	[bflag:$0x0] =	sbarrier.arrive $0xFFFF  }
0x3f: {  	_ =	swait.ge [sflag:s22], $0x400  }
0x40: {  	[sflag:s22] =	ssyncset.done $0x0  }
0x41: {  	[sflag:s22] =	ssyncadd.s32 $0xFFFFFC00  }
0x42: {  	_ =	swait.ge [sflag:s22], $0x400  }
0x43: {  	[sflag:s22] =	ssyncset.done $0x0  }
0x44: {  	[sflag:s22] =	ssyncadd.s32 $0xFFFFFC00  }
0x45: {  	[spmem:s3] =	stream.indirect.scatter.add.f32 [tilespmem:s21], [sflag:$0x4], $0x40, s18, s23, $0xb8;
	[tilespmem:$0x19000] =	vst v63  }
0x46: {  	_ = 	snop  }
0x47: {  	[tilespmem:s25], [sflag:$0x1] =	stream.indirect.gather [spmem:s4], $0x40, s5, s23, $0xb8;
	[tilespmem:$0x19000] =	vst v63  }
0x48: {  	_ =	swait.ge [sflag:s26], $0x2000  }
0x49: {  	[sflag:s26] =	ssyncset.done $0x0  }
0x4a: {  	[sflag:s26] =	ssyncadd.s32 $0xFFFFE000  }
0x4b: {  	[spmem:s3] =	stream.indirect.scatter.add.f32 [tilespmem:s25], [sflag:$0x3], $0x40, s18, s23, $0xb8;
	[tilespmem:$0x19000] =	vst v63  }
0x4c: {  	_ =	swait.ge [sflag:s28], $0x2000  }
0x4d: {  	[sflag:s28] =	ssyncset.done $0x0  }
0x4e: {  	[sflag:s28] =	ssyncadd.s32 $0xFFFFE000  }
0x4f: {  	[tilespmem:s21], [sflag:$0x2] =	stream.indirect.gather [spmem:s4], $0x40, s23, s23, $0xb8;
	[tilespmem:$0x19000] =	vst v63  }
0x50: {  	_ =	swait.ge [sflag:s29], $0x2000  }
0x51: {  	[sflag:s29] =	ssyncset.done $0x0  }
0x52: {  	s17 =	rddreg [dreg:$0x7];
	[sflag:s29] =	ssyncadd.s32 $0xFFFFE000  }
0x53: {  	[spmem:s3] =	stream.indirect.scatter.add.f32 [tilespmem:s21], [sflag:$0x4], $0x40, s17, s23, $0xb8;
	[tilespmem:$0x19000] =	vst v63  }
0x54: {  	_ =	swait.ge [sflag:s30], $0x2000  }
0x55: {  	[sflag:s30] =	ssyncset.done $0x0  }
0x56: {  	s13 =	rddreg [dreg:$0x8];
	[sflag:s30] =	ssyncadd.s32 $0xFFFFE000  }
0x57: {  	[tilespmem:s25], [sflag:$0x1] =	stream.indirect.gather [spmem:s4], $0x40, s13, s23, $0xb8;
	[tilespmem:$0x19000] =	vst v63  }
0x58: {  	_ =	swait.ge [sflag:s26], $0x2000  }
0x59: {  	[sflag:s26] =	ssyncset.done $0x0  }
0x5a: {  	s14 =	rddreg [dreg:$0x9];
	[sflag:s26] =	ssyncadd.s32 $0xFFFFE000  }
0x5b: {  	[spmem:s3] =	stream.indirect.scatter.add.f32 [tilespmem:s25], [sflag:$0x3], $0x40, s14, s23, $0xb8;
	[tilespmem:$0x19000] =	vst v63  }
0x5c: {  	_ =	swait.ge [sflag:s28], $0x2000  }
0x5d: {  	[sflag:s28] =	ssyncset.done $0x0  }
0x5e: {  	s17 =	rddreg [dreg:$0xa];
	[sflag:s28] =	ssyncadd.s32 $0xFFFFE000  }
0x5f: {  	[tilespmem:s21], [sflag:$0x2] =	stream.indirect.gather [spmem:s4], $0x40, s17, s23, $0xb8;
	[tilespmem:$0x19000] =	vst v63  }
0x60: {  	_ =	swait.ge [sflag:s29], $0x2000  }
0x61: {  	[sflag:s29] =	ssyncset.done $0x0  }
0x62: {  	s13 =	rddreg [dreg:$0xb];
	[sflag:s29] =	ssyncadd.s32 $0xFFFFE000  }
0x63: {  	[spmem:s3] =	stream.indirect.scatter.add.f32 [tilespmem:s21], [sflag:$0x4], $0x40, s13, s23, $0xb8;
	[tilespmem:$0x19000] =	vst v63  }
0x64: {  	_ =	swait.ge [sflag:s30], $0x2000  }
0x65: {  	[sflag:s30] =	ssyncset.done $0x0  }
0x66: {  	s14 =	rddreg [dreg:$0xc];
	[sflag:s30] =	ssyncadd.s32 $0xFFFFE000  }
0x67: {  	[tilespmem:s25], [sflag:$0x1] =	stream.indirect.gather [spmem:s4], $0x40, s14, s23, $0xb8;
	[tilespmem:$0x19000] =	vst v63  }
0x68: {  	_ =	swait.ge [sflag:s26], $0x2000  }
0x69: {  	[sflag:s26] =	ssyncset.done $0x0  }
0x6a: {  	s17 =	rddreg [dreg:$0xd];
	[sflag:s26] =	ssyncadd.s32 $0xFFFFE000  }
0x6b: {  	[spmem:s3] =	stream.indirect.scatter.add.f32 [tilespmem:s25], [sflag:$0x3], $0x40, s17, s23, $0xb8;
	[tilespmem:$0x19000] =	vst v63  }
0x6c: {  	_ =	swait.ge [sflag:s28], $0x2000  }
0x6d: {  	[sflag:s28] =	ssyncset.done $0x0  }
0x6e: {  	s13 =	rddreg [dreg:$0xe];
	[sflag:s28] =	ssyncadd.s32 $0xFFFFE000  }
0x6f: {  	[tilespmem:s21], [sflag:$0x2] =	stream.indirect.gather [spmem:s4], $0x40, s13, s23, $0xb8;
	[tilespmem:$0x19000] =	vst v63  }
0x70: {  	_ =	swait.ge [sflag:s29], $0x2000  }
0x71: {  	[sflag:s29] =	ssyncset.done $0x0  }
0x72: {  	s14 =	rddreg [dreg:$0xf];
	[sflag:s29] =	ssyncadd.s32 $0xFFFFE000  }
0x73: {  	[spmem:s3] =	stream.indirect.scatter.add.f32 [tilespmem:s21], [sflag:$0x4], $0x40, s14, s23, $0xb8;
	[tilespmem:$0x19000] =	vst v63  }
0x74: {  	_ =	swait.ge [sflag:s30], $0x2000  }
0x75: {  	[sflag:s30] =	ssyncset.done $0x0  }
0x76: {  	s17 =	rddreg [dreg:$0x10];
	[sflag:s30] =	ssyncadd.s32 $0xFFFFE000  }
0x77: {  	[tilespmem:s25], [sflag:$0x1] =	stream.indirect.gather [spmem:s4], $0x40, s17, s23, $0xb8;
	[tilespmem:$0x19000] =	vst v63  }
0x78: {  	_ =	swait.ge [sflag:s26], $0x2000  }
0x79: {  	[sflag:s26] =	ssyncset.done $0x0  }
0x7a: {  	s13 =	rddreg [dreg:$0x11];
	[sflag:s26] =	ssyncadd.s32 $0xFFFFE000  }
0x7b: {  	[spmem:s3] =	stream.indirect.scatter.add.f32 [tilespmem:s25], [sflag:$0x3], $0x40, s13, s23, $0xb8;
	[tilespmem:$0x19000] =	vst v63  }
0x7c: {  	_ =	swait.ge [sflag:s28], $0x2000  }
0x7d: {  	[sflag:s28] =	ssyncset.done $0x0  }
0x7e: {  	s14 =	rddreg [dreg:$0x12];
	[sflag:s28] =	ssyncadd.s32 $0xFFFFE000  }
0x7f: {  	[tilespmem:s21], [sflag:$0x2] =	stream.indirect.gather [spmem:s4], $0x40, s14, s23, $0xb8;
	[tilespmem:$0x19000] =	vst v63  }
0x80: {  	_ =	swait.ge [sflag:s29], $0x2000  }
0x81: {  	[sflag:s29] =	ssyncset.done $0x0  }
0x82: {  	s17 =	rddreg [dreg:$0x13];
	[sflag:s29] =	ssyncadd.s32 $0xFFFFE000  }
0x83: {  	[spmem:s3] =	stream.indirect.scatter.add.f32 [tilespmem:s21], [sflag:$0x4], $0x40, s17, s23, $0xb8;
	[tilespmem:$0x19000] =	vst v63  }
0x84: {  	_ =	swait.ge [sflag:s30], $0x2000  }
0x85: {  	[sflag:s30] =	ssyncset.done $0x0  }
0x86: {  	[sflag:s30] =	ssyncadd.s32 $0xFFFFE000  }
0x87: {  	_ =	swait.ge [sflag:s31], $0x400  }
0x88: {  	[sflag:s31] =	ssyncset.done $0x0  }
0x89: {  	[sflag:s31] =	ssyncadd.s32 $0xFFFFFC00  }
0x8a: {  	_ =	swait.ge [sflag:s31], $0x400  }
0x8b: {  	s14 =	smin.u32 s5, $0x7;
	[sflag:s31] =	ssyncset.done $0x0;
	s13 =	rddreg [dreg:$0x5]  }
0x8c: {  	[sflag:s31] =	ssyncadd.s32 $0xFFFFFC00;
	s12 =	sadd.s32 s14, s13  }
0x8d: {  	[tilespmem:s25], [sflag:$0x1] =	stream.indirect.gather [spmem:s4], $0x40, s19, s23, $0xb8;
	[tilespmem:$0x19000] =	vst v63  }
0x8e: {  	s12 =	sshll.u32 s12, $0x7  }
0x8f: {  	s17 =	sadd.s32 s6, s12  }
0x90: {  	[tilespmem:s5], [sflag:$0x5] =	stream.linear.gather [hbm4b:s17+s5], $0x400, $0x38;
	[tilespmem:$0x19000] =	vst v63  }
0x91: {  	s12 =	sadd.s32 s1, s12  }
0x92: {  	[tilespmem:s18], [sflag:$0x5] =	stream.linear.gather [hbm4b:s12+s5], $0x400, $0x38;
	[tilespmem:$0x19000] =	vst v63  }
0x93: {  	_ =	swait.ge [sflag:s26], $0x2000  }
0x94: {  	[sflag:s26] =	ssyncset.done $0x0  }
0x95: {  	[sflag:s26] =	ssyncadd.s32 $0xFFFFE000  }
0x96: {  	[spmem:s3] =	stream.indirect.scatter.add.f32 [tilespmem:s25], [sflag:$0x3], $0x40, s20, s23, $0xb8;
	[tilespmem:$0x19000] =	vst v63  }
0x97: {  	_ =	swait.ge [sflag:s28], $0x2000  }
0x98: {  	[sflag:s28] =	ssyncset.done $0x0  }
0x99: {  	s13 =	rddreg [dreg:$0x14];
	[sflag:s28] =	ssyncadd.s32 $0xFFFFE000  }
0x9a: {  	[tilespmem:s21], [sflag:$0x2] =	stream.indirect.gather [spmem:s4], $0x40, s13, s23, $0xb8;
	[tilespmem:$0x19000] =	vst v63  }
0x9b: {  	_ =	swait.ge [sflag:s29], $0x2000  }
0x9c: {  	[sflag:s29] =	ssyncset.done $0x0  }
0x9d: {  	s14 =	rddreg [dreg:$0x15];
	[sflag:s29] =	ssyncadd.s32 $0xFFFFE000  }
0x9e: {  	[spmem:s3] =	stream.indirect.scatter.add.f32 [tilespmem:s21], [sflag:$0x4], $0x40, s14, s23, $0xb8;
	[tilespmem:$0x19000] =	vst v63  }
0x9f: {  	_ =	swait.ge [sflag:s30], $0x2000  }
0xa0: {  	[sflag:s30] =	ssyncset.done $0x0  }
0xa1: {  	s17 =	rddreg [dreg:$0x16];
	[sflag:s30] =	ssyncadd.s32 $0xFFFFE000  }
0xa2: {  	[tilespmem:s25], [sflag:$0x1] =	stream.indirect.gather [spmem:s4], $0x40, s17, s23, $0xb8;
	[tilespmem:$0x19000] =	vst v63  }
0xa3: {  	_ =	swait.ge [sflag:s26], $0x2000  }
0xa4: {  	[sflag:s26] =	ssyncset.done $0x0  }
0xa5: {  	s13 =	rddreg [dreg:$0x17];
	[sflag:s26] =	ssyncadd.s32 $0xFFFFE000  }
0xa6: {  	[spmem:s3] =	stream.indirect.scatter.add.f32 [tilespmem:s25], [sflag:$0x3], $0x40, s13, s23, $0xb8;
	[tilespmem:$0x19000] =	vst v63  }
0xa7: {  	_ =	swait.ge [sflag:s28], $0x2000  }
0xa8: {  	[sflag:s28] =	ssyncset.done $0x0  }
0xa9: {  	s14 =	rddreg [dreg:$0x18];
	[sflag:s28] =	ssyncadd.s32 $0xFFFFE000  }
0xaa: {  	[tilespmem:s21], [sflag:$0x2] =	stream.indirect.gather [spmem:s4], $0x40, s14, s23, $0xb8;
	[tilespmem:$0x19000] =	vst v63  }
0xab: {  	_ =	swait.ge [sflag:s29], $0x2000  }
0xac: {  	[sflag:s29] =	ssyncset.done $0x0  }
0xad: {  	s17 =	rddreg [dreg:$0x19];
	[sflag:s29] =	ssyncadd.s32 $0xFFFFE000  }
0xae: {  	[spmem:s3] =	stream.indirect.scatter.add.f32 [tilespmem:s21], [sflag:$0x4], $0x40, s17, s23, $0xb8;
	[tilespmem:$0x19000] =	vst v63  }
0xaf: {  	_ =	swait.ge [sflag:s30], $0x2000  }
0xb0: {  	[sflag:s30] =	ssyncset.done $0x0  }
0xb1: {  	s13 =	rddreg [dreg:$0x1a];
	[sflag:s30] =	ssyncadd.s32 $0xFFFFE000  }
0xb2: {  	[tilespmem:s25], [sflag:$0x1] =	stream.indirect.gather [spmem:s4], $0x40, s13, s23, $0xb8;
	[tilespmem:$0x19000] =	vst v63  }
0xb3: {  	_ =	swait.ge [sflag:s26], $0x2000  }
0xb4: {  	[sflag:s26] =	ssyncset.done $0x0  }
0xb5: {  	s14 =	rddreg [dreg:$0x1b];
	[sflag:s26] =	ssyncadd.s32 $0xFFFFE000  }
0xb6: {  	[spmem:s3] =	stream.indirect.scatter.add.f32 [tilespmem:s25], [sflag:$0x3], $0x40, s14, s23, $0xb8;
	[tilespmem:$0x19000] =	vst v63  }
0xb7: {  	_ =	swait.ge [sflag:s28], $0x2000  }
0xb8: {  	[sflag:s28] =	ssyncset.done $0x0  }
0xb9: {  	s17 =	rddreg [dreg:$0x1c];
	[sflag:s28] =	ssyncadd.s32 $0xFFFFE000  }
0xba: {  	[tilespmem:s21], [sflag:$0x2] =	stream.indirect.gather [spmem:s4], $0x40, s17, s23, $0xb8;
	[tilespmem:$0x19000] =	vst v63  }
0xbb: {  	_ =	swait.ge [sflag:s29], $0x2000  }
0xbc: {  	[sflag:s29] =	ssyncset.done $0x0  }
0xbd: {  	s13 =	rddreg [dreg:$0x1d];
	[sflag:s29] =	ssyncadd.s32 $0xFFFFE000  }
0xbe: {  	[spmem:s3] =	stream.indirect.scatter.add.f32 [tilespmem:s21], [sflag:$0x4], $0x40, s13, s23, $0xb8;
	[tilespmem:$0x19000] =	vst v63  }
0xbf: {  	_ =	swait.ge [sflag:s30], $0x2000  }
0xc0: {  	[sflag:s30] =	ssyncset.done $0x0  }
0xc1: {  	[sflag:s30] =	ssyncadd.s32 $0xFFFFE000  }
0xc2: {  	[tilespmem:s25], [sflag:$0x1] =	stream.indirect.gather [spmem:s4], $0x40, s2, s23, $0xb8;
	[tilespmem:$0x19000] =	vst v63  }
0xc3: {  	_ =	swait.ge [sflag:s26], $0x2000  }
0xc4: {  	[sflag:s26] =	ssyncset.done $0x0  }
0xc5: {  	[sflag:s26] =	ssyncadd.s32 $0xFFFFE000  }
0xc6: {  	[spmem:s3] =	stream.indirect.scatter.add.f32 [tilespmem:s25], [sflag:$0x3], $0x40, s0, s23, $0xb8;
	[tilespmem:$0x19000] =	vst v63  }
0xc7: {  	_ =	swait.ge [sflag:s28], $0x2000  }
0xc8: {  	[sflag:s28] =	ssyncset.done $0x0  }
0xc9: {  	[sflag:s28] =	ssyncadd.s32 $0xFFFFE000  }
0xca: {  	[tilespmem:s21], [sflag:$0x2] =	stream.indirect.gather [spmem:s4], $0x40, s9, s23, $0xb8;
	[tilespmem:$0x19000] =	vst v63  }
0xcb: {  	_ =	swait.ge [sflag:s29], $0x2000  }
0xcc: {  	[sflag:s29] =	ssyncset.done $0x0  }
0xcd: {  	[sflag:s29] =	ssyncadd.s32 $0xFFFFE000  }
0xce: {  	[spmem:s3] =	stream.indirect.scatter.add.f32 [tilespmem:s21], [sflag:$0x4], $0x40, s10, s23, $0xb8;
	[tilespmem:$0x19000] =	vst v63  }
0xcf: {  	_ =	swait.ge [sflag:s30], $0x2000  }
0xd0: {  	[sflag:s30] =	ssyncset.done $0x0  }
0xd1: {  	[sflag:s30] =	ssyncadd.s32 $0xFFFFE000  }
0xd2: {  	_ =	swait.ge [sflag:s22], $0x400  }
0xd3: {  	[sflag:s22] =	ssyncset.done $0x0  }
0xd4: {  	[sflag:s22] =	ssyncadd.s32 $0xFFFFFC00  }
0xd5: {  	_ =	swait.ge [sflag:s22], $0x400  }
0xd6: {  	s17 =	smin.u32 s5, $0x6;
	[sflag:s22] =	ssyncset.done $0x0;
	s14 =	rddreg [dreg:$0x6]  }
0xd7: {  	[sflag:s22] =	ssyncadd.s32 $0xFFFFFC00;
	s12 =	sadd.s32 s17, s14  }
0xd8: {  	[tilespmem:s25], [sflag:$0x1] =	stream.indirect.gather [spmem:s4], $0x40, s5, s23, $0xb8;
	[tilespmem:$0x19000] =	vst v63  }
0xd9: {  	s13 =	sshll.u32 s12, $0x7  }
0xda: {  	s12 =	simm.s32 $0x2;
	s17 =	sadd.s32 s6, s13;
	s14 =	sadd.s32 s1, s13  }
.LBB2_2:
0xdb: {  	[tilespmem:s19], [sflag:$0x6] =	stream.linear.gather [hbm4b:s17+s5], $0x400, $0x38;
	[tilespmem:$0x19000] =	vst v63  }
0xdc: {  	_ = 	snop  }
0xdd: {  	[tilespmem:s20], [sflag:$0x6] =	stream.linear.gather [hbm4b:s14+s5], $0x400, $0x38;
	[tilespmem:$0x19000] =	vst v63  }
0xde: {  	_ =	swait.ge [sflag:s26], $0x2000  }
0xdf: {  	[sflag:s26] =	ssyncset.done $0x0  }
0xe0: {  	[sflag:s26] =	ssyncadd.s32 $0xFFFFE000  }
0xe1: {  	[spmem:s3] =	stream.indirect.scatter.add.f32 [tilespmem:s25], [sflag:$0x3], $0x40, s18, s23, $0xb8;
	[tilespmem:$0x19000] =	vst v63  }
0xe2: {  	_ =	swait.ge [sflag:s28], $0x2000  }
0xe3: {  	[sflag:s28] =	ssyncset.done $0x0  }
0xe4: {  	[sflag:s28] =	ssyncadd.s32 $0xFFFFE000  }
0xe5: {  	[tilespmem:s21], [sflag:$0x2] =	stream.indirect.gather [spmem:s4], $0x40, s23, s23, $0xb8;
	[tilespmem:$0x19000] =	vst v63  }
0xe6: {  	_ =	swait.ge [sflag:s29], $0x2000  }
0xe7: {  	[sflag:s29] =	ssyncset.done $0x0  }
0xe8: {  	s17 =	rddreg [dreg:$0x7];
	[sflag:s29] =	ssyncadd.s32 $0xFFFFE000  }
0xe9: {  	[spmem:s3] =	stream.indirect.scatter.add.f32 [tilespmem:s21], [sflag:$0x4], $0x40, s17, s23, $0xb8;
	[tilespmem:$0x19000] =	vst v63  }
0xea: {  	_ =	swait.ge [sflag:s30], $0x2000  }
0xeb: {  	[sflag:s30] =	ssyncset.done $0x0  }
0xec: {  	s17 =	rddreg [dreg:$0x8];
	[sflag:s30] =	ssyncadd.s32 $0xFFFFE000  }
0xed: {  	[tilespmem:s25], [sflag:$0x1] =	stream.indirect.gather [spmem:s4], $0x40, s17, s23, $0xb8;
	[tilespmem:$0x19000] =	vst v63  }
0xee: {  	_ =	swait.ge [sflag:s26], $0x2000  }
0xef: {  	[sflag:s26] =	ssyncset.done $0x0  }
0xf0: {  	s17 =	rddreg [dreg:$0x9];
	[sflag:s26] =	ssyncadd.s32 $0xFFFFE000  }
0xf1: {  	[spmem:s3] =	stream.indirect.scatter.add.f32 [tilespmem:s25], [sflag:$0x3], $0x40, s17, s23, $0xb8;
	[tilespmem:$0x19000] =	vst v63  }
0xf2: {  	_ =	swait.ge [sflag:s28], $0x2000  }
0xf3: {  	[sflag:s28] =	ssyncset.done $0x0  }
0xf4: {  	s17 =	rddreg [dreg:$0xa];
	[sflag:s28] =	ssyncadd.s32 $0xFFFFE000  }
0xf5: {  	[tilespmem:s21], [sflag:$0x2] =	stream.indirect.gather [spmem:s4], $0x40, s17, s23, $0xb8;
	[tilespmem:$0x19000] =	vst v63  }
0xf6: {  	_ =	swait.ge [sflag:s29], $0x2000  }
0xf7: {  	[sflag:s29] =	ssyncset.done $0x0  }
0xf8: {  	s17 =	rddreg [dreg:$0xb];
	[sflag:s29] =	ssyncadd.s32 $0xFFFFE000  }
0xf9: {  	[spmem:s3] =	stream.indirect.scatter.add.f32 [tilespmem:s21], [sflag:$0x4], $0x40, s17, s23, $0xb8;
	[tilespmem:$0x19000] =	vst v63  }
0xfa: {  	_ =	swait.ge [sflag:s30], $0x2000  }
0xfb: {  	[sflag:s30] =	ssyncset.done $0x0  }
0xfc: {  	s17 =	rddreg [dreg:$0xc];
	[sflag:s30] =	ssyncadd.s32 $0xFFFFE000  }
0xfd: {  	[tilespmem:s25], [sflag:$0x1] =	stream.indirect.gather [spmem:s4], $0x40, s17, s23, $0xb8;
	[tilespmem:$0x19000] =	vst v63  }
0xfe: {  	_ =	swait.ge [sflag:s26], $0x2000  }
0xff: {  	[sflag:s26] =	ssyncset.done $0x0  }
0x100: {  	s17 =	rddreg [dreg:$0xd];
	[sflag:s26] =	ssyncadd.s32 $0xFFFFE000  }
0x101: {  	[spmem:s3] =	stream.indirect.scatter.add.f32 [tilespmem:s25], [sflag:$0x3], $0x40, s17, s23, $0xb8;
	[tilespmem:$0x19000] =	vst v63  }
0x102: {  	_ =	swait.ge [sflag:s28], $0x2000  }
0x103: {  	[sflag:s28] =	ssyncset.done $0x0  }
0x104: {  	s17 =	rddreg [dreg:$0xe];
	[sflag:s28] =	ssyncadd.s32 $0xFFFFE000  }
0x105: {  	[tilespmem:s21], [sflag:$0x2] =	stream.indirect.gather [spmem:s4], $0x40, s17, s23, $0xb8;
	[tilespmem:$0x19000] =	vst v63  }
0x106: {  	_ =	swait.ge [sflag:s29], $0x2000  }
0x107: {  	[sflag:s29] =	ssyncset.done $0x0  }
0x108: {  	s17 =	rddreg [dreg:$0xf];
	[sflag:s29] =	ssyncadd.s32 $0xFFFFE000  }
0x109: {  	[spmem:s3] =	stream.indirect.scatter.add.f32 [tilespmem:s21], [sflag:$0x4], $0x40, s17, s23, $0xb8;
	[tilespmem:$0x19000] =	vst v63  }
0x10a: {  	_ =	swait.ge [sflag:s30], $0x2000  }
0x10b: {  	[sflag:s30] =	ssyncset.done $0x0  }
0x10c: {  	s17 =	rddreg [dreg:$0x10];
	[sflag:s30] =	ssyncadd.s32 $0xFFFFE000  }
0x10d: {  	[tilespmem:s25], [sflag:$0x1] =	stream.indirect.gather [spmem:s4], $0x40, s17, s23, $0xb8;
	[tilespmem:$0x19000] =	vst v63  }
0x10e: {  	_ =	swait.ge [sflag:s26], $0x2000  }
0x10f: {  	[sflag:s26] =	ssyncset.done $0x0  }
0x110: {  	s17 =	rddreg [dreg:$0x11];
	[sflag:s26] =	ssyncadd.s32 $0xFFFFE000  }
0x111: {  	[spmem:s3] =	stream.indirect.scatter.add.f32 [tilespmem:s25], [sflag:$0x3], $0x40, s17, s23, $0xb8;
	[tilespmem:$0x19000] =	vst v63  }
0x112: {  	_ =	swait.ge [sflag:s28], $0x2000  }
0x113: {  	[sflag:s28] =	ssyncset.done $0x0  }
0x114: {  	s17 =	rddreg [dreg:$0x12];
	[sflag:s28] =	ssyncadd.s32 $0xFFFFE000  }
0x115: {  	[tilespmem:s21], [sflag:$0x2] =	stream.indirect.gather [spmem:s4], $0x40, s17, s23, $0xb8;
	[tilespmem:$0x19000] =	vst v63  }
0x116: {  	_ =	swait.ge [sflag:s29], $0x2000  }
0x117: {  	[sflag:s29] =	ssyncset.done $0x0  }
0x118: {  	s17 =	rddreg [dreg:$0x13];
	[sflag:s29] =	ssyncadd.s32 $0xFFFFE000  }
0x119: {  	[spmem:s3] =	stream.indirect.scatter.add.f32 [tilespmem:s21], [sflag:$0x4], $0x40, s17, s23, $0xb8;
	[tilespmem:$0x19000] =	vst v63  }
0x11a: {  	_ =	swait.ge [sflag:s30], $0x2000  }
0x11b: {  	[sflag:s30] =	ssyncset.done $0x0  }
0x11c: {  	[sflag:s30] =	ssyncadd.s32 $0xFFFFE000  }
0x11d: {  	_ =	swait.ge [sflag:s31], $0x400  }
0x11e: {  	[sflag:s31] =	ssyncset.done $0x0  }
0x11f: {  	[sflag:s31] =	ssyncadd.s32 $0xFFFFFC00  }
0x120: {  	s13 =	smov.u32 s12;
	_ =	swait.ge [sflag:s31], $0x400  }
0x121: {  	s17 =	smin.u32 s13, $0x7;
	[sflag:s31] =	ssyncset.done $0x0;
	s14 =	rddreg [dreg:$0x5]  }
0x122: {  	[sflag:s31] =	ssyncadd.s32 $0xFFFFFC00;
	s14 =	sadd.s32 s17, s14  }
0x123: {  	[tilespmem:s25], [sflag:$0x1] =	stream.indirect.gather [spmem:s4], $0x40, s19, s23, $0xb8;
	[tilespmem:$0x19000] =	vst v63  }
0x124: {  	s14 =	sshll.u32 s14, $0x7  }
0x125: {  	s17 =	sadd.s32 s6, s14  }
0x126: {  	[tilespmem:s5], [sflag:$0x5] =	stream.linear.gather [hbm4b:s17+s5], $0x400, $0x38;
	[tilespmem:$0x19000] =	vst v63  }
0x127: {  	s14 =	sadd.s32 s1, s14  }
0x128: {  	[tilespmem:s18], [sflag:$0x5] =	stream.linear.gather [hbm4b:s14+s5], $0x400, $0x38;
	[tilespmem:$0x19000] =	vst v63  }
0x129: {  	_ =	swait.ge [sflag:s26], $0x2000  }
0x12a: {  	[sflag:s26] =	ssyncset.done $0x0  }
0x12b: {  	[sflag:s26] =	ssyncadd.s32 $0xFFFFE000  }
0x12c: {  	[spmem:s3] =	stream.indirect.scatter.add.f32 [tilespmem:s25], [sflag:$0x3], $0x40, s20, s23, $0xb8;
	[tilespmem:$0x19000] =	vst v63  }
0x12d: {  	_ =	swait.ge [sflag:s28], $0x2000  }
0x12e: {  	[sflag:s28] =	ssyncset.done $0x0  }
0x12f: {  	s17 =	rddreg [dreg:$0x14];
	[sflag:s28] =	ssyncadd.s32 $0xFFFFE000  }
0x130: {  	[tilespmem:s21], [sflag:$0x2] =	stream.indirect.gather [spmem:s4], $0x40, s17, s23, $0xb8;
	[tilespmem:$0x19000] =	vst v63  }
0x131: {  	_ =	swait.ge [sflag:s29], $0x2000  }
0x132: {  	[sflag:s29] =	ssyncset.done $0x0  }
0x133: {  	s17 =	rddreg [dreg:$0x15];
	[sflag:s29] =	ssyncadd.s32 $0xFFFFE000  }
0x134: {  	[spmem:s3] =	stream.indirect.scatter.add.f32 [tilespmem:s21], [sflag:$0x4], $0x40, s17, s23, $0xb8;
	[tilespmem:$0x19000] =	vst v63  }
0x135: {  	_ =	swait.ge [sflag:s30], $0x2000  }
0x136: {  	[sflag:s30] =	ssyncset.done $0x0  }
0x137: {  	s17 =	rddreg [dreg:$0x16];
	[sflag:s30] =	ssyncadd.s32 $0xFFFFE000  }
0x138: {  	[tilespmem:s25], [sflag:$0x1] =	stream.indirect.gather [spmem:s4], $0x40, s17, s23, $0xb8;
	[tilespmem:$0x19000] =	vst v63  }
0x139: {  	_ =	swait.ge [sflag:s26], $0x2000  }
0x13a: {  	[sflag:s26] =	ssyncset.done $0x0  }
0x13b: {  	s17 =	rddreg [dreg:$0x17];
	[sflag:s26] =	ssyncadd.s32 $0xFFFFE000  }
0x13c: {  	[spmem:s3] =	stream.indirect.scatter.add.f32 [tilespmem:s25], [sflag:$0x3], $0x40, s17, s23, $0xb8;
	[tilespmem:$0x19000] =	vst v63  }
0x13d: {  	_ =	swait.ge [sflag:s28], $0x2000  }
0x13e: {  	[sflag:s28] =	ssyncset.done $0x0  }
0x13f: {  	s17 =	rddreg [dreg:$0x18];
	[sflag:s28] =	ssyncadd.s32 $0xFFFFE000  }
0x140: {  	[tilespmem:s21], [sflag:$0x2] =	stream.indirect.gather [spmem:s4], $0x40, s17, s23, $0xb8;
	[tilespmem:$0x19000] =	vst v63  }
0x141: {  	_ =	swait.ge [sflag:s29], $0x2000  }
0x142: {  	[sflag:s29] =	ssyncset.done $0x0  }
0x143: {  	s17 =	rddreg [dreg:$0x19];
	[sflag:s29] =	ssyncadd.s32 $0xFFFFE000  }
0x144: {  	[spmem:s3] =	stream.indirect.scatter.add.f32 [tilespmem:s21], [sflag:$0x4], $0x40, s17, s23, $0xb8;
	[tilespmem:$0x19000] =	vst v63  }
0x145: {  	_ =	swait.ge [sflag:s30], $0x2000  }
0x146: {  	[sflag:s30] =	ssyncset.done $0x0  }
0x147: {  	s17 =	rddreg [dreg:$0x1a];
	[sflag:s30] =	ssyncadd.s32 $0xFFFFE000  }
0x148: {  	[tilespmem:s25], [sflag:$0x1] =	stream.indirect.gather [spmem:s4], $0x40, s17, s23, $0xb8;
	[tilespmem:$0x19000] =	vst v63  }
0x149: {  	_ =	swait.ge [sflag:s26], $0x2000  }
0x14a: {  	[sflag:s26] =	ssyncset.done $0x0  }
0x14b: {  	s17 =	rddreg [dreg:$0x1b];
	[sflag:s26] =	ssyncadd.s32 $0xFFFFE000  }
0x14c: {  	[spmem:s3] =	stream.indirect.scatter.add.f32 [tilespmem:s25], [sflag:$0x3], $0x40, s17, s23, $0xb8;
	[tilespmem:$0x19000] =	vst v63  }
0x14d: {  	_ =	swait.ge [sflag:s28], $0x2000  }
0x14e: {  	[sflag:s28] =	ssyncset.done $0x0  }
0x14f: {  	s17 =	rddreg [dreg:$0x1c];
	[sflag:s28] =	ssyncadd.s32 $0xFFFFE000  }
0x150: {  	[tilespmem:s21], [sflag:$0x2] =	stream.indirect.gather [spmem:s4], $0x40, s17, s23, $0xb8;
	[tilespmem:$0x19000] =	vst v63  }
0x151: {  	_ =	swait.ge [sflag:s29], $0x2000  }
0x152: {  	[sflag:s29] =	ssyncset.done $0x0  }
0x153: {  	s17 =	rddreg [dreg:$0x1d];
	[sflag:s29] =	ssyncadd.s32 $0xFFFFE000  }
0x154: {  	[spmem:s3] =	stream.indirect.scatter.add.f32 [tilespmem:s21], [sflag:$0x4], $0x40, s17, s23, $0xb8;
	[tilespmem:$0x19000] =	vst v63  }
0x155: {  	_ =	swait.ge [sflag:s30], $0x2000  }
0x156: {  	[sflag:s30] =	ssyncset.done $0x0  }
0x157: {  	[sflag:s30] =	ssyncadd.s32 $0xFFFFE000  }
0x158: {  	[tilespmem:s25], [sflag:$0x1] =	stream.indirect.gather [spmem:s4], $0x40, s2, s23, $0xb8;
	[tilespmem:$0x19000] =	vst v63  }
0x159: {  	_ =	swait.ge [sflag:s26], $0x2000  }
0x15a: {  	[sflag:s26] =	ssyncset.done $0x0  }
0x15b: {  	[sflag:s26] =	ssyncadd.s32 $0xFFFFE000  }
0x15c: {  	[spmem:s3] =	stream.indirect.scatter.add.f32 [tilespmem:s25], [sflag:$0x3], $0x40, s0, s23, $0xb8;
	[tilespmem:$0x19000] =	vst v63  }
0x15d: {  	_ =	swait.ge [sflag:s28], $0x2000  }
0x15e: {  	[sflag:s28] =	ssyncset.done $0x0  }
0x15f: {  	[sflag:s28] =	ssyncadd.s32 $0xFFFFE000  }
0x160: {  	[tilespmem:s21], [sflag:$0x2] =	stream.indirect.gather [spmem:s4], $0x40, s9, s23, $0xb8;
	[tilespmem:$0x19000] =	vst v63  }
0x161: {  	_ =	swait.ge [sflag:s29], $0x2000  }
0x162: {  	[sflag:s29] =	ssyncset.done $0x0  }
0x163: {  	[sflag:s29] =	ssyncadd.s32 $0xFFFFE000  }
0x164: {  	[spmem:s3] =	stream.indirect.scatter.add.f32 [tilespmem:s21], [sflag:$0x4], $0x40, s10, s23, $0xb8;
	[tilespmem:$0x19000] =	vst v63  }
0x165: {  	_ =	swait.ge [sflag:s30], $0x2000  }
0x166: {  	[sflag:s30] =	ssyncset.done $0x0  }
0x167: {  	[sflag:s30] =	ssyncadd.s32 $0xFFFFE000  }
0x168: {  	_ =	swait.ge [sflag:s22], $0x400  }
0x169: {  	[sflag:s22] =	ssyncset.done $0x0  }
0x16a: {  	[sflag:s22] =	ssyncadd.s32 $0xFFFFFC00  }
0x16b: {  	p0 =	sne.s32 s12, $0x8;
	s13 =	smin.u32 s13, $0x6;
	_ =	swait.ge [sflag:s22], $0x400  }
.Ltmp0:
0x16c: {  	[sflag:s22] =	ssyncset.done $0x0;
	s17 =	rddreg [dreg:$0x6];
	(pc) =	sbr.rel @p0 .LBB2_2-.Ltmp0, $4  }
0x16d: {  	[sflag:s22] =	ssyncadd.s32 $0xFFFFFC00;
	s13 =	sadd.s32 s13, s17  }
0x16e: {  	[tilespmem:s25], [sflag:$0x1] =	stream.indirect.gather [spmem:s4], $0x40, s5, s23, $0xb8;
	[tilespmem:$0x19000] =	vst v63  }
0x16f: {  	s13 =	sshll.u32 s13, $0x7  }
0x170: {  	s12 =	sadd.s32 $0x2, s12;
	s17 =	sadd.s32 s6, s13;
	s14 =	sadd.s32 s1, s13  }
0x171: {  	[tilespmem:s19], [sflag:$0x6] =	stream.linear.gather [hbm4b:s17+s5], $0x400, $0x38;
	[tilespmem:$0x19000] =	vst v63  }
0x172: {  	_ = 	snop  }
0x173: {  	[tilespmem:s20], [sflag:$0x6] =	stream.linear.gather [hbm4b:s14+s5], $0x400, $0x38;
	[tilespmem:$0x19000] =	vst v63  }
0x174: {  	_ =	swait.ge [sflag:s26], $0x2000  }
0x175: {  	[sflag:s26] =	ssyncset.done $0x0  }
0x176: {  	[sflag:s26] =	ssyncadd.s32 $0xFFFFE000  }
0x177: {  	_ =	swait.ge [sflag:s28], $0x2000  }
0x178: {  	[sflag:s28] =	ssyncset.done $0x0  }
0x179: {  	[sflag:s28] =	ssyncadd.s32 $0xFFFFE000  }
0x17a: {  	_ =	swait.ge [sflag:s31], $0x400  }
0x17b: {  	[sflag:s31] =	ssyncset.done $0x0  }
0x17c: {  	[sflag:s31] =	ssyncadd.s32 $0xFFFFFC00  }
0x17d: {  	_ =	swait.ge [sflag:s31], $0x400  }
0x17e: {  	[sflag:s31] =	ssyncset.done $0x0  }
0x17f: {  	[sflag:s31] =	ssyncadd.s32 $0xFFFFFC00  }
0x180: {  	[bflag:$0x0] =	sbarrier.arrive $0xFFFF  }
0x181: {  	[hbm:s24], [sflag:s8] =	dma.local [spmem:s15], $0x1400  }
0x182: {  	_ =	swait.ge [sflag:s16], $0x1400  }
0x183: {  	s12 =	sld [smem:$0x7FC];
	_ =	sdelay $0x1  }
0x184: {  	s11 =	sadd.s32 $0x1, s11  }
0x185: {  	p0 =	sne.s32 s11, s12  }
.Ltmp1:
0x186: {  	_ = 	snop;
	(pc) =	sbr.rel @p0 .LBB2_1-.Ltmp1, $3  }
0x187: {  	_ =	sdelay $0x1  }
0x188: {  	[sflag:s16] =	ssyncset.done $0x0  }
0x189: {  	[sflag:s16] =	ssyncadd.s32 $0xFFFFEC00  }
0x18a: {  	_ =	sfence.sel $0x180000  }
0x18b: {  	[bflag:$0x0] =	sbarrier.arrive $0xFFFF  }
0x18c: {  	_ =	strace $0x9000004A  }
0x18d: {  	s0 =	stileid.u32;
	[bflag:$0x2] =	sbarrier.arrive $0xFFFF  }
0x18e: {  	p0 =	sne.s32 s0, $0x0;
	s0 =	rddreg [dreg:$0x4]  }
0x18f: {  	s0 =	sadd.s32 @!p0 $0x100000, s0  }
0x190: {  	[sflag:s0] =	ssyncadd.tile.s32 @!p0 $0x1;
	_ =	shalt  }
.Lfunc_end2:
_tile_overlayer_lowered:
.L_overlay_start_2:
0x191: {  	(tag) =	ssettag $0x2  }
0x192: {  	s0 =	rddreg [dreg:$0x0];
	s2 =	stileid.u32  }
0x193: {  	s1 =	rddreg [dreg:$0x1];
	p0 =	sne.s32 s2, $0x0  }
0x194: {  	s3 =	rddreg [dreg:$0x2];
	[bflag:$0x3] =	sbarrier.arrive $0xFFFF;
	s2 =	simm.s32 @!p0 $0x1C07  }
0x195: {  	[timem:s3], [sflag:s2] =	dma.local @!p0 [hbm:s0], s1  }
0x196: {  	s0 =	simm.s32 @!p0 $0x7  }
0x197: {  	_ =	swait.ge @!p0 [sflag:s0], s1  }
0x198: {  	s1 =	ssub.s32 @!p0 $0x0, s1;
	[sflag:s0] =	ssyncset.done @!p0 $0x0  }
0x199: {  	[sflag:s0] =	ssyncadd.s32 @!p0 s1  }
0x19a: {  	[bflag:$0x3] =	sbarrier.arrive $0xFFFF  }
0x19b: {  	_ =	shalt  }

// kernel: kernel.7.cloned.1.call-start
scs
__scs_entry_jumppad:
0x0: {  	(pc) =	sbr.rel $0x88, $3  }
0x1: {  	(tag) =	ssettag $0x0;
	lr =	simm.s32 $0x1  }
0x2: {  	[smem:$0x3F9C] =	sst lr;
	_ =	strace $0xD0000000  }
0x3: {  	_ = 	snop  }
0x4: {  	_ = 	snop  }
0x5: {  	_ = 	snop  }
0x6: {  	_ = 	snop  }
0x7: {  	_ = 	snop  }
__scs_overlays_trampoline_lowered:
0x8: {  	[smem:$0x3FAB] =	sst s0  }
0x9: {  	[smem:$0x3FAC] =	sst s1  }
0xa: {  	[smem:$0x3FAD] =	sst s2  }
0xb: {  	[smem:$0x3FAE] =	sst s3  }
0xc: {  	[smem:$0x3FAF] =	sst s4  }
0xd: {  	[smem:$0x3FB0] =	sst s5  }
0xe: {  	[smem:$0x3FB1] =	sst s6  }
0xf: {  	[smem:$0x3FB2] =	sst s7  }
0x10: {  	[smem:$0x3FB3] =	sst s8  }
0x11: {  	[smem:$0x3FB4] =	sst s9;
	s0 =	simm.s32 @!p0 $0x0  }
0x12: {  	s1 =	sld [smem:$0x3F9A];
	s0 =	simm.s32 @p0 $0x1  }
0x13: {  	[smem:$0x3FB5] =	sst s0;
	s0 =	simm.s32 @!p1 $0x0  }
0x14: {  	s2 =	sld [smem:$0x3F99];
	s0 =	simm.s32 @p1 $0x1  }
0x15: {  	[smem:$0x3FB6] =	sst s0;
	s0 =	simm.s32 @!p2 $0x0  }
0x16: {  	s3 =	sld [smem:$0x3FDB];
	s0 =	simm.s32 @p2 $0x1  }
0x17: {  	s4 =	simm.s32 $0x1BF5;
	[smem:$0x3FB8] =	sst s0  }
0x18: {  	s0 =	sld [smem:$0x3F9B];
	_ =	swait.ge [sflag:s4], $0x0  }
0x19: {  	s7 =	sld [smem:$0x3F9C]  }
0x1a: {  	s8 =	sadd.s32 $0xFFFFE003, lr  }
0x1b: {  	s9 =	sadd.s32 $0xFFFFFEF7, lr;
	s5 =	simm.s32 $0xFFFFFFFF;
	p2 =	slt.u32 s8, $0xFFFFF086  }
0x1c: {  	p1 =	slt.u32 s9, $0xF7A;
	s5 =	simm.s32 @!p2 $0x0  }
0x1d: {  	s5 =	simm.s32 @p1 $0x1;
	p0 =	seq.s32 s7, s2  }
0x1e: {  	s7 =	smul.u32 @!p0 $0xF7A, s2;
	p2 =	seq.s32 @!p0 s5, $0x0  }
0x1f: {  	s9 =	smul.u32 $0xF7A, s1;
	s8 =	simm.s32 @!p0 $0x1BF5;
	p2 =	por !p2, p0  }
0x20: {  	[sflag:s8] =	ssyncset.s32 @!p0 $0xFFFFF086;
	s6 =	sadd.s32 @!p0 s3, s7;
	s7 =	simm.s32 @!p0 $0x108  }
0x21: {  	s3 =	sadd.s32 s3, s9;
	s6 =	sadd.s32 @!p0 $0x88, s6;
	s7 =	simm.s32 @p2 $0x1082  }
0x22: {  	[simem:s7], [sflag:s8] =	dma.local @!p0 [hbm:s6], $0xF7A  }
0x23: {  	s9 =	sor.u32 $0xD0000000, s2;
	s6 =	simm.s32 $0x108;
	_ =	swait.ge @!p0 [sflag:s8], $0x0  }
0x24: {  	s3 =	sadd.s32 $0x88, s3;
	s6 =	simm.s32 @!p1 $0x1082;
	[sflag:s4] =	ssyncset.s32 $0xFFFFF086  }
0x25: {  	[simem:s6], [sflag:s4] =	dma.local [hbm:s3], $0xF7A  }
0x26: {  	[smem:$0x3F9C] =	sst s1;
	(tag) =	ssettag s2;
	_ =	strace s9  }
0x27: {  	s1 =	sld [smem:$0x3FAC]  }
0x28: {  	s2 =	sld [smem:$0x3FAD]  }
0x29: {  	s4 =	sld [smem:$0x3FAF]  }
0x2a: {  	p0 =	seq.s32 s5, $0x0;
	s5 =	sld [smem:$0x3FB0]  }
0x2b: {  	s6 =	sld [smem:$0x3FB1]  }
0x2c: {  	s7 =	sld [smem:$0x3FB2]  }
0x2d: {  	s3 =	simm.s32 $0x108;
	s8 =	sld [smem:$0x3FB3]  }
0x2e: {  	s3 =	simm.s32 @!p0 $0x1082;
	s9 =	sld [smem:$0x3FB4]  }
0x2f: {  	lr =	sadd.s32 s0, s3;
	s0 =	sld [smem:$0x3FAB]  }
0x30: {  	s3 =	sld [smem:$0x3FAE]  }
0x31: {  	[smem:$0x3FB7] =	sst s10  }
0x32: {  	s10 =	sld [smem:$0x3FB5];
	_ =	sdelay $0x3  }
0x33: {  	p0 =	seq.s32 s10, $0x1;
	s10 =	sld [smem:$0x3FB7];
	_ =	sdelay $0x3  }
0x34: {  	[smem:$0x3FB7] =	sst s10  }
0x35: {  	s10 =	sld [smem:$0x3FB6];
	_ =	sdelay $0x3  }
0x36: {  	p1 =	seq.s32 s10, $0x1;
	s10 =	sld [smem:$0x3FB7];
	_ =	sdelay $0x3  }
0x37: {  	[smem:$0x3FB7] =	sst s10  }
0x38: {  	s10 =	sld [smem:$0x3FB8]  }
0x39: {  	_ = 	snop;
	(pc) =	sbr.ind lr, $3  }
0x3a: {  	_ = 	snop  }
0x3b: {  	_ = 	snop  }
0x3c: {  	p2 =	seq.s32 s10, $0x1;
	s10 =	sld [smem:$0x3FB7]  }
0x3d: {  	_ =	shalt  }
0x3e: {  	_ =	shalt  }
0x3f: {  	_ =	shalt  }
0x40: {  	_ =	shalt  }
0x41: {  	_ =	shalt  }
0x42: {  	_ =	shalt  }
0x43: {  	_ =	shalt  }
0x44: {  	_ =	shalt  }
0x45: {  	_ =	shalt  }
0x46: {  	_ =	shalt  }
0x47: {  	_ =	shalt  }
0x48: {  	_ =	shalt  }
0x49: {  	_ =	shalt  }
0x4a: {  	_ =	shalt  }
0x4b: {  	_ =	shalt  }
0x4c: {  	_ =	shalt  }
0x4d: {  	_ =	shalt  }
0x4e: {  	_ =	shalt  }
0x4f: {  	_ =	shalt  }
0x50: {  	_ =	shalt  }
0x51: {  	_ =	shalt  }
0x52: {  	_ =	shalt  }
0x53: {  	_ =	shalt  }
0x54: {  	_ =	shalt  }
0x55: {  	_ =	shalt  }
0x56: {  	_ =	shalt  }
0x57: {  	_ =	shalt  }
0x58: {  	_ =	shalt  }
0x59: {  	_ =	shalt  }
0x5a: {  	_ =	shalt  }
0x5b: {  	_ =	shalt  }
0x5c: {  	_ =	shalt  }
0x5d: {  	_ =	shalt  }
0x5e: {  	_ =	shalt  }
0x5f: {  	_ =	shalt  }
0x60: {  	_ =	shalt  }
0x61: {  	_ =	shalt  }
0x62: {  	_ =	shalt  }
0x63: {  	_ =	shalt  }
0x64: {  	_ =	shalt  }
0x65: {  	_ =	shalt  }
0x66: {  	_ =	shalt  }
0x67: {  	_ =	shalt  }
0x68: {  	_ =	shalt  }
0x69: {  	_ =	shalt  }
0x6a: {  	_ =	shalt  }
0x6b: {  	_ =	shalt  }
0x6c: {  	_ =	shalt  }
0x6d: {  	_ =	shalt  }
0x6e: {  	_ =	shalt  }
0x6f: {  	_ =	shalt  }
0x70: {  	_ =	shalt  }
0x71: {  	_ =	shalt  }
0x72: {  	_ =	shalt  }
0x73: {  	_ =	shalt  }
0x74: {  	_ =	shalt  }
0x75: {  	_ =	shalt  }
0x76: {  	_ =	shalt  }
0x77: {  	_ =	shalt  }
0x78: {  	_ =	shalt  }
0x79: {  	_ =	shalt  }
0x7a: {  	_ =	shalt  }
0x7b: {  	_ =	shalt  }
0x7c: {  	_ =	shalt  }
0x7d: {  	_ =	shalt  }
0x7e: {  	_ =	shalt  }
0x7f: {  	_ =	shalt  }
0x80: {  	_ =	shalt  }
0x81: {  	_ =	shalt  }
0x82: {  	_ =	shalt  }
0x83: {  	_ =	shalt  }
0x84: {  	_ =	shalt  }
0x85: {  	_ =	shalt  }
0x86: {  	_ =	shalt  }
0x87: {  	_ =	shalt  }
.Lfunc_end0:
.L_simem_size_0:
called_computation_lowered:
.L_overlay_start_0:
0x88: {  	s2 =	sld [smem:$0x3FD9]  }
0x89: {  	s3 =	sld [smem:$0x3FFE];
	_ =	sdelay $0x1  }
0x8a: {  	s1 =	srdreg.scid  }
0x8b: {  	s0 =	sand.u32 $0x1, s1  }
0x8c: {  	s14 =	sshll.u32 s0, $0xA;
	s2 =	sadd.s32 s3, s2  }
0x8d: {  	s2 =	sadd.s32 s2, s14  }
0x8e: {  	[smem:$0x3FC3] =	sst s2  }
0x8f: {  	_ = 	snop  }
0x90: {  	s2 =	sld [smem:$0x3FD0];
	_ =	sdelay $0x2  }
0x91: {  	s15 =	simm.s32 $0xA;
	s4 =	simm.s32 $0x10  }
0x92: {  	[smem:s4], [sflag:s15] =	dma.local [hbm:s2], $0x1  }
0x93: {  	_ =	swait.eq [sflag:s15], $0x1  }
0x94: {  	s16 =	sld [smem:$0x10]  }
0x95: {  	s17 =	sld [smem:$0x11];
	[sflag:s15] =	ssyncset.done $0x0  }
0x96: {  	s5 =	sld [smem:$0x12];
	[sflag:s15] =	ssyncadd.s32 $0xFFFFFFFF  }
0x97: {  	s18 =	sld [smem:$0x13];
	(tm) =	ssettm $0x1  }
0x98: {  	s6 =	sld [smem:$0x3FFB];
	_ =	sdelay $0x3  }
0x99: {  	_ =	strace s6  }
0x9a: {  	s6 =	sld [smem:$0x3FFC];
	_ =	sdelay $0x3  }
0x9b: {  	_ =	strace s6  }
0x9c: {  	s6 =	sld [smem:$0x3FFD];
	_ =	sdelay $0x3  }
0x9d: {  	_ =	strace s6  }
0x9e: {  	_ =	strace $0x8FFFFFFF  }
0x9f: {  	s19 =	sld [smem:$0x3FDB];
	_ =	sdelay $0x1  }
0xa0: {  	s7 =	simm.s32 $_scs_section_size  }
0xa1: {  	s8 =	simm.s32 $_size__tile_overlayer_lowered;
	s9 =	simm.s32 $_tile_overlayer_lowered  }
0xa2: {  	s22 =	simm.s32 $0x1BFF;
	s21 =	sshll.u32 s9, $0x1;
	s6 =	sadd.s32 s7, s19  }
0xa3: {  	s10 =	simm.s32 $0x0;
	s20 =	sshll.u32 s8, $0x1;
	s8 =	sadd.s32 s21, s6  }
0xa4: {  	[timem:s10], [sflag:s22] =	dma.local [hbm:s8], s20  }
0xa5: {  	_ =	swait.ge [sflag:s22], s20  }
0xa6: {  	s7 =	ssub.s32 $0x0, s20;
	[sflag:s22] =	ssyncset.done $0x0  }
0xa7: {  	[sflag:s22] =	ssyncadd.s32 s7;
	_ =	sdelay $0x1  }
0xa8: {  	s23 =	simm.s32 $0x1B8B  }
0xa9: {  	_ =	swait.ge [sflag:s23], $0x1  }
0xaa: {  	[sflag:s23] =	ssyncset.done $0x0  }
0xab: {  	s25 =	simm.s32 $0x1B8E;
	s24 =	sld [smem:$0x3FFE];
	[sflag:s23] =	ssyncadd.s32 $0xFFFFFFFF  }
0xac: {  	s26 =	simm.s32 $execute0_lowered;
	[smem:$0x3FD2] =	sst s25  }
0xad: {  	s8 =	sshll.u32 s26, $0x1;
	_ =	strace $0x80000046;
	[dreg:$0x1] =	wrdreg $0xFFFFFFFF  }
0xae: {  	s28 =	simm.s32 $_size_execute0_lowered;
	s6 =	sadd.s32 s6, s8;
	[dreg:$0x0] =	wrdreg $0x0  }
0xaf: {  	s8 =	sshll.u32 s28, $0x1;
	[dreg:$0x2] =	wrdreg s6  }
0xb0: {  	[dreg:$0x3] =	wrdreg s8  }
0xb1: {  	[dreg:$0x4] =	wrdreg $0xC0  }
0xb2: {  	_ =	task [dreg:s10], $0x5FFFF  }
0xb3: {  	[dreg:$0x1] =	wrdreg $0xFFFFFFFF  }
0xb4: {  	[dreg:$0x0] =	wrdreg $0x60  }
0xb5: {  	[dreg:$0x2] =	wrdreg s17  }
0xb6: {  	[dreg:$0x3] =	wrdreg s24  }
0xb7: {  	[dreg:$0x4] =	wrdreg s16  }
0xb8: {  	[dreg:$0x5] =	wrdreg s18  }
0xb9: {  	[dreg:$0x6] =	wrdreg s5  }
0xba: {  	[dreg:$0x7] =	wrdreg $0x90000  }
0xbb: {  	[dreg:$0x8] =	wrdreg $0x9  }
0xbc: {  	_ =	task.clear_ibuf [dreg:s10], $0x9FFFF;
	_ =	strace $0x90000046  }
0xbd: {  	s29 =	simm.s32 $0x9;
	_ =	strace $0x80000048  }
0xbe: {  	_ =	swait.ge [sflag:s29], $0x1  }
0xbf: {  	[sflag:s29] =	ssyncadd.s32 $0xFFFFFFFF  }
0xc0: {  	_ =	strace $0x90000048  }
0xc1: {  	_ =	sfence  }
0xc2: {  	s30 =	sld [smem:$0x0];
	_ =	sdelay $0x2  }
0xc3: {  	s31 =	sshll.u32 s1, $0xD;
	s1 =	sshrl.u32 s1, $0x2  }
0xc4: {  	s3 =	sand.u32 $0x4000, s31;
	s1 =	sadd.s32 s1, s30  }
0xc5: {  	s0 =	sor.u32 s3, s0;
	s1 =	sshll.u32 s1, $0x11  }
0xc6: {  	s0 =	sor.u32 s1, s0  }
0xc7: {  	s0 =	sadd.s32 $0x8F2B, s0  }
0xc8: {  	[sflag:s0] =	ssyncadd.remote.s32 $0x1  }
0xc9: {  	_ =	sfence.sel $0xFFFF  }
0xca: {  	[dreg:$0x0] =	wrdreg $0xFFFFFFFF;
	(pc) =	sbr.abs _section_cstart, $3  }
0xcb: {  	[dreg:$0x1] =	wrdreg $0xFFFFFFFF  }
0xcc: {  	_ =	task.clear_ibuf [dreg:s10], $0x2FFFF;
	_ =	strace $0x9FFFFFFF  }
0xcd: {  	(tm) =	ssettm $0x7FFFFFFF  }
tec
execute0_lowered:
.L_overlay_start_1:
0x0: {  	(tag) =	ssettag $0x1  }
0x1: {  	s2 =	rddreg [dreg:$0x0]  }
0x2: {  	s5 =	rddreg [dreg:$0x1]  }
0x3: {  	s1 =	rddreg [dreg:$0x2]  }
0x4: {  	s7 =	rddreg [dreg:$0x4]  }
0x5: {  	s3 =	rddreg [dreg:$0x5];
	s4 =	simm.s32 $0x0;
	s0 =	srdreg.scid  }
0x6: {  	s15 =	stileid.u32;
	s19 =	simm.s32 $0x500;
	s21 =	simm.s32 $0x180  }
0x7: {  	s22 =	simm.s32 $0x600;
	s23 =	simm.s32 $0x280;
	s28 =	simm.s32 $0x1  }
0x8: {  	s29 =	simm.s32 $0x4;
	s30 =	simm.s32 $0x2;
	s31 =	simm.s32 $0x3  }
0x9: {  	[smem:$0x7FF] =	sst s4;
	s9 =	sadd.s32 $0xAE00, s5;
	s24 =	smul.u32 $0x14, s15  }
0xa: {  	s11 =	smul.u32 $0x14000, s15;
	_ =	strace $0x80000047;
	[dreg:$0x18] =	wrdreg s9  }
0xb: {  	s0 =	sand.u32 $0x1, s0;
	s14 =	smul.u32 $0xA00, s15;
	[dreg:$0x9] =	wrdreg s19  }
0xc: {  	s13 =	sshll.u32 s15, $0x6;
	s15 =	smul.u32 $0x500, s15;
	[dreg:$0xa] =	wrdreg s21  }
0xd: {  	s6 =	sadd.s32 $0xE00, s5;
	s8 =	smul.u32 $0x28000, s0;
	[dreg:$0xb] =	wrdreg s22  }
0xe: {  	s10 =	ssub.s32 $0x2, s0;
	[dreg:$0xc] =	wrdreg s23;
	s19 =	simm.s32 $0x980  }
0xf: {  	s17 =	sor.u32 $0x1C07, s13;
	s21 =	simm.s32 $0xA80;
	[dreg:$0x12] =	wrdreg s19  }
0x10: {  	s22 =	simm.s32 $0xF00;
	s23 =	simm.s32 $0xB80;
	[dreg:$0x14] =	wrdreg s21  }
0x11: {  	p0 =	sne.s32 s0, $0x0;
	p1 =	seq.s32 s0, $0x0;
	[dreg:$0x15] =	wrdreg s22  }
0x12: {  	s12 =	sshrl.u32 s10, $0x1;
	s25 =	sadd.s32 s6, s14;
	[dreg:$0x16] =	wrdreg s23  }
0x13: {  	s26 =	sadd.s32 s1, s14;
	s16 =	sor.u32 $0x2, s24;
	[dreg:$0x19] =	wrdreg s17  }
0x14: {  	s14 =	sor.u32 $0x80, s14;
	s9 =	sor.u32 $0x3, s24;
	[dreg:$0x1a] =	wrdreg s25  }
0x15: {  	s24 =	smul.u32 $0x5000, s0;
	s19 =	simm.s32 $0x800;
	[dreg:$0x1b] =	wrdreg s26  }
0x16: {  	s21 =	simm.s32 $0x5000;
	s23 =	simm.s32 $0x5;
	[dreg:$0x7] =	wrdreg s16  }
0x17: {  	s0 =	simm.s32 $0x6;
	s18 =	sadd.s32 s6, s14;
	[dreg:$0x8] =	wrdreg s9  }
0x18: {  	s10 =	ssub.s32 s10, s12;
	s20 =	sadd.s32 s1, s14;
	[dreg:$0x1c] =	wrdreg s18  }
0x19: {  	s12 =	sadd.s32 s11, s3;
	s25 =	simm.s32 $0x700;
	[dreg:$0x1d] =	wrdreg s20  }
0x1a: {  	s26 =	sshrl.u32 s11, $0x3;
	s11 =	simm.s32 $0x380;
	[dreg:$0xd] =	wrdreg s25  }
0x1b: {  	s5 =	sadd.s32 s8, s5;
	s14 =	simm.s32 $0x780;
	[dreg:$0xe] =	wrdreg s11  }
0x1c: {  	s13 =	sadd.s32 s2, s8;
	s16 =	simm.s32 $0x880;
	[dreg:$0xf] =	wrdreg s14  }
0x1d: {  	s5 =	sadd.s32 $0xB400, s5;
	s10 =	smax.u32 s10, $0x1;
	[dreg:$0x10] =	wrdreg s16  }
0x1e: {  	s7 =	sadd.s32 s7, s24;
	s18 =	simm.s32 $0xD00;
	[dreg:$0x1e] =	wrdreg s10  }
0x1f: {  	s16 =	simm.s32 $0x7;
	s20 =	simm.s32 $0xE00;
	[dreg:$0x11] =	wrdreg s18  }
0x20: {  	s11 =	simm.s32 $0x1D000;
	s24 =	simm.s32 $0xF80;
	[dreg:$0x13] =	wrdreg s20  }
0x21: {  	s10 =	sshrl.u32 s12, $0x3;
	[dreg:$0x17] =	wrdreg s24;
	s25 =	sadd.s32 s26, s5  }
0x22: {  	s18 =	simm.s32 $0x400;
	s26 =	sadd.s32 s15, s7;
	[smem:$0x7FC] =	sst s25  }
0x23: {  	s20 =	simm.s32 $0xC00;
	s5 =	simm.s32 $0x0;
	[smem:$0x7FD] =	sst s26  }
0x24: {  	s25 =	simm.s32 $0x80;
	s26 =	simm.s32 $0x1000;
	[dreg:$0x1f] =	wrdreg s10  }
.LBB2_1:
0x25: {  	[smem:$0x7FB] =	sst s5  }
0x26: {  	s2 =	rddreg [dreg:$0x3]  }
0x27: {  	[spmem:s10], [sflag:s17] =	dma.local [hbm:s2], $0x2800  }
0x28: {  	_ =	swait.ge [sflag:s16], $0x2800  }
0x29: {  	[sflag:s16] =	ssyncset.done $0x0  }
0x2a: {  	s14 =	rddreg [dreg:$0x18];
	[sflag:s16] =	ssyncadd.s32 $0xFFFFD800  }
0x2b: {  	[tilespmem:s11], [sflag:$0x7] =	stream.linear.gather [hbm4b:s14+s4], $0x2800, $0x38;
	[tilespmem:$0x1F800] =	vst v63  }
0x2c: {  	_ =	swait.ge [sflag:s16], $0x2800  }
0x2d: {  	[sflag:s16] =	ssyncset.done $0x0  }
0x2e: {  	s15 =	rddreg [dreg:$0x1a];
	[sflag:s16] =	ssyncadd.s32 $0xFFFFD800  }
0x2f: {  	[tilespmem:s4], [sflag:$0x5] =	stream.linear.gather [hbm4b:s15+s4], $0x400, $0x38;
	[tilespmem:$0x1F800] =	vst v63  }
0x30: {  	s17 =	rddreg [dreg:$0x1b]  }
0x31: {  	[tilespmem:s18], [sflag:$0x5] =	stream.linear.gather [hbm4b:s17+s4], $0x400, $0x38;
	[tilespmem:$0x1F800] =	vst v63  }
0x32: {  	s22 =	rddreg [dreg:$0x1c]  }
0x33: {  	[tilespmem:s19], [sflag:$0x6] =	stream.linear.gather [hbm4b:s22+s4], $0x400, $0x38;
	[tilespmem:$0x1F800] =	vst v63  }
0x34: {  	s24 =	rddreg [dreg:$0x1d]  }
0x35: {  	[tilespmem:s20], [sflag:$0x6] =	stream.linear.gather [hbm4b:s24+s4], $0x400, $0x38;
	[tilespmem:$0x1F800] =	vst v63  }
0x36: {  	_ = 	snop  }
0x37: {  	[tilespmem:s21], [sflag:$0x7] =	stream.linear.gather [hbm4b:s2+s4], $0x4000, $0x38;
	[tilespmem:$0x1F800] =	vst v63  }
0x38: {  	_ =	swait.ge [sflag:s16], $0x4000  }
0x39: {  	[sflag:s16] =	ssyncset.done $0x0  }
0x3a: {  	[sflag:s16] =	ssyncadd.s32 $0xFFFFC000  }
0x3b: {  	[bflag:$0x0] =	sbarrier.arrive $0xFFFF  }
0x3c: {  	_ =	swait.ge [sflag:s23], $0x400  }
0x3d: {  	[sflag:s23] =	ssyncset.done $0x0  }
0x3e: {  	[sflag:s23] =	ssyncadd.s32 $0xFFFFFC00  }
0x3f: {  	_ =	swait.ge [sflag:s23], $0x400  }
0x40: {  	[sflag:s23] =	ssyncset.done $0x0  }
0x41: {  	[sflag:s23] =	ssyncadd.s32 $0xFFFFFC00  }
0x42: {  	[spmem:s3] =	stream.indirect.scatter.add.f32 [tilespmem:s21], [sflag:$0x4], $0x80, s18, s25, $0xb8;
	[tilespmem:$0x1F800] =	vst v63  }
0x43: {  	s2 =	simm.s32 $0x0  }
0x44: {  	[tilespmem:s26], [sflag:$0x1] =	stream.indirect.gather [hbm4b:s13+s25], $0x80, s4, s25, $0xb8;
	[tilespmem:$0x1F800] =	vst v63  }
.LBB2_2:
0x45: {  	_ =	swait.ge [sflag:s28], $0x4000  }
0x46: {  	[sflag:s28] =	ssyncset.done $0x0  }
0x47: {  	[sflag:s28] =	ssyncadd.s32 $0xFFFFC000  }
0x48: {  	[spmem:s3] =	stream.indirect.scatter.add.f32 [tilespmem:s26], [sflag:$0x3], $0x80, s18, s25, $0xb8;
	[tilespmem:$0x1F800] =	vst v63  }
0x49: {  	_ =	swait.ge [sflag:s29], $0x4000  }
0x4a: {  	[sflag:s29] =	ssyncset.done $0x0  }
0x4b: {  	s10 =	simm.s32 @p0 $0x2;
	[sflag:s29] =	ssyncadd.s32 $0xFFFFC000  }
0x4c: {  	[tilespmem:s21], [sflag:$0x2] =	stream.indirect.gather [hbm4b:s13+s25], $0x80, s25, s25, $0xb8;
	[tilespmem:$0x1F800] =	vst v63  }
0x4d: {  	_ =	swait.ge @p0 [sflag:s10], $0x4000  }
0x4e: {  	s9 =	simm.s32 @p0 $0x80;
	s7 =	simm.s32 @p0 $0x480;
	[sflag:s10] =	ssyncset.done @p0 $0x0  }
0x4f: {  	s12 =	simm.s32 @p0 $0x5000;
	s11 =	simm.s32 @p0 $0x3;
	[sflag:s10] =	ssyncadd.s32 @p0 $0xFFFFC000  }
0x50: {  	[spmem:s3] =	stream.indirect.scatter.add.f32 @p0 [tilespmem:s12], [sflag:$0x4], $0x80, s7, s9, $0xb8;
	[tilespmem:$0x1F800] =	vst v63  }
0x51: {  	_ =	swait.ge @p0 [sflag:s11], $0x4000  }
0x52: {  	[sflag:s11] =	ssyncset.done @p0 $0x0  }
0x53: {  	s14 =	simm.s32 @p0 $0x1000;
	s7 =	simm.s32 @p0 $0x100;
	[sflag:s11] =	ssyncadd.s32 @p0 $0xFFFFC000  }
0x54: {  	[tilespmem:s14], [sflag:$0x1] =	stream.indirect.gather @p0 [hbm4b:s13+s9], $0x80, s7, s9, $0xb8;
	[tilespmem:$0x1F800] =	vst v63  }
0x55: {  	v1 =	vld @!p0 [tilespmem:$0x400];
	_ =	sdelay $0x6  }
0x56: {  	v0 =	vimm.f32 @!p0 $1.000000000e+00;
	s7 =	simm.s32 @!p0 $0x1D000  }
0x57: {  	[tilespmem:v1+s7+$0x0] =	vst.idx.add.f32.msk @!p0 $0xffff, v0  }
0x58: {  	v1 =	vld @!p0 [tilespmem:$0x410];
	_ =	sdelay $0x7  }
0x59: {  	[tilespmem:v1+s7+$0x0] =	vst.idx.add.f32.msk @!p0 $0xffff, v0  }
0x5a: {  	v1 =	vld @!p0 [tilespmem:$0x420];
	_ =	sdelay $0x7  }
0x5b: {  	[tilespmem:v1+s7+$0x0] =	vst.idx.add.f32.msk @!p0 $0xffff, v0  }
0x5c: {  	v1 =	vld @!p0 [tilespmem:$0x430];
	_ =	sdelay $0x7  }
0x5d: {  	[tilespmem:v1+s7+$0x0] =	vst.idx.add.f32.msk @!p0 $0xffff, v0  }
0x5e: {  	v1 =	vld @!p0 [tilespmem:$0x440];
	_ =	sdelay $0x7  }
0x5f: {  	[tilespmem:v1+s7+$0x0] =	vst.idx.add.f32.msk @!p0 $0xffff, v0  }
0x60: {  	v1 =	vld @!p0 [tilespmem:$0x450];
	_ =	sdelay $0x7  }
0x61: {  	[tilespmem:v1+s7+$0x0] =	vst.idx.add.f32.msk @!p0 $0xffff, v0  }
0x62: {  	v1 =	vld @!p0 [tilespmem:$0x460];
	_ =	sdelay $0x7  }
0x63: {  	[tilespmem:v1+s7+$0x0] =	vst.idx.add.f32.msk @!p0 $0xffff, v0  }
0x64: {  	v1 =	vld @!p0 [tilespmem:$0x470];
	_ =	sdelay $0x7  }
0x65: {  	s22 =	simm.s32 @!p0 $0x2;
	[tilespmem:v1+s7+$0x0] =	vst.idx.add.f32.msk @!p0 $0xffff, v0  }
0x66: {  	_ =	swait.ge @!p0 [sflag:s22], $0x4000  }
0x67: {  	s17 =	simm.s32 @!p0 $0x80;
	s15 =	simm.s32 @!p0 $0x480;
	[sflag:s22] =	ssyncset.done @!p0 $0x0  }
0x68: {  	s8 =	simm.s32 @!p0 $0x5000;
	s24 =	simm.s32 @!p0 $0x3;
	[sflag:s22] =	ssyncadd.s32 @!p0 $0xFFFFC000  }
0x69: {  	[spmem:s3] =	stream.indirect.scatter.add.f32 @!p0 [tilespmem:s8], [sflag:$0x4], $0x80, s15, s17, $0xb8;
	[tilespmem:$0x1F800] =	vst v63  }
0x6a: {  	_ =	swait.ge @!p0 [sflag:s24], $0x4000  }
0x6b: {  	[sflag:s24] =	ssyncset.done @!p0 $0x0  }
0x6c: {  	s5 =	simm.s32 @!p0 $0x100;
	s15 =	simm.s32 @!p0 $0x1000;
	[sflag:s24] =	ssyncadd.s32 @!p0 $0xFFFFC000  }
0x6d: {  	[tilespmem:s15], [sflag:$0x1] =	stream.indirect.gather @!p0 [hbm4b:s13+s17], $0x80, s5, s17, $0xb8;
	[tilespmem:$0x1F800] =	vst v63  }
0x6e: {  	v1 =	vld @!p0 [tilespmem:$0x480];
	_ =	sdelay $0x7  }
0x6f: {  	[tilespmem:v1+s7+$0x0] =	vst.idx.add.f32.msk @!p0 $0xffff, v0  }
0x70: {  	v1 =	vld @!p0 [tilespmem:$0x490];
	_ =	sdelay $0x7  }
0x71: {  	[tilespmem:v1+s7+$0x0] =	vst.idx.add.f32.msk @!p0 $0xffff, v0  }
0x72: {  	v1 =	vld @!p0 [tilespmem:$0x4A0];
	_ =	sdelay $0x7  }
0x73: {  	[tilespmem:v1+s7+$0x0] =	vst.idx.add.f32.msk @!p0 $0xffff, v0  }
0x74: {  	v1 =	vld @!p0 [tilespmem:$0x4B0];
	_ =	sdelay $0x7  }
0x75: {  	[tilespmem:v1+s7+$0x0] =	vst.idx.add.f32.msk @!p0 $0xffff, v0  }
0x76: {  	v1 =	vld @!p0 [tilespmem:$0x4C0];
	_ =	sdelay $0x7  }
0x77: {  	[tilespmem:v1+s7+$0x0] =	vst.idx.add.f32.msk @!p0 $0xffff, v0  }
0x78: {  	v1 =	vld @!p0 [tilespmem:$0x4D0];
	_ =	sdelay $0x7  }
0x79: {  	[tilespmem:v1+s7+$0x0] =	vst.idx.add.f32.msk @!p0 $0xffff, v0  }
0x7a: {  	v1 =	vld @!p0 [tilespmem:$0x4E0];
	_ =	sdelay $0x7  }
0x7b: {  	[tilespmem:v1+s7+$0x0] =	vst.idx.add.f32.msk @!p0 $0xffff, v0  }
0x7c: {  	v1 =	vld @!p0 [tilespmem:$0x4F0];
	_ =	sdelay $0x7  }
0x7d: {  	[tilespmem:v1+s7+$0x0] =	vst.idx.add.f32.msk @!p0 $0xffff, v0  }
0x7e: {  	_ =	swait.ge [sflag:s28], $0x4000  }
0x7f: {  	[sflag:s28] =	ssyncset.done $0x0  }
0x80: {  	s5 =	rddreg [dreg:$0x9];
	[sflag:s28] =	ssyncadd.s32 $0xFFFFC000  }
0x81: {  	[spmem:s3] =	stream.indirect.scatter.add.f32 [tilespmem:s26], [sflag:$0x3], $0x80, s5, s25, $0xb8;
	[tilespmem:$0x1F800] =	vst v63  }
0x82: {  	_ =	swait.ge [sflag:s29], $0x4000  }
0x83: {  	[sflag:s29] =	ssyncset.done $0x0  }
0x84: {  	s5 =	rddreg [dreg:$0xa];
	[sflag:s29] =	ssyncadd.s32 $0xFFFFC000  }
0x85: {  	[tilespmem:s21], [sflag:$0x2] =	stream.indirect.gather [hbm4b:s13+s25], $0x80, s5, s25, $0xb8;
	[tilespmem:$0x1F800] =	vst v63  }
0x86: {  	_ =	swait.ge @p0 [sflag:s10], $0x4000  }
0x87: {  	[sflag:s10] =	ssyncset.done @p0 $0x0  }
0x88: {  	s5 =	simm.s32 @p0 $0x580;
	[sflag:s10] =	ssyncadd.s32 @p0 $0xFFFFC000  }
0x89: {  	[spmem:s3] =	stream.indirect.scatter.add.f32 @p0 [tilespmem:s12], [sflag:$0x4], $0x80, s5, s9, $0xb8;
	[tilespmem:$0x1F800] =	vst v63  }
0x8a: {  	_ =	swait.ge @p0 [sflag:s11], $0x4000  }
0x8b: {  	[sflag:s11] =	ssyncset.done @p0 $0x0  }
0x8c: {  	s5 =	simm.s32 @p0 $0x200;
	[sflag:s11] =	ssyncadd.s32 @p0 $0xFFFFC000  }
0x8d: {  	[tilespmem:s14], [sflag:$0x1] =	stream.indirect.gather @p0 [hbm4b:s13+s9], $0x80, s5, s9, $0xb8;
	[tilespmem:$0x1F800] =	vst v63  }
0x8e: {  	v1 =	vld @!p0 [tilespmem:$0x500];
	_ =	sdelay $0x7  }
0x8f: {  	[tilespmem:v1+s7+$0x0] =	vst.idx.add.f32.msk @!p0 $0xffff, v0  }
0x90: {  	v1 =	vld @!p0 [tilespmem:$0x510];
	_ =	sdelay $0x7  }
0x91: {  	[tilespmem:v1+s7+$0x0] =	vst.idx.add.f32.msk @!p0 $0xffff, v0  }
0x92: {  	v1 =	vld @!p0 [tilespmem:$0x520];
	_ =	sdelay $0x7  }
0x93: {  	[tilespmem:v1+s7+$0x0] =	vst.idx.add.f32.msk @!p0 $0xffff, v0  }
0x94: {  	v1 =	vld @!p0 [tilespmem:$0x530];
	_ =	sdelay $0x7  }
0x95: {  	[tilespmem:v1+s7+$0x0] =	vst.idx.add.f32.msk @!p0 $0xffff, v0  }
0x96: {  	v1 =	vld @!p0 [tilespmem:$0x540];
	_ =	sdelay $0x7  }
0x97: {  	[tilespmem:v1+s7+$0x0] =	vst.idx.add.f32.msk @!p0 $0xffff, v0  }
0x98: {  	v1 =	vld @!p0 [tilespmem:$0x550];
	_ =	sdelay $0x7  }
0x99: {  	[tilespmem:v1+s7+$0x0] =	vst.idx.add.f32.msk @!p0 $0xffff, v0  }
0x9a: {  	v1 =	vld @!p0 [tilespmem:$0x560];
	_ =	sdelay $0x7  }
0x9b: {  	[tilespmem:v1+s7+$0x0] =	vst.idx.add.f32.msk @!p0 $0xffff, v0  }
0x9c: {  	v1 =	vld @!p0 [tilespmem:$0x570];
	_ =	sdelay $0x7  }
0x9d: {  	[tilespmem:v1+s7+$0x0] =	vst.idx.add.f32.msk @!p0 $0xffff, v0  }
0x9e: {  	_ =	swait.ge @!p0 [sflag:s22], $0x4000  }
0x9f: {  	[sflag:s22] =	ssyncset.done @!p0 $0x0  }
0xa0: {  	s5 =	simm.s32 @!p0 $0x580;
	[sflag:s22] =	ssyncadd.s32 @!p0 $0xFFFFC000  }
0xa1: {  	[spmem:s3] =	stream.indirect.scatter.add.f32 @!p0 [tilespmem:s8], [sflag:$0x4], $0x80, s5, s17, $0xb8;
	[tilespmem:$0x1F800] =	vst v63  }
0xa2: {  	_ =	swait.ge @!p0 [sflag:s24], $0x4000  }
0xa3: {  	[sflag:s24] =	ssyncset.done @!p0 $0x0  }
0xa4: {  	s5 =	simm.s32 @!p0 $0x200;
	[sflag:s24] =	ssyncadd.s32 @!p0 $0xFFFFC000  }
0xa5: {  	[tilespmem:s15], [sflag:$0x1] =	stream.indirect.gather @!p0 [hbm4b:s13+s17], $0x80, s5, s17, $0xb8;
	[tilespmem:$0x1F800] =	vst v63  }
0xa6: {  	v1 =	vld @!p0 [tilespmem:$0x580];
	_ =	sdelay $0x7  }
0xa7: {  	[tilespmem:v1+s7+$0x0] =	vst.idx.add.f32.msk @!p0 $0xffff, v0  }
0xa8: {  	v1 =	vld @!p0 [tilespmem:$0x590];
	_ =	sdelay $0x7  }
0xa9: {  	[tilespmem:v1+s7+$0x0] =	vst.idx.add.f32.msk @!p0 $0xffff, v0  }
0xaa: {  	v1 =	vld @!p0 [tilespmem:$0x5A0];
	_ =	sdelay $0x7  }
0xab: {  	[tilespmem:v1+s7+$0x0] =	vst.idx.add.f32.msk @!p0 $0xffff, v0  }
0xac: {  	v1 =	vld @!p0 [tilespmem:$0x5B0];
	_ =	sdelay $0x7  }
0xad: {  	[tilespmem:v1+s7+$0x0] =	vst.idx.add.f32.msk @!p0 $0xffff, v0  }
0xae: {  	v1 =	vld @!p0 [tilespmem:$0x5C0];
	_ =	sdelay $0x7  }
0xaf: {  	[tilespmem:v1+s7+$0x0] =	vst.idx.add.f32.msk @!p0 $0xffff, v0  }
0xb0: {  	v1 =	vld @!p0 [tilespmem:$0x5D0];
	_ =	sdelay $0x7  }
0xb1: {  	[tilespmem:v1+s7+$0x0] =	vst.idx.add.f32.msk @!p0 $0xffff, v0  }
0xb2: {  	v1 =	vld @!p0 [tilespmem:$0x5E0];
	_ =	sdelay $0x7  }
0xb3: {  	[tilespmem:v1+s7+$0x0] =	vst.idx.add.f32.msk @!p0 $0xffff, v0  }
0xb4: {  	v1 =	vld @!p0 [tilespmem:$0x5F0];
	_ =	sdelay $0x7  }
0xb5: {  	[tilespmem:v1+s7+$0x0] =	vst.idx.add.f32.msk @!p0 $0xffff, v0  }
0xb6: {  	_ =	swait.ge [sflag:s28], $0x4000  }
0xb7: {  	[sflag:s28] =	ssyncset.done $0x0  }
0xb8: {  	s5 =	rddreg [dreg:$0xb];
	[sflag:s28] =	ssyncadd.s32 $0xFFFFC000  }
0xb9: {  	[spmem:s3] =	stream.indirect.scatter.add.f32 [tilespmem:s26], [sflag:$0x3], $0x80, s5, s25, $0xb8;
	[tilespmem:$0x1F800] =	vst v63  }
0xba: {  	_ =	swait.ge [sflag:s29], $0x4000  }
0xbb: {  	[sflag:s29] =	ssyncset.done $0x0  }
0xbc: {  	s5 =	rddreg [dreg:$0xc];
	[sflag:s29] =	ssyncadd.s32 $0xFFFFC000  }
0xbd: {  	[tilespmem:s21], [sflag:$0x2] =	stream.indirect.gather [hbm4b:s13+s25], $0x80, s5, s25, $0xb8;
	[tilespmem:$0x1F800] =	vst v63  }
0xbe: {  	_ =	swait.ge @p0 [sflag:s10], $0x4000  }
0xbf: {  	[sflag:s10] =	ssyncset.done @p0 $0x0  }
0xc0: {  	s5 =	simm.s32 @p0 $0x680;
	[sflag:s10] =	ssyncadd.s32 @p0 $0xFFFFC000  }
0xc1: {  	[spmem:s3] =	stream.indirect.scatter.add.f32 @p0 [tilespmem:s12], [sflag:$0x4], $0x80, s5, s9, $0xb8;
	[tilespmem:$0x1F800] =	vst v63  }
0xc2: {  	_ =	swait.ge @p0 [sflag:s11], $0x4000  }
0xc3: {  	[sflag:s11] =	ssyncset.done @p0 $0x0  }
0xc4: {  	s5 =	simm.s32 @p0 $0x300;
	[sflag:s11] =	ssyncadd.s32 @p0 $0xFFFFC000  }
0xc5: {  	[tilespmem:s14], [sflag:$0x1] =	stream.indirect.gather @p0 [hbm4b:s13+s9], $0x80, s5, s9, $0xb8;
	[tilespmem:$0x1F800] =	vst v63  }
0xc6: {  	v1 =	vld @!p0 [tilespmem:$0x600];
	_ =	sdelay $0x7  }
0xc7: {  	[tilespmem:v1+s7+$0x0] =	vst.idx.add.f32.msk @!p0 $0xffff, v0  }
0xc8: {  	v1 =	vld @!p0 [tilespmem:$0x610];
	_ =	sdelay $0x7  }
0xc9: {  	[tilespmem:v1+s7+$0x0] =	vst.idx.add.f32.msk @!p0 $0xffff, v0  }
0xca: {  	v1 =	vld @!p0 [tilespmem:$0x620];
	_ =	sdelay $0x7  }
0xcb: {  	[tilespmem:v1+s7+$0x0] =	vst.idx.add.f32.msk @!p0 $0xffff, v0  }
0xcc: {  	v1 =	vld @!p0 [tilespmem:$0x630];
	_ =	sdelay $0x7  }
0xcd: {  	[tilespmem:v1+s7+$0x0] =	vst.idx.add.f32.msk @!p0 $0xffff, v0  }
0xce: {  	v1 =	vld @!p0 [tilespmem:$0x640];
	_ =	sdelay $0x7  }
0xcf: {  	[tilespmem:v1+s7+$0x0] =	vst.idx.add.f32.msk @!p0 $0xffff, v0  }
0xd0: {  	v1 =	vld @!p0 [tilespmem:$0x650];
	_ =	sdelay $0x7  }
0xd1: {  	[tilespmem:v1+s7+$0x0] =	vst.idx.add.f32.msk @!p0 $0xffff, v0  }
0xd2: {  	v1 =	vld @!p0 [tilespmem:$0x660];
	_ =	sdelay $0x7  }
0xd3: {  	[tilespmem:v1+s7+$0x0] =	vst.idx.add.f32.msk @!p0 $0xffff, v0  }
0xd4: {  	v1 =	vld @!p0 [tilespmem:$0x670];
	_ =	sdelay $0x7  }
0xd5: {  	[tilespmem:v1+s7+$0x0] =	vst.idx.add.f32.msk @!p0 $0xffff, v0  }
0xd6: {  	_ =	swait.ge @!p0 [sflag:s22], $0x4000  }
0xd7: {  	[sflag:s22] =	ssyncset.done @!p0 $0x0  }
0xd8: {  	s5 =	simm.s32 @!p0 $0x680;
	[sflag:s22] =	ssyncadd.s32 @!p0 $0xFFFFC000  }
0xd9: {  	[spmem:s3] =	stream.indirect.scatter.add.f32 @!p0 [tilespmem:s8], [sflag:$0x4], $0x80, s5, s17, $0xb8;
	[tilespmem:$0x1F800] =	vst v63  }
0xda: {  	_ =	swait.ge @!p0 [sflag:s24], $0x4000  }
0xdb: {  	[sflag:s24] =	ssyncset.done @!p0 $0x0  }
0xdc: {  	s5 =	simm.s32 @!p0 $0x300;
	[sflag:s24] =	ssyncadd.s32 @!p0 $0xFFFFC000  }
0xdd: {  	[tilespmem:s15], [sflag:$0x1] =	stream.indirect.gather @!p0 [hbm4b:s13+s17], $0x80, s5, s17, $0xb8;
	[tilespmem:$0x1F800] =	vst v63  }
0xde: {  	v1 =	vld @!p0 [tilespmem:$0x680];
	_ =	sdelay $0x7  }
0xdf: {  	[tilespmem:v1+s7+$0x0] =	vst.idx.add.f32.msk @!p0 $0xffff, v0  }
0xe0: {  	v1 =	vld @!p0 [tilespmem:$0x690];
	_ =	sdelay $0x7  }
0xe1: {  	[tilespmem:v1+s7+$0x0] =	vst.idx.add.f32.msk @!p0 $0xffff, v0  }
0xe2: {  	v1 =	vld @!p0 [tilespmem:$0x6A0];
	_ =	sdelay $0x7  }
0xe3: {  	[tilespmem:v1+s7+$0x0] =	vst.idx.add.f32.msk @!p0 $0xffff, v0  }
0xe4: {  	v1 =	vld @!p0 [tilespmem:$0x6B0];
	_ =	sdelay $0x7  }
0xe5: {  	[tilespmem:v1+s7+$0x0] =	vst.idx.add.f32.msk @!p0 $0xffff, v0  }
0xe6: {  	v1 =	vld @!p0 [tilespmem:$0x6C0];
	_ =	sdelay $0x7  }
0xe7: {  	[tilespmem:v1+s7+$0x0] =	vst.idx.add.f32.msk @!p0 $0xffff, v0  }
0xe8: {  	v1 =	vld @!p0 [tilespmem:$0x6D0];
	_ =	sdelay $0x7  }
0xe9: {  	[tilespmem:v1+s7+$0x0] =	vst.idx.add.f32.msk @!p0 $0xffff, v0  }
0xea: {  	v1 =	vld @!p0 [tilespmem:$0x6E0];
	_ =	sdelay $0x7  }
0xeb: {  	[tilespmem:v1+s7+$0x0] =	vst.idx.add.f32.msk @!p0 $0xffff, v0  }
0xec: {  	v1 =	vld @!p0 [tilespmem:$0x6F0];
	_ =	sdelay $0x7  }
0xed: {  	[tilespmem:v1+s7+$0x0] =	vst.idx.add.f32.msk @!p0 $0xffff, v0  }
0xee: {  	_ =	swait.ge [sflag:s28], $0x4000  }
0xef: {  	[sflag:s28] =	ssyncset.done $0x0  }
0xf0: {  	s17 =	rddreg [dreg:$0xd];
	[sflag:s28] =	ssyncadd.s32 $0xFFFFC000  }
0xf1: {  	[spmem:s3] =	stream.indirect.scatter.add.f32 [tilespmem:s26], [sflag:$0x3], $0x80, s17, s25, $0xb8;
	[tilespmem:$0x1F800] =	vst v63  }
0xf2: {  	_ =	swait.ge [sflag:s29], $0x4000  }
0xf3: {  	[sflag:s29] =	ssyncset.done $0x0  }
0xf4: {  	s22 =	rddreg [dreg:$0xe];
	[sflag:s29] =	ssyncadd.s32 $0xFFFFC000  }
0xf5: {  	[tilespmem:s21], [sflag:$0x2] =	stream.indirect.gather [hbm4b:s13+s25], $0x80, s22, s25, $0xb8;
	[tilespmem:$0x1F800] =	vst v63  }
0xf6: {  	v1 =	vld @!p0 [tilespmem:$0x700];
	_ =	sdelay $0x7  }
0xf7: {  	[tilespmem:v1+s7+$0x0] =	vst.idx.add.f32.msk @!p0 $0xffff, v0  }
0xf8: {  	v1 =	vld @!p0 [tilespmem:$0x710];
	_ =	sdelay $0x7  }
0xf9: {  	[tilespmem:v1+s7+$0x0] =	vst.idx.add.f32.msk @!p0 $0xffff, v0  }
0xfa: {  	v1 =	vld @!p0 [tilespmem:$0x720];
	_ =	sdelay $0x7  }
0xfb: {  	[tilespmem:v1+s7+$0x0] =	vst.idx.add.f32.msk @!p0 $0xffff, v0  }
0xfc: {  	v1 =	vld @!p0 [tilespmem:$0x730];
	_ =	sdelay $0x7  }
0xfd: {  	[tilespmem:v1+s7+$0x0] =	vst.idx.add.f32.msk @!p0 $0xffff, v0  }
0xfe: {  	v1 =	vld @!p0 [tilespmem:$0x740];
	_ =	sdelay $0x7  }
0xff: {  	[tilespmem:v1+s7+$0x0] =	vst.idx.add.f32.msk @!p0 $0xffff, v0  }
0x100: {  	v1 =	vld @!p0 [tilespmem:$0x750];
	_ =	sdelay $0x7  }
0x101: {  	[tilespmem:v1+s7+$0x0] =	vst.idx.add.f32.msk @!p0 $0xffff, v0  }
0x102: {  	v1 =	vld @!p0 [tilespmem:$0x760];
	_ =	sdelay $0x7  }
0x103: {  	[tilespmem:v1+s7+$0x0] =	vst.idx.add.f32.msk @!p0 $0xffff, v0  }
0x104: {  	v1 =	vld @!p0 [tilespmem:$0x770];
	_ =	sdelay $0x7  }
0x105: {  	[tilespmem:v1+s7+$0x0] =	vst.idx.add.f32.msk @!p0 $0xffff, v0  }
0x106: {  	_ =	swait.ge [sflag:s30], $0x4000  }
0x107: {  	[sflag:s30] =	ssyncset.done $0x0  }
0x108: {  	s24 =	rddreg [dreg:$0xf];
	[sflag:s30] =	ssyncadd.s32 $0xFFFFC000  }
0x109: {  	[spmem:s3] =	stream.indirect.scatter.add.f32 [tilespmem:s21], [sflag:$0x4], $0x80, s24, s25, $0xb8;
	[tilespmem:$0x1F800] =	vst v63  }
0x10a: {  	_ =	swait.ge [sflag:s31], $0x4000  }
0x10b: {  	[sflag:s31] =	ssyncset.done $0x0  }
0x10c: {  	[sflag:s31] =	ssyncadd.s32 $0xFFFFC000  }
0x10d: {  	_ =	swait.ge [sflag:s0], $0x400  }
0x10e: {  	[sflag:s0] =	ssyncset.done $0x0  }
0x10f: {  	[sflag:s0] =	ssyncadd.s32 $0xFFFFFC00  }
0x110: {  	_ =	swait.ge [sflag:s0], $0x400  }
0x111: {  	[sflag:s0] =	ssyncset.done $0x0  }
0x112: {  	[sflag:s0] =	ssyncadd.s32 $0xFFFFFC00  }
0x113: {  	[tilespmem:s26], [sflag:$0x1] =	stream.indirect.gather [hbm4b:s13+s25], $0x80, s19, s25, $0xb8;
	[tilespmem:$0x1F800] =	vst v63  }
0x114: {  	v1 =	vld @!p0 [tilespmem:$0x780];
	_ =	sdelay $0x7  }
0x115: {  	[tilespmem:v1+s7+$0x0] =	vst.idx.add.f32.msk @!p0 $0xffff, v0  }
0x116: {  	v1 =	vld @!p0 [tilespmem:$0x790];
	_ =	sdelay $0x7  }
0x117: {  	[tilespmem:v1+s7+$0x0] =	vst.idx.add.f32.msk @!p0 $0xffff, v0  }
0x118: {  	v1 =	vld @!p0 [tilespmem:$0x7A0];
	_ =	sdelay $0x7  }
0x119: {  	[tilespmem:v1+s7+$0x0] =	vst.idx.add.f32.msk @!p0 $0xffff, v0  }
0x11a: {  	v1 =	vld @!p0 [tilespmem:$0x7B0];
	_ =	sdelay $0x7  }
0x11b: {  	[tilespmem:v1+s7+$0x0] =	vst.idx.add.f32.msk @!p0 $0xffff, v0  }
0x11c: {  	v1 =	vld @!p0 [tilespmem:$0x7C0];
	_ =	sdelay $0x7  }
0x11d: {  	[tilespmem:v1+s7+$0x0] =	vst.idx.add.f32.msk @!p0 $0xffff, v0  }
0x11e: {  	v1 =	vld @!p0 [tilespmem:$0x7D0];
	_ =	sdelay $0x7  }
0x11f: {  	[tilespmem:v1+s7+$0x0] =	vst.idx.add.f32.msk @!p0 $0xffff, v0  }
0x120: {  	v1 =	vld @!p0 [tilespmem:$0x7E0];
	_ =	sdelay $0x7  }
0x121: {  	[tilespmem:v1+s7+$0x0] =	vst.idx.add.f32.msk @!p0 $0xffff, v0  }
0x122: {  	v1 =	vld @!p0 [tilespmem:$0x7F0];
	_ =	sdelay $0x4  }
0x123: {  	s9 =	smin.u32 s2, $0x11;
	s8 =	rddreg [dreg:$0x7]  }
0x124: {  	s5 =	sadd.s32 s9, s8  }
0x125: {  	s5 =	sshll.u32 s5, $0x7  }
0x126: {  	s10 =	sadd.s32 s6, s5;
	[tilespmem:v1+s7+$0x0] =	vst.idx.add.f32.msk @!p0 $0xffff, v0  }
0x127: {  	[tilespmem:s4], [sflag:$0x5] =	stream.linear.gather [hbm4b:s10+s4], $0x400, $0x38;
	[tilespmem:$0x1F800] =	vst v63  }
0x128: {  	s5 =	sadd.s32 s1, s5  }
0x129: {  	[tilespmem:s18], [sflag:$0x5] =	stream.linear.gather [hbm4b:s5+s4], $0x400, $0x38;
	[tilespmem:$0x1F800] =	vst v63  }
0x12a: {  	_ =	swait.ge [sflag:s28], $0x4000  }
0x12b: {  	[sflag:s28] =	ssyncset.done $0x0  }
0x12c: {  	[sflag:s28] =	ssyncadd.s32 $0xFFFFC000  }
0x12d: {  	[spmem:s3] =	stream.indirect.scatter.add.f32 [tilespmem:s26], [sflag:$0x3], $0x80, s20, s25, $0xb8;
	[tilespmem:$0x1F800] =	vst v63  }
0x12e: {  	_ =	swait.ge [sflag:s29], $0x4000  }
0x12f: {  	[sflag:s29] =	ssyncset.done $0x0  }
0x130: {  	s10 =	simm.s32 @p1 $0x2;
	s11 =	rddreg [dreg:$0x10];
	[sflag:s29] =	ssyncadd.s32 $0xFFFFC000  }
0x131: {  	[tilespmem:s21], [sflag:$0x2] =	stream.indirect.gather [hbm4b:s13+s25], $0x80, s11, s25, $0xb8;
	[tilespmem:$0x1F800] =	vst v63  }
0x132: {  	_ =	swait.ge @p1 [sflag:s10], $0x4000  }
0x133: {  	s17 =	simm.s32 @p1 $0x5000;
	s9 =	simm.s32 @p1 $0x80;
	[sflag:s10] =	ssyncset.done @p1 $0x0  }
0x134: {  	s5 =	simm.s32 @p1 $0xC80;
	s11 =	simm.s32 @p1 $0x3;
	[sflag:s10] =	ssyncadd.s32 @p1 $0xFFFFC000  }
0x135: {  	[spmem:s3] =	stream.indirect.scatter.add.f32 @p1 [tilespmem:s17], [sflag:$0x4], $0x80, s5, s9, $0xb8;
	[tilespmem:$0x1F800] =	vst v63  }
0x136: {  	_ =	swait.ge @p1 [sflag:s11], $0x4000  }
0x137: {  	[sflag:s11] =	ssyncset.done @p1 $0x0  }
0x138: {  	s14 =	simm.s32 @p1 $0x1000;
	s5 =	simm.s32 @p1 $0x900;
	[sflag:s11] =	ssyncadd.s32 @p1 $0xFFFFC000  }
0x139: {  	[tilespmem:s14], [sflag:$0x1] =	stream.indirect.gather @p1 [hbm4b:s13+s9], $0x80, s5, s9, $0xb8;
	[tilespmem:$0x1F800] =	vst v63  }
0x13a: {  	v1 =	vld @!p1 [tilespmem:$0xC00];
	_ =	sdelay $0x6  }
0x13b: {  	v0 =	vimm.f32 @!p1 $1.000000000e+00;
	s7 =	simm.s32 @!p1 $0x1D000  }
0x13c: {  	[tilespmem:v1+s7+$0x0] =	vst.idx.add.f32.msk @!p1 $0xffff, v0  }
0x13d: {  	v1 =	vld @!p1 [tilespmem:$0xC10];
	_ =	sdelay $0x7  }
0x13e: {  	[tilespmem:v1+s7+$0x0] =	vst.idx.add.f32.msk @!p1 $0xffff, v0  }
0x13f: {  	v1 =	vld @!p1 [tilespmem:$0xC20];
	_ =	sdelay $0x7  }
0x140: {  	[tilespmem:v1+s7+$0x0] =	vst.idx.add.f32.msk @!p1 $0xffff, v0  }
0x141: {  	v1 =	vld @!p1 [tilespmem:$0xC30];
	_ =	sdelay $0x7  }
0x142: {  	[tilespmem:v1+s7+$0x0] =	vst.idx.add.f32.msk @!p1 $0xffff, v0  }
0x143: {  	v1 =	vld @!p1 [tilespmem:$0xC40];
	_ =	sdelay $0x7  }
0x144: {  	[tilespmem:v1+s7+$0x0] =	vst.idx.add.f32.msk @!p1 $0xffff, v0  }
0x145: {  	v1 =	vld @!p1 [tilespmem:$0xC50];
	_ =	sdelay $0x7  }
0x146: {  	[tilespmem:v1+s7+$0x0] =	vst.idx.add.f32.msk @!p1 $0xffff, v0  }
0x147: {  	v1 =	vld @!p1 [tilespmem:$0xC60];
	_ =	sdelay $0x7  }
0x148: {  	[tilespmem:v1+s7+$0x0] =	vst.idx.add.f32.msk @!p1 $0xffff, v0  }
0x149: {  	v1 =	vld @!p1 [tilespmem:$0xC70];
	_ =	sdelay $0x7  }
0x14a: {  	s22 =	simm.s32 @!p1 $0x2;
	[tilespmem:v1+s7+$0x0] =	vst.idx.add.f32.msk @!p1 $0xffff, v0  }
0x14b: {  	_ =	swait.ge @!p1 [sflag:s22], $0x4000  }
0x14c: {  	s12 =	simm.s32 @!p1 $0x80;
	s24 =	simm.s32 @!p1 $0x3;
	[sflag:s22] =	ssyncset.done @!p1 $0x0  }
0x14d: {  	s8 =	simm.s32 @!p1 $0x5000;
	s5 =	simm.s32 @!p1 $0xC80;
	[sflag:s22] =	ssyncadd.s32 @!p1 $0xFFFFC000  }
0x14e: {  	[spmem:s3] =	stream.indirect.scatter.add.f32 @!p1 [tilespmem:s8], [sflag:$0x4], $0x80, s5, s12, $0xb8;
	[tilespmem:$0x1F800] =	vst v63  }
0x14f: {  	_ =	swait.ge @!p1 [sflag:s24], $0x4000  }
0x150: {  	[sflag:s24] =	ssyncset.done @!p1 $0x0  }
0x151: {  	s15 =	simm.s32 @!p1 $0x1000;
	s5 =	simm.s32 @!p1 $0x900;
	[sflag:s24] =	ssyncadd.s32 @!p1 $0xFFFFC000  }
0x152: {  	[tilespmem:s15], [sflag:$0x1] =	stream.indirect.gather @!p1 [hbm4b:s13+s12], $0x80, s5, s12, $0xb8;
	[tilespmem:$0x1F800] =	vst v63  }
0x153: {  	v1 =	vld @!p1 [tilespmem:$0xC80];
	_ =	sdelay $0x7  }
0x154: {  	[tilespmem:v1+s7+$0x0] =	vst.idx.add.f32.msk @!p1 $0xffff, v0  }
0x155: {  	v1 =	vld @!p1 [tilespmem:$0xC90];
	_ =	sdelay $0x7  }
0x156: {  	[tilespmem:v1+s7+$0x0] =	vst.idx.add.f32.msk @!p1 $0xffff, v0  }
0x157: {  	v1 =	vld @!p1 [tilespmem:$0xCA0];
	_ =	sdelay $0x7  }
0x158: {  	[tilespmem:v1+s7+$0x0] =	vst.idx.add.f32.msk @!p1 $0xffff, v0  }
0x159: {  	v1 =	vld @!p1 [tilespmem:$0xCB0];
	_ =	sdelay $0x7  }
0x15a: {  	[tilespmem:v1+s7+$0x0] =	vst.idx.add.f32.msk @!p1 $0xffff, v0  }
0x15b: {  	v1 =	vld @!p1 [tilespmem:$0xCC0];
	_ =	sdelay $0x7  }
0x15c: {  	[tilespmem:v1+s7+$0x0] =	vst.idx.add.f32.msk @!p1 $0xffff, v0  }
0x15d: {  	v1 =	vld @!p1 [tilespmem:$0xCD0];
	_ =	sdelay $0x7  }
0x15e: {  	[tilespmem:v1+s7+$0x0] =	vst.idx.add.f32.msk @!p1 $0xffff, v0  }
0x15f: {  	v1 =	vld @!p1 [tilespmem:$0xCE0];
	_ =	sdelay $0x7  }
0x160: {  	[tilespmem:v1+s7+$0x0] =	vst.idx.add.f32.msk @!p1 $0xffff, v0  }
0x161: {  	v1 =	vld @!p1 [tilespmem:$0xCF0];
	_ =	sdelay $0x7  }
0x162: {  	[tilespmem:v1+s7+$0x0] =	vst.idx.add.f32.msk @!p1 $0xffff, v0  }
0x163: {  	_ =	swait.ge [sflag:s28], $0x4000  }
0x164: {  	[sflag:s28] =	ssyncset.done $0x0  }
0x165: {  	s5 =	rddreg [dreg:$0x11];
	[sflag:s28] =	ssyncadd.s32 $0xFFFFC000  }
0x166: {  	[spmem:s3] =	stream.indirect.scatter.add.f32 [tilespmem:s26], [sflag:$0x3], $0x80, s5, s25, $0xb8;
	[tilespmem:$0x1F800] =	vst v63  }
0x167: {  	_ =	swait.ge [sflag:s29], $0x4000  }
0x168: {  	[sflag:s29] =	ssyncset.done $0x0  }
0x169: {  	s5 =	rddreg [dreg:$0x12];
	[sflag:s29] =	ssyncadd.s32 $0xFFFFC000  }
0x16a: {  	[tilespmem:s21], [sflag:$0x2] =	stream.indirect.gather [hbm4b:s13+s25], $0x80, s5, s25, $0xb8;
	[tilespmem:$0x1F800] =	vst v63  }
0x16b: {  	_ =	swait.ge @p1 [sflag:s10], $0x4000  }
0x16c: {  	[sflag:s10] =	ssyncset.done @p1 $0x0  }
0x16d: {  	s5 =	simm.s32 @p1 $0xD80;
	[sflag:s10] =	ssyncadd.s32 @p1 $0xFFFFC000  }
0x16e: {  	[spmem:s3] =	stream.indirect.scatter.add.f32 @p1 [tilespmem:s17], [sflag:$0x4], $0x80, s5, s9, $0xb8;
	[tilespmem:$0x1F800] =	vst v63  }
0x16f: {  	_ =	swait.ge @p1 [sflag:s11], $0x4000  }
0x170: {  	[sflag:s11] =	ssyncset.done @p1 $0x0  }
0x171: {  	s5 =	simm.s32 @p1 $0xA00;
	[sflag:s11] =	ssyncadd.s32 @p1 $0xFFFFC000  }
0x172: {  	[tilespmem:s14], [sflag:$0x1] =	stream.indirect.gather @p1 [hbm4b:s13+s9], $0x80, s5, s9, $0xb8;
	[tilespmem:$0x1F800] =	vst v63  }
0x173: {  	v1 =	vld @!p1 [tilespmem:$0xD00];
	_ =	sdelay $0x7  }
0x174: {  	[tilespmem:v1+s7+$0x0] =	vst.idx.add.f32.msk @!p1 $0xffff, v0  }
0x175: {  	v1 =	vld @!p1 [tilespmem:$0xD10];
	_ =	sdelay $0x7  }
0x176: {  	[tilespmem:v1+s7+$0x0] =	vst.idx.add.f32.msk @!p1 $0xffff, v0  }
0x177: {  	v1 =	vld @!p1 [tilespmem:$0xD20];
	_ =	sdelay $0x7  }
0x178: {  	[tilespmem:v1+s7+$0x0] =	vst.idx.add.f32.msk @!p1 $0xffff, v0  }
0x179: {  	v1 =	vld @!p1 [tilespmem:$0xD30];
	_ =	sdelay $0x7  }
0x17a: {  	[tilespmem:v1+s7+$0x0] =	vst.idx.add.f32.msk @!p1 $0xffff, v0  }
0x17b: {  	v1 =	vld @!p1 [tilespmem:$0xD40];
	_ =	sdelay $0x7  }
0x17c: {  	[tilespmem:v1+s7+$0x0] =	vst.idx.add.f32.msk @!p1 $0xffff, v0  }
0x17d: {  	v1 =	vld @!p1 [tilespmem:$0xD50];
	_ =	sdelay $0x7  }
0x17e: {  	[tilespmem:v1+s7+$0x0] =	vst.idx.add.f32.msk @!p1 $0xffff, v0  }
0x17f: {  	v1 =	vld @!p1 [tilespmem:$0xD60];
	_ =	sdelay $0x7  }
0x180: {  	[tilespmem:v1+s7+$0x0] =	vst.idx.add.f32.msk @!p1 $0xffff, v0  }
0x181: {  	v1 =	vld @!p1 [tilespmem:$0xD70];
	_ =	sdelay $0x7  }
0x182: {  	[tilespmem:v1+s7+$0x0] =	vst.idx.add.f32.msk @!p1 $0xffff, v0  }
0x183: {  	_ =	swait.ge @!p1 [sflag:s22], $0x4000  }
0x184: {  	[sflag:s22] =	ssyncset.done @!p1 $0x0  }
0x185: {  	s5 =	simm.s32 @!p1 $0xD80;
	[sflag:s22] =	ssyncadd.s32 @!p1 $0xFFFFC000  }
0x186: {  	[spmem:s3] =	stream.indirect.scatter.add.f32 @!p1 [tilespmem:s8], [sflag:$0x4], $0x80, s5, s12, $0xb8;
	[tilespmem:$0x1F800] =	vst v63  }
0x187: {  	_ =	swait.ge @!p1 [sflag:s24], $0x4000  }
0x188: {  	[sflag:s24] =	ssyncset.done @!p1 $0x0  }
0x189: {  	s5 =	simm.s32 @!p1 $0xA00;
	[sflag:s24] =	ssyncadd.s32 @!p1 $0xFFFFC000  }
0x18a: {  	[tilespmem:s15], [sflag:$0x1] =	stream.indirect.gather @!p1 [hbm4b:s13+s12], $0x80, s5, s12, $0xb8;
	[tilespmem:$0x1F800] =	vst v63  }
0x18b: {  	v1 =	vld @!p1 [tilespmem:$0xD80];
	_ =	sdelay $0x7  }
0x18c: {  	[tilespmem:v1+s7+$0x0] =	vst.idx.add.f32.msk @!p1 $0xffff, v0  }
0x18d: {  	v1 =	vld @!p1 [tilespmem:$0xD90];
	_ =	sdelay $0x7  }
0x18e: {  	[tilespmem:v1+s7+$0x0] =	vst.idx.add.f32.msk @!p1 $0xffff, v0  }
0x18f: {  	v1 =	vld @!p1 [tilespmem:$0xDA0];
	_ =	sdelay $0x7  }
0x190: {  	[tilespmem:v1+s7+$0x0] =	vst.idx.add.f32.msk @!p1 $0xffff, v0  }
0x191: {  	v1 =	vld @!p1 [tilespmem:$0xDB0];
	_ =	sdelay $0x7  }
0x192: {  	[tilespmem:v1+s7+$0x0] =	vst.idx.add.f32.msk @!p1 $0xffff, v0  }
0x193: {  	v1 =	vld @!p1 [tilespmem:$0xDC0];
	_ =	sdelay $0x7  }
0x194: {  	[tilespmem:v1+s7+$0x0] =	vst.idx.add.f32.msk @!p1 $0xffff, v0  }
0x195: {  	v1 =	vld @!p1 [tilespmem:$0xDD0];
	_ =	sdelay $0x7  }
0x196: {  	[tilespmem:v1+s7+$0x0] =	vst.idx.add.f32.msk @!p1 $0xffff, v0  }
0x197: {  	v1 =	vld @!p1 [tilespmem:$0xDE0];
	_ =	sdelay $0x7  }
0x198: {  	[tilespmem:v1+s7+$0x0] =	vst.idx.add.f32.msk @!p1 $0xffff, v0  }
0x199: {  	v1 =	vld @!p1 [tilespmem:$0xDF0];
	_ =	sdelay $0x7  }
0x19a: {  	[tilespmem:v1+s7+$0x0] =	vst.idx.add.f32.msk @!p1 $0xffff, v0  }
0x19b: {  	_ =	swait.ge [sflag:s28], $0x4000  }
0x19c: {  	[sflag:s28] =	ssyncset.done $0x0  }
0x19d: {  	s5 =	rddreg [dreg:$0x13];
	[sflag:s28] =	ssyncadd.s32 $0xFFFFC000  }
0x19e: {  	[spmem:s3] =	stream.indirect.scatter.add.f32 [tilespmem:s26], [sflag:$0x3], $0x80, s5, s25, $0xb8;
	[tilespmem:$0x1F800] =	vst v63  }
0x19f: {  	_ =	swait.ge [sflag:s29], $0x4000  }
0x1a0: {  	[sflag:s29] =	ssyncset.done $0x0  }
0x1a1: {  	s5 =	rddreg [dreg:$0x14];
	[sflag:s29] =	ssyncadd.s32 $0xFFFFC000  }
0x1a2: {  	[tilespmem:s21], [sflag:$0x2] =	stream.indirect.gather [hbm4b:s13+s25], $0x80, s5, s25, $0xb8;
	[tilespmem:$0x1F800] =	vst v63  }
0x1a3: {  	_ =	swait.ge @p1 [sflag:s10], $0x4000  }
0x1a4: {  	[sflag:s10] =	ssyncset.done @p1 $0x0  }
0x1a5: {  	s5 =	simm.s32 @p1 $0xE80;
	[sflag:s10] =	ssyncadd.s32 @p1 $0xFFFFC000  }
0x1a6: {  	[spmem:s3] =	stream.indirect.scatter.add.f32 @p1 [tilespmem:s17], [sflag:$0x4], $0x80, s5, s9, $0xb8;
	[tilespmem:$0x1F800] =	vst v63  }
0x1a7: {  	_ =	swait.ge @p1 [sflag:s11], $0x4000  }
0x1a8: {  	[sflag:s11] =	ssyncset.done @p1 $0x0  }
0x1a9: {  	s5 =	simm.s32 @p1 $0xB00;
	[sflag:s11] =	ssyncadd.s32 @p1 $0xFFFFC000  }
0x1aa: {  	[tilespmem:s14], [sflag:$0x1] =	stream.indirect.gather @p1 [hbm4b:s13+s9], $0x80, s5, s9, $0xb8;
	[tilespmem:$0x1F800] =	vst v63  }
0x1ab: {  	v1 =	vld @!p1 [tilespmem:$0xE00];
	_ =	sdelay $0x7  }
0x1ac: {  	[tilespmem:v1+s7+$0x0] =	vst.idx.add.f32.msk @!p1 $0xffff, v0  }
0x1ad: {  	v1 =	vld @!p1 [tilespmem:$0xE10];
	_ =	sdelay $0x7  }
0x1ae: {  	[tilespmem:v1+s7+$0x0] =	vst.idx.add.f32.msk @!p1 $0xffff, v0  }
0x1af: {  	v1 =	vld @!p1 [tilespmem:$0xE20];
	_ =	sdelay $0x7  }
0x1b0: {  	[tilespmem:v1+s7+$0x0] =	vst.idx.add.f32.msk @!p1 $0xffff, v0  }
0x1b1: {  	v1 =	vld @!p1 [tilespmem:$0xE30];
	_ =	sdelay $0x7  }
0x1b2: {  	[tilespmem:v1+s7+$0x0] =	vst.idx.add.f32.msk @!p1 $0xffff, v0  }
0x1b3: {  	v1 =	vld @!p1 [tilespmem:$0xE40];
	_ =	sdelay $0x7  }
0x1b4: {  	[tilespmem:v1+s7+$0x0] =	vst.idx.add.f32.msk @!p1 $0xffff, v0  }
0x1b5: {  	v1 =	vld @!p1 [tilespmem:$0xE50];
	_ =	sdelay $0x7  }
0x1b6: {  	[tilespmem:v1+s7+$0x0] =	vst.idx.add.f32.msk @!p1 $0xffff, v0  }
0x1b7: {  	v1 =	vld @!p1 [tilespmem:$0xE60];
	_ =	sdelay $0x7  }
0x1b8: {  	[tilespmem:v1+s7+$0x0] =	vst.idx.add.f32.msk @!p1 $0xffff, v0  }
0x1b9: {  	v1 =	vld @!p1 [tilespmem:$0xE70];
	_ =	sdelay $0x7  }
0x1ba: {  	[tilespmem:v1+s7+$0x0] =	vst.idx.add.f32.msk @!p1 $0xffff, v0  }
0x1bb: {  	_ =	swait.ge @!p1 [sflag:s22], $0x4000  }
0x1bc: {  	[sflag:s22] =	ssyncset.done @!p1 $0x0  }
0x1bd: {  	s5 =	simm.s32 @!p1 $0xE80;
	[sflag:s22] =	ssyncadd.s32 @!p1 $0xFFFFC000  }
0x1be: {  	[spmem:s3] =	stream.indirect.scatter.add.f32 @!p1 [tilespmem:s8], [sflag:$0x4], $0x80, s5, s12, $0xb8;
	[tilespmem:$0x1F800] =	vst v63  }
0x1bf: {  	_ =	swait.ge @!p1 [sflag:s24], $0x4000  }
0x1c0: {  	[sflag:s24] =	ssyncset.done @!p1 $0x0  }
0x1c1: {  	s5 =	simm.s32 @!p1 $0xB00;
	[sflag:s24] =	ssyncadd.s32 @!p1 $0xFFFFC000  }
0x1c2: {  	[tilespmem:s15], [sflag:$0x1] =	stream.indirect.gather @!p1 [hbm4b:s13+s12], $0x80, s5, s12, $0xb8;
	[tilespmem:$0x1F800] =	vst v63  }
0x1c3: {  	v1 =	vld @!p1 [tilespmem:$0xE80];
	_ =	sdelay $0x7  }
0x1c4: {  	[tilespmem:v1+s7+$0x0] =	vst.idx.add.f32.msk @!p1 $0xffff, v0  }
0x1c5: {  	v1 =	vld @!p1 [tilespmem:$0xE90];
	_ =	sdelay $0x7  }
0x1c6: {  	[tilespmem:v1+s7+$0x0] =	vst.idx.add.f32.msk @!p1 $0xffff, v0  }
0x1c7: {  	v1 =	vld @!p1 [tilespmem:$0xEA0];
	_ =	sdelay $0x7  }
0x1c8: {  	[tilespmem:v1+s7+$0x0] =	vst.idx.add.f32.msk @!p1 $0xffff, v0  }
0x1c9: {  	v1 =	vld @!p1 [tilespmem:$0xEB0];
	_ =	sdelay $0x7  }
0x1ca: {  	[tilespmem:v1+s7+$0x0] =	vst.idx.add.f32.msk @!p1 $0xffff, v0  }
0x1cb: {  	v1 =	vld @!p1 [tilespmem:$0xEC0];
	_ =	sdelay $0x7  }
0x1cc: {  	[tilespmem:v1+s7+$0x0] =	vst.idx.add.f32.msk @!p1 $0xffff, v0  }
0x1cd: {  	v1 =	vld @!p1 [tilespmem:$0xED0];
	_ =	sdelay $0x7  }
0x1ce: {  	[tilespmem:v1+s7+$0x0] =	vst.idx.add.f32.msk @!p1 $0xffff, v0  }
0x1cf: {  	v1 =	vld @!p1 [tilespmem:$0xEE0];
	_ =	sdelay $0x7  }
0x1d0: {  	[tilespmem:v1+s7+$0x0] =	vst.idx.add.f32.msk @!p1 $0xffff, v0  }
0x1d1: {  	v1 =	vld @!p1 [tilespmem:$0xEF0];
	_ =	sdelay $0x7  }
0x1d2: {  	[tilespmem:v1+s7+$0x0] =	vst.idx.add.f32.msk @!p1 $0xffff, v0  }
0x1d3: {  	_ =	swait.ge [sflag:s28], $0x4000  }
0x1d4: {  	[sflag:s28] =	ssyncset.done $0x0  }
0x1d5: {  	s12 =	rddreg [dreg:$0x15];
	[sflag:s28] =	ssyncadd.s32 $0xFFFFC000  }
0x1d6: {  	[spmem:s3] =	stream.indirect.scatter.add.f32 [tilespmem:s26], [sflag:$0x3], $0x80, s12, s25, $0xb8;
	[tilespmem:$0x1F800] =	vst v63  }
0x1d7: {  	_ =	swait.ge [sflag:s29], $0x4000  }
0x1d8: {  	[sflag:s29] =	ssyncset.done $0x0  }
0x1d9: {  	s14 =	rddreg [dreg:$0x16];
	[sflag:s29] =	ssyncadd.s32 $0xFFFFC000  }
0x1da: {  	[tilespmem:s21], [sflag:$0x2] =	stream.indirect.gather [hbm4b:s13+s25], $0x80, s14, s25, $0xb8;
	[tilespmem:$0x1F800] =	vst v63  }
0x1db: {  	v1 =	vld @!p1 [tilespmem:$0xF00];
	_ =	sdelay $0x7  }
0x1dc: {  	[tilespmem:v1+s7+$0x0] =	vst.idx.add.f32.msk @!p1 $0xffff, v0  }
0x1dd: {  	v1 =	vld @!p1 [tilespmem:$0xF10];
	_ =	sdelay $0x7  }
0x1de: {  	[tilespmem:v1+s7+$0x0] =	vst.idx.add.f32.msk @!p1 $0xffff, v0  }
0x1df: {  	v1 =	vld @!p1 [tilespmem:$0xF20];
	_ =	sdelay $0x7  }
0x1e0: {  	[tilespmem:v1+s7+$0x0] =	vst.idx.add.f32.msk @!p1 $0xffff, v0  }
0x1e1: {  	v1 =	vld @!p1 [tilespmem:$0xF30];
	_ =	sdelay $0x7  }
0x1e2: {  	[tilespmem:v1+s7+$0x0] =	vst.idx.add.f32.msk @!p1 $0xffff, v0  }
0x1e3: {  	v1 =	vld @!p1 [tilespmem:$0xF40];
	_ =	sdelay $0x7  }
0x1e4: {  	[tilespmem:v1+s7+$0x0] =	vst.idx.add.f32.msk @!p1 $0xffff, v0  }
0x1e5: {  	v1 =	vld @!p1 [tilespmem:$0xF50];
	_ =	sdelay $0x7  }
0x1e6: {  	[tilespmem:v1+s7+$0x0] =	vst.idx.add.f32.msk @!p1 $0xffff, v0  }
0x1e7: {  	v1 =	vld @!p1 [tilespmem:$0xF60];
	_ =	sdelay $0x7  }
0x1e8: {  	[tilespmem:v1+s7+$0x0] =	vst.idx.add.f32.msk @!p1 $0xffff, v0  }
0x1e9: {  	v1 =	vld @!p1 [tilespmem:$0xF70];
	_ =	sdelay $0x7  }
0x1ea: {  	[tilespmem:v1+s7+$0x0] =	vst.idx.add.f32.msk @!p1 $0xffff, v0  }
0x1eb: {  	_ =	swait.ge [sflag:s30], $0x4000  }
0x1ec: {  	[sflag:s30] =	ssyncset.done $0x0  }
0x1ed: {  	s15 =	rddreg [dreg:$0x17];
	[sflag:s30] =	ssyncadd.s32 $0xFFFFC000  }
0x1ee: {  	[spmem:s3] =	stream.indirect.scatter.add.f32 [tilespmem:s21], [sflag:$0x4], $0x80, s15, s25, $0xb8;
	[tilespmem:$0x1F800] =	vst v63  }
0x1ef: {  	_ =	swait.ge [sflag:s31], $0x4000  }
0x1f0: {  	[sflag:s31] =	ssyncset.done $0x0  }
0x1f1: {  	[sflag:s31] =	ssyncadd.s32 $0xFFFFC000  }
0x1f2: {  	_ =	swait.ge [sflag:s23], $0x400  }
0x1f3: {  	[sflag:s23] =	ssyncset.done $0x0  }
0x1f4: {  	[sflag:s23] =	ssyncadd.s32 $0xFFFFFC00  }
0x1f5: {  	_ =	swait.ge [sflag:s23], $0x400  }
0x1f6: {  	[sflag:s23] =	ssyncset.done $0x0  }
0x1f7: {  	[sflag:s23] =	ssyncadd.s32 $0xFFFFFC00  }
0x1f8: {  	[tilespmem:s26], [sflag:$0x1] =	stream.indirect.gather [hbm4b:s13+s25], $0x80, s4, s25, $0xb8;
	[tilespmem:$0x1F800] =	vst v63  }
0x1f9: {  	v1 =	vld @!p1 [tilespmem:$0xF80];
	_ =	sdelay $0x7  }
0x1fa: {  	[tilespmem:v1+s7+$0x0] =	vst.idx.add.f32.msk @!p1 $0xffff, v0  }
0x1fb: {  	v1 =	vld @!p1 [tilespmem:$0xF90];
	_ =	sdelay $0x7  }
0x1fc: {  	[tilespmem:v1+s7+$0x0] =	vst.idx.add.f32.msk @!p1 $0xffff, v0  }
0x1fd: {  	v1 =	vld @!p1 [tilespmem:$0xFA0];
	_ =	sdelay $0x7  }
0x1fe: {  	[tilespmem:v1+s7+$0x0] =	vst.idx.add.f32.msk @!p1 $0xffff, v0  }
0x1ff: {  	v1 =	vld @!p1 [tilespmem:$0xFB0];
	_ =	sdelay $0x7  }
0x200: {  	[tilespmem:v1+s7+$0x0] =	vst.idx.add.f32.msk @!p1 $0xffff, v0  }
0x201: {  	v1 =	vld @!p1 [tilespmem:$0xFC0];
	_ =	sdelay $0x7  }
0x202: {  	[tilespmem:v1+s7+$0x0] =	vst.idx.add.f32.msk @!p1 $0xffff, v0  }
0x203: {  	v1 =	vld @!p1 [tilespmem:$0xFD0];
	_ =	sdelay $0x7  }
0x204: {  	[tilespmem:v1+s7+$0x0] =	vst.idx.add.f32.msk @!p1 $0xffff, v0  }
0x205: {  	v1 =	vld @!p1 [tilespmem:$0xFE0];
	_ =	sdelay $0x7  }
0x206: {  	[tilespmem:v1+s7+$0x0] =	vst.idx.add.f32.msk @!p1 $0xffff, v0  }
0x207: {  	v1 =	vld @!p1 [tilespmem:$0xFF0];
	_ =	sdelay $0x4  }
0x208: {  	s22 =	smin.u32 s2, $0x10;
	s2 =	sadd.s32 $0x2, s2;
	s17 =	rddreg [dreg:$0x8]  }
0x209: {  	p2 =	sne.s32 s2, $0x14;
	s5 =	sadd.s32 s22, s17  }
.Ltmp0:
0x20a: {  	s5 =	sshll.u32 s5, $0x7;
	(pc) =	sbr.rel @p2 .LBB2_2-.Ltmp0, $4  }
0x20b: {  	s24 =	sadd.s32 s6, s5;
	[tilespmem:v1+s7+$0x0] =	vst.idx.add.f32.msk @!p1 $0xffff, v0  }
0x20c: {  	[tilespmem:s19], [sflag:$0x6] =	stream.linear.gather [hbm4b:s24+s4], $0x400, $0x38;
	[tilespmem:$0x1F800] =	vst v63  }
0x20d: {  	s5 =	sadd.s32 s1, s5  }
0x20e: {  	[tilespmem:s20], [sflag:$0x6] =	stream.linear.gather [hbm4b:s5+s4], $0x400, $0x38;
	[tilespmem:$0x1F800] =	vst v63  }
0x20f: {  	_ =	swait.ge [sflag:s28], $0x4000  }
0x210: {  	[sflag:s28] =	ssyncset.done $0x0  }
0x211: {  	[sflag:s28] =	ssyncadd.s32 $0xFFFFC000  }
0x212: {  	_ =	swait.ge [sflag:s29], $0x4000  }
0x213: {  	[sflag:s29] =	ssyncset.done $0x0  }
0x214: {  	[sflag:s29] =	ssyncadd.s32 $0xFFFFC000  }
0x215: {  	_ =	swait.ge [sflag:s0], $0x400  }
0x216: {  	[sflag:s0] =	ssyncset.done $0x0  }
0x217: {  	[sflag:s0] =	ssyncadd.s32 $0xFFFFFC00  }
0x218: {  	_ =	swait.ge [sflag:s0], $0x400  }
0x219: {  	[sflag:s0] =	ssyncset.done $0x0  }
0x21a: {  	[sflag:s0] =	ssyncadd.s32 $0xFFFFFC00  }
0x21b: {  	[bflag:$0x0] =	sbarrier.arrive $0xFFFF  }
0x21c: {  	s2 =	sld [smem:$0x7FC]  }
0x21d: {  	s17 =	rddreg [dreg:$0x19]  }
0x21e: {  	s10 =	rddreg [dreg:$0x1f]  }
0x21f: {  	[hbm:s2], [sflag:s17] =	dma.local [spmem:s10], $0x2800  }
0x220: {  	_ =	swait.ge [sflag:s16], $0x2800  }
0x221: {  	s22 =	sld [smem:$0x7FD]  }
0x222: {  	[sflag:s16] =	ssyncset.done $0x0  }
0x223: {  	s11 =	simm.s32 $0x1D000;
	[sflag:s16] =	ssyncadd.s32 $0xFFFFD800  }
0x224: {  	[hbm4b:s22+s4] =	stream.linear.scatter [tilespmem:s11], [sflag:$0x7], $0x2800, $0x38;
	[tilespmem:$0x1F800] =	vst v63  }
0x225: {  	_ =	swait.ge [sflag:s16], $0x2800  }
0x226: {  	s5 =	sld [smem:$0x7FB];
	_ =	sdelay $0x2  }
0x227: {  	s24 =	rddreg [dreg:$0x1e];
	s5 =	sadd.s32 $0x1, s5  }
0x228: {  	p2 =	sne.s32 s5, s24  }
.Ltmp1:
0x229: {  	_ = 	snop;
	(pc) =	sbr.rel @p2 .LBB2_1-.Ltmp1, $3  }
0x22a: {  	_ =	sdelay $0x1  }
0x22b: {  	[sflag:s16] =	ssyncset.done $0x0  }
0x22c: {  	[sflag:s16] =	ssyncadd.s32 $0xFFFFD800  }
0x22d: {  	_ =	sfence.sel $0x180000  }
0x22e: {  	[bflag:$0x0] =	sbarrier.arrive $0xFFFF  }
0x22f: {  	_ =	strace $0x90000047  }
0x230: {  	s0 =	stileid.u32;
	[bflag:$0x2] =	sbarrier.arrive $0xFFFF  }
0x231: {  	p0 =	sne.s32 s0, $0x0;
	s0 =	rddreg [dreg:$0x6]  }
0x232: {  	s0 =	sadd.s32 @!p0 $0x100000, s0  }
0x233: {  	[sflag:s0] =	ssyncadd.tile.s32 @!p0 $0x1;
	_ =	shalt  }
.Lfunc_end2:
_tile_overlayer_lowered:
.L_overlay_start_2:
0x234: {  	(tag) =	ssettag $0x2  }
0x235: {  	s0 =	rddreg [dreg:$0x0];
	s2 =	stileid.u32  }
0x236: {  	s1 =	rddreg [dreg:$0x1];
	p0 =	sne.s32 s2, $0x0  }
0x237: {  	s3 =	rddreg [dreg:$0x2];
	[bflag:$0x3] =	sbarrier.arrive $0xFFFF;
	s2 =	simm.s32 @!p0 $0x1C07  }
0x238: {  	[timem:s3], [sflag:s2] =	dma.local @!p0 [hbm:s0], s1  }
0x239: {  	s0 =	simm.s32 @!p0 $0x7  }
0x23a: {  	_ =	swait.ge @!p0 [sflag:s0], s1  }
0x23b: {  	s1 =	ssub.s32 @!p0 $0x0, s1;
	[sflag:s0] =	ssyncset.done @!p0 $0x0  }
0x23c: {  	[sflag:s0] =	ssyncadd.s32 @!p0 s1  }
0x23d: {  	[bflag:$0x3] =	sbarrier.arrive $0xFFFF  }
0x23e: {  	_ =	shalt  }

</sc_bundles>
